<compile_context>
chip_gen: v7x
topology: tpu7x:2x2x1
jax: 0.10.2.dev20260603
libtpu: 0.0.44.dev20260713+nightly
codegen_flags: <defaults>
</compile_context>

<pallas_src>
import functools

import jax
import jax.numpy as jnp
from jax import lax
from jax.experimental import pallas as pl
from jax.experimental.pallas import tpu as pltpu
from jax.experimental.pallas import tpu_sc as plsc

NC = 2
NS = 16
NW = NC * NS

BLK = 128
HSLOT = 5

TCOLS = 8192


def _relayout_kernel(in_ref, out_ref):
    q = TCOLS // 4
    for m in range(4):
        out_ref[:, m * 32:(m + 1) * 32] = in_ref[:, m * q:(m + 1) * q].T


def _gather_kernel(hist, table_hbm, idx_hbm, out_hbm,
                   idx_v, rows_a, rows_b, gsem_a, gsem_b, osem_a, osem_b):
    wid = lax.axis_index("s") * NC + lax.axis_index("c")
    b0 = wid * BLK

    pltpu.sync_copy(idx_hbm.at[:, pl.ds(b0, BLK)], idx_v)

    n_chunks = hist // HSLOT
    bufs = (rows_a, rows_b)
    gsems = (gsem_a, gsem_b)
    osems = (osem_a, osem_b)

    pend_out = [None, None]
    for c in range(n_chunks):
        p = c % 2
        buf, gsem, osem = bufs[p], gsems[p], osems[p]
        if pend_out[p] is not None:
            for cp in pend_out[p]:
                cp.wait()
        gathers = []
        for s in range(HSLOT):
            h = c * HSLOT + s
            gathers.append(pltpu.async_copy(
                table_hbm.at[idx_v.at[h]],
                buf.at[s],
                gsem))
        writes = []
        for s in range(HSLOT):
            h = c * HSLOT + s
            gathers[s].wait()
            writes.append(pltpu.async_copy(
                buf.at[s],
                out_hbm.at[pl.ds(b0, BLK), h],
                osem))
        pend_out[p] = writes
    for writes in pend_out:
        if writes is not None:
            for cp in writes:
                cp.wait()


def kernel(inputs, embeddings):
    batch, hist = inputs.shape
    in_dim, out_dim = embeddings.shape
    assert batch == NW * BLK
    assert hist % HSLOT == 0
    assert (TCOLS * out_dim) % 128 == 0

    emb_t = embeddings.T
    n_blocks = -(-in_dim // TCOLS)
    lin = pl.pallas_call(
        _relayout_kernel,
        grid=(n_blocks,),
        in_specs=[pl.BlockSpec((out_dim, TCOLS), lambda i: (0, i))],
        out_specs=pl.BlockSpec((TCOLS // 4, 128), lambda i: (i, 0)),
        out_shape=jax.ShapeDtypeStruct((n_blocks * (TCOLS // 4), 128),
                                       jnp.float32),
    )(emb_t)
    table = lin.reshape(n_blocks * TCOLS, out_dim)

    sig = ((inputs & ~jnp.int32(8191))
           | ((inputs & jnp.int32(2047)) << 2)
           | ((inputs >> 11) & jnp.int32(3)))
    idx_t = sig.T

    mesh = plsc.VectorSubcoreMesh(
        core_axis_name="c", subcore_axis_name="s",
        num_cores=NC, num_subcores=NS)

    grab = pl.kernel(
        functools.partial(_gather_kernel, hist),
        out_type=jax.ShapeDtypeStruct((batch, hist, out_dim), jnp.float32),
        mesh=mesh,
        scratch_types=[
            pltpu.VMEM((hist, BLK), jnp.int32),
            pltpu.VMEM((HSLOT, BLK, out_dim), jnp.float32),
            pltpu.VMEM((HSLOT, BLK, out_dim), jnp.float32),
            pltpu.SemaphoreType.DMA,
            pltpu.SemaphoreType.DMA,
            pltpu.SemaphoreType.DMA,
            pltpu.SemaphoreType.DMA,
        ],
        compiler_params=pltpu.CompilerParams(use_tc_tiling_on_sc=False),
    )
    return grab(table, idx_t)

# --- scband reference (transcript-rebuilt; emitter-appended) ---
"""Pipeline reference for scband-shell-embedding-44160853738103 (READ-ONLY COPY).

The authoritative reference and input builder live on the scoring server;
editing this copy changes nothing except your own understanding.
"""

import jax, jax.numpy as jnp
import numpy as np

INPUT_DIM = 1000000
OUTPUT_DIM = 32
BATCH = 4096
HIST = 50

def setup_inputs(seed: int = 0) -> dict:
    key = jax.random.key(seed)
    k1, k2 = jax.random.split(key)
    inputs = jax.random.randint(k1, (BATCH, HIST), 0, INPUT_DIM, dtype=jnp.int64 if jax.config.jax_enable_x64 else jnp.int32)
    inputs = inputs.astype(jnp.int32)
    # keras default 'uniform' initializer is uniform in [-0.05, 0.05]
    embeddings = jax.random.uniform(k2, (INPUT_DIM, OUTPUT_DIM), dtype=jnp.float32, minval=-0.05, maxval=0.05)
    return {"inputs": inputs, "embeddings": embeddings}

def reference(inputs, embeddings):
    # ShellEmbedding.call: cast to int, require rank-2 input, gather rows
    # outputs = tf.experimental.numpy.take(self.embeddings, inputs, axis=0)
    assert inputs.ndim == 2
    outputs = jnp.take(embeddings, inputs, axis=0)
    return outputs

if __name__ == "__main__":
    import jax
    _d = setup_inputs()
    print(jax.jit(kernel)(*tuple(_d.values())))

</pallas_src>

<mosaic_0001>
#map = affine_map<(d0, d1) -> (0, 0)>
#map1 = affine_map<(d0, d1) -> (0, 0, 0)>
module attributes {stable_mosaic.version = 14 : i64} {
  func.func @_gather_kernel(%arg0: i32, %arg1: i32, %arg2: memref<1007616x32xf32, #tpu.memory_space<hbm>>, %arg3: memref<50x4096xi32, #tpu.memory_space<hbm>>, %arg4: memref<4096x50x32xf32, #tpu.memory_space<hbm>>, %arg5: memref<50x128xi32, #tpu.memory_space<vmem>>, %arg6: memref<5x128x32xf32, #tpu.memory_space<vmem>>, %arg7: memref<5x128x32xf32, #tpu.memory_space<vmem>>, %arg8: memref<!tpu.dma_semaphore, #tpu.memory_space<semaphore_mem>>, %arg9: memref<!tpu.dma_semaphore, #tpu.memory_space<semaphore_mem>>, %arg10: memref<!tpu.dma_semaphore, #tpu.memory_space<semaphore_mem>>, %arg11: memref<!tpu.dma_semaphore, #tpu.memory_space<semaphore_mem>>) attributes {dimension_semantics = [#tpu.dimension_semantics<core_parallel>, #tpu.dimension_semantics<subcore_parallel>], iteration_bounds = array<i64: 2, 16>, scalar_prefetch = 0 : i64, scratch_operands = 7 : i64, tpu.core_type = #tpu.core_type<sc_vector_subcore>, window_params = [{transform_indices = #map}, {transform_indices = #map}, {transform_indices = #map1}]} {
    %mul3A = arith.constant 2 : i32
    %mul3A_0 = arith.muli %arg1, %mul3A : i32
    %add3A = arith.addi %mul3A_0, %arg0 : i32
    %mul3A_1 = arith.constant 128 : i32
    %mul3A_2 = arith.muli %add3A, %mul3A_1 : i32
    "tpu.region"() ({
      %run_scoped3A = tpu.sem_alloc : memref<!tpu.dma_semaphore, #tpu.memory_space<semaphore_mem>>
      %dma_start3A_2801 = arith.constant 0 : i32
      %dma_start3A_2802 = tpu.memref_slice %arg3[%dma_start3A_2801, %mul3A_2] : memref<50x4096xi32, #tpu.memory_space<hbm>> -> memref<50x128xi32, #tpu.memory_space<hbm>>
      %dma_start3A_2803 = arith.constant 0 : i32
      %dma_start3A_2804 = tpu.memref_slice %arg3[%dma_start3A_2803, %mul3A_2] : memref<50x4096xi32, #tpu.memory_space<hbm>> -> memref<50x128xi32, #tpu.memory_space<hbm>>
      tpu.enqueue_dma source(%dma_start3A_2804 : memref<50x128xi32, #tpu.memory_space<hbm>>) target(%arg5 : memref<50x128xi32, #tpu.memory_space<vmem>>) target_semaphore(%run_scoped3A : memref<!tpu.dma_semaphore, #tpu.memory_space<semaphore_mem>>)
      %dma_wait3A_2805 = arith.constant 0 : i32
      %dma_wait3A_2806 = tpu.memref_slice %arg3[%dma_wait3A_2805, %mul3A_2] : memref<50x4096xi32, #tpu.memory_space<hbm>> -> memref<50x128xi32, #tpu.memory_space<hbm>>
      %dma_wait3A_2807 = arith.constant 0 : i32
      %dma_wait3A_2808 = tpu.memref_slice %arg3[%dma_wait3A_2807, %mul3A_2] : memref<50x4096xi32, #tpu.memory_space<hbm>> -> memref<50x128xi32, #tpu.memory_space<hbm>>
      tpu.wait_dma2 semaphore(%run_scoped3A : memref<!tpu.dma_semaphore, #tpu.memory_space<semaphore_mem>>) src(%dma_wait3A_2808 : memref<50x128xi32, #tpu.memory_space<hbm>>) dst(%arg5 : memref<50x128xi32, #tpu.memory_space<vmem>>)
      tpu.yield
    }) : () -> ()
    %dma_start3A = arith.constant 0 : i32
    %dma_start3A_3 = arith.constant 0 : i32
    %dma_start3A_4 = arith.constant 0 : i32
    %dma_start3A_5 = arith.constant 0 : i32
    %dma_start3A_6 = tpu.memref_slice %arg6[%dma_start3A_3, %dma_start3A_4, %dma_start3A_5] : memref<5x128x32xf32, #tpu.memory_space<vmem>> -> memref<1x128x32xf32, #tpu.memory_space<vmem>>
    %dma_start3A_7 = tpu.memref_squeeze %dma_start3A_6 : memref<1x128x32xf32, #tpu.memory_space<vmem>> -> memref<128x32xf32, #tpu.memory_space<vmem>>
    %dma_start3A_8 = arith.constant 0 : i32
    %dma_start3A_9 = tpu.memref_slice %arg5[%dma_start3A, %dma_start3A_8] : memref<50x128xi32, #tpu.memory_space<vmem>> -> memref<1x128xi32, #tpu.memory_space<vmem>>
    %dma_start3A_10 = tpu.memref_squeeze %dma_start3A_9 : memref<1x128xi32, #tpu.memory_space<vmem>> -> memref<128xi32, #tpu.memory_space<vmem>>
    %dma_start3A_11 = arith.constant 0 : i32
    %dma_start3A_12 = arith.constant 0 : i32
    %dma_start3A_13 = tpu.memref_slice %arg2[%dma_start3A_11, %dma_start3A_12] : memref<1007616x32xf32, #tpu.memory_space<hbm>> -> memref<1007616x32xf32, #tpu.memory_space<hbm>>
    tpu.enqueue_indirect_dma source(%dma_start3A_13 : memref<1007616x32xf32, #tpu.memory_space<hbm>>) target(%dma_start3A_7 : memref<128x32xf32, #tpu.memory_space<vmem>>) offsets(%dma_start3A_10 : memref<128xi32, #tpu.memory_space<vmem>>) semaphore(%arg8 : memref<!tpu.dma_semaphore, #tpu.memory_space<semaphore_mem>>)
    %dma_start3A_14 = arith.constant 1 : i32
    %dma_start3A_15 = arith.constant 1 : i32
    %dma_start3A_16 = arith.constant 0 : i32
    %dma_start3A_17 = arith.constant 0 : i32
    %dma_start3A_18 = tpu.memref_slice %arg6[%dma_start3A_15, %dma_start3A_16, %dma_start3A_17] : memref<5x128x32xf32, #tpu.memory_space<vmem>> -> memref<1x128x32xf32, #tpu.memory_space<vmem>>
    %dma_start3A_19 = tpu.memref_squeeze %dma_start3A_18 : memref<1x128x32xf32, #tpu.memory_space<vmem>> -> memref<128x32xf32, #tpu.memory_space<vmem>>
    %dma_start3A_20 = arith.constant 0 : i32
    %dma_start3A_21 = tpu.memref_slice %arg5[%dma_start3A_14, %dma_start3A_20] : memref<50x128xi32, #tpu.memory_space<vmem>> -> memref<1x128xi32, #tpu.memory_space<vmem>>
    %dma_start3A_22 = tpu.memref_squeeze %dma_start3A_21 : memref<1x128xi32, #tpu.memory_space<vmem>> -> memref<128xi32, #tpu.memory_space<vmem>>
    %dma_start3A_23 = arith.constant 0 : i32
    %dma_start3A_24 = arith.constant 0 : i32
    %dma_start3A_25 = tpu.memref_slice %arg2[%dma_start3A_23, %dma_start3A_24] : memref<1007616x32xf32, #tpu.memory_space<hbm>> -> memref<1007616x32xf32, #tpu.memory_space<hbm>>
    tpu.enqueue_indirect_dma source(%dma_start3A_25 : memref<1007616x32xf32, #tpu.memory_space<hbm>>) target(%dma_start3A_19 : memref<128x32xf32, #tpu.memory_space<vmem>>) offsets(%dma_start3A_22 : memref<128xi32, #tpu.memory_space<vmem>>) semaphore(%arg8 : memref<!tpu.dma_semaphore, #tpu.memory_space<semaphore_mem>>)
    %dma_start3A_26 = arith.constant 2 : i32
    %dma_start3A_27 = arith.constant 2 : i32
    %dma_start3A_28 = arith.constant 0 : i32
    %dma_start3A_29 = arith.constant 0 : i32
    %dma_start3A_30 = tpu.memref_slice %arg6[%dma_start3A_27, %dma_start3A_28, %dma_start3A_29] : memref<5x128x32xf32, #tpu.memory_space<vmem>> -> memref<1x128x32xf32, #tpu.memory_space<vmem>>
    %dma_start3A_31 = tpu.memref_squeeze %dma_start3A_30 : memref<1x128x32xf32, #tpu.memory_space<vmem>> -> memref<128x32xf32, #tpu.memory_space<vmem>>
    %dma_start3A_32 = arith.constant 0 : i32
    %dma_start3A_33 = tpu.memref_slice %arg5[%dma_start3A_26, %dma_start3A_32] : memref<50x128xi32, #tpu.memory_space<vmem>> -> memref<1x128xi32, #tpu.memory_space<vmem>>
    %dma_start3A_34 = tpu.memref_squeeze %dma_start3A_33 : memref<1x128xi32, #tpu.memory_space<vmem>> -> memref<128xi32, #tpu.memory_space<vmem>>
    %dma_start3A_35 = arith.constant 0 : i32
    %dma_start3A_36 = arith.constant 0 : i32
    %dma_start3A_37 = tpu.memref_slice %arg2[%dma_start3A_35, %dma_start3A_36] : memref<1007616x32xf32, #tpu.memory_space<hbm>> -> memref<1007616x32xf32, #tpu.memory_space<hbm>>
    tpu.enqueue_indirect_dma source(%dma_start3A_37 : memref<1007616x32xf32, #tpu.memory_space<hbm>>) target(%dma_start3A_31 : memref<128x32xf32, #tpu.memory_space<vmem>>) offsets(%dma_start3A_34 : memref<128xi32, #tpu.memory_space<vmem>>) semaphore(%arg8 : memref<!tpu.dma_semaphore, #tpu.memory_space<semaphore_mem>>)
    %dma_start3A_38 = arith.constant 3 : i32
    %dma_start3A_39 = arith.constant 3 : i32
    %dma_start3A_40 = arith.constant 0 : i32
    %dma_start3A_41 = arith.constant 0 : i32
    %dma_start3A_42 = tpu.memref_slice %arg6[%dma_start3A_39, %dma_start3A_40, %dma_start3A_41] : memref<5x128x32xf32, #tpu.memory_space<vmem>> -> memref<1x128x32xf32, #tpu.memory_space<vmem>>
    %dma_start3A_43 = tpu.memref_squeeze %dma_start3A_42 : memref<1x128x32xf32, #tpu.memory_space<vmem>> -> memref<128x32xf32, #tpu.memory_space<vmem>>
    %dma_start3A_44 = arith.constant 0 : i32
    %dma_start3A_45 = tpu.memref_slice %arg5[%dma_start3A_38, %dma_start3A_44] : memref<50x128xi32, #tpu.memory_space<vmem>> -> memref<1x128xi32, #tpu.memory_space<vmem>>
    %dma_start3A_46 = tpu.memref_squeeze %dma_start3A_45 : memref<1x128xi32, #tpu.memory_space<vmem>> -> memref<128xi32, #tpu.memory_space<vmem>>
    %dma_start3A_47 = arith.constant 0 : i32
    %dma_start3A_48 = arith.constant 0 : i32
    %dma_start3A_49 = tpu.memref_slice %arg2[%dma_start3A_47, %dma_start3A_48] : memref<1007616x32xf32, #tpu.memory_space<hbm>> -> memref<1007616x32xf32, #tpu.memory_space<hbm>>
    tpu.enqueue_indirect_dma source(%dma_start3A_49 : memref<1007616x32xf32, #tpu.memory_space<hbm>>) target(%dma_start3A_43 : memref<128x32xf32, #tpu.memory_space<vmem>>) offsets(%dma_start3A_46 : memref<128xi32, #tpu.memory_space<vmem>>) semaphore(%arg8 : memref<!tpu.dma_semaphore, #tpu.memory_space<semaphore_mem>>)
    %dma_start3A_50 = arith.constant 4 : i32
    %dma_start3A_51 = arith.constant 4 : i32
    %dma_start3A_52 = arith.constant 0 : i32
    %dma_start3A_53 = arith.constant 0 : i32
    %dma_start3A_54 = tpu.memref_slice %arg6[%dma_start3A_51, %dma_start3A_52, %dma_start3A_53] : memref<5x128x32xf32, #tpu.memory_space<vmem>> -> memref<1x128x32xf32, #tpu.memory_space<vmem>>
    %dma_start3A_55 = tpu.memref_squeeze %dma_start3A_54 : memref<1x128x32xf32, #tpu.memory_space<vmem>> -> memref<128x32xf32, #tpu.memory_space<vmem>>
    %dma_start3A_56 = arith.constant 0 : i32
    %dma_start3A_57 = tpu.memref_slice %arg5[%dma_start3A_50, %dma_start3A_56] : memref<50x128xi32, #tpu.memory_space<vmem>> -> memref<1x128xi32, #tpu.memory_space<vmem>>
    %dma_start3A_58 = tpu.memref_squeeze %dma_start3A_57 : memref<1x128xi32, #tpu.memory_space<vmem>> -> memref<128xi32, #tpu.memory_space<vmem>>
    %dma_start3A_59 = arith.constant 0 : i32
    %dma_start3A_60 = arith.constant 0 : i32
    %dma_start3A_61 = tpu.memref_slice %arg2[%dma_start3A_59, %dma_start3A_60] : memref<1007616x32xf32, #tpu.memory_space<hbm>> -> memref<1007616x32xf32, #tpu.memory_space<hbm>>
    tpu.enqueue_indirect_dma source(%dma_start3A_61 : memref<1007616x32xf32, #tpu.memory_space<hbm>>) target(%dma_start3A_55 : memref<128x32xf32, #tpu.memory_space<vmem>>) offsets(%dma_start3A_58 : memref<128xi32, #tpu.memory_space<vmem>>) semaphore(%arg8 : memref<!tpu.dma_semaphore, #tpu.memory_space<semaphore_mem>>)
    %dma_wait3A = arith.constant 0 : i32
    %dma_wait3A_62 = arith.constant 0 : i32
    %dma_wait3A_63 = arith.constant 0 : i32
    %dma_wait3A_64 = arith.constant 0 : i32
    %dma_wait3A_65 = tpu.memref_slice %arg6[%dma_wait3A_62, %dma_wait3A_63, %dma_wait3A_64] : memref<5x128x32xf32, #tpu.memory_space<vmem>> -> memref<1x128x32xf32, #tpu.memory_space<vmem>>
    %dma_wait3A_66 = tpu.memref_squeeze %dma_wait3A_65 : memref<1x128x32xf32, #tpu.memory_space<vmem>> -> memref<128x32xf32, #tpu.memory_space<vmem>>
    %dma_wait3A_67 = arith.constant 0 : i32
    %dma_wait3A_68 = tpu.memref_slice %arg5[%dma_wait3A, %dma_wait3A_67] : memref<50x128xi32, #tpu.memory_space<vmem>> -> memref<1x128xi32, #tpu.memory_space<vmem>>
    %dma_wait3A_69 = tpu.memref_squeeze %dma_wait3A_68 : memref<1x128xi32, #tpu.memory_space<vmem>> -> memref<128xi32, #tpu.memory_space<vmem>>
    %dma_wait3A_70 = arith.constant 0 : i32
    %dma_wait3A_71 = arith.constant 0 : i32
    %dma_wait3A_72 = tpu.memref_slice %arg2[%dma_wait3A_70, %dma_wait3A_71] : memref<1007616x32xf32, #tpu.memory_space<hbm>> -> memref<1007616x32xf32, #tpu.memory_space<hbm>>
    tpu.wait_indirect_dma semaphore(%arg8 : memref<!tpu.dma_semaphore, #tpu.memory_space<semaphore_mem>>) src(%dma_wait3A_72 : memref<1007616x32xf32, #tpu.memory_space<hbm>>) dst(%dma_wait3A_66 : memref<128x32xf32, #tpu.memory_space<vmem>>)
    %dma_start3A_73 = arith.constant 0 : i32
    %dma_start3A_74 = arith.constant 0 : i32
    %dma_start3A_75 = arith.constant 0 : i32
    %dma_start3A_76 = arith.constant 0 : i32
    %dma_start3A_77 = tpu.memref_slice %arg6[%dma_start3A_73, %dma_start3A_75, %dma_start3A_76] : memref<5x128x32xf32, #tpu.memory_space<vmem>> -> memref<1x128x32xf32, #tpu.memory_space<vmem>>
    %dma_start3A_78 = tpu.memref_squeeze %dma_start3A_77 : memref<1x128x32xf32, #tpu.memory_space<vmem>> -> memref<128x32xf32, #tpu.memory_space<vmem>>
    %dma_start3A_79 = arith.constant 0 : i32
    %dma_start3A_80 = tpu.memref_slice %arg4[%mul3A_2, %dma_start3A_74, %dma_start3A_79] : memref<4096x50x32xf32, #tpu.memory_space<hbm>> -> memref<128x1x32xf32, #tpu.memory_space<hbm>>
    %dma_start3A_81 = tpu.memref_squeeze %dma_start3A_80 : memref<128x1x32xf32, #tpu.memory_space<hbm>> -> memref<128x32xf32, #tpu.memory_space<hbm>>
    %dma_start3A_82 = arith.constant 0 : i32
    %dma_start3A_83 = tpu.memref_slice %arg4[%mul3A_2, %dma_start3A_74, %dma_start3A_82] : memref<4096x50x32xf32, #tpu.memory_space<hbm>> -> memref<128x1x32xf32, #tpu.memory_space<hbm>>
    %dma_start3A_84 = tpu.memref_squeeze %dma_start3A_83 : memref<128x1x32xf32, #tpu.memory_space<hbm>> -> memref<128x32xf32, #tpu.memory_space<hbm>>
    %dma_start3A_85 = arith.constant 0 : i32
    %dma_start3A_86 = arith.constant 0 : i32
    %dma_start3A_87 = tpu.memref_slice %arg6[%dma_start3A_73, %dma_start3A_85, %dma_start3A_86] : memref<5x128x32xf32, #tpu.memory_space<vmem>> -> memref<1x128x32xf32, #tpu.memory_space<vmem>>
    %dma_start3A_88 = tpu.memref_squeeze %dma_start3A_87 : memref<1x128x32xf32, #tpu.memory_space<vmem>> -> memref<128x32xf32, #tpu.memory_space<vmem>>
    tpu.enqueue_dma source(%dma_start3A_88 : memref<128x32xf32, #tpu.memory_space<vmem>>) target(%dma_start3A_84 : memref<128x32xf32, #tpu.memory_space<hbm>>) target_semaphore(%arg10 : memref<!tpu.dma_semaphore, #tpu.memory_space<semaphore_mem>>)
    %dma_wait3A_89 = arith.constant 1 : i32
    %dma_wait3A_90 = arith.constant 1 : i32
    %dma_wait3A_91 = arith.constant 0 : i32
    %dma_wait3A_92 = arith.constant 0 : i32
    %dma_wait3A_93 = tpu.memref_slice %arg6[%dma_wait3A_90, %dma_wait3A_91, %dma_wait3A_92] : memref<5x128x32xf32, #tpu.memory_space<vmem>> -> memref<1x128x32xf32, #tpu.memory_space<vmem>>
    %dma_wait3A_94 = tpu.memref_squeeze %dma_wait3A_93 : memref<1x128x32xf32, #tpu.memory_space<vmem>> -> memref<128x32xf32, #tpu.memory_space<vmem>>
    %dma_wait3A_95 = arith.constant 0 : i32
    %dma_wait3A_96 = tpu.memref_slice %arg5[%dma_wait3A_89, %dma_wait3A_95] : memref<50x128xi32, #tpu.memory_space<vmem>> -> memref<1x128xi32, #tpu.memory_space<vmem>>
    %dma_wait3A_97 = tpu.memref_squeeze %dma_wait3A_96 : memref<1x128xi32, #tpu.memory_space<vmem>> -> memref<128xi32, #tpu.memory_space<vmem>>
    %dma_wait3A_98 = arith.constant 0 : i32
    %dma_wait3A_99 = arith.constant 0 : i32
    %dma_wait3A_100 = tpu.memref_slice %arg2[%dma_wait3A_98, %dma_wait3A_99] : memref<1007616x32xf32, #tpu.memory_space<hbm>> -> memref<1007616x32xf32, #tpu.memory_space<hbm>>
    tpu.wait_indirect_dma semaphore(%arg8 : memref<!tpu.dma_semaphore, #tpu.memory_space<semaphore_mem>>) src(%dma_wait3A_100 : memref<1007616x32xf32, #tpu.memory_space<hbm>>) dst(%dma_wait3A_94 : memref<128x32xf32, #tpu.memory_space<vmem>>)
    %dma_start3A_101 = arith.constant 1 : i32
    %dma_start3A_102 = arith.constant 1 : i32
    %dma_start3A_103 = arith.constant 0 : i32
    %dma_start3A_104 = arith.constant 0 : i32
    %dma_start3A_105 = tpu.memref_slice %arg6[%dma_start3A_101, %dma_start3A_103, %dma_start3A_104] : memref<5x128x32xf32, #tpu.memory_space<vmem>> -> memref<1x128x32xf32, #tpu.memory_space<vmem>>
    %dma_start3A_106 = tpu.memref_squeeze %dma_start3A_105 : memref<1x128x32xf32, #tpu.memory_space<vmem>> -> memref<128x32xf32, #tpu.memory_space<vmem>>
    %dma_start3A_107 = arith.constant 0 : i32
    %dma_start3A_108 = tpu.memref_slice %arg4[%mul3A_2, %dma_start3A_102, %dma_start3A_107] : memref<4096x50x32xf32, #tpu.memory_space<hbm>> -> memref<128x1x32xf32, #tpu.memory_space<hbm>>
    %dma_start3A_109 = tpu.memref_squeeze %dma_start3A_108 : memref<128x1x32xf32, #tpu.memory_space<hbm>> -> memref<128x32xf32, #tpu.memory_space<hbm>>
    %dma_start3A_110 = arith.constant 0 : i32
    %dma_start3A_111 = tpu.memref_slice %arg4[%mul3A_2, %dma_start3A_102, %dma_start3A_110] : memref<4096x50x32xf32, #tpu.memory_space<hbm>> -> memref<128x1x32xf32, #tpu.memory_space<hbm>>
    %dma_start3A_112 = tpu.memref_squeeze %dma_start3A_111 : memref<128x1x32xf32, #tpu.memory_space<hbm>> -> memref<128x32xf32, #tpu.memory_space<hbm>>
    %dma_start3A_113 = arith.constant 0 : i32
    %dma_start3A_114 = arith.constant 0 : i32
    %dma_start3A_115 = tpu.memref_slice %arg6[%dma_start3A_101, %dma_start3A_113, %dma_start3A_114] : memref<5x128x32xf32, #tpu.memory_space<vmem>> -> memref<1x128x32xf32, #tpu.memory_space<vmem>>
    %dma_start3A_116 = tpu.memref_squeeze %dma_start3A_115 : memref<1x128x32xf32, #tpu.memory_space<vmem>> -> memref<128x32xf32, #tpu.memory_space<vmem>>
    tpu.enqueue_dma source(%dma_start3A_116 : memref<128x32xf32, #tpu.memory_space<vmem>>) target(%dma_start3A_112 : memref<128x32xf32, #tpu.memory_space<hbm>>) target_semaphore(%arg10 : memref<!tpu.dma_semaphore, #tpu.memory_space<semaphore_mem>>)
    %dma_wait3A_117 = arith.constant 2 : i32
    %dma_wait3A_118 = arith.constant 2 : i32
    %dma_wait3A_119 = arith.constant 0 : i32
    %dma_wait3A_120 = arith.constant 0 : i32
    %dma_wait3A_121 = tpu.memref_slice %arg6[%dma_wait3A_118, %dma_wait3A_119, %dma_wait3A_120] : memref<5x128x32xf32, #tpu.memory_space<vmem>> -> memref<1x128x32xf32, #tpu.memory_space<vmem>>
    %dma_wait3A_122 = tpu.memref_squeeze %dma_wait3A_121 : memref<1x128x32xf32, #tpu.memory_space<vmem>> -> memref<128x32xf32, #tpu.memory_space<vmem>>
    %dma_wait3A_123 = arith.constant 0 : i32
    %dma_wait3A_124 = tpu.memref_slice %arg5[%dma_wait3A_117, %dma_wait3A_123] : memref<50x128xi32, #tpu.memory_space<vmem>> -> memref<1x128xi32, #tpu.memory_space<vmem>>
    %dma_wait3A_125 = tpu.memref_squeeze %dma_wait3A_124 : memref<1x128xi32, #tpu.memory_space<vmem>> -> memref<128xi32, #tpu.memory_space<vmem>>
    %dma_wait3A_126 = arith.constant 0 : i32
    %dma_wait3A_127 = arith.constant 0 : i32
    %dma_wait3A_128 = tpu.memref_slice %arg2[%dma_wait3A_126, %dma_wait3A_127] : memref<1007616x32xf32, #tpu.memory_space<hbm>> -> memref<1007616x32xf32, #tpu.memory_space<hbm>>
    tpu.wait_indirect_dma semaphore(%arg8 : memref<!tpu.dma_semaphore, #tpu.memory_space<semaphore_mem>>) src(%dma_wait3A_128 : memref<1007616x32xf32, #tpu.memory_space<hbm>>) dst(%dma_wait3A_122 : memref<128x32xf32, #tpu.memory_space<vmem>>)
    %dma_start3A_129 = arith.constant 2 : i32
    %dma_start3A_130 = arith.constant 2 : i32
    %dma_start3A_131 = arith.constant 0 : i32
    %dma_start3A_132 = arith.constant 0 : i32
    %dma_start3A_133 = tpu.memref_slice %arg6[%dma_start3A_129, %dma_start3A_131, %dma_start3A_132] : memref<5x128x32xf32, #tpu.memory_space<vmem>> -> memref<1x128x32xf32, #tpu.memory_space<vmem>>
    %dma_start3A_134 = tpu.memref_squeeze %dma_start3A_133 : memref<1x128x32xf32, #tpu.memory_space<vmem>> -> memref<128x32xf32, #tpu.memory_space<vmem>>
    %dma_start3A_135 = arith.constant 0 : i32
    %dma_start3A_136 = tpu.memref_slice %arg4[%mul3A_2, %dma_start3A_130, %dma_start3A_135] : memref<4096x50x32xf32, #tpu.memory_space<hbm>> -> memref<128x1x32xf32, #tpu.memory_space<hbm>>
    %dma_start3A_137 = tpu.memref_squeeze %dma_start3A_136 : memref<128x1x32xf32, #tpu.memory_space<hbm>> -> memref<128x32xf32, #tpu.memory_space<hbm>>
    %dma_start3A_138 = arith.constant 0 : i32
    %dma_start3A_139 = tpu.memref_slice %arg4[%mul3A_2, %dma_start3A_130, %dma_start3A_138] : memref<4096x50x32xf32, #tpu.memory_space<hbm>> -> memref<128x1x32xf32, #tpu.memory_space<hbm>>
    %dma_start3A_140 = tpu.memref_squeeze %dma_start3A_139 : memref<128x1x32xf32, #tpu.memory_space<hbm>> -> memref<128x32xf32, #tpu.memory_space<hbm>>
    %dma_start3A_141 = arith.constant 0 : i32
    %dma_start3A_142 = arith.constant 0 : i32
    %dma_start3A_143 = tpu.memref_slice %arg6[%dma_start3A_129, %dma_start3A_141, %dma_start3A_142] : memref<5x128x32xf32, #tpu.memory_space<vmem>> -> memref<1x128x32xf32, #tpu.memory_space<vmem>>
    %dma_start3A_144 = tpu.memref_squeeze %dma_start3A_143 : memref<1x128x32xf32, #tpu.memory_space<vmem>> -> memref<128x32xf32, #tpu.memory_space<vmem>>
    tpu.enqueue_dma source(%dma_start3A_144 : memref<128x32xf32, #tpu.memory_space<vmem>>) target(%dma_start3A_140 : memref<128x32xf32, #tpu.memory_space<hbm>>) target_semaphore(%arg10 : memref<!tpu.dma_semaphore, #tpu.memory_space<semaphore_mem>>)
    %dma_wait3A_145 = arith.constant 3 : i32
    %dma_wait3A_146 = arith.constant 3 : i32
    %dma_wait3A_147 = arith.constant 0 : i32
    %dma_wait3A_148 = arith.constant 0 : i32
    %dma_wait3A_149 = tpu.memref_slice %arg6[%dma_wait3A_146, %dma_wait3A_147, %dma_wait3A_148] : memref<5x128x32xf32, #tpu.memory_space<vmem>> -> memref<1x128x32xf32, #tpu.memory_space<vmem>>
    %dma_wait3A_150 = tpu.memref_squeeze %dma_wait3A_149 : memref<1x128x32xf32, #tpu.memory_space<vmem>> -> memref<128x32xf32, #tpu.memory_space<vmem>>
    %dma_wait3A_151 = arith.constant 0 : i32
    %dma_wait3A_152 = tpu.memref_slice %arg5[%dma_wait3A_145, %dma_wait3A_151] : memref<50x128xi32, #tpu.memory_space<vmem>> -> memref<1x128xi32, #tpu.memory_space<vmem>>
    %dma_wait3A_153 = tpu.memref_squeeze %dma_wait3A_152 : memref<1x128xi32, #tpu.memory_space<vmem>> -> memref<128xi32, #tpu.memory_space<vmem>>
    %dma_wait3A_154 = arith.constant 0 : i32
    %dma_wait3A_155 = arith.constant 0 : i32
    %dma_wait3A_156 = tpu.memref_slice %arg2[%dma_wait3A_154, %dma_wait3A_155] : memref<1007616x32xf32, #tpu.memory_space<hbm>> -> memref<1007616x32xf32, #tpu.memory_space<hbm>>
    tpu.wait_indirect_dma semaphore(%arg8 : memref<!tpu.dma_semaphore, #tpu.memory_space<semaphore_mem>>) src(%dma_wait3A_156 : memref<1007616x32xf32, #tpu.memory_space<hbm>>) dst(%dma_wait3A_150 : memref<128x32xf32, #tpu.memory_space<vmem>>)
    %dma_start3A_157 = arith.constant 3 : i32
    %dma_start3A_158 = arith.constant 3 : i32
    %dma_start3A_159 = arith.constant 0 : i32
    %dma_start3A_160 = arith.constant 0 : i32
    %dma_start3A_161 = tpu.memref_slice %arg6[%dma_start3A_157, %dma_start3A_159, %dma_start3A_160] : memref<5x128x32xf32, #tpu.memory_space<vmem>> -> memref<1x128x32xf32, #tpu.memory_space<vmem>>
    %dma_start3A_162 = tpu.memref_squeeze %dma_start3A_161 : memref<1x128x32xf32, #tpu.memory_space<vmem>> -> memref<128x32xf32, #tpu.memory_space<vmem>>
    %dma_start3A_163 = arith.constant 0 : i32
    %dma_start3A_164 = tpu.memref_slice %arg4[%mul3A_2, %dma_start3A_158, %dma_start3A_163] : memref<4096x50x32xf32, #tpu.memory_space<hbm>> -> memref<128x1x32xf32, #tpu.memory_space<hbm>>
    %dma_start3A_165 = tpu.memref_squeeze %dma_start3A_164 : memref<128x1x32xf32, #tpu.memory_space<hbm>> -> memref<128x32xf32, #tpu.memory_space<hbm>>
    %dma_start3A_166 = arith.constant 0 : i32
    %dma_start3A_167 = tpu.memref_slice %arg4[%mul3A_2, %dma_start3A_158, %dma_start3A_166] : memref<4096x50x32xf32, #tpu.memory_space<hbm>> -> memref<128x1x32xf32, #tpu.memory_space<hbm>>
    %dma_start3A_168 = tpu.memref_squeeze %dma_start3A_167 : memref<128x1x32xf32, #tpu.memory_space<hbm>> -> memref<128x32xf32, #tpu.memory_space<hbm>>
    %dma_start3A_169 = arith.constant 0 : i32
    %dma_start3A_170 = arith.constant 0 : i32
    %dma_start3A_171 = tpu.memref_slice %arg6[%dma_start3A_157, %dma_start3A_169, %dma_start3A_170] : memref<5x128x32xf32, #tpu.memory_space<vmem>> -> memref<1x128x32xf32, #tpu.memory_space<vmem>>
    %dma_start3A_172 = tpu.memref_squeeze %dma_start3A_171 : memref<1x128x32xf32, #tpu.memory_space<vmem>> -> memref<128x32xf32, #tpu.memory_space<vmem>>
    tpu.enqueue_dma source(%dma_start3A_172 : memref<128x32xf32, #tpu.memory_space<vmem>>) target(%dma_start3A_168 : memref<128x32xf32, #tpu.memory_space<hbm>>) target_semaphore(%arg10 : memref<!tpu.dma_semaphore, #tpu.memory_space<semaphore_mem>>)
    %dma_wait3A_173 = arith.constant 4 : i32
    %dma_wait3A_174 = arith.constant 4 : i32
    %dma_wait3A_175 = arith.constant 0 : i32
    %dma_wait3A_176 = arith.constant 0 : i32
    %dma_wait3A_177 = tpu.memref_slice %arg6[%dma_wait3A_174, %dma_wait3A_175, %dma_wait3A_176] : memref<5x128x32xf32, #tpu.memory_space<vmem>> -> memref<1x128x32xf32, #tpu.memory_space<vmem>>
    %dma_wait3A_178 = tpu.memref_squeeze %dma_wait3A_177 : memref<1x128x32xf32, #tpu.memory_space<vmem>> -> memref<128x32xf32, #tpu.memory_space<vmem>>
    %dma_wait3A_179 = arith.constant 0 : i32
    %dma_wait3A_180 = tpu.memref_slice %arg5[%dma_wait3A_173, %dma_wait3A_179] : memref<50x128xi32, #tpu.memory_space<vmem>> -> memref<1x128xi32, #tpu.memory_space<vmem>>
    %dma_wait3A_181 = tpu.memref_squeeze %dma_wait3A_180 : memref<1x128xi32, #tpu.memory_space<vmem>> -> memref<128xi32, #tpu.memory_space<vmem>>
    %dma_wait3A_182 = arith.constant 0 : i32
    %dma_wait3A_183 = arith.constant 0 : i32
    %dma_wait3A_184 = tpu.memref_slice %arg2[%dma_wait3A_182, %dma_wait3A_183] : memref<1007616x32xf32, #tpu.memory_space<hbm>> -> memref<1007616x32xf32, #tpu.memory_space<hbm>>
    tpu.wait_indirect_dma semaphore(%arg8 : memref<!tpu.dma_semaphore, #tpu.memory_space<semaphore_mem>>) src(%dma_wait3A_184 : memref<1007616x32xf32, #tpu.memory_space<hbm>>) dst(%dma_wait3A_178 : memref<128x32xf32, #tpu.memory_space<vmem>>)
    %dma_start3A_185 = arith.constant 4 : i32
    %dma_start3A_186 = arith.constant 4 : i32
    %dma_start3A_187 = arith.constant 0 : i32
    %dma_start3A_188 = arith.constant 0 : i32
    %dma_start3A_189 = tpu.memref_slice %arg6[%dma_start3A_185, %dma_start3A_187, %dma_start3A_188] : memref<5x128x32xf32, #tpu.memory_space<vmem>> -> memref<1x128x32xf32, #tpu.memory_space<vmem>>
    %dma_start3A_190 = tpu.memref_squeeze %dma_start3A_189 : memref<1x128x32xf32, #tpu.memory_space<vmem>> -> memref<128x32xf32, #tpu.memory_space<vmem>>
    %dma_start3A_191 = arith.constant 0 : i32
    %dma_start3A_192 = tpu.memref_slice %arg4[%mul3A_2, %dma_start3A_186, %dma_start3A_191] : memref<4096x50x32xf32, #tpu.memory_space<hbm>> -> memref<128x1x32xf32, #tpu.memory_space<hbm>>
    %dma_start3A_193 = tpu.memref_squeeze %dma_start3A_192 : memref<128x1x32xf32, #tpu.memory_space<hbm>> -> memref<128x32xf32, #tpu.memory_space<hbm>>
    %dma_start3A_194 = arith.constant 0 : i32
    %dma_start3A_195 = tpu.memref_slice %arg4[%mul3A_2, %dma_start3A_186, %dma_start3A_194] : memref<4096x50x32xf32, #tpu.memory_space<hbm>> -> memref<128x1x32xf32, #tpu.memory_space<hbm>>
    %dma_start3A_196 = tpu.memref_squeeze %dma_start3A_195 : memref<128x1x32xf32, #tpu.memory_space<hbm>> -> memref<128x32xf32, #tpu.memory_space<hbm>>
    %dma_start3A_197 = arith.constant 0 : i32
    %dma_start3A_198 = arith.constant 0 : i32
    %dma_start3A_199 = tpu.memref_slice %arg6[%dma_start3A_185, %dma_start3A_197, %dma_start3A_198] : memref<5x128x32xf32, #tpu.memory_space<vmem>> -> memref<1x128x32xf32, #tpu.memory_space<vmem>>
    %dma_start3A_200 = tpu.memref_squeeze %dma_start3A_199 : memref<1x128x32xf32, #tpu.memory_space<vmem>> -> memref<128x32xf32, #tpu.memory_space<vmem>>
    tpu.enqueue_dma source(%dma_start3A_200 : memref<128x32xf32, #tpu.memory_space<vmem>>) target(%dma_start3A_196 : memref<128x32xf32, #tpu.memory_space<hbm>>) target_semaphore(%arg10 : memref<!tpu.dma_semaphore, #tpu.memory_space<semaphore_mem>>)
    %dma_start3A_201 = arith.constant 5 : i32
    %dma_start3A_202 = arith.constant 0 : i32
    %dma_start3A_203 = arith.constant 0 : i32
    %dma_start3A_204 = arith.constant 0 : i32
    %dma_start3A_205 = tpu.memref_slice %arg7[%dma_start3A_202, %dma_start3A_203, %dma_start3A_204] : memref<5x128x32xf32, #tpu.memory_space<vmem>> -> memref<1x128x32xf32, #tpu.memory_space<vmem>>
    %dma_start3A_206 = tpu.memref_squeeze %dma_start3A_205 : memref<1x128x32xf32, #tpu.memory_space<vmem>> -> memref<128x32xf32, #tpu.memory_space<vmem>>
    %dma_start3A_207 = arith.constant 0 : i32
    %dma_start3A_208 = tpu.memref_slice %arg5[%dma_start3A_201, %dma_start3A_207] : memref<50x128xi32, #tpu.memory_space<vmem>> -> memref<1x128xi32, #tpu.memory_space<vmem>>
    %dma_start3A_209 = tpu.memref_squeeze %dma_start3A_208 : memref<1x128xi32, #tpu.memory_space<vmem>> -> memref<128xi32, #tpu.memory_space<vmem>>
    %dma_start3A_210 = arith.constant 0 : i32
    %dma_start3A_211 = arith.constant 0 : i32
    %dma_start3A_212 = tpu.memref_slice %arg2[%dma_start3A_210, %dma_start3A_211] : memref<1007616x32xf32, #tpu.memory_space<hbm>> -> memref<1007616x32xf32, #tpu.memory_space<hbm>>
    tpu.enqueue_indirect_dma source(%dma_start3A_212 : memref<1007616x32xf32, #tpu.memory_space<hbm>>) target(%dma_start3A_206 : memref<128x32xf32, #tpu.memory_space<vmem>>) offsets(%dma_start3A_209 : memref<128xi32, #tpu.memory_space<vmem>>) semaphore(%arg9 : memref<!tpu.dma_semaphore, #tpu.memory_space<semaphore_mem>>)
    %dma_start3A_213 = arith.constant 6 : i32
    %dma_start3A_214 = arith.constant 1 : i32
    %dma_start3A_215 = arith.constant 0 : i32
    %dma_start3A_216 = arith.constant 0 : i32
    %dma_start3A_217 = tpu.memref_slice %arg7[%dma_start3A_214, %dma_start3A_215, %dma_start3A_216] : memref<5x128x32xf32, #tpu.memory_space<vmem>> -> memref<1x128x32xf32, #tpu.memory_space<vmem>>
    %dma_start3A_218 = tpu.memref_squeeze %dma_start3A_217 : memref<1x128x32xf32, #tpu.memory_space<vmem>> -> memref<128x32xf32, #tpu.memory_space<vmem>>
    %dma_start3A_219 = arith.constant 0 : i32
    %dma_start3A_220 = tpu.memref_slice %arg5[%dma_start3A_213, %dma_start3A_219] : memref<50x128xi32, #tpu.memory_space<vmem>> -> memref<1x128xi32, #tpu.memory_space<vmem>>
    %dma_start3A_221 = tpu.memref_squeeze %dma_start3A_220 : memref<1x128xi32, #tpu.memory_space<vmem>> -> memref<128xi32, #tpu.memory_space<vmem>>
    %dma_start3A_222 = arith.constant 0 : i32
    %dma_start3A_223 = arith.constant 0 : i32
    %dma_start3A_224 = tpu.memref_slice %arg2[%dma_start3A_222, %dma_start3A_223] : memref<1007616x32xf32, #tpu.memory_space<hbm>> -> memref<1007616x32xf32, #tpu.memory_space<hbm>>
    tpu.enqueue_indirect_dma source(%dma_start3A_224 : memref<1007616x32xf32, #tpu.memory_space<hbm>>) target(%dma_start3A_218 : memref<128x32xf32, #tpu.memory_space<vmem>>) offsets(%dma_start3A_221 : memref<128xi32, #tpu.memory_space<vmem>>) semaphore(%arg9 : memref<!tpu.dma_semaphore, #tpu.memory_space<semaphore_mem>>)
    %dma_start3A_225 = arith.constant 7 : i32
    %dma_start3A_226 = arith.constant 2 : i32
    %dma_start3A_227 = arith.constant 0 : i32
    %dma_start3A_228 = arith.constant 0 : i32
    %dma_start3A_229 = tpu.memref_slice %arg7[%dma_start3A_226, %dma_start3A_227, %dma_start3A_228] : memref<5x128x32xf32, #tpu.memory_space<vmem>> -> memref<1x128x32xf32, #tpu.memory_space<vmem>>
    %dma_start3A_230 = tpu.memref_squeeze %dma_start3A_229 : memref<1x128x32xf32, #tpu.memory_space<vmem>> -> memref<128x32xf32, #tpu.memory_space<vmem>>
    %dma_start3A_231 = arith.constant 0 : i32
    %dma_start3A_232 = tpu.memref_slice %arg5[%dma_start3A_225, %dma_start3A_231] : memref<50x128xi32, #tpu.memory_space<vmem>> -> memref<1x128xi32, #tpu.memory_space<vmem>>
    %dma_start3A_233 = tpu.memref_squeeze %dma_start3A_232 : memref<1x128xi32, #tpu.memory_space<vmem>> -> memref<128xi32, #tpu.memory_space<vmem>>
    %dma_start3A_234 = arith.constant 0 : i32
    %dma_start3A_235 = arith.constant 0 : i32
    %dma_start3A_236 = tpu.memref_slice %arg2[%dma_start3A_234, %dma_start3A_235] : memref<1007616x32xf32, #tpu.memory_space<hbm>> -> memref<1007616x32xf32, #tpu.memory_space<hbm>>
    tpu.enqueue_indirect_dma source(%dma_start3A_236 : memref<1007616x32xf32, #tpu.memory_space<hbm>>) target(%dma_start3A_230 : memref<128x32xf32, #tpu.memory_space<vmem>>) offsets(%dma_start3A_233 : memref<128xi32, #tpu.memory_space<vmem>>) semaphore(%arg9 : memref<!tpu.dma_semaphore, #tpu.memory_space<semaphore_mem>>)
    %dma_start3A_237 = arith.constant 8 : i32
    %dma_start3A_238 = arith.constant 3 : i32
    %dma_start3A_239 = arith.constant 0 : i32
    %dma_start3A_240 = arith.constant 0 : i32
    %dma_start3A_241 = tpu.memref_slice %arg7[%dma_start3A_238, %dma_start3A_239, %dma_start3A_240] : memref<5x128x32xf32, #tpu.memory_space<vmem>> -> memref<1x128x32xf32, #tpu.memory_space<vmem>>
    %dma_start3A_242 = tpu.memref_squeeze %dma_start3A_241 : memref<1x128x32xf32, #tpu.memory_space<vmem>> -> memref<128x32xf32, #tpu.memory_space<vmem>>
    %dma_start3A_243 = arith.constant 0 : i32
    %dma_start3A_244 = tpu.memref_slice %arg5[%dma_start3A_237, %dma_start3A_243] : memref<50x128xi32, #tpu.memory_space<vmem>> -> memref<1x128xi32, #tpu.memory_space<vmem>>
    %dma_start3A_245 = tpu.memref_squeeze %dma_start3A_244 : memref<1x128xi32, #tpu.memory_space<vmem>> -> memref<128xi32, #tpu.memory_space<vmem>>
    %dma_start3A_246 = arith.constant 0 : i32
    %dma_start3A_247 = arith.constant 0 : i32
    %dma_start3A_248 = tpu.memref_slice %arg2[%dma_start3A_246, %dma_start3A_247] : memref<1007616x32xf32, #tpu.memory_space<hbm>> -> memref<1007616x32xf32, #tpu.memory_space<hbm>>
    tpu.enqueue_indirect_dma source(%dma_start3A_248 : memref<1007616x32xf32, #tpu.memory_space<hbm>>) target(%dma_start3A_242 : memref<128x32xf32, #tpu.memory_space<vmem>>) offsets(%dma_start3A_245 : memref<128xi32, #tpu.memory_space<vmem>>) semaphore(%arg9 : memref<!tpu.dma_semaphore, #tpu.memory_space<semaphore_mem>>)
    %dma_start3A_249 = arith.constant 9 : i32
    %dma_start3A_250 = arith.constant 4 : i32
    %dma_start3A_251 = arith.constant 0 : i32
    %dma_start3A_252 = arith.constant 0 : i32
    %dma_start3A_253 = tpu.memref_slice %arg7[%dma_start3A_250, %dma_start3A_251, %dma_start3A_252] : memref<5x128x32xf32, #tpu.memory_space<vmem>> -> memref<1x128x32xf32, #tpu.memory_space<vmem>>
    %dma_start3A_254 = tpu.memref_squeeze %dma_start3A_253 : memref<1x128x32xf32, #tpu.memory_space<vmem>> -> memref<128x32xf32, #tpu.memory_space<vmem>>
    %dma_start3A_255 = arith.constant 0 : i32
    %dma_start3A_256 = tpu.memref_slice %arg5[%dma_start3A_249, %dma_start3A_255] : memref<50x128xi32, #tpu.memory_space<vmem>> -> memref<1x128xi32, #tpu.memory_space<vmem>>
    %dma_start3A_257 = tpu.memref_squeeze %dma_start3A_256 : memref<1x128xi32, #tpu.memory_space<vmem>> -> memref<128xi32, #tpu.memory_space<vmem>>
    %dma_start3A_258 = arith.constant 0 : i32
    %dma_start3A_259 = arith.constant 0 : i32
    %dma_start3A_260 = tpu.memref_slice %arg2[%dma_start3A_258, %dma_start3A_259] : memref<1007616x32xf32, #tpu.memory_space<hbm>> -> memref<1007616x32xf32, #tpu.memory_space<hbm>>
    tpu.enqueue_indirect_dma source(%dma_start3A_260 : memref<1007616x32xf32, #tpu.memory_space<hbm>>) target(%dma_start3A_254 : memref<128x32xf32, #tpu.memory_space<vmem>>) offsets(%dma_start3A_257 : memref<128xi32, #tpu.memory_space<vmem>>) semaphore(%arg9 : memref<!tpu.dma_semaphore, #tpu.memory_space<semaphore_mem>>)
    %dma_wait3A_261 = arith.constant 5 : i32
    %dma_wait3A_262 = arith.constant 0 : i32
    %dma_wait3A_263 = arith.constant 0 : i32
    %dma_wait3A_264 = arith.constant 0 : i32
    %dma_wait3A_265 = tpu.memref_slice %arg7[%dma_wait3A_262, %dma_wait3A_263, %dma_wait3A_264] : memref<5x128x32xf32, #tpu.memory_space<vmem>> -> memref<1x128x32xf32, #tpu.memory_space<vmem>>
    %dma_wait3A_266 = tpu.memref_squeeze %dma_wait3A_265 : memref<1x128x32xf32, #tpu.memory_space<vmem>> -> memref<128x32xf32, #tpu.memory_space<vmem>>
    %dma_wait3A_267 = arith.constant 0 : i32
    %dma_wait3A_268 = tpu.memref_slice %arg5[%dma_wait3A_261, %dma_wait3A_267] : memref<50x128xi32, #tpu.memory_space<vmem>> -> memref<1x128xi32, #tpu.memory_space<vmem>>
    %dma_wait3A_269 = tpu.memref_squeeze %dma_wait3A_268 : memref<1x128xi32, #tpu.memory_space<vmem>> -> memref<128xi32, #tpu.memory_space<vmem>>
    %dma_wait3A_270 = arith.constant 0 : i32
    %dma_wait3A_271 = arith.constant 0 : i32
    %dma_wait3A_272 = tpu.memref_slice %arg2[%dma_wait3A_270, %dma_wait3A_271] : memref<1007616x32xf32, #tpu.memory_space<hbm>> -> memref<1007616x32xf32, #tpu.memory_space<hbm>>
    tpu.wait_indirect_dma semaphore(%arg9 : memref<!tpu.dma_semaphore, #tpu.memory_space<semaphore_mem>>) src(%dma_wait3A_272 : memref<1007616x32xf32, #tpu.memory_space<hbm>>) dst(%dma_wait3A_266 : memref<128x32xf32, #tpu.memory_space<vmem>>)
    %dma_start3A_273 = arith.constant 0 : i32
    %dma_start3A_274 = arith.constant 5 : i32
    %dma_start3A_275 = arith.constant 0 : i32
    %dma_start3A_276 = arith.constant 0 : i32
    %dma_start3A_277 = tpu.memref_slice %arg7[%dma_start3A_273, %dma_start3A_275, %dma_start3A_276] : memref<5x128x32xf32, #tpu.memory_space<vmem>> -> memref<1x128x32xf32, #tpu.memory_space<vmem>>
    %dma_start3A_278 = tpu.memref_squeeze %dma_start3A_277 : memref<1x128x32xf32, #tpu.memory_space<vmem>> -> memref<128x32xf32, #tpu.memory_space<vmem>>
    %dma_start3A_279 = arith.constant 0 : i32
    %dma_start3A_280 = tpu.memref_slice %arg4[%mul3A_2, %dma_start3A_274, %dma_start3A_279] : memref<4096x50x32xf32, #tpu.memory_space<hbm>> -> memref<128x1x32xf32, #tpu.memory_space<hbm>>
    %dma_start3A_281 = tpu.memref_squeeze %dma_start3A_280 : memref<128x1x32xf32, #tpu.memory_space<hbm>> -> memref<128x32xf32, #tpu.memory_space<hbm>>
    %dma_start3A_282 = arith.constant 0 : i32
    %dma_start3A_283 = tpu.memref_slice %arg4[%mul3A_2, %dma_start3A_274, %dma_start3A_282] : memref<4096x50x32xf32, #tpu.memory_space<hbm>> -> memref<128x1x32xf32, #tpu.memory_space<hbm>>
    %dma_start3A_284 = tpu.memref_squeeze %dma_start3A_283 : memref<128x1x32xf32, #tpu.memory_space<hbm>> -> memref<128x32xf32, #tpu.memory_space<hbm>>
    %dma_start3A_285 = arith.constant 0 : i32
    %dma_start3A_286 = arith.constant 0 : i32
    %dma_start3A_287 = tpu.memref_slice %arg7[%dma_start3A_273, %dma_start3A_285, %dma_start3A_286] : memref<5x128x32xf32, #tpu.memory_space<vmem>> -> memref<1x128x32xf32, #tpu.memory_space<vmem>>
    %dma_start3A_288 = tpu.memref_squeeze %dma_start3A_287 : memref<1x128x32xf32, #tpu.memory_space<vmem>> -> memref<128x32xf32, #tpu.memory_space<vmem>>
    tpu.enqueue_dma source(%dma_start3A_288 : memref<128x32xf32, #tpu.memory_space<vmem>>) target(%dma_start3A_284 : memref<128x32xf32, #tpu.memory_space<hbm>>) target_semaphore(%arg11 : memref<!tpu.dma_semaphore, #tpu.memory_space<semaphore_mem>>)
    %dma_wait3A_289 = arith.constant 6 : i32
    %dma_wait3A_290 = arith.constant 1 : i32
    %dma_wait3A_291 = arith.constant 0 : i32
    %dma_wait3A_292 = arith.constant 0 : i32
    %dma_wait3A_293 = tpu.memref_slice %arg7[%dma_wait3A_290, %dma_wait3A_291, %dma_wait3A_292] : memref<5x128x32xf32, #tpu.memory_space<vmem>> -> memref<1x128x32xf32, #tpu.memory_space<vmem>>
    %dma_wait3A_294 = tpu.memref_squeeze %dma_wait3A_293 : memref<1x128x32xf32, #tpu.memory_space<vmem>> -> memref<128x32xf32, #tpu.memory_space<vmem>>
    %dma_wait3A_295 = arith.constant 0 : i32
    %dma_wait3A_296 = tpu.memref_slice %arg5[%dma_wait3A_289, %dma_wait3A_295] : memref<50x128xi32, #tpu.memory_space<vmem>> -> memref<1x128xi32, #tpu.memory_space<vmem>>
    %dma_wait3A_297 = tpu.memref_squeeze %dma_wait3A_296 : memref<1x128xi32, #tpu.memory_space<vmem>> -> memref<128xi32, #tpu.memory_space<vmem>>
    %dma_wait3A_298 = arith.constant 0 : i32
    %dma_wait3A_299 = arith.constant 0 : i32
    %dma_wait3A_300 = tpu.memref_slice %arg2[%dma_wait3A_298, %dma_wait3A_299] : memref<1007616x32xf32, #tpu.memory_space<hbm>> -> memref<1007616x32xf32, #tpu.memory_space<hbm>>
    tpu.wait_indirect_dma semaphore(%arg9 : memref<!tpu.dma_semaphore, #tpu.memory_space<semaphore_mem>>) src(%dma_wait3A_300 : memref<1007616x32xf32, #tpu.memory_space<hbm>>) dst(%dma_wait3A_294 : memref<128x32xf32, #tpu.memory_space<vmem>>)
    %dma_start3A_301 = arith.constant 1 : i32
    %dma_start3A_302 = arith.constant 6 : i32
    %dma_start3A_303 = arith.constant 0 : i32
    %dma_start3A_304 = arith.constant 0 : i32
    %dma_start3A_305 = tpu.memref_slice %arg7[%dma_start3A_301, %dma_start3A_303, %dma_start3A_304] : memref<5x128x32xf32, #tpu.memory_space<vmem>> -> memref<1x128x32xf32, #tpu.memory_space<vmem>>
    %dma_start3A_306 = tpu.memref_squeeze %dma_start3A_305 : memref<1x128x32xf32, #tpu.memory_space<vmem>> -> memref<128x32xf32, #tpu.memory_space<vmem>>
    %dma_start3A_307 = arith.constant 0 : i32
    %dma_start3A_308 = tpu.memref_slice %arg4[%mul3A_2, %dma_start3A_302, %dma_start3A_307] : memref<4096x50x32xf32, #tpu.memory_space<hbm>> -> memref<128x1x32xf32, #tpu.memory_space<hbm>>
    %dma_start3A_309 = tpu.memref_squeeze %dma_start3A_308 : memref<128x1x32xf32, #tpu.memory_space<hbm>> -> memref<128x32xf32, #tpu.memory_space<hbm>>
    %dma_start3A_310 = arith.constant 0 : i32
    %dma_start3A_311 = tpu.memref_slice %arg4[%mul3A_2, %dma_start3A_302, %dma_start3A_310] : memref<4096x50x32xf32, #tpu.memory_space<hbm>> -> memref<128x1x32xf32, #tpu.memory_space<hbm>>
    %dma_start3A_312 = tpu.memref_squeeze %dma_start3A_311 : memref<128x1x32xf32, #tpu.memory_space<hbm>> -> memref<128x32xf32, #tpu.memory_space<hbm>>
    %dma_start3A_313 = arith.constant 0 : i32
    %dma_start3A_314 = arith.constant 0 : i32
    %dma_start3A_315 = tpu.memref_slice %arg7[%dma_start3A_301, %dma_start3A_313, %dma_start3A_314] : memref<5x128x32xf32, #tpu.memory_space<vmem>> -> memref<1x128x32xf32, #tpu.memory_space<vmem>>
    %dma_start3A_316 = tpu.memref_squeeze %dma_start3A_315 : memref<1x128x32xf32, #tpu.memory_space<vmem>> -> memref<128x32xf32, #tpu.memory_space<vmem>>
    tpu.enqueue_dma source(%dma_start3A_316 : memref<128x32xf32, #tpu.memory_space<vmem>>) target(%dma_start3A_312 : memref<128x32xf32, #tpu.memory_space<hbm>>) target_semaphore(%arg11 : memref<!tpu.dma_semaphore, #tpu.memory_space<semaphore_mem>>)
    %dma_wait3A_317 = arith.constant 7 : i32
    %dma_wait3A_318 = arith.constant 2 : i32
    %dma_wait3A_319 = arith.constant 0 : i32
    %dma_wait3A_320 = arith.constant 0 : i32
    %dma_wait3A_321 = tpu.memref_slice %arg7[%dma_wait3A_318, %dma_wait3A_319, %dma_wait3A_320] : memref<5x128x32xf32, #tpu.memory_space<vmem>> -> memref<1x128x32xf32, #tpu.memory_space<vmem>>
    %dma_wait3A_322 = tpu.memref_squeeze %dma_wait3A_321 : memref<1x128x32xf32, #tpu.memory_space<vmem>> -> memref<128x32xf32, #tpu.memory_space<vmem>>
    %dma_wait3A_323 = arith.constant 0 : i32
    %dma_wait3A_324 = tpu.memref_slice %arg5[%dma_wait3A_317, %dma_wait3A_323] : memref<50x128xi32, #tpu.memory_space<vmem>> -> memref<1x128xi32, #tpu.memory_space<vmem>>
    %dma_wait3A_325 = tpu.memref_squeeze %dma_wait3A_324 : memref<1x128xi32, #tpu.memory_space<vmem>> -> memref<128xi32, #tpu.memory_space<vmem>>
    %dma_wait3A_326 = arith.constant 0 : i32
    %dma_wait3A_327 = arith.constant 0 : i32
    %dma_wait3A_328 = tpu.memref_slice %arg2[%dma_wait3A_326, %dma_wait3A_327] : memref<1007616x32xf32, #tpu.memory_space<hbm>> -> memref<1007616x32xf32, #tpu.memory_space<hbm>>
    tpu.wait_indirect_dma semaphore(%arg9 : memref<!tpu.dma_semaphore, #tpu.memory_space<semaphore_mem>>) src(%dma_wait3A_328 : memref<1007616x32xf32, #tpu.memory_space<hbm>>) dst(%dma_wait3A_322 : memref<128x32xf32, #tpu.memory_space<vmem>>)
    %dma_start3A_329 = arith.constant 2 : i32
    %dma_start3A_330 = arith.constant 7 : i32
    %dma_start3A_331 = arith.constant 0 : i32
    %dma_start3A_332 = arith.constant 0 : i32
    %dma_start3A_333 = tpu.memref_slice %arg7[%dma_start3A_329, %dma_start3A_331, %dma_start3A_332] : memref<5x128x32xf32, #tpu.memory_space<vmem>> -> memref<1x128x32xf32, #tpu.memory_space<vmem>>
    %dma_start3A_334 = tpu.memref_squeeze %dma_start3A_333 : memref<1x128x32xf32, #tpu.memory_space<vmem>> -> memref<128x32xf32, #tpu.memory_space<vmem>>
    %dma_start3A_335 = arith.constant 0 : i32
    %dma_start3A_336 = tpu.memref_slice %arg4[%mul3A_2, %dma_start3A_330, %dma_start3A_335] : memref<4096x50x32xf32, #tpu.memory_space<hbm>> -> memref<128x1x32xf32, #tpu.memory_space<hbm>>
    %dma_start3A_337 = tpu.memref_squeeze %dma_start3A_336 : memref<128x1x32xf32, #tpu.memory_space<hbm>> -> memref<128x32xf32, #tpu.memory_space<hbm>>
    %dma_start3A_338 = arith.constant 0 : i32
    %dma_start3A_339 = tpu.memref_slice %arg4[%mul3A_2, %dma_start3A_330, %dma_start3A_338] : memref<4096x50x32xf32, #tpu.memory_space<hbm>> -> memref<128x1x32xf32, #tpu.memory_space<hbm>>
    %dma_start3A_340 = tpu.memref_squeeze %dma_start3A_339 : memref<128x1x32xf32, #tpu.memory_space<hbm>> -> memref<128x32xf32, #tpu.memory_space<hbm>>
    %dma_start3A_341 = arith.constant 0 : i32
    %dma_start3A_342 = arith.constant 0 : i32
    %dma_start3A_343 = tpu.memref_slice %arg7[%dma_start3A_329, %dma_start3A_341, %dma_start3A_342] : memref<5x128x32xf32, #tpu.memory_space<vmem>> -> memref<1x128x32xf32, #tpu.memory_space<vmem>>
    %dma_start3A_344 = tpu.memref_squeeze %dma_start3A_343 : memref<1x128x32xf32, #tpu.memory_space<vmem>> -> memref<128x32xf32, #tpu.memory_space<vmem>>
    tpu.enqueue_dma source(%dma_start3A_344 : memref<128x32xf32, #tpu.memory_space<vmem>>) target(%dma_start3A_340 : memref<128x32xf32, #tpu.memory_space<hbm>>) target_semaphore(%arg11 : memref<!tpu.dma_semaphore, #tpu.memory_space<semaphore_mem>>)
    %dma_wait3A_345 = arith.constant 8 : i32
    %dma_wait3A_346 = arith.constant 3 : i32
    %dma_wait3A_347 = arith.constant 0 : i32
    %dma_wait3A_348 = arith.constant 0 : i32
    %dma_wait3A_349 = tpu.memref_slice %arg7[%dma_wait3A_346, %dma_wait3A_347, %dma_wait3A_348] : memref<5x128x32xf32, #tpu.memory_space<vmem>> -> memref<1x128x32xf32, #tpu.memory_space<vmem>>
    %dma_wait3A_350 = tpu.memref_squeeze %dma_wait3A_349 : memref<1x128x32xf32, #tpu.memory_space<vmem>> -> memref<128x32xf32, #tpu.memory_space<vmem>>
    %dma_wait3A_351 = arith.constant 0 : i32
    %dma_wait3A_352 = tpu.memref_slice %arg5[%dma_wait3A_345, %dma_wait3A_351] : memref<50x128xi32, #tpu.memory_space<vmem>> -> memref<1x128xi32, #tpu.memory_space<vmem>>
    %dma_wait3A_353 = tpu.memref_squeeze %dma_wait3A_352 : memref<1x128xi32, #tpu.memory_space<vmem>> -> memref<128xi32, #tpu.memory_space<vmem>>
    %dma_wait3A_354 = arith.constant 0 : i32
    %dma_wait3A_355 = arith.constant 0 : i32
    %dma_wait3A_356 = tpu.memref_slice %arg2[%dma_wait3A_354, %dma_wait3A_355] : memref<1007616x32xf32, #tpu.memory_space<hbm>> -> memref<1007616x32xf32, #tpu.memory_space<hbm>>
    tpu.wait_indirect_dma semaphore(%arg9 : memref<!tpu.dma_semaphore, #tpu.memory_space<semaphore_mem>>) src(%dma_wait3A_356 : memref<1007616x32xf32, #tpu.memory_space<hbm>>) dst(%dma_wait3A_350 : memref<128x32xf32, #tpu.memory_space<vmem>>)
    %dma_start3A_357 = arith.constant 3 : i32
    %dma_start3A_358 = arith.constant 8 : i32
    %dma_start3A_359 = arith.constant 0 : i32
    %dma_start3A_360 = arith.constant 0 : i32
    %dma_start3A_361 = tpu.memref_slice %arg7[%dma_start3A_357, %dma_start3A_359, %dma_start3A_360] : memref<5x128x32xf32, #tpu.memory_space<vmem>> -> memref<1x128x32xf32, #tpu.memory_space<vmem>>
    %dma_start3A_362 = tpu.memref_squeeze %dma_start3A_361 : memref<1x128x32xf32, #tpu.memory_space<vmem>> -> memref<128x32xf32, #tpu.memory_space<vmem>>
    %dma_start3A_363 = arith.constant 0 : i32
    %dma_start3A_364 = tpu.memref_slice %arg4[%mul3A_2, %dma_start3A_358, %dma_start3A_363] : memref<4096x50x32xf32, #tpu.memory_space<hbm>> -> memref<128x1x32xf32, #tpu.memory_space<hbm>>
    %dma_start3A_365 = tpu.memref_squeeze %dma_start3A_364 : memref<128x1x32xf32, #tpu.memory_space<hbm>> -> memref<128x32xf32, #tpu.memory_space<hbm>>
    %dma_start3A_366 = arith.constant 0 : i32
    %dma_start3A_367 = tpu.memref_slice %arg4[%mul3A_2, %dma_start3A_358, %dma_start3A_366] : memref<4096x50x32xf32, #tpu.memory_space<hbm>> -> memref<128x1x32xf32, #tpu.memory_space<hbm>>
    %dma_start3A_368 = tpu.memref_squeeze %dma_start3A_367 : memref<128x1x32xf32, #tpu.memory_space<hbm>> -> memref<128x32xf32, #tpu.memory_space<hbm>>
    %dma_start3A_369 = arith.constant 0 : i32
    %dma_start3A_370 = arith.constant 0 : i32
    %dma_start3A_371 = tpu.memref_slice %arg7[%dma_start3A_357, %dma_start3A_369, %dma_start3A_370] : memref<5x128x32xf32, #tpu.memory_space<vmem>> -> memref<1x128x32xf32, #tpu.memory_space<vmem>>
    %dma_start3A_372 = tpu.memref_squeeze %dma_start3A_371 : memref<1x128x32xf32, #tpu.memory_space<vmem>> -> memref<128x32xf32, #tpu.memory_space<vmem>>
    tpu.enqueue_dma source(%dma_start3A_372 : memref<128x32xf32, #tpu.memory_space<vmem>>) target(%dma_start3A_368 : memref<128x32xf32, #tpu.memory_space<hbm>>) target_semaphore(%arg11 : memref<!tpu.dma_semaphore, #tpu.memory_space<semaphore_mem>>)
    %dma_wait3A_373 = arith.constant 9 : i32
    %dma_wait3A_374 = arith.constant 4 : i32
    %dma_wait3A_375 = arith.constant 0 : i32
    %dma_wait3A_376 = arith.constant 0 : i32
    %dma_wait3A_377 = tpu.memref_slice %arg7[%dma_wait3A_374, %dma_wait3A_375, %dma_wait3A_376] : memref<5x128x32xf32, #tpu.memory_space<vmem>> -> memref<1x128x32xf32, #tpu.memory_space<vmem>>
    %dma_wait3A_378 = tpu.memref_squeeze %dma_wait3A_377 : memref<1x128x32xf32, #tpu.memory_space<vmem>> -> memref<128x32xf32, #tpu.memory_space<vmem>>
    %dma_wait3A_379 = arith.constant 0 : i32
    %dma_wait3A_380 = tpu.memref_slice %arg5[%dma_wait3A_373, %dma_wait3A_379] : memref<50x128xi32, #tpu.memory_space<vmem>> -> memref<1x128xi32, #tpu.memory_space<vmem>>
    %dma_wait3A_381 = tpu.memref_squeeze %dma_wait3A_380 : memref<1x128xi32, #tpu.memory_space<vmem>> -> memref<128xi32, #tpu.memory_space<vmem>>
    %dma_wait3A_382 = arith.constant 0 : i32
    %dma_wait3A_383 = arith.constant 0 : i32
    %dma_wait3A_384 = tpu.memref_slice %arg2[%dma_wait3A_382, %dma_wait3A_383] : memref<1007616x32xf32, #tpu.memory_space<hbm>> -> memref<1007616x32xf32, #tpu.memory_space<hbm>>
    tpu.wait_indirect_dma semaphore(%arg9 : memref<!tpu.dma_semaphore, #tpu.memory_space<semaphore_mem>>) src(%dma_wait3A_384 : memref<1007616x32xf32, #tpu.memory_space<hbm>>) dst(%dma_wait3A_378 : memref<128x32xf32, #tpu.memory_space<vmem>>)
    %dma_start3A_385 = arith.constant 4 : i32
    %dma_start3A_386 = arith.constant 9 : i32
    %dma_start3A_387 = arith.constant 0 : i32
    %dma_start3A_388 = arith.constant 0 : i32
    %dma_start3A_389 = tpu.memref_slice %arg7[%dma_start3A_385, %dma_start3A_387, %dma_start3A_388] : memref<5x128x32xf32, #tpu.memory_space<vmem>> -> memref<1x128x32xf32, #tpu.memory_space<vmem>>
    %dma_start3A_390 = tpu.memref_squeeze %dma_start3A_389 : memref<1x128x32xf32, #tpu.memory_space<vmem>> -> memref<128x32xf32, #tpu.memory_space<vmem>>
    %dma_start3A_391 = arith.constant 0 : i32
    %dma_start3A_392 = tpu.memref_slice %arg4[%mul3A_2, %dma_start3A_386, %dma_start3A_391] : memref<4096x50x32xf32, #tpu.memory_space<hbm>> -> memref<128x1x32xf32, #tpu.memory_space<hbm>>
    %dma_start3A_393 = tpu.memref_squeeze %dma_start3A_392 : memref<128x1x32xf32, #tpu.memory_space<hbm>> -> memref<128x32xf32, #tpu.memory_space<hbm>>
    %dma_start3A_394 = arith.constant 0 : i32
    %dma_start3A_395 = tpu.memref_slice %arg4[%mul3A_2, %dma_start3A_386, %dma_start3A_394] : memref<4096x50x32xf32, #tpu.memory_space<hbm>> -> memref<128x1x32xf32, #tpu.memory_space<hbm>>
    %dma_start3A_396 = tpu.memref_squeeze %dma_start3A_395 : memref<128x1x32xf32, #tpu.memory_space<hbm>> -> memref<128x32xf32, #tpu.memory_space<hbm>>
    %dma_start3A_397 = arith.constant 0 : i32
    %dma_start3A_398 = arith.constant 0 : i32
    %dma_start3A_399 = tpu.memref_slice %arg7[%dma_start3A_385, %dma_start3A_397, %dma_start3A_398] : memref<5x128x32xf32, #tpu.memory_space<vmem>> -> memref<1x128x32xf32, #tpu.memory_space<vmem>>
    %dma_start3A_400 = tpu.memref_squeeze %dma_start3A_399 : memref<1x128x32xf32, #tpu.memory_space<vmem>> -> memref<128x32xf32, #tpu.memory_space<vmem>>
    tpu.enqueue_dma source(%dma_start3A_400 : memref<128x32xf32, #tpu.memory_space<vmem>>) target(%dma_start3A_396 : memref<128x32xf32, #tpu.memory_space<hbm>>) target_semaphore(%arg11 : memref<!tpu.dma_semaphore, #tpu.memory_space<semaphore_mem>>)
    %dma_wait3A_401 = arith.constant 0 : i32
    %dma_wait3A_402 = arith.constant 0 : i32
    %dma_wait3A_403 = arith.constant 0 : i32
    %dma_wait3A_404 = arith.constant 0 : i32
    %dma_wait3A_405 = tpu.memref_slice %arg6[%dma_wait3A_401, %dma_wait3A_403, %dma_wait3A_404] : memref<5x128x32xf32, #tpu.memory_space<vmem>> -> memref<1x128x32xf32, #tpu.memory_space<vmem>>
    %dma_wait3A_406 = tpu.memref_squeeze %dma_wait3A_405 : memref<1x128x32xf32, #tpu.memory_space<vmem>> -> memref<128x32xf32, #tpu.memory_space<vmem>>
    %dma_wait3A_407 = arith.constant 0 : i32
    %dma_wait3A_408 = tpu.memref_slice %arg4[%mul3A_2, %dma_wait3A_402, %dma_wait3A_407] : memref<4096x50x32xf32, #tpu.memory_space<hbm>> -> memref<128x1x32xf32, #tpu.memory_space<hbm>>
    %dma_wait3A_409 = tpu.memref_squeeze %dma_wait3A_408 : memref<128x1x32xf32, #tpu.memory_space<hbm>> -> memref<128x32xf32, #tpu.memory_space<hbm>>
    %dma_wait3A_410 = arith.constant 0 : i32
    %dma_wait3A_411 = tpu.memref_slice %arg4[%mul3A_2, %dma_wait3A_402, %dma_wait3A_410] : memref<4096x50x32xf32, #tpu.memory_space<hbm>> -> memref<128x1x32xf32, #tpu.memory_space<hbm>>
    %dma_wait3A_412 = tpu.memref_squeeze %dma_wait3A_411 : memref<128x1x32xf32, #tpu.memory_space<hbm>> -> memref<128x32xf32, #tpu.memory_space<hbm>>
    %dma_wait3A_413 = arith.constant 0 : i32
    %dma_wait3A_414 = arith.constant 0 : i32
    %dma_wait3A_415 = tpu.memref_slice %arg6[%dma_wait3A_401, %dma_wait3A_413, %dma_wait3A_414] : memref<5x128x32xf32, #tpu.memory_space<vmem>> -> memref<1x128x32xf32, #tpu.memory_space<vmem>>
    %dma_wait3A_416 = tpu.memref_squeeze %dma_wait3A_415 : memref<1x128x32xf32, #tpu.memory_space<vmem>> -> memref<128x32xf32, #tpu.memory_space<vmem>>
    tpu.wait_dma2 semaphore(%arg10 : memref<!tpu.dma_semaphore, #tpu.memory_space<semaphore_mem>>) src(%dma_wait3A_416 : memref<128x32xf32, #tpu.memory_space<vmem>>) dst(%dma_wait3A_412 : memref<128x32xf32, #tpu.memory_space<hbm>>)
    %dma_wait3A_417 = arith.constant 1 : i32
    %dma_wait3A_418 = arith.constant 1 : i32
    %dma_wait3A_419 = arith.constant 0 : i32
    %dma_wait3A_420 = arith.constant 0 : i32
    %dma_wait3A_421 = tpu.memref_slice %arg6[%dma_wait3A_417, %dma_wait3A_419, %dma_wait3A_420] : memref<5x128x32xf32, #tpu.memory_space<vmem>> -> memref<1x128x32xf32, #tpu.memory_space<vmem>>
    %dma_wait3A_422 = tpu.memref_squeeze %dma_wait3A_421 : memref<1x128x32xf32, #tpu.memory_space<vmem>> -> memref<128x32xf32, #tpu.memory_space<vmem>>
    %dma_wait3A_423 = arith.constant 0 : i32
    %dma_wait3A_424 = tpu.memref_slice %arg4[%mul3A_2, %dma_wait3A_418, %dma_wait3A_423] : memref<4096x50x32xf32, #tpu.memory_space<hbm>> -> memref<128x1x32xf32, #tpu.memory_space<hbm>>
    %dma_wait3A_425 = tpu.memref_squeeze %dma_wait3A_424 : memref<128x1x32xf32, #tpu.memory_space<hbm>> -> memref<128x32xf32, #tpu.memory_space<hbm>>
    %dma_wait3A_426 = arith.constant 0 : i32
    %dma_wait3A_427 = tpu.memref_slice %arg4[%mul3A_2, %dma_wait3A_418, %dma_wait3A_426] : memref<4096x50x32xf32, #tpu.memory_space<hbm>> -> memref<128x1x32xf32, #tpu.memory_space<hbm>>
    %dma_wait3A_428 = tpu.memref_squeeze %dma_wait3A_427 : memref<128x1x32xf32, #tpu.memory_space<hbm>> -> memref<128x32xf32, #tpu.memory_space<hbm>>
    %dma_wait3A_429 = arith.constant 0 : i32
    %dma_wait3A_430 = arith.constant 0 : i32
    %dma_wait3A_431 = tpu.memref_slice %arg6[%dma_wait3A_417, %dma_wait3A_429, %dma_wait3A_430] : memref<5x128x32xf32, #tpu.memory_space<vmem>> -> memref<1x128x32xf32, #tpu.memory_space<vmem>>
    %dma_wait3A_432 = tpu.memref_squeeze %dma_wait3A_431 : memref<1x128x32xf32, #tpu.memory_space<vmem>> -> memref<128x32xf32, #tpu.memory_space<vmem>>
    tpu.wait_dma2 semaphore(%arg10 : memref<!tpu.dma_semaphore, #tpu.memory_space<semaphore_mem>>) src(%dma_wait3A_432 : memref<128x32xf32, #tpu.memory_space<vmem>>) dst(%dma_wait3A_428 : memref<128x32xf32, #tpu.memory_space<hbm>>)
    %dma_wait3A_433 = arith.constant 2 : i32
    %dma_wait3A_434 = arith.constant 2 : i32
    %dma_wait3A_435 = arith.constant 0 : i32
    %dma_wait3A_436 = arith.constant 0 : i32
    %dma_wait3A_437 = tpu.memref_slice %arg6[%dma_wait3A_433, %dma_wait3A_435, %dma_wait3A_436] : memref<5x128x32xf32, #tpu.memory_space<vmem>> -> memref<1x128x32xf32, #tpu.memory_space<vmem>>
    %dma_wait3A_438 = tpu.memref_squeeze %dma_wait3A_437 : memref<1x128x32xf32, #tpu.memory_space<vmem>> -> memref<128x32xf32, #tpu.memory_space<vmem>>
    %dma_wait3A_439 = arith.constant 0 : i32
    %dma_wait3A_440 = tpu.memref_slice %arg4[%mul3A_2, %dma_wait3A_434, %dma_wait3A_439] : memref<4096x50x32xf32, #tpu.memory_space<hbm>> -> memref<128x1x32xf32, #tpu.memory_space<hbm>>
    %dma_wait3A_441 = tpu.memref_squeeze %dma_wait3A_440 : memref<128x1x32xf32, #tpu.memory_space<hbm>> -> memref<128x32xf32, #tpu.memory_space<hbm>>
    %dma_wait3A_442 = arith.constant 0 : i32
    %dma_wait3A_443 = tpu.memref_slice %arg4[%mul3A_2, %dma_wait3A_434, %dma_wait3A_442] : memref<4096x50x32xf32, #tpu.memory_space<hbm>> -> memref<128x1x32xf32, #tpu.memory_space<hbm>>
    %dma_wait3A_444 = tpu.memref_squeeze %dma_wait3A_443 : memref<128x1x32xf32, #tpu.memory_space<hbm>> -> memref<128x32xf32, #tpu.memory_space<hbm>>
    %dma_wait3A_445 = arith.constant 0 : i32
    %dma_wait3A_446 = arith.constant 0 : i32
    %dma_wait3A_447 = tpu.memref_slice %arg6[%dma_wait3A_433, %dma_wait3A_445, %dma_wait3A_446] : memref<5x128x32xf32, #tpu.memory_space<vmem>> -> memref<1x128x32xf32, #tpu.memory_space<vmem>>
    %dma_wait3A_448 = tpu.memref_squeeze %dma_wait3A_447 : memref<1x128x32xf32, #tpu.memory_space<vmem>> -> memref<128x32xf32, #tpu.memory_space<vmem>>
    tpu.wait_dma2 semaphore(%arg10 : memref<!tpu.dma_semaphore, #tpu.memory_space<semaphore_mem>>) src(%dma_wait3A_448 : memref<128x32xf32, #tpu.memory_space<vmem>>) dst(%dma_wait3A_444 : memref<128x32xf32, #tpu.memory_space<hbm>>)
    %dma_wait3A_449 = arith.constant 3 : i32
    %dma_wait3A_450 = arith.constant 3 : i32
    %dma_wait3A_451 = arith.constant 0 : i32
    %dma_wait3A_452 = arith.constant 0 : i32
    %dma_wait3A_453 = tpu.memref_slice %arg6[%dma_wait3A_449, %dma_wait3A_451, %dma_wait3A_452] : memref<5x128x32xf32, #tpu.memory_space<vmem>> -> memref<1x128x32xf32, #tpu.memory_space<vmem>>
    %dma_wait3A_454 = tpu.memref_squeeze %dma_wait3A_453 : memref<1x128x32xf32, #tpu.memory_space<vmem>> -> memref<128x32xf32, #tpu.memory_space<vmem>>
    %dma_wait3A_455 = arith.constant 0 : i32
    %dma_wait3A_456 = tpu.memref_slice %arg4[%mul3A_2, %dma_wait3A_450, %dma_wait3A_455] : memref<4096x50x32xf32, #tpu.memory_space<hbm>> -> memref<128x1x32xf32, #tpu.memory_space<hbm>>
    %dma_wait3A_457 = tpu.memref_squeeze %dma_wait3A_456 : memref<128x1x32xf32, #tpu.memory_space<hbm>> -> memref<128x32xf32, #tpu.memory_space<hbm>>
    %dma_wait3A_458 = arith.constant 0 : i32
    %dma_wait3A_459 = tpu.memref_slice %arg4[%mul3A_2, %dma_wait3A_450, %dma_wait3A_458] : memref<4096x50x32xf32, #tpu.memory_space<hbm>> -> memref<128x1x32xf32, #tpu.memory_space<hbm>>
    %dma_wait3A_460 = tpu.memref_squeeze %dma_wait3A_459 : memref<128x1x32xf32, #tpu.memory_space<hbm>> -> memref<128x32xf32, #tpu.memory_space<hbm>>
    %dma_wait3A_461 = arith.constant 0 : i32
    %dma_wait3A_462 = arith.constant 0 : i32
    %dma_wait3A_463 = tpu.memref_slice %arg6[%dma_wait3A_449, %dma_wait3A_461, %dma_wait3A_462] : memref<5x128x32xf32, #tpu.memory_space<vmem>> -> memref<1x128x32xf32, #tpu.memory_space<vmem>>
    %dma_wait3A_464 = tpu.memref_squeeze %dma_wait3A_463 : memref<1x128x32xf32, #tpu.memory_space<vmem>> -> memref<128x32xf32, #tpu.memory_space<vmem>>
    tpu.wait_dma2 semaphore(%arg10 : memref<!tpu.dma_semaphore, #tpu.memory_space<semaphore_mem>>) src(%dma_wait3A_464 : memref<128x32xf32, #tpu.memory_space<vmem>>) dst(%dma_wait3A_460 : memref<128x32xf32, #tpu.memory_space<hbm>>)
    %dma_wait3A_465 = arith.constant 4 : i32
    %dma_wait3A_466 = arith.constant 4 : i32
    %dma_wait3A_467 = arith.constant 0 : i32
    %dma_wait3A_468 = arith.constant 0 : i32
    %dma_wait3A_469 = tpu.memref_slice %arg6[%dma_wait3A_465, %dma_wait3A_467, %dma_wait3A_468] : memref<5x128x32xf32, #tpu.memory_space<vmem>> -> memref<1x128x32xf32, #tpu.memory_space<vmem>>
    %dma_wait3A_470 = tpu.memref_squeeze %dma_wait3A_469 : memref<1x128x32xf32, #tpu.memory_space<vmem>> -> memref<128x32xf32, #tpu.memory_space<vmem>>
    %dma_wait3A_471 = arith.constant 0 : i32
    %dma_wait3A_472 = tpu.memref_slice %arg4[%mul3A_2, %dma_wait3A_466, %dma_wait3A_471] : memref<4096x50x32xf32, #tpu.memory_space<hbm>> -> memref<128x1x32xf32, #tpu.memory_space<hbm>>
    %dma_wait3A_473 = tpu.memref_squeeze %dma_wait3A_472 : memref<128x1x32xf32, #tpu.memory_space<hbm>> -> memref<128x32xf32, #tpu.memory_space<hbm>>
    %dma_wait3A_474 = arith.constant 0 : i32
    %dma_wait3A_475 = tpu.memref_slice %arg4[%mul3A_2, %dma_wait3A_466, %dma_wait3A_474] : memref<4096x50x32xf32, #tpu.memory_space<hbm>> -> memref<128x1x32xf32, #tpu.memory_space<hbm>>
    %dma_wait3A_476 = tpu.memref_squeeze %dma_wait3A_475 : memref<128x1x32xf32, #tpu.memory_space<hbm>> -> memref<128x32xf32, #tpu.memory_space<hbm>>
    %dma_wait3A_477 = arith.constant 0 : i32
    %dma_wait3A_478 = arith.constant 0 : i32
    %dma_wait3A_479 = tpu.memref_slice %arg6[%dma_wait3A_465, %dma_wait3A_477, %dma_wait3A_478] : memref<5x128x32xf32, #tpu.memory_space<vmem>> -> memref<1x128x32xf32, #tpu.memory_space<vmem>>
    %dma_wait3A_480 = tpu.memref_squeeze %dma_wait3A_479 : memref<1x128x32xf32, #tpu.memory_space<vmem>> -> memref<128x32xf32, #tpu.memory_space<vmem>>
    tpu.wait_dma2 semaphore(%arg10 : memref<!tpu.dma_semaphore, #tpu.memory_space<semaphore_mem>>) src(%dma_wait3A_480 : memref<128x32xf32, #tpu.memory_space<vmem>>) dst(%dma_wait3A_476 : memref<128x32xf32, #tpu.memory_space<hbm>>)
    %dma_start3A_481 = arith.constant 10 : i32
    %dma_start3A_482 = arith.constant 0 : i32
    %dma_start3A_483 = arith.constant 0 : i32
    %dma_start3A_484 = arith.constant 0 : i32
    %dma_start3A_485 = tpu.memref_slice %arg6[%dma_start3A_482, %dma_start3A_483, %dma_start3A_484] : memref<5x128x32xf32, #tpu.memory_space<vmem>> -> memref<1x128x32xf32, #tpu.memory_space<vmem>>
    %dma_start3A_486 = tpu.memref_squeeze %dma_start3A_485 : memref<1x128x32xf32, #tpu.memory_space<vmem>> -> memref<128x32xf32, #tpu.memory_space<vmem>>
    %dma_start3A_487 = arith.constant 0 : i32
    %dma_start3A_488 = tpu.memref_slice %arg5[%dma_start3A_481, %dma_start3A_487] : memref<50x128xi32, #tpu.memory_space<vmem>> -> memref<1x128xi32, #tpu.memory_space<vmem>>
    %dma_start3A_489 = tpu.memref_squeeze %dma_start3A_488 : memref<1x128xi32, #tpu.memory_space<vmem>> -> memref<128xi32, #tpu.memory_space<vmem>>
    %dma_start3A_490 = arith.constant 0 : i32
    %dma_start3A_491 = arith.constant 0 : i32
    %dma_start3A_492 = tpu.memref_slice %arg2[%dma_start3A_490, %dma_start3A_491] : memref<1007616x32xf32, #tpu.memory_space<hbm>> -> memref<1007616x32xf32, #tpu.memory_space<hbm>>
    tpu.enqueue_indirect_dma source(%dma_start3A_492 : memref<1007616x32xf32, #tpu.memory_space<hbm>>) target(%dma_start3A_486 : memref<128x32xf32, #tpu.memory_space<vmem>>) offsets(%dma_start3A_489 : memref<128xi32, #tpu.memory_space<vmem>>) semaphore(%arg8 : memref<!tpu.dma_semaphore, #tpu.memory_space<semaphore_mem>>)
    %dma_start3A_493 = arith.constant 11 : i32
    %dma_start3A_494 = arith.constant 1 : i32
    %dma_start3A_495 = arith.constant 0 : i32
    %dma_start3A_496 = arith.constant 0 : i32
    %dma_start3A_497 = tpu.memref_slice %arg6[%dma_start3A_494, %dma_start3A_495, %dma_start3A_496] : memref<5x128x32xf32, #tpu.memory_space<vmem>> -> memref<1x128x32xf32, #tpu.memory_space<vmem>>
    %dma_start3A_498 = tpu.memref_squeeze %dma_start3A_497 : memref<1x128x32xf32, #tpu.memory_space<vmem>> -> memref<128x32xf32, #tpu.memory_space<vmem>>
    %dma_start3A_499 = arith.constant 0 : i32
    %dma_start3A_500 = tpu.memref_slice %arg5[%dma_start3A_493, %dma_start3A_499] : memref<50x128xi32, #tpu.memory_space<vmem>> -> memref<1x128xi32, #tpu.memory_space<vmem>>
    %dma_start3A_501 = tpu.memref_squeeze %dma_start3A_500 : memref<1x128xi32, #tpu.memory_space<vmem>> -> memref<128xi32, #tpu.memory_space<vmem>>
    %dma_start3A_502 = arith.constant 0 : i32
    %dma_start3A_503 = arith.constant 0 : i32
    %dma_start3A_504 = tpu.memref_slice %arg2[%dma_start3A_502, %dma_start3A_503] : memref<1007616x32xf32, #tpu.memory_space<hbm>> -> memref<1007616x32xf32, #tpu.memory_space<hbm>>
    tpu.enqueue_indirect_dma source(%dma_start3A_504 : memref<1007616x32xf32, #tpu.memory_space<hbm>>) target(%dma_start3A_498 : memref<128x32xf32, #tpu.memory_space<vmem>>) offsets(%dma_start3A_501 : memref<128xi32, #tpu.memory_space<vmem>>) semaphore(%arg8 : memref<!tpu.dma_semaphore, #tpu.memory_space<semaphore_mem>>)
    %dma_start3A_505 = arith.constant 12 : i32
    %dma_start3A_506 = arith.constant 2 : i32
    %dma_start3A_507 = arith.constant 0 : i32
    %dma_start3A_508 = arith.constant 0 : i32
    %dma_start3A_509 = tpu.memref_slice %arg6[%dma_start3A_506, %dma_start3A_507, %dma_start3A_508] : memref<5x128x32xf32, #tpu.memory_space<vmem>> -> memref<1x128x32xf32, #tpu.memory_space<vmem>>
    %dma_start3A_510 = tpu.memref_squeeze %dma_start3A_509 : memref<1x128x32xf32, #tpu.memory_space<vmem>> -> memref<128x32xf32, #tpu.memory_space<vmem>>
    %dma_start3A_511 = arith.constant 0 : i32
    %dma_start3A_512 = tpu.memref_slice %arg5[%dma_start3A_505, %dma_start3A_511] : memref<50x128xi32, #tpu.memory_space<vmem>> -> memref<1x128xi32, #tpu.memory_space<vmem>>
    %dma_start3A_513 = tpu.memref_squeeze %dma_start3A_512 : memref<1x128xi32, #tpu.memory_space<vmem>> -> memref<128xi32, #tpu.memory_space<vmem>>
    %dma_start3A_514 = arith.constant 0 : i32
    %dma_start3A_515 = arith.constant 0 : i32
    %dma_start3A_516 = tpu.memref_slice %arg2[%dma_start3A_514, %dma_start3A_515] : memref<1007616x32xf32, #tpu.memory_space<hbm>> -> memref<1007616x32xf32, #tpu.memory_space<hbm>>
    tpu.enqueue_indirect_dma source(%dma_start3A_516 : memref<1007616x32xf32, #tpu.memory_space<hbm>>) target(%dma_start3A_510 : memref<128x32xf32, #tpu.memory_space<vmem>>) offsets(%dma_start3A_513 : memref<128xi32, #tpu.memory_space<vmem>>) semaphore(%arg8 : memref<!tpu.dma_semaphore, #tpu.memory_space<semaphore_mem>>)
    %dma_start3A_517 = arith.constant 13 : i32
    %dma_start3A_518 = arith.constant 3 : i32
    %dma_start3A_519 = arith.constant 0 : i32
    %dma_start3A_520 = arith.constant 0 : i32
    %dma_start3A_521 = tpu.memref_slice %arg6[%dma_start3A_518, %dma_start3A_519, %dma_start3A_520] : memref<5x128x32xf32, #tpu.memory_space<vmem>> -> memref<1x128x32xf32, #tpu.memory_space<vmem>>
    %dma_start3A_522 = tpu.memref_squeeze %dma_start3A_521 : memref<1x128x32xf32, #tpu.memory_space<vmem>> -> memref<128x32xf32, #tpu.memory_space<vmem>>
    %dma_start3A_523 = arith.constant 0 : i32
    %dma_start3A_524 = tpu.memref_slice %arg5[%dma_start3A_517, %dma_start3A_523] : memref<50x128xi32, #tpu.memory_space<vmem>> -> memref<1x128xi32, #tpu.memory_space<vmem>>
    %dma_start3A_525 = tpu.memref_squeeze %dma_start3A_524 : memref<1x128xi32, #tpu.memory_space<vmem>> -> memref<128xi32, #tpu.memory_space<vmem>>
    %dma_start3A_526 = arith.constant 0 : i32
    %dma_start3A_527 = arith.constant 0 : i32
    %dma_start3A_528 = tpu.memref_slice %arg2[%dma_start3A_526, %dma_start3A_527] : memref<1007616x32xf32, #tpu.memory_space<hbm>> -> memref<1007616x32xf32, #tpu.memory_space<hbm>>
    tpu.enqueue_indirect_dma source(%dma_start3A_528 : memref<1007616x32xf32, #tpu.memory_space<hbm>>) target(%dma_start3A_522 : memref<128x32xf32, #tpu.memory_space<vmem>>) offsets(%dma_start3A_525 : memref<128xi32, #tpu.memory_space<vmem>>) semaphore(%arg8 : memref<!tpu.dma_semaphore, #tpu.memory_space<semaphore_mem>>)
    %dma_start3A_529 = arith.constant 14 : i32
    %dma_start3A_530 = arith.constant 4 : i32
    %dma_start3A_531 = arith.constant 0 : i32
    %dma_start3A_532 = arith.constant 0 : i32
    %dma_start3A_533 = tpu.memref_slice %arg6[%dma_start3A_530, %dma_start3A_531, %dma_start3A_532] : memref<5x128x32xf32, #tpu.memory_space<vmem>> -> memref<1x128x32xf32, #tpu.memory_space<vmem>>
    %dma_start3A_534 = tpu.memref_squeeze %dma_start3A_533 : memref<1x128x32xf32, #tpu.memory_space<vmem>> -> memref<128x32xf32, #tpu.memory_space<vmem>>
    %dma_start3A_535 = arith.constant 0 : i32
    %dma_start3A_536 = tpu.memref_slice %arg5[%dma_start3A_529, %dma_start3A_535] : memref<50x128xi32, #tpu.memory_space<vmem>> -> memref<1x128xi32, #tpu.memory_space<vmem>>
    %dma_start3A_537 = tpu.memref_squeeze %dma_start3A_536 : memref<1x128xi32, #tpu.memory_space<vmem>> -> memref<128xi32, #tpu.memory_space<vmem>>
    %dma_start3A_538 = arith.constant 0 : i32
    %dma_start3A_539 = arith.constant 0 : i32
    %dma_start3A_540 = tpu.memref_slice %arg2[%dma_start3A_538, %dma_start3A_539] : memref<1007616x32xf32, #tpu.memory_space<hbm>> -> memref<1007616x32xf32, #tpu.memory_space<hbm>>
    tpu.enqueue_indirect_dma source(%dma_start3A_540 : memref<1007616x32xf32, #tpu.memory_space<hbm>>) target(%dma_start3A_534 : memref<128x32xf32, #tpu.memory_space<vmem>>) offsets(%dma_start3A_537 : memref<128xi32, #tpu.memory_space<vmem>>) semaphore(%arg8 : memref<!tpu.dma_semaphore, #tpu.memory_space<semaphore_mem>>)
    %dma_wait3A_541 = arith.constant 10 : i32
    %dma_wait3A_542 = arith.constant 0 : i32
    %dma_wait3A_543 = arith.constant 0 : i32
    %dma_wait3A_544 = arith.constant 0 : i32
    %dma_wait3A_545 = tpu.memref_slice %arg6[%dma_wait3A_542, %dma_wait3A_543, %dma_wait3A_544] : memref<5x128x32xf32, #tpu.memory_space<vmem>> -> memref<1x128x32xf32, #tpu.memory_space<vmem>>
    %dma_wait3A_546 = tpu.memref_squeeze %dma_wait3A_545 : memref<1x128x32xf32, #tpu.memory_space<vmem>> -> memref<128x32xf32, #tpu.memory_space<vmem>>
    %dma_wait3A_547 = arith.constant 0 : i32
    %dma_wait3A_548 = tpu.memref_slice %arg5[%dma_wait3A_541, %dma_wait3A_547] : memref<50x128xi32, #tpu.memory_space<vmem>> -> memref<1x128xi32, #tpu.memory_space<vmem>>
    %dma_wait3A_549 = tpu.memref_squeeze %dma_wait3A_548 : memref<1x128xi32, #tpu.memory_space<vmem>> -> memref<128xi32, #tpu.memory_space<vmem>>
    %dma_wait3A_550 = arith.constant 0 : i32
    %dma_wait3A_551 = arith.constant 0 : i32
    %dma_wait3A_552 = tpu.memref_slice %arg2[%dma_wait3A_550, %dma_wait3A_551] : memref<1007616x32xf32, #tpu.memory_space<hbm>> -> memref<1007616x32xf32, #tpu.memory_space<hbm>>
    tpu.wait_indirect_dma semaphore(%arg8 : memref<!tpu.dma_semaphore, #tpu.memory_space<semaphore_mem>>) src(%dma_wait3A_552 : memref<1007616x32xf32, #tpu.memory_space<hbm>>) dst(%dma_wait3A_546 : memref<128x32xf32, #tpu.memory_space<vmem>>)
    %dma_start3A_553 = arith.constant 0 : i32
    %dma_start3A_554 = arith.constant 10 : i32
    %dma_start3A_555 = arith.constant 0 : i32
    %dma_start3A_556 = arith.constant 0 : i32
    %dma_start3A_557 = tpu.memref_slice %arg6[%dma_start3A_553, %dma_start3A_555, %dma_start3A_556] : memref<5x128x32xf32, #tpu.memory_space<vmem>> -> memref<1x128x32xf32, #tpu.memory_space<vmem>>
    %dma_start3A_558 = tpu.memref_squeeze %dma_start3A_557 : memref<1x128x32xf32, #tpu.memory_space<vmem>> -> memref<128x32xf32, #tpu.memory_space<vmem>>
    %dma_start3A_559 = arith.constant 0 : i32
    %dma_start3A_560 = tpu.memref_slice %arg4[%mul3A_2, %dma_start3A_554, %dma_start3A_559] : memref<4096x50x32xf32, #tpu.memory_space<hbm>> -> memref<128x1x32xf32, #tpu.memory_space<hbm>>
    %dma_start3A_561 = tpu.memref_squeeze %dma_start3A_560 : memref<128x1x32xf32, #tpu.memory_space<hbm>> -> memref<128x32xf32, #tpu.memory_space<hbm>>
    %dma_start3A_562 = arith.constant 0 : i32
    %dma_start3A_563 = tpu.memref_slice %arg4[%mul3A_2, %dma_start3A_554, %dma_start3A_562] : memref<4096x50x32xf32, #tpu.memory_space<hbm>> -> memref<128x1x32xf32, #tpu.memory_space<hbm>>
    %dma_start3A_564 = tpu.memref_squeeze %dma_start3A_563 : memref<128x1x32xf32, #tpu.memory_space<hbm>> -> memref<128x32xf32, #tpu.memory_space<hbm>>
    %dma_start3A_565 = arith.constant 0 : i32
    %dma_start3A_566 = arith.constant 0 : i32
    %dma_start3A_567 = tpu.memref_slice %arg6[%dma_start3A_553, %dma_start3A_565, %dma_start3A_566] : memref<5x128x32xf32, #tpu.memory_space<vmem>> -> memref<1x128x32xf32, #tpu.memory_space<vmem>>
    %dma_start3A_568 = tpu.memref_squeeze %dma_start3A_567 : memref<1x128x32xf32, #tpu.memory_space<vmem>> -> memref<128x32xf32, #tpu.memory_space<vmem>>
    tpu.enqueue_dma source(%dma_start3A_568 : memref<128x32xf32, #tpu.memory_space<vmem>>) target(%dma_start3A_564 : memref<128x32xf32, #tpu.memory_space<hbm>>) target_semaphore(%arg10 : memref<!tpu.dma_semaphore, #tpu.memory_space<semaphore_mem>>)
    %dma_wait3A_569 = arith.constant 11 : i32
    %dma_wait3A_570 = arith.constant 1 : i32
    %dma_wait3A_571 = arith.constant 0 : i32
    %dma_wait3A_572 = arith.constant 0 : i32
    %dma_wait3A_573 = tpu.memref_slice %arg6[%dma_wait3A_570, %dma_wait3A_571, %dma_wait3A_572] : memref<5x128x32xf32, #tpu.memory_space<vmem>> -> memref<1x128x32xf32, #tpu.memory_space<vmem>>
    %dma_wait3A_574 = tpu.memref_squeeze %dma_wait3A_573 : memref<1x128x32xf32, #tpu.memory_space<vmem>> -> memref<128x32xf32, #tpu.memory_space<vmem>>
    %dma_wait3A_575 = arith.constant 0 : i32
    %dma_wait3A_576 = tpu.memref_slice %arg5[%dma_wait3A_569, %dma_wait3A_575] : memref<50x128xi32, #tpu.memory_space<vmem>> -> memref<1x128xi32, #tpu.memory_space<vmem>>
    %dma_wait3A_577 = tpu.memref_squeeze %dma_wait3A_576 : memref<1x128xi32, #tpu.memory_space<vmem>> -> memref<128xi32, #tpu.memory_space<vmem>>
    %dma_wait3A_578 = arith.constant 0 : i32
    %dma_wait3A_579 = arith.constant 0 : i32
    %dma_wait3A_580 = tpu.memref_slice %arg2[%dma_wait3A_578, %dma_wait3A_579] : memref<1007616x32xf32, #tpu.memory_space<hbm>> -> memref<1007616x32xf32, #tpu.memory_space<hbm>>
    tpu.wait_indirect_dma semaphore(%arg8 : memref<!tpu.dma_semaphore, #tpu.memory_space<semaphore_mem>>) src(%dma_wait3A_580 : memref<1007616x32xf32, #tpu.memory_space<hbm>>) dst(%dma_wait3A_574 : memref<128x32xf32, #tpu.memory_space<vmem>>)
    %dma_start3A_581 = arith.constant 1 : i32
    %dma_start3A_582 = arith.constant 11 : i32
    %dma_start3A_583 = arith.constant 0 : i32
    %dma_start3A_584 = arith.constant 0 : i32
    %dma_start3A_585 = tpu.memref_slice %arg6[%dma_start3A_581, %dma_start3A_583, %dma_start3A_584] : memref<5x128x32xf32, #tpu.memory_space<vmem>> -> memref<1x128x32xf32, #tpu.memory_space<vmem>>
    %dma_start3A_586 = tpu.memref_squeeze %dma_start3A_585 : memref<1x128x32xf32, #tpu.memory_space<vmem>> -> memref<128x32xf32, #tpu.memory_space<vmem>>
    %dma_start3A_587 = arith.constant 0 : i32
    %dma_start3A_588 = tpu.memref_slice %arg4[%mul3A_2, %dma_start3A_582, %dma_start3A_587] : memref<4096x50x32xf32, #tpu.memory_space<hbm>> -> memref<128x1x32xf32, #tpu.memory_space<hbm>>
    %dma_start3A_589 = tpu.memref_squeeze %dma_start3A_588 : memref<128x1x32xf32, #tpu.memory_space<hbm>> -> memref<128x32xf32, #tpu.memory_space<hbm>>
    %dma_start3A_590 = arith.constant 0 : i32
    %dma_start3A_591 = tpu.memref_slice %arg4[%mul3A_2, %dma_start3A_582, %dma_start3A_590] : memref<4096x50x32xf32, #tpu.memory_space<hbm>> -> memref<128x1x32xf32, #tpu.memory_space<hbm>>
    %dma_start3A_592 = tpu.memref_squeeze %dma_start3A_591 : memref<128x1x32xf32, #tpu.memory_space<hbm>> -> memref<128x32xf32, #tpu.memory_space<hbm>>
    %dma_start3A_593 = arith.constant 0 : i32
    %dma_start3A_594 = arith.constant 0 : i32
    %dma_start3A_595 = tpu.memref_slice %arg6[%dma_start3A_581, %dma_start3A_593, %dma_start3A_594] : memref<5x128x32xf32, #tpu.memory_space<vmem>> -> memref<1x128x32xf32, #tpu.memory_space<vmem>>
    %dma_start3A_596 = tpu.memref_squeeze %dma_start3A_595 : memref<1x128x32xf32, #tpu.memory_space<vmem>> -> memref<128x32xf32, #tpu.memory_space<vmem>>
    tpu.enqueue_dma source(%dma_start3A_596 : memref<128x32xf32, #tpu.memory_space<vmem>>) target(%dma_start3A_592 : memref<128x32xf32, #tpu.memory_space<hbm>>) target_semaphore(%arg10 : memref<!tpu.dma_semaphore, #tpu.memory_space<semaphore_mem>>)
    %dma_wait3A_597 = arith.constant 12 : i32
    %dma_wait3A_598 = arith.constant 2 : i32
    %dma_wait3A_599 = arith.constant 0 : i32
    %dma_wait3A_600 = arith.constant 0 : i32
    %dma_wait3A_601 = tpu.memref_slice %arg6[%dma_wait3A_598, %dma_wait3A_599, %dma_wait3A_600] : memref<5x128x32xf32, #tpu.memory_space<vmem>> -> memref<1x128x32xf32, #tpu.memory_space<vmem>>
    %dma_wait3A_602 = tpu.memref_squeeze %dma_wait3A_601 : memref<1x128x32xf32, #tpu.memory_space<vmem>> -> memref<128x32xf32, #tpu.memory_space<vmem>>
    %dma_wait3A_603 = arith.constant 0 : i32
    %dma_wait3A_604 = tpu.memref_slice %arg5[%dma_wait3A_597, %dma_wait3A_603] : memref<50x128xi32, #tpu.memory_space<vmem>> -> memref<1x128xi32, #tpu.memory_space<vmem>>
    %dma_wait3A_605 = tpu.memref_squeeze %dma_wait3A_604 : memref<1x128xi32, #tpu.memory_space<vmem>> -> memref<128xi32, #tpu.memory_space<vmem>>
    %dma_wait3A_606 = arith.constant 0 : i32
    %dma_wait3A_607 = arith.constant 0 : i32
    %dma_wait3A_608 = tpu.memref_slice %arg2[%dma_wait3A_606, %dma_wait3A_607] : memref<1007616x32xf32, #tpu.memory_space<hbm>> -> memref<1007616x32xf32, #tpu.memory_space<hbm>>
    tpu.wait_indirect_dma semaphore(%arg8 : memref<!tpu.dma_semaphore, #tpu.memory_space<semaphore_mem>>) src(%dma_wait3A_608 : memref<1007616x32xf32, #tpu.memory_space<hbm>>) dst(%dma_wait3A_602 : memref<128x32xf32, #tpu.memory_space<vmem>>)
    %dma_start3A_609 = arith.constant 2 : i32
    %dma_start3A_610 = arith.constant 12 : i32
    %dma_start3A_611 = arith.constant 0 : i32
    %dma_start3A_612 = arith.constant 0 : i32
    %dma_start3A_613 = tpu.memref_slice %arg6[%dma_start3A_609, %dma_start3A_611, %dma_start3A_612] : memref<5x128x32xf32, #tpu.memory_space<vmem>> -> memref<1x128x32xf32, #tpu.memory_space<vmem>>
    %dma_start3A_614 = tpu.memref_squeeze %dma_start3A_613 : memref<1x128x32xf32, #tpu.memory_space<vmem>> -> memref<128x32xf32, #tpu.memory_space<vmem>>
    %dma_start3A_615 = arith.constant 0 : i32
    %dma_start3A_616 = tpu.memref_slice %arg4[%mul3A_2, %dma_start3A_610, %dma_start3A_615] : memref<4096x50x32xf32, #tpu.memory_space<hbm>> -> memref<128x1x32xf32, #tpu.memory_space<hbm>>
    %dma_start3A_617 = tpu.memref_squeeze %dma_start3A_616 : memref<128x1x32xf32, #tpu.memory_space<hbm>> -> memref<128x32xf32, #tpu.memory_space<hbm>>
    %dma_start3A_618 = arith.constant 0 : i32
    %dma_start3A_619 = tpu.memref_slice %arg4[%mul3A_2, %dma_start3A_610, %dma_start3A_618] : memref<4096x50x32xf32, #tpu.memory_space<hbm>> -> memref<128x1x32xf32, #tpu.memory_space<hbm>>
    %dma_start3A_620 = tpu.memref_squeeze %dma_start3A_619 : memref<128x1x32xf32, #tpu.memory_space<hbm>> -> memref<128x32xf32, #tpu.memory_space<hbm>>
    %dma_start3A_621 = arith.constant 0 : i32
    %dma_start3A_622 = arith.constant 0 : i32
    %dma_start3A_623 = tpu.memref_slice %arg6[%dma_start3A_609, %dma_start3A_621, %dma_start3A_622] : memref<5x128x32xf32, #tpu.memory_space<vmem>> -> memref<1x128x32xf32, #tpu.memory_space<vmem>>
    %dma_start3A_624 = tpu.memref_squeeze %dma_start3A_623 : memref<1x128x32xf32, #tpu.memory_space<vmem>> -> memref<128x32xf32, #tpu.memory_space<vmem>>
    tpu.enqueue_dma source(%dma_start3A_624 : memref<128x32xf32, #tpu.memory_space<vmem>>) target(%dma_start3A_620 : memref<128x32xf32, #tpu.memory_space<hbm>>) target_semaphore(%arg10 : memref<!tpu.dma_semaphore, #tpu.memory_space<semaphore_mem>>)
    %dma_wait3A_625 = arith.constant 13 : i32
    %dma_wait3A_626 = arith.constant 3 : i32
    %dma_wait3A_627 = arith.constant 0 : i32
    %dma_wait3A_628 = arith.constant 0 : i32
    %dma_wait3A_629 = tpu.memref_slice %arg6[%dma_wait3A_626, %dma_wait3A_627, %dma_wait3A_628] : memref<5x128x32xf32, #tpu.memory_space<vmem>> -> memref<1x128x32xf32, #tpu.memory_space<vmem>>
    %dma_wait3A_630 = tpu.memref_squeeze %dma_wait3A_629 : memref<1x128x32xf32, #tpu.memory_space<vmem>> -> memref<128x32xf32, #tpu.memory_space<vmem>>
    %dma_wait3A_631 = arith.constant 0 : i32
    %dma_wait3A_632 = tpu.memref_slice %arg5[%dma_wait3A_625, %dma_wait3A_631] : memref<50x128xi32, #tpu.memory_space<vmem>> -> memref<1x128xi32, #tpu.memory_space<vmem>>
    %dma_wait3A_633 = tpu.memref_squeeze %dma_wait3A_632 : memref<1x128xi32, #tpu.memory_space<vmem>> -> memref<128xi32, #tpu.memory_space<vmem>>
    %dma_wait3A_634 = arith.constant 0 : i32
    %dma_wait3A_635 = arith.constant 0 : i32
    %dma_wait3A_636 = tpu.memref_slice %arg2[%dma_wait3A_634, %dma_wait3A_635] : memref<1007616x32xf32, #tpu.memory_space<hbm>> -> memref<1007616x32xf32, #tpu.memory_space<hbm>>
    tpu.wait_indirect_dma semaphore(%arg8 : memref<!tpu.dma_semaphore, #tpu.memory_space<semaphore_mem>>) src(%dma_wait3A_636 : memref<1007616x32xf32, #tpu.memory_space<hbm>>) dst(%dma_wait3A_630 : memref<128x32xf32, #tpu.memory_space<vmem>>)
    %dma_start3A_637 = arith.constant 3 : i32
    %dma_start3A_638 = arith.constant 13 : i32
    %dma_start3A_639 = arith.constant 0 : i32
    %dma_start3A_640 = arith.constant 0 : i32
    %dma_start3A_641 = tpu.memref_slice %arg6[%dma_start3A_637, %dma_start3A_639, %dma_start3A_640] : memref<5x128x32xf32, #tpu.memory_space<vmem>> -> memref<1x128x32xf32, #tpu.memory_space<vmem>>
    %dma_start3A_642 = tpu.memref_squeeze %dma_start3A_641 : memref<1x128x32xf32, #tpu.memory_space<vmem>> -> memref<128x32xf32, #tpu.memory_space<vmem>>
    %dma_start3A_643 = arith.constant 0 : i32
    %dma_start3A_644 = tpu.memref_slice %arg4[%mul3A_2, %dma_start3A_638, %dma_start3A_643] : memref<4096x50x32xf32, #tpu.memory_space<hbm>> -> memref<128x1x32xf32, #tpu.memory_space<hbm>>
    %dma_start3A_645 = tpu.memref_squeeze %dma_start3A_644 : memref<128x1x32xf32, #tpu.memory_space<hbm>> -> memref<128x32xf32, #tpu.memory_space<hbm>>
    %dma_start3A_646 = arith.constant 0 : i32
    %dma_start3A_647 = tpu.memref_slice %arg4[%mul3A_2, %dma_start3A_638, %dma_start3A_646] : memref<4096x50x32xf32, #tpu.memory_space<hbm>> -> memref<128x1x32xf32, #tpu.memory_space<hbm>>
    %dma_start3A_648 = tpu.memref_squeeze %dma_start3A_647 : memref<128x1x32xf32, #tpu.memory_space<hbm>> -> memref<128x32xf32, #tpu.memory_space<hbm>>
    %dma_start3A_649 = arith.constant 0 : i32
    %dma_start3A_650 = arith.constant 0 : i32
    %dma_start3A_651 = tpu.memref_slice %arg6[%dma_start3A_637, %dma_start3A_649, %dma_start3A_650] : memref<5x128x32xf32, #tpu.memory_space<vmem>> -> memref<1x128x32xf32, #tpu.memory_space<vmem>>
    %dma_start3A_652 = tpu.memref_squeeze %dma_start3A_651 : memref<1x128x32xf32, #tpu.memory_space<vmem>> -> memref<128x32xf32, #tpu.memory_space<vmem>>
    tpu.enqueue_dma source(%dma_start3A_652 : memref<128x32xf32, #tpu.memory_space<vmem>>) target(%dma_start3A_648 : memref<128x32xf32, #tpu.memory_space<hbm>>) target_semaphore(%arg10 : memref<!tpu.dma_semaphore, #tpu.memory_space<semaphore_mem>>)
    %dma_wait3A_653 = arith.constant 14 : i32
    %dma_wait3A_654 = arith.constant 4 : i32
    %dma_wait3A_655 = arith.constant 0 : i32
    %dma_wait3A_656 = arith.constant 0 : i32
    %dma_wait3A_657 = tpu.memref_slice %arg6[%dma_wait3A_654, %dma_wait3A_655, %dma_wait3A_656] : memref<5x128x32xf32, #tpu.memory_space<vmem>> -> memref<1x128x32xf32, #tpu.memory_space<vmem>>
    %dma_wait3A_658 = tpu.memref_squeeze %dma_wait3A_657 : memref<1x128x32xf32, #tpu.memory_space<vmem>> -> memref<128x32xf32, #tpu.memory_space<vmem>>
    %dma_wait3A_659 = arith.constant 0 : i32
    %dma_wait3A_660 = tpu.memref_slice %arg5[%dma_wait3A_653, %dma_wait3A_659] : memref<50x128xi32, #tpu.memory_space<vmem>> -> memref<1x128xi32, #tpu.memory_space<vmem>>
    %dma_wait3A_661 = tpu.memref_squeeze %dma_wait3A_660 : memref<1x128xi32, #tpu.memory_space<vmem>> -> memref<128xi32, #tpu.memory_space<vmem>>
    %dma_wait3A_662 = arith.constant 0 : i32
    %dma_wait3A_663 = arith.constant 0 : i32
    %dma_wait3A_664 = tpu.memref_slice %arg2[%dma_wait3A_662, %dma_wait3A_663] : memref<1007616x32xf32, #tpu.memory_space<hbm>> -> memref<1007616x32xf32, #tpu.memory_space<hbm>>
    tpu.wait_indirect_dma semaphore(%arg8 : memref<!tpu.dma_semaphore, #tpu.memory_space<semaphore_mem>>) src(%dma_wait3A_664 : memref<1007616x32xf32, #tpu.memory_space<hbm>>) dst(%dma_wait3A_658 : memref<128x32xf32, #tpu.memory_space<vmem>>)
    %dma_start3A_665 = arith.constant 4 : i32
    %dma_start3A_666 = arith.constant 14 : i32
    %dma_start3A_667 = arith.constant 0 : i32
    %dma_start3A_668 = arith.constant 0 : i32
    %dma_start3A_669 = tpu.memref_slice %arg6[%dma_start3A_665, %dma_start3A_667, %dma_start3A_668] : memref<5x128x32xf32, #tpu.memory_space<vmem>> -> memref<1x128x32xf32, #tpu.memory_space<vmem>>
    %dma_start3A_670 = tpu.memref_squeeze %dma_start3A_669 : memref<1x128x32xf32, #tpu.memory_space<vmem>> -> memref<128x32xf32, #tpu.memory_space<vmem>>
    %dma_start3A_671 = arith.constant 0 : i32
    %dma_start3A_672 = tpu.memref_slice %arg4[%mul3A_2, %dma_start3A_666, %dma_start3A_671] : memref<4096x50x32xf32, #tpu.memory_space<hbm>> -> memref<128x1x32xf32, #tpu.memory_space<hbm>>
    %dma_start3A_673 = tpu.memref_squeeze %dma_start3A_672 : memref<128x1x32xf32, #tpu.memory_space<hbm>> -> memref<128x32xf32, #tpu.memory_space<hbm>>
    %dma_start3A_674 = arith.constant 0 : i32
    %dma_start3A_675 = tpu.memref_slice %arg4[%mul3A_2, %dma_start3A_666, %dma_start3A_674] : memref<4096x50x32xf32, #tpu.memory_space<hbm>> -> memref<128x1x32xf32, #tpu.memory_space<hbm>>
    %dma_start3A_676 = tpu.memref_squeeze %dma_start3A_675 : memref<128x1x32xf32, #tpu.memory_space<hbm>> -> memref<128x32xf32, #tpu.memory_space<hbm>>
    %dma_start3A_677 = arith.constant 0 : i32
    %dma_start3A_678 = arith.constant 0 : i32
    %dma_start3A_679 = tpu.memref_slice %arg6[%dma_start3A_665, %dma_start3A_677, %dma_start3A_678] : memref<5x128x32xf32, #tpu.memory_space<vmem>> -> memref<1x128x32xf32, #tpu.memory_space<vmem>>
    %dma_start3A_680 = tpu.memref_squeeze %dma_start3A_679 : memref<1x128x32xf32, #tpu.memory_space<vmem>> -> memref<128x32xf32, #tpu.memory_space<vmem>>
    tpu.enqueue_dma source(%dma_start3A_680 : memref<128x32xf32, #tpu.memory_space<vmem>>) target(%dma_start3A_676 : memref<128x32xf32, #tpu.memory_space<hbm>>) target_semaphore(%arg10 : memref<!tpu.dma_semaphore, #tpu.memory_space<semaphore_mem>>)
    %dma_wait3A_681 = arith.constant 0 : i32
    %dma_wait3A_682 = arith.constant 5 : i32
    %dma_wait3A_683 = arith.constant 0 : i32
    %dma_wait3A_684 = arith.constant 0 : i32
    %dma_wait3A_685 = tpu.memref_slice %arg7[%dma_wait3A_681, %dma_wait3A_683, %dma_wait3A_684] : memref<5x128x32xf32, #tpu.memory_space<vmem>> -> memref<1x128x32xf32, #tpu.memory_space<vmem>>
    %dma_wait3A_686 = tpu.memref_squeeze %dma_wait3A_685 : memref<1x128x32xf32, #tpu.memory_space<vmem>> -> memref<128x32xf32, #tpu.memory_space<vmem>>
    %dma_wait3A_687 = arith.constant 0 : i32
    %dma_wait3A_688 = tpu.memref_slice %arg4[%mul3A_2, %dma_wait3A_682, %dma_wait3A_687] : memref<4096x50x32xf32, #tpu.memory_space<hbm>> -> memref<128x1x32xf32, #tpu.memory_space<hbm>>
    %dma_wait3A_689 = tpu.memref_squeeze %dma_wait3A_688 : memref<128x1x32xf32, #tpu.memory_space<hbm>> -> memref<128x32xf32, #tpu.memory_space<hbm>>
    %dma_wait3A_690 = arith.constant 0 : i32
    %dma_wait3A_691 = tpu.memref_slice %arg4[%mul3A_2, %dma_wait3A_682, %dma_wait3A_690] : memref<4096x50x32xf32, #tpu.memory_space<hbm>> -> memref<128x1x32xf32, #tpu.memory_space<hbm>>
    %dma_wait3A_692 = tpu.memref_squeeze %dma_wait3A_691 : memref<128x1x32xf32, #tpu.memory_space<hbm>> -> memref<128x32xf32, #tpu.memory_space<hbm>>
    %dma_wait3A_693 = arith.constant 0 : i32
    %dma_wait3A_694 = arith.constant 0 : i32
    %dma_wait3A_695 = tpu.memref_slice %arg7[%dma_wait3A_681, %dma_wait3A_693, %dma_wait3A_694] : memref<5x128x32xf32, #tpu.memory_space<vmem>> -> memref<1x128x32xf32, #tpu.memory_space<vmem>>
    %dma_wait3A_696 = tpu.memref_squeeze %dma_wait3A_695 : memref<1x128x32xf32, #tpu.memory_space<vmem>> -> memref<128x32xf32, #tpu.memory_space<vmem>>
    tpu.wait_dma2 semaphore(%arg11 : memref<!tpu.dma_semaphore, #tpu.memory_space<semaphore_mem>>) src(%dma_wait3A_696 : memref<128x32xf32, #tpu.memory_space<vmem>>) dst(%dma_wait3A_692 : memref<128x32xf32, #tpu.memory_space<hbm>>)
    %dma_wait3A_697 = arith.constant 1 : i32
    %dma_wait3A_698 = arith.constant 6 : i32
    %dma_wait3A_699 = arith.constant 0 : i32
    %dma_wait3A_700 = arith.constant 0 : i32
    %dma_wait3A_701 = tpu.memref_slice %arg7[%dma_wait3A_697, %dma_wait3A_699, %dma_wait3A_700] : memref<5x128x32xf32, #tpu.memory_space<vmem>> -> memref<1x128x32xf32, #tpu.memory_space<vmem>>
    %dma_wait3A_702 = tpu.memref_squeeze %dma_wait3A_701 : memref<1x128x32xf32, #tpu.memory_space<vmem>> -> memref<128x32xf32, #tpu.memory_space<vmem>>
    %dma_wait3A_703 = arith.constant 0 : i32
    %dma_wait3A_704 = tpu.memref_slice %arg4[%mul3A_2, %dma_wait3A_698, %dma_wait3A_703] : memref<4096x50x32xf32, #tpu.memory_space<hbm>> -> memref<128x1x32xf32, #tpu.memory_space<hbm>>
    %dma_wait3A_705 = tpu.memref_squeeze %dma_wait3A_704 : memref<128x1x32xf32, #tpu.memory_space<hbm>> -> memref<128x32xf32, #tpu.memory_space<hbm>>
    %dma_wait3A_706 = arith.constant 0 : i32
    %dma_wait3A_707 = tpu.memref_slice %arg4[%mul3A_2, %dma_wait3A_698, %dma_wait3A_706] : memref<4096x50x32xf32, #tpu.memory_space<hbm>> -> memref<128x1x32xf32, #tpu.memory_space<hbm>>
    %dma_wait3A_708 = tpu.memref_squeeze %dma_wait3A_707 : memref<128x1x32xf32, #tpu.memory_space<hbm>> -> memref<128x32xf32, #tpu.memory_space<hbm>>
    %dma_wait3A_709 = arith.constant 0 : i32
    %dma_wait3A_710 = arith.constant 0 : i32
    %dma_wait3A_711 = tpu.memref_slice %arg7[%dma_wait3A_697, %dma_wait3A_709, %dma_wait3A_710] : memref<5x128x32xf32, #tpu.memory_space<vmem>> -> memref<1x128x32xf32, #tpu.memory_space<vmem>>
    %dma_wait3A_712 = tpu.memref_squeeze %dma_wait3A_711 : memref<1x128x32xf32, #tpu.memory_space<vmem>> -> memref<128x32xf32, #tpu.memory_space<vmem>>
    tpu.wait_dma2 semaphore(%arg11 : memref<!tpu.dma_semaphore, #tpu.memory_space<semaphore_mem>>) src(%dma_wait3A_712 : memref<128x32xf32, #tpu.memory_space<vmem>>) dst(%dma_wait3A_708 : memref<128x32xf32, #tpu.memory_space<hbm>>)
    %dma_wait3A_713 = arith.constant 2 : i32
    %dma_wait3A_714 = arith.constant 7 : i32
    %dma_wait3A_715 = arith.constant 0 : i32
    %dma_wait3A_716 = arith.constant 0 : i32
    %dma_wait3A_717 = tpu.memref_slice %arg7[%dma_wait3A_713, %dma_wait3A_715, %dma_wait3A_716] : memref<5x128x32xf32, #tpu.memory_space<vmem>> -> memref<1x128x32xf32, #tpu.memory_space<vmem>>
    %dma_wait3A_718 = tpu.memref_squeeze %dma_wait3A_717 : memref<1x128x32xf32, #tpu.memory_space<vmem>> -> memref<128x32xf32, #tpu.memory_space<vmem>>
    %dma_wait3A_719 = arith.constant 0 : i32
    %dma_wait3A_720 = tpu.memref_slice %arg4[%mul3A_2, %dma_wait3A_714, %dma_wait3A_719] : memref<4096x50x32xf32, #tpu.memory_space<hbm>> -> memref<128x1x32xf32, #tpu.memory_space<hbm>>
    %dma_wait3A_721 = tpu.memref_squeeze %dma_wait3A_720 : memref<128x1x32xf32, #tpu.memory_space<hbm>> -> memref<128x32xf32, #tpu.memory_space<hbm>>
    %dma_wait3A_722 = arith.constant 0 : i32
    %dma_wait3A_723 = tpu.memref_slice %arg4[%mul3A_2, %dma_wait3A_714, %dma_wait3A_722] : memref<4096x50x32xf32, #tpu.memory_space<hbm>> -> memref<128x1x32xf32, #tpu.memory_space<hbm>>
    %dma_wait3A_724 = tpu.memref_squeeze %dma_wait3A_723 : memref<128x1x32xf32, #tpu.memory_space<hbm>> -> memref<128x32xf32, #tpu.memory_space<hbm>>
    %dma_wait3A_725 = arith.constant 0 : i32
    %dma_wait3A_726 = arith.constant 0 : i32
    %dma_wait3A_727 = tpu.memref_slice %arg7[%dma_wait3A_713, %dma_wait3A_725, %dma_wait3A_726] : memref<5x128x32xf32, #tpu.memory_space<vmem>> -> memref<1x128x32xf32, #tpu.memory_space<vmem>>
    %dma_wait3A_728 = tpu.memref_squeeze %dma_wait3A_727 : memref<1x128x32xf32, #tpu.memory_space<vmem>> -> memref<128x32xf32, #tpu.memory_space<vmem>>
    tpu.wait_dma2 semaphore(%arg11 : memref<!tpu.dma_semaphore, #tpu.memory_space<semaphore_mem>>) src(%dma_wait3A_728 : memref<128x32xf32, #tpu.memory_space<vmem>>) dst(%dma_wait3A_724 : memref<128x32xf32, #tpu.memory_space<hbm>>)
    %dma_wait3A_729 = arith.constant 3 : i32
    %dma_wait3A_730 = arith.constant 8 : i32
    %dma_wait3A_731 = arith.constant 0 : i32
    %dma_wait3A_732 = arith.constant 0 : i32
    %dma_wait3A_733 = tpu.memref_slice %arg7[%dma_wait3A_729, %dma_wait3A_731, %dma_wait3A_732] : memref<5x128x32xf32, #tpu.memory_space<vmem>> -> memref<1x128x32xf32, #tpu.memory_space<vmem>>
    %dma_wait3A_734 = tpu.memref_squeeze %dma_wait3A_733 : memref<1x128x32xf32, #tpu.memory_space<vmem>> -> memref<128x32xf32, #tpu.memory_space<vmem>>
    %dma_wait3A_735 = arith.constant 0 : i32
    %dma_wait3A_736 = tpu.memref_slice %arg4[%mul3A_2, %dma_wait3A_730, %dma_wait3A_735] : memref<4096x50x32xf32, #tpu.memory_space<hbm>> -> memref<128x1x32xf32, #tpu.memory_space<hbm>>
    %dma_wait3A_737 = tpu.memref_squeeze %dma_wait3A_736 : memref<128x1x32xf32, #tpu.memory_space<hbm>> -> memref<128x32xf32, #tpu.memory_space<hbm>>
    %dma_wait3A_738 = arith.constant 0 : i32
    %dma_wait3A_739 = tpu.memref_slice %arg4[%mul3A_2, %dma_wait3A_730, %dma_wait3A_738] : memref<4096x50x32xf32, #tpu.memory_space<hbm>> -> memref<128x1x32xf32, #tpu.memory_space<hbm>>
    %dma_wait3A_740 = tpu.memref_squeeze %dma_wait3A_739 : memref<128x1x32xf32, #tpu.memory_space<hbm>> -> memref<128x32xf32, #tpu.memory_space<hbm>>
    %dma_wait3A_741 = arith.constant 0 : i32
    %dma_wait3A_742 = arith.constant 0 : i32
    %dma_wait3A_743 = tpu.memref_slice %arg7[%dma_wait3A_729, %dma_wait3A_741, %dma_wait3A_742] : memref<5x128x32xf32, #tpu.memory_space<vmem>> -> memref<1x128x32xf32, #tpu.memory_space<vmem>>
    %dma_wait3A_744 = tpu.memref_squeeze %dma_wait3A_743 : memref<1x128x32xf32, #tpu.memory_space<vmem>> -> memref<128x32xf32, #tpu.memory_space<vmem>>
    tpu.wait_dma2 semaphore(%arg11 : memref<!tpu.dma_semaphore, #tpu.memory_space<semaphore_mem>>) src(%dma_wait3A_744 : memref<128x32xf32, #tpu.memory_space<vmem>>) dst(%dma_wait3A_740 : memref<128x32xf32, #tpu.memory_space<hbm>>)
    %dma_wait3A_745 = arith.constant 4 : i32
    %dma_wait3A_746 = arith.constant 9 : i32
    %dma_wait3A_747 = arith.constant 0 : i32
    %dma_wait3A_748 = arith.constant 0 : i32
    %dma_wait3A_749 = tpu.memref_slice %arg7[%dma_wait3A_745, %dma_wait3A_747, %dma_wait3A_748] : memref<5x128x32xf32, #tpu.memory_space<vmem>> -> memref<1x128x32xf32, #tpu.memory_space<vmem>>
    %dma_wait3A_750 = tpu.memref_squeeze %dma_wait3A_749 : memref<1x128x32xf32, #tpu.memory_space<vmem>> -> memref<128x32xf32, #tpu.memory_space<vmem>>
    %dma_wait3A_751 = arith.constant 0 : i32
    %dma_wait3A_752 = tpu.memref_slice %arg4[%mul3A_2, %dma_wait3A_746, %dma_wait3A_751] : memref<4096x50x32xf32, #tpu.memory_space<hbm>> -> memref<128x1x32xf32, #tpu.memory_space<hbm>>
    %dma_wait3A_753 = tpu.memref_squeeze %dma_wait3A_752 : memref<128x1x32xf32, #tpu.memory_space<hbm>> -> memref<128x32xf32, #tpu.memory_space<hbm>>
    %dma_wait3A_754 = arith.constant 0 : i32
    %dma_wait3A_755 = tpu.memref_slice %arg4[%mul3A_2, %dma_wait3A_746, %dma_wait3A_754] : memref<4096x50x32xf32, #tpu.memory_space<hbm>> -> memref<128x1x32xf32, #tpu.memory_space<hbm>>
    %dma_wait3A_756 = tpu.memref_squeeze %dma_wait3A_755 : memref<128x1x32xf32, #tpu.memory_space<hbm>> -> memref<128x32xf32, #tpu.memory_space<hbm>>
    %dma_wait3A_757 = arith.constant 0 : i32
    %dma_wait3A_758 = arith.constant 0 : i32
    %dma_wait3A_759 = tpu.memref_slice %arg7[%dma_wait3A_745, %dma_wait3A_757, %dma_wait3A_758] : memref<5x128x32xf32, #tpu.memory_space<vmem>> -> memref<1x128x32xf32, #tpu.memory_space<vmem>>
    %dma_wait3A_760 = tpu.memref_squeeze %dma_wait3A_759 : memref<1x128x32xf32, #tpu.memory_space<vmem>> -> memref<128x32xf32, #tpu.memory_space<vmem>>
    tpu.wait_dma2 semaphore(%arg11 : memref<!tpu.dma_semaphore, #tpu.memory_space<semaphore_mem>>) src(%dma_wait3A_760 : memref<128x32xf32, #tpu.memory_space<vmem>>) dst(%dma_wait3A_756 : memref<128x32xf32, #tpu.memory_space<hbm>>)
    %dma_start3A_761 = arith.constant 15 : i32
    %dma_start3A_762 = arith.constant 0 : i32
    %dma_start3A_763 = arith.constant 0 : i32
    %dma_start3A_764 = arith.constant 0 : i32
    %dma_start3A_765 = tpu.memref_slice %arg7[%dma_start3A_762, %dma_start3A_763, %dma_start3A_764] : memref<5x128x32xf32, #tpu.memory_space<vmem>> -> memref<1x128x32xf32, #tpu.memory_space<vmem>>
    %dma_start3A_766 = tpu.memref_squeeze %dma_start3A_765 : memref<1x128x32xf32, #tpu.memory_space<vmem>> -> memref<128x32xf32, #tpu.memory_space<vmem>>
    %dma_start3A_767 = arith.constant 0 : i32
    %dma_start3A_768 = tpu.memref_slice %arg5[%dma_start3A_761, %dma_start3A_767] : memref<50x128xi32, #tpu.memory_space<vmem>> -> memref<1x128xi32, #tpu.memory_space<vmem>>
    %dma_start3A_769 = tpu.memref_squeeze %dma_start3A_768 : memref<1x128xi32, #tpu.memory_space<vmem>> -> memref<128xi32, #tpu.memory_space<vmem>>
    %dma_start3A_770 = arith.constant 0 : i32
    %dma_start3A_771 = arith.constant 0 : i32
    %dma_start3A_772 = tpu.memref_slice %arg2[%dma_start3A_770, %dma_start3A_771] : memref<1007616x32xf32, #tpu.memory_space<hbm>> -> memref<1007616x32xf32, #tpu.memory_space<hbm>>
    tpu.enqueue_indirect_dma source(%dma_start3A_772 : memref<1007616x32xf32, #tpu.memory_space<hbm>>) target(%dma_start3A_766 : memref<128x32xf32, #tpu.memory_space<vmem>>) offsets(%dma_start3A_769 : memref<128xi32, #tpu.memory_space<vmem>>) semaphore(%arg9 : memref<!tpu.dma_semaphore, #tpu.memory_space<semaphore_mem>>)
    %dma_start3A_773 = arith.constant 16 : i32
    %dma_start3A_774 = arith.constant 1 : i32
    %dma_start3A_775 = arith.constant 0 : i32
    %dma_start3A_776 = arith.constant 0 : i32
    %dma_start3A_777 = tpu.memref_slice %arg7[%dma_start3A_774, %dma_start3A_775, %dma_start3A_776] : memref<5x128x32xf32, #tpu.memory_space<vmem>> -> memref<1x128x32xf32, #tpu.memory_space<vmem>>
    %dma_start3A_778 = tpu.memref_squeeze %dma_start3A_777 : memref<1x128x32xf32, #tpu.memory_space<vmem>> -> memref<128x32xf32, #tpu.memory_space<vmem>>
    %dma_start3A_779 = arith.constant 0 : i32
    %dma_start3A_780 = tpu.memref_slice %arg5[%dma_start3A_773, %dma_start3A_779] : memref<50x128xi32, #tpu.memory_space<vmem>> -> memref<1x128xi32, #tpu.memory_space<vmem>>
    %dma_start3A_781 = tpu.memref_squeeze %dma_start3A_780 : memref<1x128xi32, #tpu.memory_space<vmem>> -> memref<128xi32, #tpu.memory_space<vmem>>
    %dma_start3A_782 = arith.constant 0 : i32
    %dma_start3A_783 = arith.constant 0 : i32
    %dma_start3A_784 = tpu.memref_slice %arg2[%dma_start3A_782, %dma_start3A_783] : memref<1007616x32xf32, #tpu.memory_space<hbm>> -> memref<1007616x32xf32, #tpu.memory_space<hbm>>
    tpu.enqueue_indirect_dma source(%dma_start3A_784 : memref<1007616x32xf32, #tpu.memory_space<hbm>>) target(%dma_start3A_778 : memref<128x32xf32, #tpu.memory_space<vmem>>) offsets(%dma_start3A_781 : memref<128xi32, #tpu.memory_space<vmem>>) semaphore(%arg9 : memref<!tpu.dma_semaphore, #tpu.memory_space<semaphore_mem>>)
    %dma_start3A_785 = arith.constant 17 : i32
    %dma_start3A_786 = arith.constant 2 : i32
    %dma_start3A_787 = arith.constant 0 : i32
    %dma_start3A_788 = arith.constant 0 : i32
    %dma_start3A_789 = tpu.memref_slice %arg7[%dma_start3A_786, %dma_start3A_787, %dma_start3A_788] : memref<5x128x32xf32, #tpu.memory_space<vmem>> -> memref<1x128x32xf32, #tpu.memory_space<vmem>>
    %dma_start3A_790 = tpu.memref_squeeze %dma_start3A_789 : memref<1x128x32xf32, #tpu.memory_space<vmem>> -> memref<128x32xf32, #tpu.memory_space<vmem>>
    %dma_start3A_791 = arith.constant 0 : i32
    %dma_start3A_792 = tpu.memref_slice %arg5[%dma_start3A_785, %dma_start3A_791] : memref<50x128xi32, #tpu.memory_space<vmem>> -> memref<1x128xi32, #tpu.memory_space<vmem>>
    %dma_start3A_793 = tpu.memref_squeeze %dma_start3A_792 : memref<1x128xi32, #tpu.memory_space<vmem>> -> memref<128xi32, #tpu.memory_space<vmem>>
    %dma_start3A_794 = arith.constant 0 : i32
    %dma_start3A_795 = arith.constant 0 : i32
    %dma_start3A_796 = tpu.memref_slice %arg2[%dma_start3A_794, %dma_start3A_795] : memref<1007616x32xf32, #tpu.memory_space<hbm>> -> memref<1007616x32xf32, #tpu.memory_space<hbm>>
    tpu.enqueue_indirect_dma source(%dma_start3A_796 : memref<1007616x32xf32, #tpu.memory_space<hbm>>) target(%dma_start3A_790 : memref<128x32xf32, #tpu.memory_space<vmem>>) offsets(%dma_start3A_793 : memref<128xi32, #tpu.memory_space<vmem>>) semaphore(%arg9 : memref<!tpu.dma_semaphore, #tpu.memory_space<semaphore_mem>>)
    %dma_start3A_797 = arith.constant 18 : i32
    %dma_start3A_798 = arith.constant 3 : i32
    %dma_start3A_799 = arith.constant 0 : i32
    %dma_start3A_800 = arith.constant 0 : i32
    %dma_start3A_801 = tpu.memref_slice %arg7[%dma_start3A_798, %dma_start3A_799, %dma_start3A_800] : memref<5x128x32xf32, #tpu.memory_space<vmem>> -> memref<1x128x32xf32, #tpu.memory_space<vmem>>
    %dma_start3A_802 = tpu.memref_squeeze %dma_start3A_801 : memref<1x128x32xf32, #tpu.memory_space<vmem>> -> memref<128x32xf32, #tpu.memory_space<vmem>>
    %dma_start3A_803 = arith.constant 0 : i32
    %dma_start3A_804 = tpu.memref_slice %arg5[%dma_start3A_797, %dma_start3A_803] : memref<50x128xi32, #tpu.memory_space<vmem>> -> memref<1x128xi32, #tpu.memory_space<vmem>>
    %dma_start3A_805 = tpu.memref_squeeze %dma_start3A_804 : memref<1x128xi32, #tpu.memory_space<vmem>> -> memref<128xi32, #tpu.memory_space<vmem>>
    %dma_start3A_806 = arith.constant 0 : i32
    %dma_start3A_807 = arith.constant 0 : i32
    %dma_start3A_808 = tpu.memref_slice %arg2[%dma_start3A_806, %dma_start3A_807] : memref<1007616x32xf32, #tpu.memory_space<hbm>> -> memref<1007616x32xf32, #tpu.memory_space<hbm>>
    tpu.enqueue_indirect_dma source(%dma_start3A_808 : memref<1007616x32xf32, #tpu.memory_space<hbm>>) target(%dma_start3A_802 : memref<128x32xf32, #tpu.memory_space<vmem>>) offsets(%dma_start3A_805 : memref<128xi32, #tpu.memory_space<vmem>>) semaphore(%arg9 : memref<!tpu.dma_semaphore, #tpu.memory_space<semaphore_mem>>)
    %dma_start3A_809 = arith.constant 19 : i32
    %dma_start3A_810 = arith.constant 4 : i32
    %dma_start3A_811 = arith.constant 0 : i32
    %dma_start3A_812 = arith.constant 0 : i32
    %dma_start3A_813 = tpu.memref_slice %arg7[%dma_start3A_810, %dma_start3A_811, %dma_start3A_812] : memref<5x128x32xf32, #tpu.memory_space<vmem>> -> memref<1x128x32xf32, #tpu.memory_space<vmem>>
    %dma_start3A_814 = tpu.memref_squeeze %dma_start3A_813 : memref<1x128x32xf32, #tpu.memory_space<vmem>> -> memref<128x32xf32, #tpu.memory_space<vmem>>
    %dma_start3A_815 = arith.constant 0 : i32
    %dma_start3A_816 = tpu.memref_slice %arg5[%dma_start3A_809, %dma_start3A_815] : memref<50x128xi32, #tpu.memory_space<vmem>> -> memref<1x128xi32, #tpu.memory_space<vmem>>
    %dma_start3A_817 = tpu.memref_squeeze %dma_start3A_816 : memref<1x128xi32, #tpu.memory_space<vmem>> -> memref<128xi32, #tpu.memory_space<vmem>>
    %dma_start3A_818 = arith.constant 0 : i32
    %dma_start3A_819 = arith.constant 0 : i32
    %dma_start3A_820 = tpu.memref_slice %arg2[%dma_start3A_818, %dma_start3A_819] : memref<1007616x32xf32, #tpu.memory_space<hbm>> -> memref<1007616x32xf32, #tpu.memory_space<hbm>>
    tpu.enqueue_indirect_dma source(%dma_start3A_820 : memref<1007616x32xf32, #tpu.memory_space<hbm>>) target(%dma_start3A_814 : memref<128x32xf32, #tpu.memory_space<vmem>>) offsets(%dma_start3A_817 : memref<128xi32, #tpu.memory_space<vmem>>) semaphore(%arg9 : memref<!tpu.dma_semaphore, #tpu.memory_space<semaphore_mem>>)
    %dma_wait3A_821 = arith.constant 15 : i32
    %dma_wait3A_822 = arith.constant 0 : i32
    %dma_wait3A_823 = arith.constant 0 : i32
    %dma_wait3A_824 = arith.constant 0 : i32
    %dma_wait3A_825 = tpu.memref_slice %arg7[%dma_wait3A_822, %dma_wait3A_823, %dma_wait3A_824] : memref<5x128x32xf32, #tpu.memory_space<vmem>> -> memref<1x128x32xf32, #tpu.memory_space<vmem>>
    %dma_wait3A_826 = tpu.memref_squeeze %dma_wait3A_825 : memref<1x128x32xf32, #tpu.memory_space<vmem>> -> memref<128x32xf32, #tpu.memory_space<vmem>>
    %dma_wait3A_827 = arith.constant 0 : i32
    %dma_wait3A_828 = tpu.memref_slice %arg5[%dma_wait3A_821, %dma_wait3A_827] : memref<50x128xi32, #tpu.memory_space<vmem>> -> memref<1x128xi32, #tpu.memory_space<vmem>>
    %dma_wait3A_829 = tpu.memref_squeeze %dma_wait3A_828 : memref<1x128xi32, #tpu.memory_space<vmem>> -> memref<128xi32, #tpu.memory_space<vmem>>
    %dma_wait3A_830 = arith.constant 0 : i32
    %dma_wait3A_831 = arith.constant 0 : i32
    %dma_wait3A_832 = tpu.memref_slice %arg2[%dma_wait3A_830, %dma_wait3A_831] : memref<1007616x32xf32, #tpu.memory_space<hbm>> -> memref<1007616x32xf32, #tpu.memory_space<hbm>>
    tpu.wait_indirect_dma semaphore(%arg9 : memref<!tpu.dma_semaphore, #tpu.memory_space<semaphore_mem>>) src(%dma_wait3A_832 : memref<1007616x32xf32, #tpu.memory_space<hbm>>) dst(%dma_wait3A_826 : memref<128x32xf32, #tpu.memory_space<vmem>>)
    %dma_start3A_833 = arith.constant 0 : i32
    %dma_start3A_834 = arith.constant 15 : i32
    %dma_start3A_835 = arith.constant 0 : i32
    %dma_start3A_836 = arith.constant 0 : i32
    %dma_start3A_837 = tpu.memref_slice %arg7[%dma_start3A_833, %dma_start3A_835, %dma_start3A_836] : memref<5x128x32xf32, #tpu.memory_space<vmem>> -> memref<1x128x32xf32, #tpu.memory_space<vmem>>
    %dma_start3A_838 = tpu.memref_squeeze %dma_start3A_837 : memref<1x128x32xf32, #tpu.memory_space<vmem>> -> memref<128x32xf32, #tpu.memory_space<vmem>>
    %dma_start3A_839 = arith.constant 0 : i32
    %dma_start3A_840 = tpu.memref_slice %arg4[%mul3A_2, %dma_start3A_834, %dma_start3A_839] : memref<4096x50x32xf32, #tpu.memory_space<hbm>> -> memref<128x1x32xf32, #tpu.memory_space<hbm>>
    %dma_start3A_841 = tpu.memref_squeeze %dma_start3A_840 : memref<128x1x32xf32, #tpu.memory_space<hbm>> -> memref<128x32xf32, #tpu.memory_space<hbm>>
    %dma_start3A_842 = arith.constant 0 : i32
    %dma_start3A_843 = tpu.memref_slice %arg4[%mul3A_2, %dma_start3A_834, %dma_start3A_842] : memref<4096x50x32xf32, #tpu.memory_space<hbm>> -> memref<128x1x32xf32, #tpu.memory_space<hbm>>
    %dma_start3A_844 = tpu.memref_squeeze %dma_start3A_843 : memref<128x1x32xf32, #tpu.memory_space<hbm>> -> memref<128x32xf32, #tpu.memory_space<hbm>>
    %dma_start3A_845 = arith.constant 0 : i32
    %dma_start3A_846 = arith.constant 0 : i32
    %dma_start3A_847 = tpu.memref_slice %arg7[%dma_start3A_833, %dma_start3A_845, %dma_start3A_846] : memref<5x128x32xf32, #tpu.memory_space<vmem>> -> memref<1x128x32xf32, #tpu.memory_space<vmem>>
    %dma_start3A_848 = tpu.memref_squeeze %dma_start3A_847 : memref<1x128x32xf32, #tpu.memory_space<vmem>> -> memref<128x32xf32, #tpu.memory_space<vmem>>
    tpu.enqueue_dma source(%dma_start3A_848 : memref<128x32xf32, #tpu.memory_space<vmem>>) target(%dma_start3A_844 : memref<128x32xf32, #tpu.memory_space<hbm>>) target_semaphore(%arg11 : memref<!tpu.dma_semaphore, #tpu.memory_space<semaphore_mem>>)
    %dma_wait3A_849 = arith.constant 16 : i32
    %dma_wait3A_850 = arith.constant 1 : i32
    %dma_wait3A_851 = arith.constant 0 : i32
    %dma_wait3A_852 = arith.constant 0 : i32
    %dma_wait3A_853 = tpu.memref_slice %arg7[%dma_wait3A_850, %dma_wait3A_851, %dma_wait3A_852] : memref<5x128x32xf32, #tpu.memory_space<vmem>> -> memref<1x128x32xf32, #tpu.memory_space<vmem>>
    %dma_wait3A_854 = tpu.memref_squeeze %dma_wait3A_853 : memref<1x128x32xf32, #tpu.memory_space<vmem>> -> memref<128x32xf32, #tpu.memory_space<vmem>>
    %dma_wait3A_855 = arith.constant 0 : i32
    %dma_wait3A_856 = tpu.memref_slice %arg5[%dma_wait3A_849, %dma_wait3A_855] : memref<50x128xi32, #tpu.memory_space<vmem>> -> memref<1x128xi32, #tpu.memory_space<vmem>>
    %dma_wait3A_857 = tpu.memref_squeeze %dma_wait3A_856 : memref<1x128xi32, #tpu.memory_space<vmem>> -> memref<128xi32, #tpu.memory_space<vmem>>
    %dma_wait3A_858 = arith.constant 0 : i32
    %dma_wait3A_859 = arith.constant 0 : i32
    %dma_wait3A_860 = tpu.memref_slice %arg2[%dma_wait3A_858, %dma_wait3A_859] : memref<1007616x32xf32, #tpu.memory_space<hbm>> -> memref<1007616x32xf32, #tpu.memory_space<hbm>>
    tpu.wait_indirect_dma semaphore(%arg9 : memref<!tpu.dma_semaphore, #tpu.memory_space<semaphore_mem>>) src(%dma_wait3A_860 : memref<1007616x32xf32, #tpu.memory_space<hbm>>) dst(%dma_wait3A_854 : memref<128x32xf32, #tpu.memory_space<vmem>>)
    %dma_start3A_861 = arith.constant 1 : i32
    %dma_start3A_862 = arith.constant 16 : i32
    %dma_start3A_863 = arith.constant 0 : i32
    %dma_start3A_864 = arith.constant 0 : i32
    %dma_start3A_865 = tpu.memref_slice %arg7[%dma_start3A_861, %dma_start3A_863, %dma_start3A_864] : memref<5x128x32xf32, #tpu.memory_space<vmem>> -> memref<1x128x32xf32, #tpu.memory_space<vmem>>
    %dma_start3A_866 = tpu.memref_squeeze %dma_start3A_865 : memref<1x128x32xf32, #tpu.memory_space<vmem>> -> memref<128x32xf32, #tpu.memory_space<vmem>>
    %dma_start3A_867 = arith.constant 0 : i32
    %dma_start3A_868 = tpu.memref_slice %arg4[%mul3A_2, %dma_start3A_862, %dma_start3A_867] : memref<4096x50x32xf32, #tpu.memory_space<hbm>> -> memref<128x1x32xf32, #tpu.memory_space<hbm>>
    %dma_start3A_869 = tpu.memref_squeeze %dma_start3A_868 : memref<128x1x32xf32, #tpu.memory_space<hbm>> -> memref<128x32xf32, #tpu.memory_space<hbm>>
    %dma_start3A_870 = arith.constant 0 : i32
    %dma_start3A_871 = tpu.memref_slice %arg4[%mul3A_2, %dma_start3A_862, %dma_start3A_870] : memref<4096x50x32xf32, #tpu.memory_space<hbm>> -> memref<128x1x32xf32, #tpu.memory_space<hbm>>
    %dma_start3A_872 = tpu.memref_squeeze %dma_start3A_871 : memref<128x1x32xf32, #tpu.memory_space<hbm>> -> memref<128x32xf32, #tpu.memory_space<hbm>>
    %dma_start3A_873 = arith.constant 0 : i32
    %dma_start3A_874 = arith.constant 0 : i32
    %dma_start3A_875 = tpu.memref_slice %arg7[%dma_start3A_861, %dma_start3A_873, %dma_start3A_874] : memref<5x128x32xf32, #tpu.memory_space<vmem>> -> memref<1x128x32xf32, #tpu.memory_space<vmem>>
    %dma_start3A_876 = tpu.memref_squeeze %dma_start3A_875 : memref<1x128x32xf32, #tpu.memory_space<vmem>> -> memref<128x32xf32, #tpu.memory_space<vmem>>
    tpu.enqueue_dma source(%dma_start3A_876 : memref<128x32xf32, #tpu.memory_space<vmem>>) target(%dma_start3A_872 : memref<128x32xf32, #tpu.memory_space<hbm>>) target_semaphore(%arg11 : memref<!tpu.dma_semaphore, #tpu.memory_space<semaphore_mem>>)
    %dma_wait3A_877 = arith.constant 17 : i32
    %dma_wait3A_878 = arith.constant 2 : i32
    %dma_wait3A_879 = arith.constant 0 : i32
    %dma_wait3A_880 = arith.constant 0 : i32
    %dma_wait3A_881 = tpu.memref_slice %arg7[%dma_wait3A_878, %dma_wait3A_879, %dma_wait3A_880] : memref<5x128x32xf32, #tpu.memory_space<vmem>> -> memref<1x128x32xf32, #tpu.memory_space<vmem>>
    %dma_wait3A_882 = tpu.memref_squeeze %dma_wait3A_881 : memref<1x128x32xf32, #tpu.memory_space<vmem>> -> memref<128x32xf32, #tpu.memory_space<vmem>>
    %dma_wait3A_883 = arith.constant 0 : i32
    %dma_wait3A_884 = tpu.memref_slice %arg5[%dma_wait3A_877, %dma_wait3A_883] : memref<50x128xi32, #tpu.memory_space<vmem>> -> memref<1x128xi32, #tpu.memory_space<vmem>>
    %dma_wait3A_885 = tpu.memref_squeeze %dma_wait3A_884 : memref<1x128xi32, #tpu.memory_space<vmem>> -> memref<128xi32, #tpu.memory_space<vmem>>
    %dma_wait3A_886 = arith.constant 0 : i32
    %dma_wait3A_887 = arith.constant 0 : i32
    %dma_wait3A_888 = tpu.memref_slice %arg2[%dma_wait3A_886, %dma_wait3A_887] : memref<1007616x32xf32, #tpu.memory_space<hbm>> -> memref<1007616x32xf32, #tpu.memory_space<hbm>>
    tpu.wait_indirect_dma semaphore(%arg9 : memref<!tpu.dma_semaphore, #tpu.memory_space<semaphore_mem>>) src(%dma_wait3A_888 : memref<1007616x32xf32, #tpu.memory_space<hbm>>) dst(%dma_wait3A_882 : memref<128x32xf32, #tpu.memory_space<vmem>>)
    %dma_start3A_889 = arith.constant 2 : i32
    %dma_start3A_890 = arith.constant 17 : i32
    %dma_start3A_891 = arith.constant 0 : i32
    %dma_start3A_892 = arith.constant 0 : i32
    %dma_start3A_893 = tpu.memref_slice %arg7[%dma_start3A_889, %dma_start3A_891, %dma_start3A_892] : memref<5x128x32xf32, #tpu.memory_space<vmem>> -> memref<1x128x32xf32, #tpu.memory_space<vmem>>
    %dma_start3A_894 = tpu.memref_squeeze %dma_start3A_893 : memref<1x128x32xf32, #tpu.memory_space<vmem>> -> memref<128x32xf32, #tpu.memory_space<vmem>>
    %dma_start3A_895 = arith.constant 0 : i32
    %dma_start3A_896 = tpu.memref_slice %arg4[%mul3A_2, %dma_start3A_890, %dma_start3A_895] : memref<4096x50x32xf32, #tpu.memory_space<hbm>> -> memref<128x1x32xf32, #tpu.memory_space<hbm>>
    %dma_start3A_897 = tpu.memref_squeeze %dma_start3A_896 : memref<128x1x32xf32, #tpu.memory_space<hbm>> -> memref<128x32xf32, #tpu.memory_space<hbm>>
    %dma_start3A_898 = arith.constant 0 : i32
    %dma_start3A_899 = tpu.memref_slice %arg4[%mul3A_2, %dma_start3A_890, %dma_start3A_898] : memref<4096x50x32xf32, #tpu.memory_space<hbm>> -> memref<128x1x32xf32, #tpu.memory_space<hbm>>
    %dma_start3A_900 = tpu.memref_squeeze %dma_start3A_899 : memref<128x1x32xf32, #tpu.memory_space<hbm>> -> memref<128x32xf32, #tpu.memory_space<hbm>>
    %dma_start3A_901 = arith.constant 0 : i32
    %dma_start3A_902 = arith.constant 0 : i32
    %dma_start3A_903 = tpu.memref_slice %arg7[%dma_start3A_889, %dma_start3A_901, %dma_start3A_902] : memref<5x128x32xf32, #tpu.memory_space<vmem>> -> memref<1x128x32xf32, #tpu.memory_space<vmem>>
    %dma_start3A_904 = tpu.memref_squeeze %dma_start3A_903 : memref<1x128x32xf32, #tpu.memory_space<vmem>> -> memref<128x32xf32, #tpu.memory_space<vmem>>
    tpu.enqueue_dma source(%dma_start3A_904 : memref<128x32xf32, #tpu.memory_space<vmem>>) target(%dma_start3A_900 : memref<128x32xf32, #tpu.memory_space<hbm>>) target_semaphore(%arg11 : memref<!tpu.dma_semaphore, #tpu.memory_space<semaphore_mem>>)
    %dma_wait3A_905 = arith.constant 18 : i32
    %dma_wait3A_906 = arith.constant 3 : i32
    %dma_wait3A_907 = arith.constant 0 : i32
    %dma_wait3A_908 = arith.constant 0 : i32
    %dma_wait3A_909 = tpu.memref_slice %arg7[%dma_wait3A_906, %dma_wait3A_907, %dma_wait3A_908] : memref<5x128x32xf32, #tpu.memory_space<vmem>> -> memref<1x128x32xf32, #tpu.memory_space<vmem>>
    %dma_wait3A_910 = tpu.memref_squeeze %dma_wait3A_909 : memref<1x128x32xf32, #tpu.memory_space<vmem>> -> memref<128x32xf32, #tpu.memory_space<vmem>>
    %dma_wait3A_911 = arith.constant 0 : i32
    %dma_wait3A_912 = tpu.memref_slice %arg5[%dma_wait3A_905, %dma_wait3A_911] : memref<50x128xi32, #tpu.memory_space<vmem>> -> memref<1x128xi32, #tpu.memory_space<vmem>>
    %dma_wait3A_913 = tpu.memref_squeeze %dma_wait3A_912 : memref<1x128xi32, #tpu.memory_space<vmem>> -> memref<128xi32, #tpu.memory_space<vmem>>
    %dma_wait3A_914 = arith.constant 0 : i32
    %dma_wait3A_915 = arith.constant 0 : i32
    %dma_wait3A_916 = tpu.memref_slice %arg2[%dma_wait3A_914, %dma_wait3A_915] : memref<1007616x32xf32, #tpu.memory_space<hbm>> -> memref<1007616x32xf32, #tpu.memory_space<hbm>>
    tpu.wait_indirect_dma semaphore(%arg9 : memref<!tpu.dma_semaphore, #tpu.memory_space<semaphore_mem>>) src(%dma_wait3A_916 : memref<1007616x32xf32, #tpu.memory_space<hbm>>) dst(%dma_wait3A_910 : memref<128x32xf32, #tpu.memory_space<vmem>>)
    %dma_start3A_917 = arith.constant 3 : i32
    %dma_start3A_918 = arith.constant 18 : i32
    %dma_start3A_919 = arith.constant 0 : i32
    %dma_start3A_920 = arith.constant 0 : i32
    %dma_start3A_921 = tpu.memref_slice %arg7[%dma_start3A_917, %dma_start3A_919, %dma_start3A_920] : memref<5x128x32xf32, #tpu.memory_space<vmem>> -> memref<1x128x32xf32, #tpu.memory_space<vmem>>
    %dma_start3A_922 = tpu.memref_squeeze %dma_start3A_921 : memref<1x128x32xf32, #tpu.memory_space<vmem>> -> memref<128x32xf32, #tpu.memory_space<vmem>>
    %dma_start3A_923 = arith.constant 0 : i32
    %dma_start3A_924 = tpu.memref_slice %arg4[%mul3A_2, %dma_start3A_918, %dma_start3A_923] : memref<4096x50x32xf32, #tpu.memory_space<hbm>> -> memref<128x1x32xf32, #tpu.memory_space<hbm>>
    %dma_start3A_925 = tpu.memref_squeeze %dma_start3A_924 : memref<128x1x32xf32, #tpu.memory_space<hbm>> -> memref<128x32xf32, #tpu.memory_space<hbm>>
    %dma_start3A_926 = arith.constant 0 : i32
    %dma_start3A_927 = tpu.memref_slice %arg4[%mul3A_2, %dma_start3A_918, %dma_start3A_926] : memref<4096x50x32xf32, #tpu.memory_space<hbm>> -> memref<128x1x32xf32, #tpu.memory_space<hbm>>
    %dma_start3A_928 = tpu.memref_squeeze %dma_start3A_927 : memref<128x1x32xf32, #tpu.memory_space<hbm>> -> memref<128x32xf32, #tpu.memory_space<hbm>>
    %dma_start3A_929 = arith.constant 0 : i32
    %dma_start3A_930 = arith.constant 0 : i32
    %dma_start3A_931 = tpu.memref_slice %arg7[%dma_start3A_917, %dma_start3A_929, %dma_start3A_930] : memref<5x128x32xf32, #tpu.memory_space<vmem>> -> memref<1x128x32xf32, #tpu.memory_space<vmem>>
    %dma_start3A_932 = tpu.memref_squeeze %dma_start3A_931 : memref<1x128x32xf32, #tpu.memory_space<vmem>> -> memref<128x32xf32, #tpu.memory_space<vmem>>
    tpu.enqueue_dma source(%dma_start3A_932 : memref<128x32xf32, #tpu.memory_space<vmem>>) target(%dma_start3A_928 : memref<128x32xf32, #tpu.memory_space<hbm>>) target_semaphore(%arg11 : memref<!tpu.dma_semaphore, #tpu.memory_space<semaphore_mem>>)
    %dma_wait3A_933 = arith.constant 19 : i32
    %dma_wait3A_934 = arith.constant 4 : i32
    %dma_wait3A_935 = arith.constant 0 : i32
    %dma_wait3A_936 = arith.constant 0 : i32
    %dma_wait3A_937 = tpu.memref_slice %arg7[%dma_wait3A_934, %dma_wait3A_935, %dma_wait3A_936] : memref<5x128x32xf32, #tpu.memory_space<vmem>> -> memref<1x128x32xf32, #tpu.memory_space<vmem>>
    %dma_wait3A_938 = tpu.memref_squeeze %dma_wait3A_937 : memref<1x128x32xf32, #tpu.memory_space<vmem>> -> memref<128x32xf32, #tpu.memory_space<vmem>>
    %dma_wait3A_939 = arith.constant 0 : i32
    %dma_wait3A_940 = tpu.memref_slice %arg5[%dma_wait3A_933, %dma_wait3A_939] : memref<50x128xi32, #tpu.memory_space<vmem>> -> memref<1x128xi32, #tpu.memory_space<vmem>>
    %dma_wait3A_941 = tpu.memref_squeeze %dma_wait3A_940 : memref<1x128xi32, #tpu.memory_space<vmem>> -> memref<128xi32, #tpu.memory_space<vmem>>
    %dma_wait3A_942 = arith.constant 0 : i32
    %dma_wait3A_943 = arith.constant 0 : i32
    %dma_wait3A_944 = tpu.memref_slice %arg2[%dma_wait3A_942, %dma_wait3A_943] : memref<1007616x32xf32, #tpu.memory_space<hbm>> -> memref<1007616x32xf32, #tpu.memory_space<hbm>>
    tpu.wait_indirect_dma semaphore(%arg9 : memref<!tpu.dma_semaphore, #tpu.memory_space<semaphore_mem>>) src(%dma_wait3A_944 : memref<1007616x32xf32, #tpu.memory_space<hbm>>) dst(%dma_wait3A_938 : memref<128x32xf32, #tpu.memory_space<vmem>>)
    %dma_start3A_945 = arith.constant 4 : i32
    %dma_start3A_946 = arith.constant 19 : i32
    %dma_start3A_947 = arith.constant 0 : i32
    %dma_start3A_948 = arith.constant 0 : i32
    %dma_start3A_949 = tpu.memref_slice %arg7[%dma_start3A_945, %dma_start3A_947, %dma_start3A_948] : memref<5x128x32xf32, #tpu.memory_space<vmem>> -> memref<1x128x32xf32, #tpu.memory_space<vmem>>
    %dma_start3A_950 = tpu.memref_squeeze %dma_start3A_949 : memref<1x128x32xf32, #tpu.memory_space<vmem>> -> memref<128x32xf32, #tpu.memory_space<vmem>>
    %dma_start3A_951 = arith.constant 0 : i32
    %dma_start3A_952 = tpu.memref_slice %arg4[%mul3A_2, %dma_start3A_946, %dma_start3A_951] : memref<4096x50x32xf32, #tpu.memory_space<hbm>> -> memref<128x1x32xf32, #tpu.memory_space<hbm>>
    %dma_start3A_953 = tpu.memref_squeeze %dma_start3A_952 : memref<128x1x32xf32, #tpu.memory_space<hbm>> -> memref<128x32xf32, #tpu.memory_space<hbm>>
    %dma_start3A_954 = arith.constant 0 : i32
    %dma_start3A_955 = tpu.memref_slice %arg4[%mul3A_2, %dma_start3A_946, %dma_start3A_954] : memref<4096x50x32xf32, #tpu.memory_space<hbm>> -> memref<128x1x32xf32, #tpu.memory_space<hbm>>
    %dma_start3A_956 = tpu.memref_squeeze %dma_start3A_955 : memref<128x1x32xf32, #tpu.memory_space<hbm>> -> memref<128x32xf32, #tpu.memory_space<hbm>>
    %dma_start3A_957 = arith.constant 0 : i32
    %dma_start3A_958 = arith.constant 0 : i32
    %dma_start3A_959 = tpu.memref_slice %arg7[%dma_start3A_945, %dma_start3A_957, %dma_start3A_958] : memref<5x128x32xf32, #tpu.memory_space<vmem>> -> memref<1x128x32xf32, #tpu.memory_space<vmem>>
    %dma_start3A_960 = tpu.memref_squeeze %dma_start3A_959 : memref<1x128x32xf32, #tpu.memory_space<vmem>> -> memref<128x32xf32, #tpu.memory_space<vmem>>
    tpu.enqueue_dma source(%dma_start3A_960 : memref<128x32xf32, #tpu.memory_space<vmem>>) target(%dma_start3A_956 : memref<128x32xf32, #tpu.memory_space<hbm>>) target_semaphore(%arg11 : memref<!tpu.dma_semaphore, #tpu.memory_space<semaphore_mem>>)
    %dma_wait3A_961 = arith.constant 0 : i32
    %dma_wait3A_962 = arith.constant 10 : i32
    %dma_wait3A_963 = arith.constant 0 : i32
    %dma_wait3A_964 = arith.constant 0 : i32
    %dma_wait3A_965 = tpu.memref_slice %arg6[%dma_wait3A_961, %dma_wait3A_963, %dma_wait3A_964] : memref<5x128x32xf32, #tpu.memory_space<vmem>> -> memref<1x128x32xf32, #tpu.memory_space<vmem>>
    %dma_wait3A_966 = tpu.memref_squeeze %dma_wait3A_965 : memref<1x128x32xf32, #tpu.memory_space<vmem>> -> memref<128x32xf32, #tpu.memory_space<vmem>>
    %dma_wait3A_967 = arith.constant 0 : i32
    %dma_wait3A_968 = tpu.memref_slice %arg4[%mul3A_2, %dma_wait3A_962, %dma_wait3A_967] : memref<4096x50x32xf32, #tpu.memory_space<hbm>> -> memref<128x1x32xf32, #tpu.memory_space<hbm>>
    %dma_wait3A_969 = tpu.memref_squeeze %dma_wait3A_968 : memref<128x1x32xf32, #tpu.memory_space<hbm>> -> memref<128x32xf32, #tpu.memory_space<hbm>>
    %dma_wait3A_970 = arith.constant 0 : i32
    %dma_wait3A_971 = tpu.memref_slice %arg4[%mul3A_2, %dma_wait3A_962, %dma_wait3A_970] : memref<4096x50x32xf32, #tpu.memory_space<hbm>> -> memref<128x1x32xf32, #tpu.memory_space<hbm>>
    %dma_wait3A_972 = tpu.memref_squeeze %dma_wait3A_971 : memref<128x1x32xf32, #tpu.memory_space<hbm>> -> memref<128x32xf32, #tpu.memory_space<hbm>>
    %dma_wait3A_973 = arith.constant 0 : i32
    %dma_wait3A_974 = arith.constant 0 : i32
    %dma_wait3A_975 = tpu.memref_slice %arg6[%dma_wait3A_961, %dma_wait3A_973, %dma_wait3A_974] : memref<5x128x32xf32, #tpu.memory_space<vmem>> -> memref<1x128x32xf32, #tpu.memory_space<vmem>>
    %dma_wait3A_976 = tpu.memref_squeeze %dma_wait3A_975 : memref<1x128x32xf32, #tpu.memory_space<vmem>> -> memref<128x32xf32, #tpu.memory_space<vmem>>
    tpu.wait_dma2 semaphore(%arg10 : memref<!tpu.dma_semaphore, #tpu.memory_space<semaphore_mem>>) src(%dma_wait3A_976 : memref<128x32xf32, #tpu.memory_space<vmem>>) dst(%dma_wait3A_972 : memref<128x32xf32, #tpu.memory_space<hbm>>)
    %dma_wait3A_977 = arith.constant 1 : i32
    %dma_wait3A_978 = arith.constant 11 : i32
    %dma_wait3A_979 = arith.constant 0 : i32
    %dma_wait3A_980 = arith.constant 0 : i32
    %dma_wait3A_981 = tpu.memref_slice %arg6[%dma_wait3A_977, %dma_wait3A_979, %dma_wait3A_980] : memref<5x128x32xf32, #tpu.memory_space<vmem>> -> memref<1x128x32xf32, #tpu.memory_space<vmem>>
    %dma_wait3A_982 = tpu.memref_squeeze %dma_wait3A_981 : memref<1x128x32xf32, #tpu.memory_space<vmem>> -> memref<128x32xf32, #tpu.memory_space<vmem>>
    %dma_wait3A_983 = arith.constant 0 : i32
    %dma_wait3A_984 = tpu.memref_slice %arg4[%mul3A_2, %dma_wait3A_978, %dma_wait3A_983] : memref<4096x50x32xf32, #tpu.memory_space<hbm>> -> memref<128x1x32xf32, #tpu.memory_space<hbm>>
    %dma_wait3A_985 = tpu.memref_squeeze %dma_wait3A_984 : memref<128x1x32xf32, #tpu.memory_space<hbm>> -> memref<128x32xf32, #tpu.memory_space<hbm>>
    %dma_wait3A_986 = arith.constant 0 : i32
    %dma_wait3A_987 = tpu.memref_slice %arg4[%mul3A_2, %dma_wait3A_978, %dma_wait3A_986] : memref<4096x50x32xf32, #tpu.memory_space<hbm>> -> memref<128x1x32xf32, #tpu.memory_space<hbm>>
    %dma_wait3A_988 = tpu.memref_squeeze %dma_wait3A_987 : memref<128x1x32xf32, #tpu.memory_space<hbm>> -> memref<128x32xf32, #tpu.memory_space<hbm>>
    %dma_wait3A_989 = arith.constant 0 : i32
    %dma_wait3A_990 = arith.constant 0 : i32
    %dma_wait3A_991 = tpu.memref_slice %arg6[%dma_wait3A_977, %dma_wait3A_989, %dma_wait3A_990] : memref<5x128x32xf32, #tpu.memory_space<vmem>> -> memref<1x128x32xf32, #tpu.memory_space<vmem>>
    %dma_wait3A_992 = tpu.memref_squeeze %dma_wait3A_991 : memref<1x128x32xf32, #tpu.memory_space<vmem>> -> memref<128x32xf32, #tpu.memory_space<vmem>>
    tpu.wait_dma2 semaphore(%arg10 : memref<!tpu.dma_semaphore, #tpu.memory_space<semaphore_mem>>) src(%dma_wait3A_992 : memref<128x32xf32, #tpu.memory_space<vmem>>) dst(%dma_wait3A_988 : memref<128x32xf32, #tpu.memory_space<hbm>>)
    %dma_wait3A_993 = arith.constant 2 : i32
    %dma_wait3A_994 = arith.constant 12 : i32
    %dma_wait3A_995 = arith.constant 0 : i32
    %dma_wait3A_996 = arith.constant 0 : i32
    %dma_wait3A_997 = tpu.memref_slice %arg6[%dma_wait3A_993, %dma_wait3A_995, %dma_wait3A_996] : memref<5x128x32xf32, #tpu.memory_space<vmem>> -> memref<1x128x32xf32, #tpu.memory_space<vmem>>
    %dma_wait3A_998 = tpu.memref_squeeze %dma_wait3A_997 : memref<1x128x32xf32, #tpu.memory_space<vmem>> -> memref<128x32xf32, #tpu.memory_space<vmem>>
    %dma_wait3A_999 = arith.constant 0 : i32
    %dma_wait3A_1000 = tpu.memref_slice %arg4[%mul3A_2, %dma_wait3A_994, %dma_wait3A_999] : memref<4096x50x32xf32, #tpu.memory_space<hbm>> -> memref<128x1x32xf32, #tpu.memory_space<hbm>>
    %dma_wait3A_1001 = tpu.memref_squeeze %dma_wait3A_1000 : memref<128x1x32xf32, #tpu.memory_space<hbm>> -> memref<128x32xf32, #tpu.memory_space<hbm>>
    %dma_wait3A_1002 = arith.constant 0 : i32
    %dma_wait3A_1003 = tpu.memref_slice %arg4[%mul3A_2, %dma_wait3A_994, %dma_wait3A_1002] : memref<4096x50x32xf32, #tpu.memory_space<hbm>> -> memref<128x1x32xf32, #tpu.memory_space<hbm>>
    %dma_wait3A_1004 = tpu.memref_squeeze %dma_wait3A_1003 : memref<128x1x32xf32, #tpu.memory_space<hbm>> -> memref<128x32xf32, #tpu.memory_space<hbm>>
    %dma_wait3A_1005 = arith.constant 0 : i32
    %dma_wait3A_1006 = arith.constant 0 : i32
    %dma_wait3A_1007 = tpu.memref_slice %arg6[%dma_wait3A_993, %dma_wait3A_1005, %dma_wait3A_1006] : memref<5x128x32xf32, #tpu.memory_space<vmem>> -> memref<1x128x32xf32, #tpu.memory_space<vmem>>
    %dma_wait3A_1008 = tpu.memref_squeeze %dma_wait3A_1007 : memref<1x128x32xf32, #tpu.memory_space<vmem>> -> memref<128x32xf32, #tpu.memory_space<vmem>>
    tpu.wait_dma2 semaphore(%arg10 : memref<!tpu.dma_semaphore, #tpu.memory_space<semaphore_mem>>) src(%dma_wait3A_1008 : memref<128x32xf32, #tpu.memory_space<vmem>>) dst(%dma_wait3A_1004 : memref<128x32xf32, #tpu.memory_space<hbm>>)
    %dma_wait3A_1009 = arith.constant 3 : i32
    %dma_wait3A_1010 = arith.constant 13 : i32
    %dma_wait3A_1011 = arith.constant 0 : i32
    %dma_wait3A_1012 = arith.constant 0 : i32
    %dma_wait3A_1013 = tpu.memref_slice %arg6[%dma_wait3A_1009, %dma_wait3A_1011, %dma_wait3A_1012] : memref<5x128x32xf32, #tpu.memory_space<vmem>> -> memref<1x128x32xf32, #tpu.memory_space<vmem>>
    %dma_wait3A_1014 = tpu.memref_squeeze %dma_wait3A_1013 : memref<1x128x32xf32, #tpu.memory_space<vmem>> -> memref<128x32xf32, #tpu.memory_space<vmem>>
    %dma_wait3A_1015 = arith.constant 0 : i32
    %dma_wait3A_1016 = tpu.memref_slice %arg4[%mul3A_2, %dma_wait3A_1010, %dma_wait3A_1015] : memref<4096x50x32xf32, #tpu.memory_space<hbm>> -> memref<128x1x32xf32, #tpu.memory_space<hbm>>
    %dma_wait3A_1017 = tpu.memref_squeeze %dma_wait3A_1016 : memref<128x1x32xf32, #tpu.memory_space<hbm>> -> memref<128x32xf32, #tpu.memory_space<hbm>>
    %dma_wait3A_1018 = arith.constant 0 : i32
    %dma_wait3A_1019 = tpu.memref_slice %arg4[%mul3A_2, %dma_wait3A_1010, %dma_wait3A_1018] : memref<4096x50x32xf32, #tpu.memory_space<hbm>> -> memref<128x1x32xf32, #tpu.memory_space<hbm>>
    %dma_wait3A_1020 = tpu.memref_squeeze %dma_wait3A_1019 : memref<128x1x32xf32, #tpu.memory_space<hbm>> -> memref<128x32xf32, #tpu.memory_space<hbm>>
    %dma_wait3A_1021 = arith.constant 0 : i32
    %dma_wait3A_1022 = arith.constant 0 : i32
    %dma_wait3A_1023 = tpu.memref_slice %arg6[%dma_wait3A_1009, %dma_wait3A_1021, %dma_wait3A_1022] : memref<5x128x32xf32, #tpu.memory_space<vmem>> -> memref<1x128x32xf32, #tpu.memory_space<vmem>>
    %dma_wait3A_1024 = tpu.memref_squeeze %dma_wait3A_1023 : memref<1x128x32xf32, #tpu.memory_space<vmem>> -> memref<128x32xf32, #tpu.memory_space<vmem>>
    tpu.wait_dma2 semaphore(%arg10 : memref<!tpu.dma_semaphore, #tpu.memory_space<semaphore_mem>>) src(%dma_wait3A_1024 : memref<128x32xf32, #tpu.memory_space<vmem>>) dst(%dma_wait3A_1020 : memref<128x32xf32, #tpu.memory_space<hbm>>)
    %dma_wait3A_1025 = arith.constant 4 : i32
    %dma_wait3A_1026 = arith.constant 14 : i32
    %dma_wait3A_1027 = arith.constant 0 : i32
    %dma_wait3A_1028 = arith.constant 0 : i32
    %dma_wait3A_1029 = tpu.memref_slice %arg6[%dma_wait3A_1025, %dma_wait3A_1027, %dma_wait3A_1028] : memref<5x128x32xf32, #tpu.memory_space<vmem>> -> memref<1x128x32xf32, #tpu.memory_space<vmem>>
    %dma_wait3A_1030 = tpu.memref_squeeze %dma_wait3A_1029 : memref<1x128x32xf32, #tpu.memory_space<vmem>> -> memref<128x32xf32, #tpu.memory_space<vmem>>
    %dma_wait3A_1031 = arith.constant 0 : i32
    %dma_wait3A_1032 = tpu.memref_slice %arg4[%mul3A_2, %dma_wait3A_1026, %dma_wait3A_1031] : memref<4096x50x32xf32, #tpu.memory_space<hbm>> -> memref<128x1x32xf32, #tpu.memory_space<hbm>>
    %dma_wait3A_1033 = tpu.memref_squeeze %dma_wait3A_1032 : memref<128x1x32xf32, #tpu.memory_space<hbm>> -> memref<128x32xf32, #tpu.memory_space<hbm>>
    %dma_wait3A_1034 = arith.constant 0 : i32
    %dma_wait3A_1035 = tpu.memref_slice %arg4[%mul3A_2, %dma_wait3A_1026, %dma_wait3A_1034] : memref<4096x50x32xf32, #tpu.memory_space<hbm>> -> memref<128x1x32xf32, #tpu.memory_space<hbm>>
    %dma_wait3A_1036 = tpu.memref_squeeze %dma_wait3A_1035 : memref<128x1x32xf32, #tpu.memory_space<hbm>> -> memref<128x32xf32, #tpu.memory_space<hbm>>
    %dma_wait3A_1037 = arith.constant 0 : i32
    %dma_wait3A_1038 = arith.constant 0 : i32
    %dma_wait3A_1039 = tpu.memref_slice %arg6[%dma_wait3A_1025, %dma_wait3A_1037, %dma_wait3A_1038] : memref<5x128x32xf32, #tpu.memory_space<vmem>> -> memref<1x128x32xf32, #tpu.memory_space<vmem>>
    %dma_wait3A_1040 = tpu.memref_squeeze %dma_wait3A_1039 : memref<1x128x32xf32, #tpu.memory_space<vmem>> -> memref<128x32xf32, #tpu.memory_space<vmem>>
    tpu.wait_dma2 semaphore(%arg10 : memref<!tpu.dma_semaphore, #tpu.memory_space<semaphore_mem>>) src(%dma_wait3A_1040 : memref<128x32xf32, #tpu.memory_space<vmem>>) dst(%dma_wait3A_1036 : memref<128x32xf32, #tpu.memory_space<hbm>>)
    %dma_start3A_1041 = arith.constant 20 : i32
    %dma_start3A_1042 = arith.constant 0 : i32
    %dma_start3A_1043 = arith.constant 0 : i32
    %dma_start3A_1044 = arith.constant 0 : i32
    %dma_start3A_1045 = tpu.memref_slice %arg6[%dma_start3A_1042, %dma_start3A_1043, %dma_start3A_1044] : memref<5x128x32xf32, #tpu.memory_space<vmem>> -> memref<1x128x32xf32, #tpu.memory_space<vmem>>
    %dma_start3A_1046 = tpu.memref_squeeze %dma_start3A_1045 : memref<1x128x32xf32, #tpu.memory_space<vmem>> -> memref<128x32xf32, #tpu.memory_space<vmem>>
    %dma_start3A_1047 = arith.constant 0 : i32
    %dma_start3A_1048 = tpu.memref_slice %arg5[%dma_start3A_1041, %dma_start3A_1047] : memref<50x128xi32, #tpu.memory_space<vmem>> -> memref<1x128xi32, #tpu.memory_space<vmem>>
    %dma_start3A_1049 = tpu.memref_squeeze %dma_start3A_1048 : memref<1x128xi32, #tpu.memory_space<vmem>> -> memref<128xi32, #tpu.memory_space<vmem>>
    %dma_start3A_1050 = arith.constant 0 : i32
    %dma_start3A_1051 = arith.constant 0 : i32
    %dma_start3A_1052 = tpu.memref_slice %arg2[%dma_start3A_1050, %dma_start3A_1051] : memref<1007616x32xf32, #tpu.memory_space<hbm>> -> memref<1007616x32xf32, #tpu.memory_space<hbm>>
    tpu.enqueue_indirect_dma source(%dma_start3A_1052 : memref<1007616x32xf32, #tpu.memory_space<hbm>>) target(%dma_start3A_1046 : memref<128x32xf32, #tpu.memory_space<vmem>>) offsets(%dma_start3A_1049 : memref<128xi32, #tpu.memory_space<vmem>>) semaphore(%arg8 : memref<!tpu.dma_semaphore, #tpu.memory_space<semaphore_mem>>)
    %dma_start3A_1053 = arith.constant 21 : i32
    %dma_start3A_1054 = arith.constant 1 : i32
    %dma_start3A_1055 = arith.constant 0 : i32
    %dma_start3A_1056 = arith.constant 0 : i32
    %dma_start3A_1057 = tpu.memref_slice %arg6[%dma_start3A_1054, %dma_start3A_1055, %dma_start3A_1056] : memref<5x128x32xf32, #tpu.memory_space<vmem>> -> memref<1x128x32xf32, #tpu.memory_space<vmem>>
    %dma_start3A_1058 = tpu.memref_squeeze %dma_start3A_1057 : memref<1x128x32xf32, #tpu.memory_space<vmem>> -> memref<128x32xf32, #tpu.memory_space<vmem>>
    %dma_start3A_1059 = arith.constant 0 : i32
    %dma_start3A_1060 = tpu.memref_slice %arg5[%dma_start3A_1053, %dma_start3A_1059] : memref<50x128xi32, #tpu.memory_space<vmem>> -> memref<1x128xi32, #tpu.memory_space<vmem>>
    %dma_start3A_1061 = tpu.memref_squeeze %dma_start3A_1060 : memref<1x128xi32, #tpu.memory_space<vmem>> -> memref<128xi32, #tpu.memory_space<vmem>>
    %dma_start3A_1062 = arith.constant 0 : i32
    %dma_start3A_1063 = arith.constant 0 : i32
    %dma_start3A_1064 = tpu.memref_slice %arg2[%dma_start3A_1062, %dma_start3A_1063] : memref<1007616x32xf32, #tpu.memory_space<hbm>> -> memref<1007616x32xf32, #tpu.memory_space<hbm>>
    tpu.enqueue_indirect_dma source(%dma_start3A_1064 : memref<1007616x32xf32, #tpu.memory_space<hbm>>) target(%dma_start3A_1058 : memref<128x32xf32, #tpu.memory_space<vmem>>) offsets(%dma_start3A_1061 : memref<128xi32, #tpu.memory_space<vmem>>) semaphore(%arg8 : memref<!tpu.dma_semaphore, #tpu.memory_space<semaphore_mem>>)
    %dma_start3A_1065 = arith.constant 22 : i32
    %dma_start3A_1066 = arith.constant 2 : i32
    %dma_start3A_1067 = arith.constant 0 : i32
    %dma_start3A_1068 = arith.constant 0 : i32
    %dma_start3A_1069 = tpu.memref_slice %arg6[%dma_start3A_1066, %dma_start3A_1067, %dma_start3A_1068] : memref<5x128x32xf32, #tpu.memory_space<vmem>> -> memref<1x128x32xf32, #tpu.memory_space<vmem>>
    %dma_start3A_1070 = tpu.memref_squeeze %dma_start3A_1069 : memref<1x128x32xf32, #tpu.memory_space<vmem>> -> memref<128x32xf32, #tpu.memory_space<vmem>>
    %dma_start3A_1071 = arith.constant 0 : i32
    %dma_start3A_1072 = tpu.memref_slice %arg5[%dma_start3A_1065, %dma_start3A_1071] : memref<50x128xi32, #tpu.memory_space<vmem>> -> memref<1x128xi32, #tpu.memory_space<vmem>>
    %dma_start3A_1073 = tpu.memref_squeeze %dma_start3A_1072 : memref<1x128xi32, #tpu.memory_space<vmem>> -> memref<128xi32, #tpu.memory_space<vmem>>
    %dma_start3A_1074 = arith.constant 0 : i32
    %dma_start3A_1075 = arith.constant 0 : i32
    %dma_start3A_1076 = tpu.memref_slice %arg2[%dma_start3A_1074, %dma_start3A_1075] : memref<1007616x32xf32, #tpu.memory_space<hbm>> -> memref<1007616x32xf32, #tpu.memory_space<hbm>>
    tpu.enqueue_indirect_dma source(%dma_start3A_1076 : memref<1007616x32xf32, #tpu.memory_space<hbm>>) target(%dma_start3A_1070 : memref<128x32xf32, #tpu.memory_space<vmem>>) offsets(%dma_start3A_1073 : memref<128xi32, #tpu.memory_space<vmem>>) semaphore(%arg8 : memref<!tpu.dma_semaphore, #tpu.memory_space<semaphore_mem>>)
    %dma_start3A_1077 = arith.constant 23 : i32
    %dma_start3A_1078 = arith.constant 3 : i32
    %dma_start3A_1079 = arith.constant 0 : i32
    %dma_start3A_1080 = arith.constant 0 : i32
    %dma_start3A_1081 = tpu.memref_slice %arg6[%dma_start3A_1078, %dma_start3A_1079, %dma_start3A_1080] : memref<5x128x32xf32, #tpu.memory_space<vmem>> -> memref<1x128x32xf32, #tpu.memory_space<vmem>>
    %dma_start3A_1082 = tpu.memref_squeeze %dma_start3A_1081 : memref<1x128x32xf32, #tpu.memory_space<vmem>> -> memref<128x32xf32, #tpu.memory_space<vmem>>
    %dma_start3A_1083 = arith.constant 0 : i32
    %dma_start3A_1084 = tpu.memref_slice %arg5[%dma_start3A_1077, %dma_start3A_1083] : memref<50x128xi32, #tpu.memory_space<vmem>> -> memref<1x128xi32, #tpu.memory_space<vmem>>
    %dma_start3A_1085 = tpu.memref_squeeze %dma_start3A_1084 : memref<1x128xi32, #tpu.memory_space<vmem>> -> memref<128xi32, #tpu.memory_space<vmem>>
    %dma_start3A_1086 = arith.constant 0 : i32
    %dma_start3A_1087 = arith.constant 0 : i32
    %dma_start3A_1088 = tpu.memref_slice %arg2[%dma_start3A_1086, %dma_start3A_1087] : memref<1007616x32xf32, #tpu.memory_space<hbm>> -> memref<1007616x32xf32, #tpu.memory_space<hbm>>
    tpu.enqueue_indirect_dma source(%dma_start3A_1088 : memref<1007616x32xf32, #tpu.memory_space<hbm>>) target(%dma_start3A_1082 : memref<128x32xf32, #tpu.memory_space<vmem>>) offsets(%dma_start3A_1085 : memref<128xi32, #tpu.memory_space<vmem>>) semaphore(%arg8 : memref<!tpu.dma_semaphore, #tpu.memory_space<semaphore_mem>>)
    %dma_start3A_1089 = arith.constant 24 : i32
    %dma_start3A_1090 = arith.constant 4 : i32
    %dma_start3A_1091 = arith.constant 0 : i32
    %dma_start3A_1092 = arith.constant 0 : i32
    %dma_start3A_1093 = tpu.memref_slice %arg6[%dma_start3A_1090, %dma_start3A_1091, %dma_start3A_1092] : memref<5x128x32xf32, #tpu.memory_space<vmem>> -> memref<1x128x32xf32, #tpu.memory_space<vmem>>
    %dma_start3A_1094 = tpu.memref_squeeze %dma_start3A_1093 : memref<1x128x32xf32, #tpu.memory_space<vmem>> -> memref<128x32xf32, #tpu.memory_space<vmem>>
    %dma_start3A_1095 = arith.constant 0 : i32
    %dma_start3A_1096 = tpu.memref_slice %arg5[%dma_start3A_1089, %dma_start3A_1095] : memref<50x128xi32, #tpu.memory_space<vmem>> -> memref<1x128xi32, #tpu.memory_space<vmem>>
    %dma_start3A_1097 = tpu.memref_squeeze %dma_start3A_1096 : memref<1x128xi32, #tpu.memory_space<vmem>> -> memref<128xi32, #tpu.memory_space<vmem>>
    %dma_start3A_1098 = arith.constant 0 : i32
    %dma_start3A_1099 = arith.constant 0 : i32
    %dma_start3A_1100 = tpu.memref_slice %arg2[%dma_start3A_1098, %dma_start3A_1099] : memref<1007616x32xf32, #tpu.memory_space<hbm>> -> memref<1007616x32xf32, #tpu.memory_space<hbm>>
    tpu.enqueue_indirect_dma source(%dma_start3A_1100 : memref<1007616x32xf32, #tpu.memory_space<hbm>>) target(%dma_start3A_1094 : memref<128x32xf32, #tpu.memory_space<vmem>>) offsets(%dma_start3A_1097 : memref<128xi32, #tpu.memory_space<vmem>>) semaphore(%arg8 : memref<!tpu.dma_semaphore, #tpu.memory_space<semaphore_mem>>)
    %dma_wait3A_1101 = arith.constant 20 : i32
    %dma_wait3A_1102 = arith.constant 0 : i32
    %dma_wait3A_1103 = arith.constant 0 : i32
    %dma_wait3A_1104 = arith.constant 0 : i32
    %dma_wait3A_1105 = tpu.memref_slice %arg6[%dma_wait3A_1102, %dma_wait3A_1103, %dma_wait3A_1104] : memref<5x128x32xf32, #tpu.memory_space<vmem>> -> memref<1x128x32xf32, #tpu.memory_space<vmem>>
    %dma_wait3A_1106 = tpu.memref_squeeze %dma_wait3A_1105 : memref<1x128x32xf32, #tpu.memory_space<vmem>> -> memref<128x32xf32, #tpu.memory_space<vmem>>
    %dma_wait3A_1107 = arith.constant 0 : i32
    %dma_wait3A_1108 = tpu.memref_slice %arg5[%dma_wait3A_1101, %dma_wait3A_1107] : memref<50x128xi32, #tpu.memory_space<vmem>> -> memref<1x128xi32, #tpu.memory_space<vmem>>
    %dma_wait3A_1109 = tpu.memref_squeeze %dma_wait3A_1108 : memref<1x128xi32, #tpu.memory_space<vmem>> -> memref<128xi32, #tpu.memory_space<vmem>>
    %dma_wait3A_1110 = arith.constant 0 : i32
    %dma_wait3A_1111 = arith.constant 0 : i32
    %dma_wait3A_1112 = tpu.memref_slice %arg2[%dma_wait3A_1110, %dma_wait3A_1111] : memref<1007616x32xf32, #tpu.memory_space<hbm>> -> memref<1007616x32xf32, #tpu.memory_space<hbm>>
    tpu.wait_indirect_dma semaphore(%arg8 : memref<!tpu.dma_semaphore, #tpu.memory_space<semaphore_mem>>) src(%dma_wait3A_1112 : memref<1007616x32xf32, #tpu.memory_space<hbm>>) dst(%dma_wait3A_1106 : memref<128x32xf32, #tpu.memory_space<vmem>>)
    %dma_start3A_1113 = arith.constant 0 : i32
    %dma_start3A_1114 = arith.constant 20 : i32
    %dma_start3A_1115 = arith.constant 0 : i32
    %dma_start3A_1116 = arith.constant 0 : i32
    %dma_start3A_1117 = tpu.memref_slice %arg6[%dma_start3A_1113, %dma_start3A_1115, %dma_start3A_1116] : memref<5x128x32xf32, #tpu.memory_space<vmem>> -> memref<1x128x32xf32, #tpu.memory_space<vmem>>
    %dma_start3A_1118 = tpu.memref_squeeze %dma_start3A_1117 : memref<1x128x32xf32, #tpu.memory_space<vmem>> -> memref<128x32xf32, #tpu.memory_space<vmem>>
    %dma_start3A_1119 = arith.constant 0 : i32
    %dma_start3A_1120 = tpu.memref_slice %arg4[%mul3A_2, %dma_start3A_1114, %dma_start3A_1119] : memref<4096x50x32xf32, #tpu.memory_space<hbm>> -> memref<128x1x32xf32, #tpu.memory_space<hbm>>
    %dma_start3A_1121 = tpu.memref_squeeze %dma_start3A_1120 : memref<128x1x32xf32, #tpu.memory_space<hbm>> -> memref<128x32xf32, #tpu.memory_space<hbm>>
    %dma_start3A_1122 = arith.constant 0 : i32
    %dma_start3A_1123 = tpu.memref_slice %arg4[%mul3A_2, %dma_start3A_1114, %dma_start3A_1122] : memref<4096x50x32xf32, #tpu.memory_space<hbm>> -> memref<128x1x32xf32, #tpu.memory_space<hbm>>
    %dma_start3A_1124 = tpu.memref_squeeze %dma_start3A_1123 : memref<128x1x32xf32, #tpu.memory_space<hbm>> -> memref<128x32xf32, #tpu.memory_space<hbm>>
    %dma_start3A_1125 = arith.constant 0 : i32
    %dma_start3A_1126 = arith.constant 0 : i32
    %dma_start3A_1127 = tpu.memref_slice %arg6[%dma_start3A_1113, %dma_start3A_1125, %dma_start3A_1126] : memref<5x128x32xf32, #tpu.memory_space<vmem>> -> memref<1x128x32xf32, #tpu.memory_space<vmem>>
    %dma_start3A_1128 = tpu.memref_squeeze %dma_start3A_1127 : memref<1x128x32xf32, #tpu.memory_space<vmem>> -> memref<128x32xf32, #tpu.memory_space<vmem>>
    tpu.enqueue_dma source(%dma_start3A_1128 : memref<128x32xf32, #tpu.memory_space<vmem>>) target(%dma_start3A_1124 : memref<128x32xf32, #tpu.memory_space<hbm>>) target_semaphore(%arg10 : memref<!tpu.dma_semaphore, #tpu.memory_space<semaphore_mem>>)
    %dma_wait3A_1129 = arith.constant 21 : i32
    %dma_wait3A_1130 = arith.constant 1 : i32
    %dma_wait3A_1131 = arith.constant 0 : i32
    %dma_wait3A_1132 = arith.constant 0 : i32
    %dma_wait3A_1133 = tpu.memref_slice %arg6[%dma_wait3A_1130, %dma_wait3A_1131, %dma_wait3A_1132] : memref<5x128x32xf32, #tpu.memory_space<vmem>> -> memref<1x128x32xf32, #tpu.memory_space<vmem>>
    %dma_wait3A_1134 = tpu.memref_squeeze %dma_wait3A_1133 : memref<1x128x32xf32, #tpu.memory_space<vmem>> -> memref<128x32xf32, #tpu.memory_space<vmem>>
    %dma_wait3A_1135 = arith.constant 0 : i32
    %dma_wait3A_1136 = tpu.memref_slice %arg5[%dma_wait3A_1129, %dma_wait3A_1135] : memref<50x128xi32, #tpu.memory_space<vmem>> -> memref<1x128xi32, #tpu.memory_space<vmem>>
    %dma_wait3A_1137 = tpu.memref_squeeze %dma_wait3A_1136 : memref<1x128xi32, #tpu.memory_space<vmem>> -> memref<128xi32, #tpu.memory_space<vmem>>
    %dma_wait3A_1138 = arith.constant 0 : i32
    %dma_wait3A_1139 = arith.constant 0 : i32
    %dma_wait3A_1140 = tpu.memref_slice %arg2[%dma_wait3A_1138, %dma_wait3A_1139] : memref<1007616x32xf32, #tpu.memory_space<hbm>> -> memref<1007616x32xf32, #tpu.memory_space<hbm>>
    tpu.wait_indirect_dma semaphore(%arg8 : memref<!tpu.dma_semaphore, #tpu.memory_space<semaphore_mem>>) src(%dma_wait3A_1140 : memref<1007616x32xf32, #tpu.memory_space<hbm>>) dst(%dma_wait3A_1134 : memref<128x32xf32, #tpu.memory_space<vmem>>)
    %dma_start3A_1141 = arith.constant 1 : i32
    %dma_start3A_1142 = arith.constant 21 : i32
    %dma_start3A_1143 = arith.constant 0 : i32
    %dma_start3A_1144 = arith.constant 0 : i32
    %dma_start3A_1145 = tpu.memref_slice %arg6[%dma_start3A_1141, %dma_start3A_1143, %dma_start3A_1144] : memref<5x128x32xf32, #tpu.memory_space<vmem>> -> memref<1x128x32xf32, #tpu.memory_space<vmem>>
    %dma_start3A_1146 = tpu.memref_squeeze %dma_start3A_1145 : memref<1x128x32xf32, #tpu.memory_space<vmem>> -> memref<128x32xf32, #tpu.memory_space<vmem>>
    %dma_start3A_1147 = arith.constant 0 : i32
    %dma_start3A_1148 = tpu.memref_slice %arg4[%mul3A_2, %dma_start3A_1142, %dma_start3A_1147] : memref<4096x50x32xf32, #tpu.memory_space<hbm>> -> memref<128x1x32xf32, #tpu.memory_space<hbm>>
    %dma_start3A_1149 = tpu.memref_squeeze %dma_start3A_1148 : memref<128x1x32xf32, #tpu.memory_space<hbm>> -> memref<128x32xf32, #tpu.memory_space<hbm>>
    %dma_start3A_1150 = arith.constant 0 : i32
    %dma_start3A_1151 = tpu.memref_slice %arg4[%mul3A_2, %dma_start3A_1142, %dma_start3A_1150] : memref<4096x50x32xf32, #tpu.memory_space<hbm>> -> memref<128x1x32xf32, #tpu.memory_space<hbm>>
    %dma_start3A_1152 = tpu.memref_squeeze %dma_start3A_1151 : memref<128x1x32xf32, #tpu.memory_space<hbm>> -> memref<128x32xf32, #tpu.memory_space<hbm>>
    %dma_start3A_1153 = arith.constant 0 : i32
    %dma_start3A_1154 = arith.constant 0 : i32
    %dma_start3A_1155 = tpu.memref_slice %arg6[%dma_start3A_1141, %dma_start3A_1153, %dma_start3A_1154] : memref<5x128x32xf32, #tpu.memory_space<vmem>> -> memref<1x128x32xf32, #tpu.memory_space<vmem>>
    %dma_start3A_1156 = tpu.memref_squeeze %dma_start3A_1155 : memref<1x128x32xf32, #tpu.memory_space<vmem>> -> memref<128x32xf32, #tpu.memory_space<vmem>>
    tpu.enqueue_dma source(%dma_start3A_1156 : memref<128x32xf32, #tpu.memory_space<vmem>>) target(%dma_start3A_1152 : memref<128x32xf32, #tpu.memory_space<hbm>>) target_semaphore(%arg10 : memref<!tpu.dma_semaphore, #tpu.memory_space<semaphore_mem>>)
    %dma_wait3A_1157 = arith.constant 22 : i32
    %dma_wait3A_1158 = arith.constant 2 : i32
    %dma_wait3A_1159 = arith.constant 0 : i32
    %dma_wait3A_1160 = arith.constant 0 : i32
    %dma_wait3A_1161 = tpu.memref_slice %arg6[%dma_wait3A_1158, %dma_wait3A_1159, %dma_wait3A_1160] : memref<5x128x32xf32, #tpu.memory_space<vmem>> -> memref<1x128x32xf32, #tpu.memory_space<vmem>>
    %dma_wait3A_1162 = tpu.memref_squeeze %dma_wait3A_1161 : memref<1x128x32xf32, #tpu.memory_space<vmem>> -> memref<128x32xf32, #tpu.memory_space<vmem>>
    %dma_wait3A_1163 = arith.constant 0 : i32
    %dma_wait3A_1164 = tpu.memref_slice %arg5[%dma_wait3A_1157, %dma_wait3A_1163] : memref<50x128xi32, #tpu.memory_space<vmem>> -> memref<1x128xi32, #tpu.memory_space<vmem>>
    %dma_wait3A_1165 = tpu.memref_squeeze %dma_wait3A_1164 : memref<1x128xi32, #tpu.memory_space<vmem>> -> memref<128xi32, #tpu.memory_space<vmem>>
    %dma_wait3A_1166 = arith.constant 0 : i32
    %dma_wait3A_1167 = arith.constant 0 : i32
    %dma_wait3A_1168 = tpu.memref_slice %arg2[%dma_wait3A_1166, %dma_wait3A_1167] : memref<1007616x32xf32, #tpu.memory_space<hbm>> -> memref<1007616x32xf32, #tpu.memory_space<hbm>>
    tpu.wait_indirect_dma semaphore(%arg8 : memref<!tpu.dma_semaphore, #tpu.memory_space<semaphore_mem>>) src(%dma_wait3A_1168 : memref<1007616x32xf32, #tpu.memory_space<hbm>>) dst(%dma_wait3A_1162 : memref<128x32xf32, #tpu.memory_space<vmem>>)
    %dma_start3A_1169 = arith.constant 2 : i32
    %dma_start3A_1170 = arith.constant 22 : i32
    %dma_start3A_1171 = arith.constant 0 : i32
    %dma_start3A_1172 = arith.constant 0 : i32
    %dma_start3A_1173 = tpu.memref_slice %arg6[%dma_start3A_1169, %dma_start3A_1171, %dma_start3A_1172] : memref<5x128x32xf32, #tpu.memory_space<vmem>> -> memref<1x128x32xf32, #tpu.memory_space<vmem>>
    %dma_start3A_1174 = tpu.memref_squeeze %dma_start3A_1173 : memref<1x128x32xf32, #tpu.memory_space<vmem>> -> memref<128x32xf32, #tpu.memory_space<vmem>>
    %dma_start3A_1175 = arith.constant 0 : i32
    %dma_start3A_1176 = tpu.memref_slice %arg4[%mul3A_2, %dma_start3A_1170, %dma_start3A_1175] : memref<4096x50x32xf32, #tpu.memory_space<hbm>> -> memref<128x1x32xf32, #tpu.memory_space<hbm>>
    %dma_start3A_1177 = tpu.memref_squeeze %dma_start3A_1176 : memref<128x1x32xf32, #tpu.memory_space<hbm>> -> memref<128x32xf32, #tpu.memory_space<hbm>>
    %dma_start3A_1178 = arith.constant 0 : i32
    %dma_start3A_1179 = tpu.memref_slice %arg4[%mul3A_2, %dma_start3A_1170, %dma_start3A_1178] : memref<4096x50x32xf32, #tpu.memory_space<hbm>> -> memref<128x1x32xf32, #tpu.memory_space<hbm>>
    %dma_start3A_1180 = tpu.memref_squeeze %dma_start3A_1179 : memref<128x1x32xf32, #tpu.memory_space<hbm>> -> memref<128x32xf32, #tpu.memory_space<hbm>>
    %dma_start3A_1181 = arith.constant 0 : i32
    %dma_start3A_1182 = arith.constant 0 : i32
    %dma_start3A_1183 = tpu.memref_slice %arg6[%dma_start3A_1169, %dma_start3A_1181, %dma_start3A_1182] : memref<5x128x32xf32, #tpu.memory_space<vmem>> -> memref<1x128x32xf32, #tpu.memory_space<vmem>>
    %dma_start3A_1184 = tpu.memref_squeeze %dma_start3A_1183 : memref<1x128x32xf32, #tpu.memory_space<vmem>> -> memref<128x32xf32, #tpu.memory_space<vmem>>
    tpu.enqueue_dma source(%dma_start3A_1184 : memref<128x32xf32, #tpu.memory_space<vmem>>) target(%dma_start3A_1180 : memref<128x32xf32, #tpu.memory_space<hbm>>) target_semaphore(%arg10 : memref<!tpu.dma_semaphore, #tpu.memory_space<semaphore_mem>>)
    %dma_wait3A_1185 = arith.constant 23 : i32
    %dma_wait3A_1186 = arith.constant 3 : i32
    %dma_wait3A_1187 = arith.constant 0 : i32
    %dma_wait3A_1188 = arith.constant 0 : i32
    %dma_wait3A_1189 = tpu.memref_slice %arg6[%dma_wait3A_1186, %dma_wait3A_1187, %dma_wait3A_1188] : memref<5x128x32xf32, #tpu.memory_space<vmem>> -> memref<1x128x32xf32, #tpu.memory_space<vmem>>
    %dma_wait3A_1190 = tpu.memref_squeeze %dma_wait3A_1189 : memref<1x128x32xf32, #tpu.memory_space<vmem>> -> memref<128x32xf32, #tpu.memory_space<vmem>>
    %dma_wait3A_1191 = arith.constant 0 : i32
    %dma_wait3A_1192 = tpu.memref_slice %arg5[%dma_wait3A_1185, %dma_wait3A_1191] : memref<50x128xi32, #tpu.memory_space<vmem>> -> memref<1x128xi32, #tpu.memory_space<vmem>>
    %dma_wait3A_1193 = tpu.memref_squeeze %dma_wait3A_1192 : memref<1x128xi32, #tpu.memory_space<vmem>> -> memref<128xi32, #tpu.memory_space<vmem>>
    %dma_wait3A_1194 = arith.constant 0 : i32
    %dma_wait3A_1195 = arith.constant 0 : i32
    %dma_wait3A_1196 = tpu.memref_slice %arg2[%dma_wait3A_1194, %dma_wait3A_1195] : memref<1007616x32xf32, #tpu.memory_space<hbm>> -> memref<1007616x32xf32, #tpu.memory_space<hbm>>
    tpu.wait_indirect_dma semaphore(%arg8 : memref<!tpu.dma_semaphore, #tpu.memory_space<semaphore_mem>>) src(%dma_wait3A_1196 : memref<1007616x32xf32, #tpu.memory_space<hbm>>) dst(%dma_wait3A_1190 : memref<128x32xf32, #tpu.memory_space<vmem>>)
    %dma_start3A_1197 = arith.constant 3 : i32
    %dma_start3A_1198 = arith.constant 23 : i32
    %dma_start3A_1199 = arith.constant 0 : i32
    %dma_start3A_1200 = arith.constant 0 : i32
    %dma_start3A_1201 = tpu.memref_slice %arg6[%dma_start3A_1197, %dma_start3A_1199, %dma_start3A_1200] : memref<5x128x32xf32, #tpu.memory_space<vmem>> -> memref<1x128x32xf32, #tpu.memory_space<vmem>>
    %dma_start3A_1202 = tpu.memref_squeeze %dma_start3A_1201 : memref<1x128x32xf32, #tpu.memory_space<vmem>> -> memref<128x32xf32, #tpu.memory_space<vmem>>
    %dma_start3A_1203 = arith.constant 0 : i32
    %dma_start3A_1204 = tpu.memref_slice %arg4[%mul3A_2, %dma_start3A_1198, %dma_start3A_1203] : memref<4096x50x32xf32, #tpu.memory_space<hbm>> -> memref<128x1x32xf32, #tpu.memory_space<hbm>>
    %dma_start3A_1205 = tpu.memref_squeeze %dma_start3A_1204 : memref<128x1x32xf32, #tpu.memory_space<hbm>> -> memref<128x32xf32, #tpu.memory_space<hbm>>
    %dma_start3A_1206 = arith.constant 0 : i32
    %dma_start3A_1207 = tpu.memref_slice %arg4[%mul3A_2, %dma_start3A_1198, %dma_start3A_1206] : memref<4096x50x32xf32, #tpu.memory_space<hbm>> -> memref<128x1x32xf32, #tpu.memory_space<hbm>>
    %dma_start3A_1208 = tpu.memref_squeeze %dma_start3A_1207 : memref<128x1x32xf32, #tpu.memory_space<hbm>> -> memref<128x32xf32, #tpu.memory_space<hbm>>
    %dma_start3A_1209 = arith.constant 0 : i32
    %dma_start3A_1210 = arith.constant 0 : i32
    %dma_start3A_1211 = tpu.memref_slice %arg6[%dma_start3A_1197, %dma_start3A_1209, %dma_start3A_1210] : memref<5x128x32xf32, #tpu.memory_space<vmem>> -> memref<1x128x32xf32, #tpu.memory_space<vmem>>
    %dma_start3A_1212 = tpu.memref_squeeze %dma_start3A_1211 : memref<1x128x32xf32, #tpu.memory_space<vmem>> -> memref<128x32xf32, #tpu.memory_space<vmem>>
    tpu.enqueue_dma source(%dma_start3A_1212 : memref<128x32xf32, #tpu.memory_space<vmem>>) target(%dma_start3A_1208 : memref<128x32xf32, #tpu.memory_space<hbm>>) target_semaphore(%arg10 : memref<!tpu.dma_semaphore, #tpu.memory_space<semaphore_mem>>)
    %dma_wait3A_1213 = arith.constant 24 : i32
    %dma_wait3A_1214 = arith.constant 4 : i32
    %dma_wait3A_1215 = arith.constant 0 : i32
    %dma_wait3A_1216 = arith.constant 0 : i32
    %dma_wait3A_1217 = tpu.memref_slice %arg6[%dma_wait3A_1214, %dma_wait3A_1215, %dma_wait3A_1216] : memref<5x128x32xf32, #tpu.memory_space<vmem>> -> memref<1x128x32xf32, #tpu.memory_space<vmem>>
    %dma_wait3A_1218 = tpu.memref_squeeze %dma_wait3A_1217 : memref<1x128x32xf32, #tpu.memory_space<vmem>> -> memref<128x32xf32, #tpu.memory_space<vmem>>
    %dma_wait3A_1219 = arith.constant 0 : i32
    %dma_wait3A_1220 = tpu.memref_slice %arg5[%dma_wait3A_1213, %dma_wait3A_1219] : memref<50x128xi32, #tpu.memory_space<vmem>> -> memref<1x128xi32, #tpu.memory_space<vmem>>
    %dma_wait3A_1221 = tpu.memref_squeeze %dma_wait3A_1220 : memref<1x128xi32, #tpu.memory_space<vmem>> -> memref<128xi32, #tpu.memory_space<vmem>>
    %dma_wait3A_1222 = arith.constant 0 : i32
    %dma_wait3A_1223 = arith.constant 0 : i32
    %dma_wait3A_1224 = tpu.memref_slice %arg2[%dma_wait3A_1222, %dma_wait3A_1223] : memref<1007616x32xf32, #tpu.memory_space<hbm>> -> memref<1007616x32xf32, #tpu.memory_space<hbm>>
    tpu.wait_indirect_dma semaphore(%arg8 : memref<!tpu.dma_semaphore, #tpu.memory_space<semaphore_mem>>) src(%dma_wait3A_1224 : memref<1007616x32xf32, #tpu.memory_space<hbm>>) dst(%dma_wait3A_1218 : memref<128x32xf32, #tpu.memory_space<vmem>>)
    %dma_start3A_1225 = arith.constant 4 : i32
    %dma_start3A_1226 = arith.constant 24 : i32
    %dma_start3A_1227 = arith.constant 0 : i32
    %dma_start3A_1228 = arith.constant 0 : i32
    %dma_start3A_1229 = tpu.memref_slice %arg6[%dma_start3A_1225, %dma_start3A_1227, %dma_start3A_1228] : memref<5x128x32xf32, #tpu.memory_space<vmem>> -> memref<1x128x32xf32, #tpu.memory_space<vmem>>
    %dma_start3A_1230 = tpu.memref_squeeze %dma_start3A_1229 : memref<1x128x32xf32, #tpu.memory_space<vmem>> -> memref<128x32xf32, #tpu.memory_space<vmem>>
    %dma_start3A_1231 = arith.constant 0 : i32
    %dma_start3A_1232 = tpu.memref_slice %arg4[%mul3A_2, %dma_start3A_1226, %dma_start3A_1231] : memref<4096x50x32xf32, #tpu.memory_space<hbm>> -> memref<128x1x32xf32, #tpu.memory_space<hbm>>
    %dma_start3A_1233 = tpu.memref_squeeze %dma_start3A_1232 : memref<128x1x32xf32, #tpu.memory_space<hbm>> -> memref<128x32xf32, #tpu.memory_space<hbm>>
    %dma_start3A_1234 = arith.constant 0 : i32
    %dma_start3A_1235 = tpu.memref_slice %arg4[%mul3A_2, %dma_start3A_1226, %dma_start3A_1234] : memref<4096x50x32xf32, #tpu.memory_space<hbm>> -> memref<128x1x32xf32, #tpu.memory_space<hbm>>
    %dma_start3A_1236 = tpu.memref_squeeze %dma_start3A_1235 : memref<128x1x32xf32, #tpu.memory_space<hbm>> -> memref<128x32xf32, #tpu.memory_space<hbm>>
    %dma_start3A_1237 = arith.constant 0 : i32
    %dma_start3A_1238 = arith.constant 0 : i32
    %dma_start3A_1239 = tpu.memref_slice %arg6[%dma_start3A_1225, %dma_start3A_1237, %dma_start3A_1238] : memref<5x128x32xf32, #tpu.memory_space<vmem>> -> memref<1x128x32xf32, #tpu.memory_space<vmem>>
    %dma_start3A_1240 = tpu.memref_squeeze %dma_start3A_1239 : memref<1x128x32xf32, #tpu.memory_space<vmem>> -> memref<128x32xf32, #tpu.memory_space<vmem>>
    tpu.enqueue_dma source(%dma_start3A_1240 : memref<128x32xf32, #tpu.memory_space<vmem>>) target(%dma_start3A_1236 : memref<128x32xf32, #tpu.memory_space<hbm>>) target_semaphore(%arg10 : memref<!tpu.dma_semaphore, #tpu.memory_space<semaphore_mem>>)
    %dma_wait3A_1241 = arith.constant 0 : i32
    %dma_wait3A_1242 = arith.constant 15 : i32
    %dma_wait3A_1243 = arith.constant 0 : i32
    %dma_wait3A_1244 = arith.constant 0 : i32
    %dma_wait3A_1245 = tpu.memref_slice %arg7[%dma_wait3A_1241, %dma_wait3A_1243, %dma_wait3A_1244] : memref<5x128x32xf32, #tpu.memory_space<vmem>> -> memref<1x128x32xf32, #tpu.memory_space<vmem>>
    %dma_wait3A_1246 = tpu.memref_squeeze %dma_wait3A_1245 : memref<1x128x32xf32, #tpu.memory_space<vmem>> -> memref<128x32xf32, #tpu.memory_space<vmem>>
    %dma_wait3A_1247 = arith.constant 0 : i32
    %dma_wait3A_1248 = tpu.memref_slice %arg4[%mul3A_2, %dma_wait3A_1242, %dma_wait3A_1247] : memref<4096x50x32xf32, #tpu.memory_space<hbm>> -> memref<128x1x32xf32, #tpu.memory_space<hbm>>
    %dma_wait3A_1249 = tpu.memref_squeeze %dma_wait3A_1248 : memref<128x1x32xf32, #tpu.memory_space<hbm>> -> memref<128x32xf32, #tpu.memory_space<hbm>>
    %dma_wait3A_1250 = arith.constant 0 : i32
    %dma_wait3A_1251 = tpu.memref_slice %arg4[%mul3A_2, %dma_wait3A_1242, %dma_wait3A_1250] : memref<4096x50x32xf32, #tpu.memory_space<hbm>> -> memref<128x1x32xf32, #tpu.memory_space<hbm>>
    %dma_wait3A_1252 = tpu.memref_squeeze %dma_wait3A_1251 : memref<128x1x32xf32, #tpu.memory_space<hbm>> -> memref<128x32xf32, #tpu.memory_space<hbm>>
    %dma_wait3A_1253 = arith.constant 0 : i32
    %dma_wait3A_1254 = arith.constant 0 : i32
    %dma_wait3A_1255 = tpu.memref_slice %arg7[%dma_wait3A_1241, %dma_wait3A_1253, %dma_wait3A_1254] : memref<5x128x32xf32, #tpu.memory_space<vmem>> -> memref<1x128x32xf32, #tpu.memory_space<vmem>>
    %dma_wait3A_1256 = tpu.memref_squeeze %dma_wait3A_1255 : memref<1x128x32xf32, #tpu.memory_space<vmem>> -> memref<128x32xf32, #tpu.memory_space<vmem>>
    tpu.wait_dma2 semaphore(%arg11 : memref<!tpu.dma_semaphore, #tpu.memory_space<semaphore_mem>>) src(%dma_wait3A_1256 : memref<128x32xf32, #tpu.memory_space<vmem>>) dst(%dma_wait3A_1252 : memref<128x32xf32, #tpu.memory_space<hbm>>)
    %dma_wait3A_1257 = arith.constant 1 : i32
    %dma_wait3A_1258 = arith.constant 16 : i32
    %dma_wait3A_1259 = arith.constant 0 : i32
    %dma_wait3A_1260 = arith.constant 0 : i32
    %dma_wait3A_1261 = tpu.memref_slice %arg7[%dma_wait3A_1257, %dma_wait3A_1259, %dma_wait3A_1260] : memref<5x128x32xf32, #tpu.memory_space<vmem>> -> memref<1x128x32xf32, #tpu.memory_space<vmem>>
    %dma_wait3A_1262 = tpu.memref_squeeze %dma_wait3A_1261 : memref<1x128x32xf32, #tpu.memory_space<vmem>> -> memref<128x32xf32, #tpu.memory_space<vmem>>
    %dma_wait3A_1263 = arith.constant 0 : i32
    %dma_wait3A_1264 = tpu.memref_slice %arg4[%mul3A_2, %dma_wait3A_1258, %dma_wait3A_1263] : memref<4096x50x32xf32, #tpu.memory_space<hbm>> -> memref<128x1x32xf32, #tpu.memory_space<hbm>>
    %dma_wait3A_1265 = tpu.memref_squeeze %dma_wait3A_1264 : memref<128x1x32xf32, #tpu.memory_space<hbm>> -> memref<128x32xf32, #tpu.memory_space<hbm>>
    %dma_wait3A_1266 = arith.constant 0 : i32
    %dma_wait3A_1267 = tpu.memref_slice %arg4[%mul3A_2, %dma_wait3A_1258, %dma_wait3A_1266] : memref<4096x50x32xf32, #tpu.memory_space<hbm>> -> memref<128x1x32xf32, #tpu.memory_space<hbm>>
    %dma_wait3A_1268 = tpu.memref_squeeze %dma_wait3A_1267 : memref<128x1x32xf32, #tpu.memory_space<hbm>> -> memref<128x32xf32, #tpu.memory_space<hbm>>
    %dma_wait3A_1269 = arith.constant 0 : i32
    %dma_wait3A_1270 = arith.constant 0 : i32
    %dma_wait3A_1271 = tpu.memref_slice %arg7[%dma_wait3A_1257, %dma_wait3A_1269, %dma_wait3A_1270] : memref<5x128x32xf32, #tpu.memory_space<vmem>> -> memref<1x128x32xf32, #tpu.memory_space<vmem>>
    %dma_wait3A_1272 = tpu.memref_squeeze %dma_wait3A_1271 : memref<1x128x32xf32, #tpu.memory_space<vmem>> -> memref<128x32xf32, #tpu.memory_space<vmem>>
    tpu.wait_dma2 semaphore(%arg11 : memref<!tpu.dma_semaphore, #tpu.memory_space<semaphore_mem>>) src(%dma_wait3A_1272 : memref<128x32xf32, #tpu.memory_space<vmem>>) dst(%dma_wait3A_1268 : memref<128x32xf32, #tpu.memory_space<hbm>>)
    %dma_wait3A_1273 = arith.constant 2 : i32
    %dma_wait3A_1274 = arith.constant 17 : i32
    %dma_wait3A_1275 = arith.constant 0 : i32
    %dma_wait3A_1276 = arith.constant 0 : i32
    %dma_wait3A_1277 = tpu.memref_slice %arg7[%dma_wait3A_1273, %dma_wait3A_1275, %dma_wait3A_1276] : memref<5x128x32xf32, #tpu.memory_space<vmem>> -> memref<1x128x32xf32, #tpu.memory_space<vmem>>
    %dma_wait3A_1278 = tpu.memref_squeeze %dma_wait3A_1277 : memref<1x128x32xf32, #tpu.memory_space<vmem>> -> memref<128x32xf32, #tpu.memory_space<vmem>>
    %dma_wait3A_1279 = arith.constant 0 : i32
    %dma_wait3A_1280 = tpu.memref_slice %arg4[%mul3A_2, %dma_wait3A_1274, %dma_wait3A_1279] : memref<4096x50x32xf32, #tpu.memory_space<hbm>> -> memref<128x1x32xf32, #tpu.memory_space<hbm>>
    %dma_wait3A_1281 = tpu.memref_squeeze %dma_wait3A_1280 : memref<128x1x32xf32, #tpu.memory_space<hbm>> -> memref<128x32xf32, #tpu.memory_space<hbm>>
    %dma_wait3A_1282 = arith.constant 0 : i32
    %dma_wait3A_1283 = tpu.memref_slice %arg4[%mul3A_2, %dma_wait3A_1274, %dma_wait3A_1282] : memref<4096x50x32xf32, #tpu.memory_space<hbm>> -> memref<128x1x32xf32, #tpu.memory_space<hbm>>
    %dma_wait3A_1284 = tpu.memref_squeeze %dma_wait3A_1283 : memref<128x1x32xf32, #tpu.memory_space<hbm>> -> memref<128x32xf32, #tpu.memory_space<hbm>>
    %dma_wait3A_1285 = arith.constant 0 : i32
    %dma_wait3A_1286 = arith.constant 0 : i32
    %dma_wait3A_1287 = tpu.memref_slice %arg7[%dma_wait3A_1273, %dma_wait3A_1285, %dma_wait3A_1286] : memref<5x128x32xf32, #tpu.memory_space<vmem>> -> memref<1x128x32xf32, #tpu.memory_space<vmem>>
    %dma_wait3A_1288 = tpu.memref_squeeze %dma_wait3A_1287 : memref<1x128x32xf32, #tpu.memory_space<vmem>> -> memref<128x32xf32, #tpu.memory_space<vmem>>
    tpu.wait_dma2 semaphore(%arg11 : memref<!tpu.dma_semaphore, #tpu.memory_space<semaphore_mem>>) src(%dma_wait3A_1288 : memref<128x32xf32, #tpu.memory_space<vmem>>) dst(%dma_wait3A_1284 : memref<128x32xf32, #tpu.memory_space<hbm>>)
    %dma_wait3A_1289 = arith.constant 3 : i32
    %dma_wait3A_1290 = arith.constant 18 : i32
    %dma_wait3A_1291 = arith.constant 0 : i32
    %dma_wait3A_1292 = arith.constant 0 : i32
    %dma_wait3A_1293 = tpu.memref_slice %arg7[%dma_wait3A_1289, %dma_wait3A_1291, %dma_wait3A_1292] : memref<5x128x32xf32, #tpu.memory_space<vmem>> -> memref<1x128x32xf32, #tpu.memory_space<vmem>>
    %dma_wait3A_1294 = tpu.memref_squeeze %dma_wait3A_1293 : memref<1x128x32xf32, #tpu.memory_space<vmem>> -> memref<128x32xf32, #tpu.memory_space<vmem>>
    %dma_wait3A_1295 = arith.constant 0 : i32
    %dma_wait3A_1296 = tpu.memref_slice %arg4[%mul3A_2, %dma_wait3A_1290, %dma_wait3A_1295] : memref<4096x50x32xf32, #tpu.memory_space<hbm>> -> memref<128x1x32xf32, #tpu.memory_space<hbm>>
    %dma_wait3A_1297 = tpu.memref_squeeze %dma_wait3A_1296 : memref<128x1x32xf32, #tpu.memory_space<hbm>> -> memref<128x32xf32, #tpu.memory_space<hbm>>
    %dma_wait3A_1298 = arith.constant 0 : i32
    %dma_wait3A_1299 = tpu.memref_slice %arg4[%mul3A_2, %dma_wait3A_1290, %dma_wait3A_1298] : memref<4096x50x32xf32, #tpu.memory_space<hbm>> -> memref<128x1x32xf32, #tpu.memory_space<hbm>>
    %dma_wait3A_1300 = tpu.memref_squeeze %dma_wait3A_1299 : memref<128x1x32xf32, #tpu.memory_space<hbm>> -> memref<128x32xf32, #tpu.memory_space<hbm>>
    %dma_wait3A_1301 = arith.constant 0 : i32
    %dma_wait3A_1302 = arith.constant 0 : i32
    %dma_wait3A_1303 = tpu.memref_slice %arg7[%dma_wait3A_1289, %dma_wait3A_1301, %dma_wait3A_1302] : memref<5x128x32xf32, #tpu.memory_space<vmem>> -> memref<1x128x32xf32, #tpu.memory_space<vmem>>
    %dma_wait3A_1304 = tpu.memref_squeeze %dma_wait3A_1303 : memref<1x128x32xf32, #tpu.memory_space<vmem>> -> memref<128x32xf32, #tpu.memory_space<vmem>>
    tpu.wait_dma2 semaphore(%arg11 : memref<!tpu.dma_semaphore, #tpu.memory_space<semaphore_mem>>) src(%dma_wait3A_1304 : memref<128x32xf32, #tpu.memory_space<vmem>>) dst(%dma_wait3A_1300 : memref<128x32xf32, #tpu.memory_space<hbm>>)
    %dma_wait3A_1305 = arith.constant 4 : i32
    %dma_wait3A_1306 = arith.constant 19 : i32
    %dma_wait3A_1307 = arith.constant 0 : i32
    %dma_wait3A_1308 = arith.constant 0 : i32
    %dma_wait3A_1309 = tpu.memref_slice %arg7[%dma_wait3A_1305, %dma_wait3A_1307, %dma_wait3A_1308] : memref<5x128x32xf32, #tpu.memory_space<vmem>> -> memref<1x128x32xf32, #tpu.memory_space<vmem>>
    %dma_wait3A_1310 = tpu.memref_squeeze %dma_wait3A_1309 : memref<1x128x32xf32, #tpu.memory_space<vmem>> -> memref<128x32xf32, #tpu.memory_space<vmem>>
    %dma_wait3A_1311 = arith.constant 0 : i32
    %dma_wait3A_1312 = tpu.memref_slice %arg4[%mul3A_2, %dma_wait3A_1306, %dma_wait3A_1311] : memref<4096x50x32xf32, #tpu.memory_space<hbm>> -> memref<128x1x32xf32, #tpu.memory_space<hbm>>
    %dma_wait3A_1313 = tpu.memref_squeeze %dma_wait3A_1312 : memref<128x1x32xf32, #tpu.memory_space<hbm>> -> memref<128x32xf32, #tpu.memory_space<hbm>>
    %dma_wait3A_1314 = arith.constant 0 : i32
    %dma_wait3A_1315 = tpu.memref_slice %arg4[%mul3A_2, %dma_wait3A_1306, %dma_wait3A_1314] : memref<4096x50x32xf32, #tpu.memory_space<hbm>> -> memref<128x1x32xf32, #tpu.memory_space<hbm>>
    %dma_wait3A_1316 = tpu.memref_squeeze %dma_wait3A_1315 : memref<128x1x32xf32, #tpu.memory_space<hbm>> -> memref<128x32xf32, #tpu.memory_space<hbm>>
    %dma_wait3A_1317 = arith.constant 0 : i32
    %dma_wait3A_1318 = arith.constant 0 : i32
    %dma_wait3A_1319 = tpu.memref_slice %arg7[%dma_wait3A_1305, %dma_wait3A_1317, %dma_wait3A_1318] : memref<5x128x32xf32, #tpu.memory_space<vmem>> -> memref<1x128x32xf32, #tpu.memory_space<vmem>>
    %dma_wait3A_1320 = tpu.memref_squeeze %dma_wait3A_1319 : memref<1x128x32xf32, #tpu.memory_space<vmem>> -> memref<128x32xf32, #tpu.memory_space<vmem>>
    tpu.wait_dma2 semaphore(%arg11 : memref<!tpu.dma_semaphore, #tpu.memory_space<semaphore_mem>>) src(%dma_wait3A_1320 : memref<128x32xf32, #tpu.memory_space<vmem>>) dst(%dma_wait3A_1316 : memref<128x32xf32, #tpu.memory_space<hbm>>)
    %dma_start3A_1321 = arith.constant 25 : i32
    %dma_start3A_1322 = arith.constant 0 : i32
    %dma_start3A_1323 = arith.constant 0 : i32
    %dma_start3A_1324 = arith.constant 0 : i32
    %dma_start3A_1325 = tpu.memref_slice %arg7[%dma_start3A_1322, %dma_start3A_1323, %dma_start3A_1324] : memref<5x128x32xf32, #tpu.memory_space<vmem>> -> memref<1x128x32xf32, #tpu.memory_space<vmem>>
    %dma_start3A_1326 = tpu.memref_squeeze %dma_start3A_1325 : memref<1x128x32xf32, #tpu.memory_space<vmem>> -> memref<128x32xf32, #tpu.memory_space<vmem>>
    %dma_start3A_1327 = arith.constant 0 : i32
    %dma_start3A_1328 = tpu.memref_slice %arg5[%dma_start3A_1321, %dma_start3A_1327] : memref<50x128xi32, #tpu.memory_space<vmem>> -> memref<1x128xi32, #tpu.memory_space<vmem>>
    %dma_start3A_1329 = tpu.memref_squeeze %dma_start3A_1328 : memref<1x128xi32, #tpu.memory_space<vmem>> -> memref<128xi32, #tpu.memory_space<vmem>>
    %dma_start3A_1330 = arith.constant 0 : i32
    %dma_start3A_1331 = arith.constant 0 : i32
    %dma_start3A_1332 = tpu.memref_slice %arg2[%dma_start3A_1330, %dma_start3A_1331] : memref<1007616x32xf32, #tpu.memory_space<hbm>> -> memref<1007616x32xf32, #tpu.memory_space<hbm>>
    tpu.enqueue_indirect_dma source(%dma_start3A_1332 : memref<1007616x32xf32, #tpu.memory_space<hbm>>) target(%dma_start3A_1326 : memref<128x32xf32, #tpu.memory_space<vmem>>) offsets(%dma_start3A_1329 : memref<128xi32, #tpu.memory_space<vmem>>) semaphore(%arg9 : memref<!tpu.dma_semaphore, #tpu.memory_space<semaphore_mem>>)
    %dma_start3A_1333 = arith.constant 26 : i32
    %dma_start3A_1334 = arith.constant 1 : i32
    %dma_start3A_1335 = arith.constant 0 : i32
    %dma_start3A_1336 = arith.constant 0 : i32
    %dma_start3A_1337 = tpu.memref_slice %arg7[%dma_start3A_1334, %dma_start3A_1335, %dma_start3A_1336] : memref<5x128x32xf32, #tpu.memory_space<vmem>> -> memref<1x128x32xf32, #tpu.memory_space<vmem>>
    %dma_start3A_1338 = tpu.memref_squeeze %dma_start3A_1337 : memref<1x128x32xf32, #tpu.memory_space<vmem>> -> memref<128x32xf32, #tpu.memory_space<vmem>>
    %dma_start3A_1339 = arith.constant 0 : i32
    %dma_start3A_1340 = tpu.memref_slice %arg5[%dma_start3A_1333, %dma_start3A_1339] : memref<50x128xi32, #tpu.memory_space<vmem>> -> memref<1x128xi32, #tpu.memory_space<vmem>>
    %dma_start3A_1341 = tpu.memref_squeeze %dma_start3A_1340 : memref<1x128xi32, #tpu.memory_space<vmem>> -> memref<128xi32, #tpu.memory_space<vmem>>
    %dma_start3A_1342 = arith.constant 0 : i32
    %dma_start3A_1343 = arith.constant 0 : i32
    %dma_start3A_1344 = tpu.memref_slice %arg2[%dma_start3A_1342, %dma_start3A_1343] : memref<1007616x32xf32, #tpu.memory_space<hbm>> -> memref<1007616x32xf32, #tpu.memory_space<hbm>>
    tpu.enqueue_indirect_dma source(%dma_start3A_1344 : memref<1007616x32xf32, #tpu.memory_space<hbm>>) target(%dma_start3A_1338 : memref<128x32xf32, #tpu.memory_space<vmem>>) offsets(%dma_start3A_1341 : memref<128xi32, #tpu.memory_space<vmem>>) semaphore(%arg9 : memref<!tpu.dma_semaphore, #tpu.memory_space<semaphore_mem>>)
    %dma_start3A_1345 = arith.constant 27 : i32
    %dma_start3A_1346 = arith.constant 2 : i32
    %dma_start3A_1347 = arith.constant 0 : i32
    %dma_start3A_1348 = arith.constant 0 : i32
    %dma_start3A_1349 = tpu.memref_slice %arg7[%dma_start3A_1346, %dma_start3A_1347, %dma_start3A_1348] : memref<5x128x32xf32, #tpu.memory_space<vmem>> -> memref<1x128x32xf32, #tpu.memory_space<vmem>>
    %dma_start3A_1350 = tpu.memref_squeeze %dma_start3A_1349 : memref<1x128x32xf32, #tpu.memory_space<vmem>> -> memref<128x32xf32, #tpu.memory_space<vmem>>
    %dma_start3A_1351 = arith.constant 0 : i32
    %dma_start3A_1352 = tpu.memref_slice %arg5[%dma_start3A_1345, %dma_start3A_1351] : memref<50x128xi32, #tpu.memory_space<vmem>> -> memref<1x128xi32, #tpu.memory_space<vmem>>
    %dma_start3A_1353 = tpu.memref_squeeze %dma_start3A_1352 : memref<1x128xi32, #tpu.memory_space<vmem>> -> memref<128xi32, #tpu.memory_space<vmem>>
    %dma_start3A_1354 = arith.constant 0 : i32
    %dma_start3A_1355 = arith.constant 0 : i32
    %dma_start3A_1356 = tpu.memref_slice %arg2[%dma_start3A_1354, %dma_start3A_1355] : memref<1007616x32xf32, #tpu.memory_space<hbm>> -> memref<1007616x32xf32, #tpu.memory_space<hbm>>
    tpu.enqueue_indirect_dma source(%dma_start3A_1356 : memref<1007616x32xf32, #tpu.memory_space<hbm>>) target(%dma_start3A_1350 : memref<128x32xf32, #tpu.memory_space<vmem>>) offsets(%dma_start3A_1353 : memref<128xi32, #tpu.memory_space<vmem>>) semaphore(%arg9 : memref<!tpu.dma_semaphore, #tpu.memory_space<semaphore_mem>>)
    %dma_start3A_1357 = arith.constant 28 : i32
    %dma_start3A_1358 = arith.constant 3 : i32
    %dma_start3A_1359 = arith.constant 0 : i32
    %dma_start3A_1360 = arith.constant 0 : i32
    %dma_start3A_1361 = tpu.memref_slice %arg7[%dma_start3A_1358, %dma_start3A_1359, %dma_start3A_1360] : memref<5x128x32xf32, #tpu.memory_space<vmem>> -> memref<1x128x32xf32, #tpu.memory_space<vmem>>
    %dma_start3A_1362 = tpu.memref_squeeze %dma_start3A_1361 : memref<1x128x32xf32, #tpu.memory_space<vmem>> -> memref<128x32xf32, #tpu.memory_space<vmem>>
    %dma_start3A_1363 = arith.constant 0 : i32
    %dma_start3A_1364 = tpu.memref_slice %arg5[%dma_start3A_1357, %dma_start3A_1363] : memref<50x128xi32, #tpu.memory_space<vmem>> -> memref<1x128xi32, #tpu.memory_space<vmem>>
    %dma_start3A_1365 = tpu.memref_squeeze %dma_start3A_1364 : memref<1x128xi32, #tpu.memory_space<vmem>> -> memref<128xi32, #tpu.memory_space<vmem>>
    %dma_start3A_1366 = arith.constant 0 : i32
    %dma_start3A_1367 = arith.constant 0 : i32
    %dma_start3A_1368 = tpu.memref_slice %arg2[%dma_start3A_1366, %dma_start3A_1367] : memref<1007616x32xf32, #tpu.memory_space<hbm>> -> memref<1007616x32xf32, #tpu.memory_space<hbm>>
    tpu.enqueue_indirect_dma source(%dma_start3A_1368 : memref<1007616x32xf32, #tpu.memory_space<hbm>>) target(%dma_start3A_1362 : memref<128x32xf32, #tpu.memory_space<vmem>>) offsets(%dma_start3A_1365 : memref<128xi32, #tpu.memory_space<vmem>>) semaphore(%arg9 : memref<!tpu.dma_semaphore, #tpu.memory_space<semaphore_mem>>)
    %dma_start3A_1369 = arith.constant 29 : i32
    %dma_start3A_1370 = arith.constant 4 : i32
    %dma_start3A_1371 = arith.constant 0 : i32
    %dma_start3A_1372 = arith.constant 0 : i32
    %dma_start3A_1373 = tpu.memref_slice %arg7[%dma_start3A_1370, %dma_start3A_1371, %dma_start3A_1372] : memref<5x128x32xf32, #tpu.memory_space<vmem>> -> memref<1x128x32xf32, #tpu.memory_space<vmem>>
    %dma_start3A_1374 = tpu.memref_squeeze %dma_start3A_1373 : memref<1x128x32xf32, #tpu.memory_space<vmem>> -> memref<128x32xf32, #tpu.memory_space<vmem>>
    %dma_start3A_1375 = arith.constant 0 : i32
    %dma_start3A_1376 = tpu.memref_slice %arg5[%dma_start3A_1369, %dma_start3A_1375] : memref<50x128xi32, #tpu.memory_space<vmem>> -> memref<1x128xi32, #tpu.memory_space<vmem>>
    %dma_start3A_1377 = tpu.memref_squeeze %dma_start3A_1376 : memref<1x128xi32, #tpu.memory_space<vmem>> -> memref<128xi32, #tpu.memory_space<vmem>>
    %dma_start3A_1378 = arith.constant 0 : i32
    %dma_start3A_1379 = arith.constant 0 : i32
    %dma_start3A_1380 = tpu.memref_slice %arg2[%dma_start3A_1378, %dma_start3A_1379] : memref<1007616x32xf32, #tpu.memory_space<hbm>> -> memref<1007616x32xf32, #tpu.memory_space<hbm>>
    tpu.enqueue_indirect_dma source(%dma_start3A_1380 : memref<1007616x32xf32, #tpu.memory_space<hbm>>) target(%dma_start3A_1374 : memref<128x32xf32, #tpu.memory_space<vmem>>) offsets(%dma_start3A_1377 : memref<128xi32, #tpu.memory_space<vmem>>) semaphore(%arg9 : memref<!tpu.dma_semaphore, #tpu.memory_space<semaphore_mem>>)
    %dma_wait3A_1381 = arith.constant 25 : i32
    %dma_wait3A_1382 = arith.constant 0 : i32
    %dma_wait3A_1383 = arith.constant 0 : i32
    %dma_wait3A_1384 = arith.constant 0 : i32
    %dma_wait3A_1385 = tpu.memref_slice %arg7[%dma_wait3A_1382, %dma_wait3A_1383, %dma_wait3A_1384] : memref<5x128x32xf32, #tpu.memory_space<vmem>> -> memref<1x128x32xf32, #tpu.memory_space<vmem>>
    %dma_wait3A_1386 = tpu.memref_squeeze %dma_wait3A_1385 : memref<1x128x32xf32, #tpu.memory_space<vmem>> -> memref<128x32xf32, #tpu.memory_space<vmem>>
    %dma_wait3A_1387 = arith.constant 0 : i32
    %dma_wait3A_1388 = tpu.memref_slice %arg5[%dma_wait3A_1381, %dma_wait3A_1387] : memref<50x128xi32, #tpu.memory_space<vmem>> -> memref<1x128xi32, #tpu.memory_space<vmem>>
    %dma_wait3A_1389 = tpu.memref_squeeze %dma_wait3A_1388 : memref<1x128xi32, #tpu.memory_space<vmem>> -> memref<128xi32, #tpu.memory_space<vmem>>
    %dma_wait3A_1390 = arith.constant 0 : i32
    %dma_wait3A_1391 = arith.constant 0 : i32
    %dma_wait3A_1392 = tpu.memref_slice %arg2[%dma_wait3A_1390, %dma_wait3A_1391] : memref<1007616x32xf32, #tpu.memory_space<hbm>> -> memref<1007616x32xf32, #tpu.memory_space<hbm>>
    tpu.wait_indirect_dma semaphore(%arg9 : memref<!tpu.dma_semaphore, #tpu.memory_space<semaphore_mem>>) src(%dma_wait3A_1392 : memref<1007616x32xf32, #tpu.memory_space<hbm>>) dst(%dma_wait3A_1386 : memref<128x32xf32, #tpu.memory_space<vmem>>)
    %dma_start3A_1393 = arith.constant 0 : i32
    %dma_start3A_1394 = arith.constant 25 : i32
    %dma_start3A_1395 = arith.constant 0 : i32
    %dma_start3A_1396 = arith.constant 0 : i32
    %dma_start3A_1397 = tpu.memref_slice %arg7[%dma_start3A_1393, %dma_start3A_1395, %dma_start3A_1396] : memref<5x128x32xf32, #tpu.memory_space<vmem>> -> memref<1x128x32xf32, #tpu.memory_space<vmem>>
    %dma_start3A_1398 = tpu.memref_squeeze %dma_start3A_1397 : memref<1x128x32xf32, #tpu.memory_space<vmem>> -> memref<128x32xf32, #tpu.memory_space<vmem>>
    %dma_start3A_1399 = arith.constant 0 : i32
    %dma_start3A_1400 = tpu.memref_slice %arg4[%mul3A_2, %dma_start3A_1394, %dma_start3A_1399] : memref<4096x50x32xf32, #tpu.memory_space<hbm>> -> memref<128x1x32xf32, #tpu.memory_space<hbm>>
    %dma_start3A_1401 = tpu.memref_squeeze %dma_start3A_1400 : memref<128x1x32xf32, #tpu.memory_space<hbm>> -> memref<128x32xf32, #tpu.memory_space<hbm>>
    %dma_start3A_1402 = arith.constant 0 : i32
    %dma_start3A_1403 = tpu.memref_slice %arg4[%mul3A_2, %dma_start3A_1394, %dma_start3A_1402] : memref<4096x50x32xf32, #tpu.memory_space<hbm>> -> memref<128x1x32xf32, #tpu.memory_space<hbm>>
    %dma_start3A_1404 = tpu.memref_squeeze %dma_start3A_1403 : memref<128x1x32xf32, #tpu.memory_space<hbm>> -> memref<128x32xf32, #tpu.memory_space<hbm>>
    %dma_start3A_1405 = arith.constant 0 : i32
    %dma_start3A_1406 = arith.constant 0 : i32
    %dma_start3A_1407 = tpu.memref_slice %arg7[%dma_start3A_1393, %dma_start3A_1405, %dma_start3A_1406] : memref<5x128x32xf32, #tpu.memory_space<vmem>> -> memref<1x128x32xf32, #tpu.memory_space<vmem>>
    %dma_start3A_1408 = tpu.memref_squeeze %dma_start3A_1407 : memref<1x128x32xf32, #tpu.memory_space<vmem>> -> memref<128x32xf32, #tpu.memory_space<vmem>>
    tpu.enqueue_dma source(%dma_start3A_1408 : memref<128x32xf32, #tpu.memory_space<vmem>>) target(%dma_start3A_1404 : memref<128x32xf32, #tpu.memory_space<hbm>>) target_semaphore(%arg11 : memref<!tpu.dma_semaphore, #tpu.memory_space<semaphore_mem>>)
    %dma_wait3A_1409 = arith.constant 26 : i32
    %dma_wait3A_1410 = arith.constant 1 : i32
    %dma_wait3A_1411 = arith.constant 0 : i32
    %dma_wait3A_1412 = arith.constant 0 : i32
    %dma_wait3A_1413 = tpu.memref_slice %arg7[%dma_wait3A_1410, %dma_wait3A_1411, %dma_wait3A_1412] : memref<5x128x32xf32, #tpu.memory_space<vmem>> -> memref<1x128x32xf32, #tpu.memory_space<vmem>>
    %dma_wait3A_1414 = tpu.memref_squeeze %dma_wait3A_1413 : memref<1x128x32xf32, #tpu.memory_space<vmem>> -> memref<128x32xf32, #tpu.memory_space<vmem>>
    %dma_wait3A_1415 = arith.constant 0 : i32
    %dma_wait3A_1416 = tpu.memref_slice %arg5[%dma_wait3A_1409, %dma_wait3A_1415] : memref<50x128xi32, #tpu.memory_space<vmem>> -> memref<1x128xi32, #tpu.memory_space<vmem>>
    %dma_wait3A_1417 = tpu.memref_squeeze %dma_wait3A_1416 : memref<1x128xi32, #tpu.memory_space<vmem>> -> memref<128xi32, #tpu.memory_space<vmem>>
    %dma_wait3A_1418 = arith.constant 0 : i32
    %dma_wait3A_1419 = arith.constant 0 : i32
    %dma_wait3A_1420 = tpu.memref_slice %arg2[%dma_wait3A_1418, %dma_wait3A_1419] : memref<1007616x32xf32, #tpu.memory_space<hbm>> -> memref<1007616x32xf32, #tpu.memory_space<hbm>>
    tpu.wait_indirect_dma semaphore(%arg9 : memref<!tpu.dma_semaphore, #tpu.memory_space<semaphore_mem>>) src(%dma_wait3A_1420 : memref<1007616x32xf32, #tpu.memory_space<hbm>>) dst(%dma_wait3A_1414 : memref<128x32xf32, #tpu.memory_space<vmem>>)
    %dma_start3A_1421 = arith.constant 1 : i32
    %dma_start3A_1422 = arith.constant 26 : i32
    %dma_start3A_1423 = arith.constant 0 : i32
    %dma_start3A_1424 = arith.constant 0 : i32
    %dma_start3A_1425 = tpu.memref_slice %arg7[%dma_start3A_1421, %dma_start3A_1423, %dma_start3A_1424] : memref<5x128x32xf32, #tpu.memory_space<vmem>> -> memref<1x128x32xf32, #tpu.memory_space<vmem>>
    %dma_start3A_1426 = tpu.memref_squeeze %dma_start3A_1425 : memref<1x128x32xf32, #tpu.memory_space<vmem>> -> memref<128x32xf32, #tpu.memory_space<vmem>>
    %dma_start3A_1427 = arith.constant 0 : i32
    %dma_start3A_1428 = tpu.memref_slice %arg4[%mul3A_2, %dma_start3A_1422, %dma_start3A_1427] : memref<4096x50x32xf32, #tpu.memory_space<hbm>> -> memref<128x1x32xf32, #tpu.memory_space<hbm>>
    %dma_start3A_1429 = tpu.memref_squeeze %dma_start3A_1428 : memref<128x1x32xf32, #tpu.memory_space<hbm>> -> memref<128x32xf32, #tpu.memory_space<hbm>>
    %dma_start3A_1430 = arith.constant 0 : i32
    %dma_start3A_1431 = tpu.memref_slice %arg4[%mul3A_2, %dma_start3A_1422, %dma_start3A_1430] : memref<4096x50x32xf32, #tpu.memory_space<hbm>> -> memref<128x1x32xf32, #tpu.memory_space<hbm>>
    %dma_start3A_1432 = tpu.memref_squeeze %dma_start3A_1431 : memref<128x1x32xf32, #tpu.memory_space<hbm>> -> memref<128x32xf32, #tpu.memory_space<hbm>>
    %dma_start3A_1433 = arith.constant 0 : i32
    %dma_start3A_1434 = arith.constant 0 : i32
    %dma_start3A_1435 = tpu.memref_slice %arg7[%dma_start3A_1421, %dma_start3A_1433, %dma_start3A_1434] : memref<5x128x32xf32, #tpu.memory_space<vmem>> -> memref<1x128x32xf32, #tpu.memory_space<vmem>>
    %dma_start3A_1436 = tpu.memref_squeeze %dma_start3A_1435 : memref<1x128x32xf32, #tpu.memory_space<vmem>> -> memref<128x32xf32, #tpu.memory_space<vmem>>
    tpu.enqueue_dma source(%dma_start3A_1436 : memref<128x32xf32, #tpu.memory_space<vmem>>) target(%dma_start3A_1432 : memref<128x32xf32, #tpu.memory_space<hbm>>) target_semaphore(%arg11 : memref<!tpu.dma_semaphore, #tpu.memory_space<semaphore_mem>>)
    %dma_wait3A_1437 = arith.constant 27 : i32
    %dma_wait3A_1438 = arith.constant 2 : i32
    %dma_wait3A_1439 = arith.constant 0 : i32
    %dma_wait3A_1440 = arith.constant 0 : i32
    %dma_wait3A_1441 = tpu.memref_slice %arg7[%dma_wait3A_1438, %dma_wait3A_1439, %dma_wait3A_1440] : memref<5x128x32xf32, #tpu.memory_space<vmem>> -> memref<1x128x32xf32, #tpu.memory_space<vmem>>
    %dma_wait3A_1442 = tpu.memref_squeeze %dma_wait3A_1441 : memref<1x128x32xf32, #tpu.memory_space<vmem>> -> memref<128x32xf32, #tpu.memory_space<vmem>>
    %dma_wait3A_1443 = arith.constant 0 : i32
    %dma_wait3A_1444 = tpu.memref_slice %arg5[%dma_wait3A_1437, %dma_wait3A_1443] : memref<50x128xi32, #tpu.memory_space<vmem>> -> memref<1x128xi32, #tpu.memory_space<vmem>>
    %dma_wait3A_1445 = tpu.memref_squeeze %dma_wait3A_1444 : memref<1x128xi32, #tpu.memory_space<vmem>> -> memref<128xi32, #tpu.memory_space<vmem>>
    %dma_wait3A_1446 = arith.constant 0 : i32
    %dma_wait3A_1447 = arith.constant 0 : i32
    %dma_wait3A_1448 = tpu.memref_slice %arg2[%dma_wait3A_1446, %dma_wait3A_1447] : memref<1007616x32xf32, #tpu.memory_space<hbm>> -> memref<1007616x32xf32, #tpu.memory_space<hbm>>
    tpu.wait_indirect_dma semaphore(%arg9 : memref<!tpu.dma_semaphore, #tpu.memory_space<semaphore_mem>>) src(%dma_wait3A_1448 : memref<1007616x32xf32, #tpu.memory_space<hbm>>) dst(%dma_wait3A_1442 : memref<128x32xf32, #tpu.memory_space<vmem>>)
    %dma_start3A_1449 = arith.constant 2 : i32
    %dma_start3A_1450 = arith.constant 27 : i32
    %dma_start3A_1451 = arith.constant 0 : i32
    %dma_start3A_1452 = arith.constant 0 : i32
    %dma_start3A_1453 = tpu.memref_slice %arg7[%dma_start3A_1449, %dma_start3A_1451, %dma_start3A_1452] : memref<5x128x32xf32, #tpu.memory_space<vmem>> -> memref<1x128x32xf32, #tpu.memory_space<vmem>>
    %dma_start3A_1454 = tpu.memref_squeeze %dma_start3A_1453 : memref<1x128x32xf32, #tpu.memory_space<vmem>> -> memref<128x32xf32, #tpu.memory_space<vmem>>
    %dma_start3A_1455 = arith.constant 0 : i32
    %dma_start3A_1456 = tpu.memref_slice %arg4[%mul3A_2, %dma_start3A_1450, %dma_start3A_1455] : memref<4096x50x32xf32, #tpu.memory_space<hbm>> -> memref<128x1x32xf32, #tpu.memory_space<hbm>>
    %dma_start3A_1457 = tpu.memref_squeeze %dma_start3A_1456 : memref<128x1x32xf32, #tpu.memory_space<hbm>> -> memref<128x32xf32, #tpu.memory_space<hbm>>
    %dma_start3A_1458 = arith.constant 0 : i32
    %dma_start3A_1459 = tpu.memref_slice %arg4[%mul3A_2, %dma_start3A_1450, %dma_start3A_1458] : memref<4096x50x32xf32, #tpu.memory_space<hbm>> -> memref<128x1x32xf32, #tpu.memory_space<hbm>>
    %dma_start3A_1460 = tpu.memref_squeeze %dma_start3A_1459 : memref<128x1x32xf32, #tpu.memory_space<hbm>> -> memref<128x32xf32, #tpu.memory_space<hbm>>
    %dma_start3A_1461 = arith.constant 0 : i32
    %dma_start3A_1462 = arith.constant 0 : i32
    %dma_start3A_1463 = tpu.memref_slice %arg7[%dma_start3A_1449, %dma_start3A_1461, %dma_start3A_1462] : memref<5x128x32xf32, #tpu.memory_space<vmem>> -> memref<1x128x32xf32, #tpu.memory_space<vmem>>
    %dma_start3A_1464 = tpu.memref_squeeze %dma_start3A_1463 : memref<1x128x32xf32, #tpu.memory_space<vmem>> -> memref<128x32xf32, #tpu.memory_space<vmem>>
    tpu.enqueue_dma source(%dma_start3A_1464 : memref<128x32xf32, #tpu.memory_space<vmem>>) target(%dma_start3A_1460 : memref<128x32xf32, #tpu.memory_space<hbm>>) target_semaphore(%arg11 : memref<!tpu.dma_semaphore, #tpu.memory_space<semaphore_mem>>)
    %dma_wait3A_1465 = arith.constant 28 : i32
    %dma_wait3A_1466 = arith.constant 3 : i32
    %dma_wait3A_1467 = arith.constant 0 : i32
    %dma_wait3A_1468 = arith.constant 0 : i32
    %dma_wait3A_1469 = tpu.memref_slice %arg7[%dma_wait3A_1466, %dma_wait3A_1467, %dma_wait3A_1468] : memref<5x128x32xf32, #tpu.memory_space<vmem>> -> memref<1x128x32xf32, #tpu.memory_space<vmem>>
    %dma_wait3A_1470 = tpu.memref_squeeze %dma_wait3A_1469 : memref<1x128x32xf32, #tpu.memory_space<vmem>> -> memref<128x32xf32, #tpu.memory_space<vmem>>
    %dma_wait3A_1471 = arith.constant 0 : i32
    %dma_wait3A_1472 = tpu.memref_slice %arg5[%dma_wait3A_1465, %dma_wait3A_1471] : memref<50x128xi32, #tpu.memory_space<vmem>> -> memref<1x128xi32, #tpu.memory_space<vmem>>
    %dma_wait3A_1473 = tpu.memref_squeeze %dma_wait3A_1472 : memref<1x128xi32, #tpu.memory_space<vmem>> -> memref<128xi32, #tpu.memory_space<vmem>>
    %dma_wait3A_1474 = arith.constant 0 : i32
    %dma_wait3A_1475 = arith.constant 0 : i32
    %dma_wait3A_1476 = tpu.memref_slice %arg2[%dma_wait3A_1474, %dma_wait3A_1475] : memref<1007616x32xf32, #tpu.memory_space<hbm>> -> memref<1007616x32xf32, #tpu.memory_space<hbm>>
    tpu.wait_indirect_dma semaphore(%arg9 : memref<!tpu.dma_semaphore, #tpu.memory_space<semaphore_mem>>) src(%dma_wait3A_1476 : memref<1007616x32xf32, #tpu.memory_space<hbm>>) dst(%dma_wait3A_1470 : memref<128x32xf32, #tpu.memory_space<vmem>>)
    %dma_start3A_1477 = arith.constant 3 : i32
    %dma_start3A_1478 = arith.constant 28 : i32
    %dma_start3A_1479 = arith.constant 0 : i32
    %dma_start3A_1480 = arith.constant 0 : i32
    %dma_start3A_1481 = tpu.memref_slice %arg7[%dma_start3A_1477, %dma_start3A_1479, %dma_start3A_1480] : memref<5x128x32xf32, #tpu.memory_space<vmem>> -> memref<1x128x32xf32, #tpu.memory_space<vmem>>
    %dma_start3A_1482 = tpu.memref_squeeze %dma_start3A_1481 : memref<1x128x32xf32, #tpu.memory_space<vmem>> -> memref<128x32xf32, #tpu.memory_space<vmem>>
    %dma_start3A_1483 = arith.constant 0 : i32
    %dma_start3A_1484 = tpu.memref_slice %arg4[%mul3A_2, %dma_start3A_1478, %dma_start3A_1483] : memref<4096x50x32xf32, #tpu.memory_space<hbm>> -> memref<128x1x32xf32, #tpu.memory_space<hbm>>
    %dma_start3A_1485 = tpu.memref_squeeze %dma_start3A_1484 : memref<128x1x32xf32, #tpu.memory_space<hbm>> -> memref<128x32xf32, #tpu.memory_space<hbm>>
    %dma_start3A_1486 = arith.constant 0 : i32
    %dma_start3A_1487 = tpu.memref_slice %arg4[%mul3A_2, %dma_start3A_1478, %dma_start3A_1486] : memref<4096x50x32xf32, #tpu.memory_space<hbm>> -> memref<128x1x32xf32, #tpu.memory_space<hbm>>
    %dma_start3A_1488 = tpu.memref_squeeze %dma_start3A_1487 : memref<128x1x32xf32, #tpu.memory_space<hbm>> -> memref<128x32xf32, #tpu.memory_space<hbm>>
    %dma_start3A_1489 = arith.constant 0 : i32
    %dma_start3A_1490 = arith.constant 0 : i32
    %dma_start3A_1491 = tpu.memref_slice %arg7[%dma_start3A_1477, %dma_start3A_1489, %dma_start3A_1490] : memref<5x128x32xf32, #tpu.memory_space<vmem>> -> memref<1x128x32xf32, #tpu.memory_space<vmem>>
    %dma_start3A_1492 = tpu.memref_squeeze %dma_start3A_1491 : memref<1x128x32xf32, #tpu.memory_space<vmem>> -> memref<128x32xf32, #tpu.memory_space<vmem>>
    tpu.enqueue_dma source(%dma_start3A_1492 : memref<128x32xf32, #tpu.memory_space<vmem>>) target(%dma_start3A_1488 : memref<128x32xf32, #tpu.memory_space<hbm>>) target_semaphore(%arg11 : memref<!tpu.dma_semaphore, #tpu.memory_space<semaphore_mem>>)
    %dma_wait3A_1493 = arith.constant 29 : i32
    %dma_wait3A_1494 = arith.constant 4 : i32
    %dma_wait3A_1495 = arith.constant 0 : i32
    %dma_wait3A_1496 = arith.constant 0 : i32
    %dma_wait3A_1497 = tpu.memref_slice %arg7[%dma_wait3A_1494, %dma_wait3A_1495, %dma_wait3A_1496] : memref<5x128x32xf32, #tpu.memory_space<vmem>> -> memref<1x128x32xf32, #tpu.memory_space<vmem>>
    %dma_wait3A_1498 = tpu.memref_squeeze %dma_wait3A_1497 : memref<1x128x32xf32, #tpu.memory_space<vmem>> -> memref<128x32xf32, #tpu.memory_space<vmem>>
    %dma_wait3A_1499 = arith.constant 0 : i32
    %dma_wait3A_1500 = tpu.memref_slice %arg5[%dma_wait3A_1493, %dma_wait3A_1499] : memref<50x128xi32, #tpu.memory_space<vmem>> -> memref<1x128xi32, #tpu.memory_space<vmem>>
    %dma_wait3A_1501 = tpu.memref_squeeze %dma_wait3A_1500 : memref<1x128xi32, #tpu.memory_space<vmem>> -> memref<128xi32, #tpu.memory_space<vmem>>
    %dma_wait3A_1502 = arith.constant 0 : i32
    %dma_wait3A_1503 = arith.constant 0 : i32
    %dma_wait3A_1504 = tpu.memref_slice %arg2[%dma_wait3A_1502, %dma_wait3A_1503] : memref<1007616x32xf32, #tpu.memory_space<hbm>> -> memref<1007616x32xf32, #tpu.memory_space<hbm>>
    tpu.wait_indirect_dma semaphore(%arg9 : memref<!tpu.dma_semaphore, #tpu.memory_space<semaphore_mem>>) src(%dma_wait3A_1504 : memref<1007616x32xf32, #tpu.memory_space<hbm>>) dst(%dma_wait3A_1498 : memref<128x32xf32, #tpu.memory_space<vmem>>)
    %dma_start3A_1505 = arith.constant 4 : i32
    %dma_start3A_1506 = arith.constant 29 : i32
    %dma_start3A_1507 = arith.constant 0 : i32
    %dma_start3A_1508 = arith.constant 0 : i32
    %dma_start3A_1509 = tpu.memref_slice %arg7[%dma_start3A_1505, %dma_start3A_1507, %dma_start3A_1508] : memref<5x128x32xf32, #tpu.memory_space<vmem>> -> memref<1x128x32xf32, #tpu.memory_space<vmem>>
    %dma_start3A_1510 = tpu.memref_squeeze %dma_start3A_1509 : memref<1x128x32xf32, #tpu.memory_space<vmem>> -> memref<128x32xf32, #tpu.memory_space<vmem>>
    %dma_start3A_1511 = arith.constant 0 : i32
    %dma_start3A_1512 = tpu.memref_slice %arg4[%mul3A_2, %dma_start3A_1506, %dma_start3A_1511] : memref<4096x50x32xf32, #tpu.memory_space<hbm>> -> memref<128x1x32xf32, #tpu.memory_space<hbm>>
    %dma_start3A_1513 = tpu.memref_squeeze %dma_start3A_1512 : memref<128x1x32xf32, #tpu.memory_space<hbm>> -> memref<128x32xf32, #tpu.memory_space<hbm>>
    %dma_start3A_1514 = arith.constant 0 : i32
    %dma_start3A_1515 = tpu.memref_slice %arg4[%mul3A_2, %dma_start3A_1506, %dma_start3A_1514] : memref<4096x50x32xf32, #tpu.memory_space<hbm>> -> memref<128x1x32xf32, #tpu.memory_space<hbm>>
    %dma_start3A_1516 = tpu.memref_squeeze %dma_start3A_1515 : memref<128x1x32xf32, #tpu.memory_space<hbm>> -> memref<128x32xf32, #tpu.memory_space<hbm>>
    %dma_start3A_1517 = arith.constant 0 : i32
    %dma_start3A_1518 = arith.constant 0 : i32
    %dma_start3A_1519 = tpu.memref_slice %arg7[%dma_start3A_1505, %dma_start3A_1517, %dma_start3A_1518] : memref<5x128x32xf32, #tpu.memory_space<vmem>> -> memref<1x128x32xf32, #tpu.memory_space<vmem>>
    %dma_start3A_1520 = tpu.memref_squeeze %dma_start3A_1519 : memref<1x128x32xf32, #tpu.memory_space<vmem>> -> memref<128x32xf32, #tpu.memory_space<vmem>>
    tpu.enqueue_dma source(%dma_start3A_1520 : memref<128x32xf32, #tpu.memory_space<vmem>>) target(%dma_start3A_1516 : memref<128x32xf32, #tpu.memory_space<hbm>>) target_semaphore(%arg11 : memref<!tpu.dma_semaphore, #tpu.memory_space<semaphore_mem>>)
    %dma_wait3A_1521 = arith.constant 0 : i32
    %dma_wait3A_1522 = arith.constant 20 : i32
    %dma_wait3A_1523 = arith.constant 0 : i32
    %dma_wait3A_1524 = arith.constant 0 : i32
    %dma_wait3A_1525 = tpu.memref_slice %arg6[%dma_wait3A_1521, %dma_wait3A_1523, %dma_wait3A_1524] : memref<5x128x32xf32, #tpu.memory_space<vmem>> -> memref<1x128x32xf32, #tpu.memory_space<vmem>>
    %dma_wait3A_1526 = tpu.memref_squeeze %dma_wait3A_1525 : memref<1x128x32xf32, #tpu.memory_space<vmem>> -> memref<128x32xf32, #tpu.memory_space<vmem>>
    %dma_wait3A_1527 = arith.constant 0 : i32
    %dma_wait3A_1528 = tpu.memref_slice %arg4[%mul3A_2, %dma_wait3A_1522, %dma_wait3A_1527] : memref<4096x50x32xf32, #tpu.memory_space<hbm>> -> memref<128x1x32xf32, #tpu.memory_space<hbm>>
    %dma_wait3A_1529 = tpu.memref_squeeze %dma_wait3A_1528 : memref<128x1x32xf32, #tpu.memory_space<hbm>> -> memref<128x32xf32, #tpu.memory_space<hbm>>
    %dma_wait3A_1530 = arith.constant 0 : i32
    %dma_wait3A_1531 = tpu.memref_slice %arg4[%mul3A_2, %dma_wait3A_1522, %dma_wait3A_1530] : memref<4096x50x32xf32, #tpu.memory_space<hbm>> -> memref<128x1x32xf32, #tpu.memory_space<hbm>>
    %dma_wait3A_1532 = tpu.memref_squeeze %dma_wait3A_1531 : memref<128x1x32xf32, #tpu.memory_space<hbm>> -> memref<128x32xf32, #tpu.memory_space<hbm>>
    %dma_wait3A_1533 = arith.constant 0 : i32
    %dma_wait3A_1534 = arith.constant 0 : i32
    %dma_wait3A_1535 = tpu.memref_slice %arg6[%dma_wait3A_1521, %dma_wait3A_1533, %dma_wait3A_1534] : memref<5x128x32xf32, #tpu.memory_space<vmem>> -> memref<1x128x32xf32, #tpu.memory_space<vmem>>
    %dma_wait3A_1536 = tpu.memref_squeeze %dma_wait3A_1535 : memref<1x128x32xf32, #tpu.memory_space<vmem>> -> memref<128x32xf32, #tpu.memory_space<vmem>>
    tpu.wait_dma2 semaphore(%arg10 : memref<!tpu.dma_semaphore, #tpu.memory_space<semaphore_mem>>) src(%dma_wait3A_1536 : memref<128x32xf32, #tpu.memory_space<vmem>>) dst(%dma_wait3A_1532 : memref<128x32xf32, #tpu.memory_space<hbm>>)
    %dma_wait3A_1537 = arith.constant 1 : i32
    %dma_wait3A_1538 = arith.constant 21 : i32
    %dma_wait3A_1539 = arith.constant 0 : i32
    %dma_wait3A_1540 = arith.constant 0 : i32
    %dma_wait3A_1541 = tpu.memref_slice %arg6[%dma_wait3A_1537, %dma_wait3A_1539, %dma_wait3A_1540] : memref<5x128x32xf32, #tpu.memory_space<vmem>> -> memref<1x128x32xf32, #tpu.memory_space<vmem>>
    %dma_wait3A_1542 = tpu.memref_squeeze %dma_wait3A_1541 : memref<1x128x32xf32, #tpu.memory_space<vmem>> -> memref<128x32xf32, #tpu.memory_space<vmem>>
    %dma_wait3A_1543 = arith.constant 0 : i32
    %dma_wait3A_1544 = tpu.memref_slice %arg4[%mul3A_2, %dma_wait3A_1538, %dma_wait3A_1543] : memref<4096x50x32xf32, #tpu.memory_space<hbm>> -> memref<128x1x32xf32, #tpu.memory_space<hbm>>
    %dma_wait3A_1545 = tpu.memref_squeeze %dma_wait3A_1544 : memref<128x1x32xf32, #tpu.memory_space<hbm>> -> memref<128x32xf32, #tpu.memory_space<hbm>>
    %dma_wait3A_1546 = arith.constant 0 : i32
    %dma_wait3A_1547 = tpu.memref_slice %arg4[%mul3A_2, %dma_wait3A_1538, %dma_wait3A_1546] : memref<4096x50x32xf32, #tpu.memory_space<hbm>> -> memref<128x1x32xf32, #tpu.memory_space<hbm>>
    %dma_wait3A_1548 = tpu.memref_squeeze %dma_wait3A_1547 : memref<128x1x32xf32, #tpu.memory_space<hbm>> -> memref<128x32xf32, #tpu.memory_space<hbm>>
    %dma_wait3A_1549 = arith.constant 0 : i32
    %dma_wait3A_1550 = arith.constant 0 : i32
    %dma_wait3A_1551 = tpu.memref_slice %arg6[%dma_wait3A_1537, %dma_wait3A_1549, %dma_wait3A_1550] : memref<5x128x32xf32, #tpu.memory_space<vmem>> -> memref<1x128x32xf32, #tpu.memory_space<vmem>>
    %dma_wait3A_1552 = tpu.memref_squeeze %dma_wait3A_1551 : memref<1x128x32xf32, #tpu.memory_space<vmem>> -> memref<128x32xf32, #tpu.memory_space<vmem>>
    tpu.wait_dma2 semaphore(%arg10 : memref<!tpu.dma_semaphore, #tpu.memory_space<semaphore_mem>>) src(%dma_wait3A_1552 : memref<128x32xf32, #tpu.memory_space<vmem>>) dst(%dma_wait3A_1548 : memref<128x32xf32, #tpu.memory_space<hbm>>)
    %dma_wait3A_1553 = arith.constant 2 : i32
    %dma_wait3A_1554 = arith.constant 22 : i32
    %dma_wait3A_1555 = arith.constant 0 : i32
    %dma_wait3A_1556 = arith.constant 0 : i32
    %dma_wait3A_1557 = tpu.memref_slice %arg6[%dma_wait3A_1553, %dma_wait3A_1555, %dma_wait3A_1556] : memref<5x128x32xf32, #tpu.memory_space<vmem>> -> memref<1x128x32xf32, #tpu.memory_space<vmem>>
    %dma_wait3A_1558 = tpu.memref_squeeze %dma_wait3A_1557 : memref<1x128x32xf32, #tpu.memory_space<vmem>> -> memref<128x32xf32, #tpu.memory_space<vmem>>
    %dma_wait3A_1559 = arith.constant 0 : i32
    %dma_wait3A_1560 = tpu.memref_slice %arg4[%mul3A_2, %dma_wait3A_1554, %dma_wait3A_1559] : memref<4096x50x32xf32, #tpu.memory_space<hbm>> -> memref<128x1x32xf32, #tpu.memory_space<hbm>>
    %dma_wait3A_1561 = tpu.memref_squeeze %dma_wait3A_1560 : memref<128x1x32xf32, #tpu.memory_space<hbm>> -> memref<128x32xf32, #tpu.memory_space<hbm>>
    %dma_wait3A_1562 = arith.constant 0 : i32
    %dma_wait3A_1563 = tpu.memref_slice %arg4[%mul3A_2, %dma_wait3A_1554, %dma_wait3A_1562] : memref<4096x50x32xf32, #tpu.memory_space<hbm>> -> memref<128x1x32xf32, #tpu.memory_space<hbm>>
    %dma_wait3A_1564 = tpu.memref_squeeze %dma_wait3A_1563 : memref<128x1x32xf32, #tpu.memory_space<hbm>> -> memref<128x32xf32, #tpu.memory_space<hbm>>
    %dma_wait3A_1565 = arith.constant 0 : i32
    %dma_wait3A_1566 = arith.constant 0 : i32
    %dma_wait3A_1567 = tpu.memref_slice %arg6[%dma_wait3A_1553, %dma_wait3A_1565, %dma_wait3A_1566] : memref<5x128x32xf32, #tpu.memory_space<vmem>> -> memref<1x128x32xf32, #tpu.memory_space<vmem>>
    %dma_wait3A_1568 = tpu.memref_squeeze %dma_wait3A_1567 : memref<1x128x32xf32, #tpu.memory_space<vmem>> -> memref<128x32xf32, #tpu.memory_space<vmem>>
    tpu.wait_dma2 semaphore(%arg10 : memref<!tpu.dma_semaphore, #tpu.memory_space<semaphore_mem>>) src(%dma_wait3A_1568 : memref<128x32xf32, #tpu.memory_space<vmem>>) dst(%dma_wait3A_1564 : memref<128x32xf32, #tpu.memory_space<hbm>>)
    %dma_wait3A_1569 = arith.constant 3 : i32
    %dma_wait3A_1570 = arith.constant 23 : i32
    %dma_wait3A_1571 = arith.constant 0 : i32
    %dma_wait3A_1572 = arith.constant 0 : i32
    %dma_wait3A_1573 = tpu.memref_slice %arg6[%dma_wait3A_1569, %dma_wait3A_1571, %dma_wait3A_1572] : memref<5x128x32xf32, #tpu.memory_space<vmem>> -> memref<1x128x32xf32, #tpu.memory_space<vmem>>
    %dma_wait3A_1574 = tpu.memref_squeeze %dma_wait3A_1573 : memref<1x128x32xf32, #tpu.memory_space<vmem>> -> memref<128x32xf32, #tpu.memory_space<vmem>>
    %dma_wait3A_1575 = arith.constant 0 : i32
    %dma_wait3A_1576 = tpu.memref_slice %arg4[%mul3A_2, %dma_wait3A_1570, %dma_wait3A_1575] : memref<4096x50x32xf32, #tpu.memory_space<hbm>> -> memref<128x1x32xf32, #tpu.memory_space<hbm>>
    %dma_wait3A_1577 = tpu.memref_squeeze %dma_wait3A_1576 : memref<128x1x32xf32, #tpu.memory_space<hbm>> -> memref<128x32xf32, #tpu.memory_space<hbm>>
    %dma_wait3A_1578 = arith.constant 0 : i32
    %dma_wait3A_1579 = tpu.memref_slice %arg4[%mul3A_2, %dma_wait3A_1570, %dma_wait3A_1578] : memref<4096x50x32xf32, #tpu.memory_space<hbm>> -> memref<128x1x32xf32, #tpu.memory_space<hbm>>
    %dma_wait3A_1580 = tpu.memref_squeeze %dma_wait3A_1579 : memref<128x1x32xf32, #tpu.memory_space<hbm>> -> memref<128x32xf32, #tpu.memory_space<hbm>>
    %dma_wait3A_1581 = arith.constant 0 : i32
    %dma_wait3A_1582 = arith.constant 0 : i32
    %dma_wait3A_1583 = tpu.memref_slice %arg6[%dma_wait3A_1569, %dma_wait3A_1581, %dma_wait3A_1582] : memref<5x128x32xf32, #tpu.memory_space<vmem>> -> memref<1x128x32xf32, #tpu.memory_space<vmem>>
    %dma_wait3A_1584 = tpu.memref_squeeze %dma_wait3A_1583 : memref<1x128x32xf32, #tpu.memory_space<vmem>> -> memref<128x32xf32, #tpu.memory_space<vmem>>
    tpu.wait_dma2 semaphore(%arg10 : memref<!tpu.dma_semaphore, #tpu.memory_space<semaphore_mem>>) src(%dma_wait3A_1584 : memref<128x32xf32, #tpu.memory_space<vmem>>) dst(%dma_wait3A_1580 : memref<128x32xf32, #tpu.memory_space<hbm>>)
    %dma_wait3A_1585 = arith.constant 4 : i32
    %dma_wait3A_1586 = arith.constant 24 : i32
    %dma_wait3A_1587 = arith.constant 0 : i32
    %dma_wait3A_1588 = arith.constant 0 : i32
    %dma_wait3A_1589 = tpu.memref_slice %arg6[%dma_wait3A_1585, %dma_wait3A_1587, %dma_wait3A_1588] : memref<5x128x32xf32, #tpu.memory_space<vmem>> -> memref<1x128x32xf32, #tpu.memory_space<vmem>>
    %dma_wait3A_1590 = tpu.memref_squeeze %dma_wait3A_1589 : memref<1x128x32xf32, #tpu.memory_space<vmem>> -> memref<128x32xf32, #tpu.memory_space<vmem>>
    %dma_wait3A_1591 = arith.constant 0 : i32
    %dma_wait3A_1592 = tpu.memref_slice %arg4[%mul3A_2, %dma_wait3A_1586, %dma_wait3A_1591] : memref<4096x50x32xf32, #tpu.memory_space<hbm>> -> memref<128x1x32xf32, #tpu.memory_space<hbm>>
    %dma_wait3A_1593 = tpu.memref_squeeze %dma_wait3A_1592 : memref<128x1x32xf32, #tpu.memory_space<hbm>> -> memref<128x32xf32, #tpu.memory_space<hbm>>
    %dma_wait3A_1594 = arith.constant 0 : i32
    %dma_wait3A_1595 = tpu.memref_slice %arg4[%mul3A_2, %dma_wait3A_1586, %dma_wait3A_1594] : memref<4096x50x32xf32, #tpu.memory_space<hbm>> -> memref<128x1x32xf32, #tpu.memory_space<hbm>>
    %dma_wait3A_1596 = tpu.memref_squeeze %dma_wait3A_1595 : memref<128x1x32xf32, #tpu.memory_space<hbm>> -> memref<128x32xf32, #tpu.memory_space<hbm>>
    %dma_wait3A_1597 = arith.constant 0 : i32
    %dma_wait3A_1598 = arith.constant 0 : i32
    %dma_wait3A_1599 = tpu.memref_slice %arg6[%dma_wait3A_1585, %dma_wait3A_1597, %dma_wait3A_1598] : memref<5x128x32xf32, #tpu.memory_space<vmem>> -> memref<1x128x32xf32, #tpu.memory_space<vmem>>
    %dma_wait3A_1600 = tpu.memref_squeeze %dma_wait3A_1599 : memref<1x128x32xf32, #tpu.memory_space<vmem>> -> memref<128x32xf32, #tpu.memory_space<vmem>>
    tpu.wait_dma2 semaphore(%arg10 : memref<!tpu.dma_semaphore, #tpu.memory_space<semaphore_mem>>) src(%dma_wait3A_1600 : memref<128x32xf32, #tpu.memory_space<vmem>>) dst(%dma_wait3A_1596 : memref<128x32xf32, #tpu.memory_space<hbm>>)
    %dma_start3A_1601 = arith.constant 30 : i32
    %dma_start3A_1602 = arith.constant 0 : i32
    %dma_start3A_1603 = arith.constant 0 : i32
    %dma_start3A_1604 = arith.constant 0 : i32
    %dma_start3A_1605 = tpu.memref_slice %arg6[%dma_start3A_1602, %dma_start3A_1603, %dma_start3A_1604] : memref<5x128x32xf32, #tpu.memory_space<vmem>> -> memref<1x128x32xf32, #tpu.memory_space<vmem>>
    %dma_start3A_1606 = tpu.memref_squeeze %dma_start3A_1605 : memref<1x128x32xf32, #tpu.memory_space<vmem>> -> memref<128x32xf32, #tpu.memory_space<vmem>>
    %dma_start3A_1607 = arith.constant 0 : i32
    %dma_start3A_1608 = tpu.memref_slice %arg5[%dma_start3A_1601, %dma_start3A_1607] : memref<50x128xi32, #tpu.memory_space<vmem>> -> memref<1x128xi32, #tpu.memory_space<vmem>>
    %dma_start3A_1609 = tpu.memref_squeeze %dma_start3A_1608 : memref<1x128xi32, #tpu.memory_space<vmem>> -> memref<128xi32, #tpu.memory_space<vmem>>
    %dma_start3A_1610 = arith.constant 0 : i32
    %dma_start3A_1611 = arith.constant 0 : i32
    %dma_start3A_1612 = tpu.memref_slice %arg2[%dma_start3A_1610, %dma_start3A_1611] : memref<1007616x32xf32, #tpu.memory_space<hbm>> -> memref<1007616x32xf32, #tpu.memory_space<hbm>>
    tpu.enqueue_indirect_dma source(%dma_start3A_1612 : memref<1007616x32xf32, #tpu.memory_space<hbm>>) target(%dma_start3A_1606 : memref<128x32xf32, #tpu.memory_space<vmem>>) offsets(%dma_start3A_1609 : memref<128xi32, #tpu.memory_space<vmem>>) semaphore(%arg8 : memref<!tpu.dma_semaphore, #tpu.memory_space<semaphore_mem>>)
    %dma_start3A_1613 = arith.constant 31 : i32
    %dma_start3A_1614 = arith.constant 1 : i32
    %dma_start3A_1615 = arith.constant 0 : i32
    %dma_start3A_1616 = arith.constant 0 : i32
    %dma_start3A_1617 = tpu.memref_slice %arg6[%dma_start3A_1614, %dma_start3A_1615, %dma_start3A_1616] : memref<5x128x32xf32, #tpu.memory_space<vmem>> -> memref<1x128x32xf32, #tpu.memory_space<vmem>>
    %dma_start3A_1618 = tpu.memref_squeeze %dma_start3A_1617 : memref<1x128x32xf32, #tpu.memory_space<vmem>> -> memref<128x32xf32, #tpu.memory_space<vmem>>
    %dma_start3A_1619 = arith.constant 0 : i32
    %dma_start3A_1620 = tpu.memref_slice %arg5[%dma_start3A_1613, %dma_start3A_1619] : memref<50x128xi32, #tpu.memory_space<vmem>> -> memref<1x128xi32, #tpu.memory_space<vmem>>
    %dma_start3A_1621 = tpu.memref_squeeze %dma_start3A_1620 : memref<1x128xi32, #tpu.memory_space<vmem>> -> memref<128xi32, #tpu.memory_space<vmem>>
    %dma_start3A_1622 = arith.constant 0 : i32
    %dma_start3A_1623 = arith.constant 0 : i32
    %dma_start3A_1624 = tpu.memref_slice %arg2[%dma_start3A_1622, %dma_start3A_1623] : memref<1007616x32xf32, #tpu.memory_space<hbm>> -> memref<1007616x32xf32, #tpu.memory_space<hbm>>
    tpu.enqueue_indirect_dma source(%dma_start3A_1624 : memref<1007616x32xf32, #tpu.memory_space<hbm>>) target(%dma_start3A_1618 : memref<128x32xf32, #tpu.memory_space<vmem>>) offsets(%dma_start3A_1621 : memref<128xi32, #tpu.memory_space<vmem>>) semaphore(%arg8 : memref<!tpu.dma_semaphore, #tpu.memory_space<semaphore_mem>>)
    %dma_start3A_1625 = arith.constant 32 : i32
    %dma_start3A_1626 = arith.constant 2 : i32
    %dma_start3A_1627 = arith.constant 0 : i32
    %dma_start3A_1628 = arith.constant 0 : i32
    %dma_start3A_1629 = tpu.memref_slice %arg6[%dma_start3A_1626, %dma_start3A_1627, %dma_start3A_1628] : memref<5x128x32xf32, #tpu.memory_space<vmem>> -> memref<1x128x32xf32, #tpu.memory_space<vmem>>
    %dma_start3A_1630 = tpu.memref_squeeze %dma_start3A_1629 : memref<1x128x32xf32, #tpu.memory_space<vmem>> -> memref<128x32xf32, #tpu.memory_space<vmem>>
    %dma_start3A_1631 = arith.constant 0 : i32
    %dma_start3A_1632 = tpu.memref_slice %arg5[%dma_start3A_1625, %dma_start3A_1631] : memref<50x128xi32, #tpu.memory_space<vmem>> -> memref<1x128xi32, #tpu.memory_space<vmem>>
    %dma_start3A_1633 = tpu.memref_squeeze %dma_start3A_1632 : memref<1x128xi32, #tpu.memory_space<vmem>> -> memref<128xi32, #tpu.memory_space<vmem>>
    %dma_start3A_1634 = arith.constant 0 : i32
    %dma_start3A_1635 = arith.constant 0 : i32
    %dma_start3A_1636 = tpu.memref_slice %arg2[%dma_start3A_1634, %dma_start3A_1635] : memref<1007616x32xf32, #tpu.memory_space<hbm>> -> memref<1007616x32xf32, #tpu.memory_space<hbm>>
    tpu.enqueue_indirect_dma source(%dma_start3A_1636 : memref<1007616x32xf32, #tpu.memory_space<hbm>>) target(%dma_start3A_1630 : memref<128x32xf32, #tpu.memory_space<vmem>>) offsets(%dma_start3A_1633 : memref<128xi32, #tpu.memory_space<vmem>>) semaphore(%arg8 : memref<!tpu.dma_semaphore, #tpu.memory_space<semaphore_mem>>)
    %dma_start3A_1637 = arith.constant 33 : i32
    %dma_start3A_1638 = arith.constant 3 : i32
    %dma_start3A_1639 = arith.constant 0 : i32
    %dma_start3A_1640 = arith.constant 0 : i32
    %dma_start3A_1641 = tpu.memref_slice %arg6[%dma_start3A_1638, %dma_start3A_1639, %dma_start3A_1640] : memref<5x128x32xf32, #tpu.memory_space<vmem>> -> memref<1x128x32xf32, #tpu.memory_space<vmem>>
    %dma_start3A_1642 = tpu.memref_squeeze %dma_start3A_1641 : memref<1x128x32xf32, #tpu.memory_space<vmem>> -> memref<128x32xf32, #tpu.memory_space<vmem>>
    %dma_start3A_1643 = arith.constant 0 : i32
    %dma_start3A_1644 = tpu.memref_slice %arg5[%dma_start3A_1637, %dma_start3A_1643] : memref<50x128xi32, #tpu.memory_space<vmem>> -> memref<1x128xi32, #tpu.memory_space<vmem>>
    %dma_start3A_1645 = tpu.memref_squeeze %dma_start3A_1644 : memref<1x128xi32, #tpu.memory_space<vmem>> -> memref<128xi32, #tpu.memory_space<vmem>>
    %dma_start3A_1646 = arith.constant 0 : i32
    %dma_start3A_1647 = arith.constant 0 : i32
    %dma_start3A_1648 = tpu.memref_slice %arg2[%dma_start3A_1646, %dma_start3A_1647] : memref<1007616x32xf32, #tpu.memory_space<hbm>> -> memref<1007616x32xf32, #tpu.memory_space<hbm>>
    tpu.enqueue_indirect_dma source(%dma_start3A_1648 : memref<1007616x32xf32, #tpu.memory_space<hbm>>) target(%dma_start3A_1642 : memref<128x32xf32, #tpu.memory_space<vmem>>) offsets(%dma_start3A_1645 : memref<128xi32, #tpu.memory_space<vmem>>) semaphore(%arg8 : memref<!tpu.dma_semaphore, #tpu.memory_space<semaphore_mem>>)
    %dma_start3A_1649 = arith.constant 34 : i32
    %dma_start3A_1650 = arith.constant 4 : i32
    %dma_start3A_1651 = arith.constant 0 : i32
    %dma_start3A_1652 = arith.constant 0 : i32
    %dma_start3A_1653 = tpu.memref_slice %arg6[%dma_start3A_1650, %dma_start3A_1651, %dma_start3A_1652] : memref<5x128x32xf32, #tpu.memory_space<vmem>> -> memref<1x128x32xf32, #tpu.memory_space<vmem>>
    %dma_start3A_1654 = tpu.memref_squeeze %dma_start3A_1653 : memref<1x128x32xf32, #tpu.memory_space<vmem>> -> memref<128x32xf32, #tpu.memory_space<vmem>>
    %dma_start3A_1655 = arith.constant 0 : i32
    %dma_start3A_1656 = tpu.memref_slice %arg5[%dma_start3A_1649, %dma_start3A_1655] : memref<50x128xi32, #tpu.memory_space<vmem>> -> memref<1x128xi32, #tpu.memory_space<vmem>>
    %dma_start3A_1657 = tpu.memref_squeeze %dma_start3A_1656 : memref<1x128xi32, #tpu.memory_space<vmem>> -> memref<128xi32, #tpu.memory_space<vmem>>
    %dma_start3A_1658 = arith.constant 0 : i32
    %dma_start3A_1659 = arith.constant 0 : i32
    %dma_start3A_1660 = tpu.memref_slice %arg2[%dma_start3A_1658, %dma_start3A_1659] : memref<1007616x32xf32, #tpu.memory_space<hbm>> -> memref<1007616x32xf32, #tpu.memory_space<hbm>>
    tpu.enqueue_indirect_dma source(%dma_start3A_1660 : memref<1007616x32xf32, #tpu.memory_space<hbm>>) target(%dma_start3A_1654 : memref<128x32xf32, #tpu.memory_space<vmem>>) offsets(%dma_start3A_1657 : memref<128xi32, #tpu.memory_space<vmem>>) semaphore(%arg8 : memref<!tpu.dma_semaphore, #tpu.memory_space<semaphore_mem>>)
    %dma_wait3A_1661 = arith.constant 30 : i32
    %dma_wait3A_1662 = arith.constant 0 : i32
    %dma_wait3A_1663 = arith.constant 0 : i32
    %dma_wait3A_1664 = arith.constant 0 : i32
    %dma_wait3A_1665 = tpu.memref_slice %arg6[%dma_wait3A_1662, %dma_wait3A_1663, %dma_wait3A_1664] : memref<5x128x32xf32, #tpu.memory_space<vmem>> -> memref<1x128x32xf32, #tpu.memory_space<vmem>>
    %dma_wait3A_1666 = tpu.memref_squeeze %dma_wait3A_1665 : memref<1x128x32xf32, #tpu.memory_space<vmem>> -> memref<128x32xf32, #tpu.memory_space<vmem>>
    %dma_wait3A_1667 = arith.constant 0 : i32
    %dma_wait3A_1668 = tpu.memref_slice %arg5[%dma_wait3A_1661, %dma_wait3A_1667] : memref<50x128xi32, #tpu.memory_space<vmem>> -> memref<1x128xi32, #tpu.memory_space<vmem>>
    %dma_wait3A_1669 = tpu.memref_squeeze %dma_wait3A_1668 : memref<1x128xi32, #tpu.memory_space<vmem>> -> memref<128xi32, #tpu.memory_space<vmem>>
    %dma_wait3A_1670 = arith.constant 0 : i32
    %dma_wait3A_1671 = arith.constant 0 : i32
    %dma_wait3A_1672 = tpu.memref_slice %arg2[%dma_wait3A_1670, %dma_wait3A_1671] : memref<1007616x32xf32, #tpu.memory_space<hbm>> -> memref<1007616x32xf32, #tpu.memory_space<hbm>>
    tpu.wait_indirect_dma semaphore(%arg8 : memref<!tpu.dma_semaphore, #tpu.memory_space<semaphore_mem>>) src(%dma_wait3A_1672 : memref<1007616x32xf32, #tpu.memory_space<hbm>>) dst(%dma_wait3A_1666 : memref<128x32xf32, #tpu.memory_space<vmem>>)
    %dma_start3A_1673 = arith.constant 0 : i32
    %dma_start3A_1674 = arith.constant 30 : i32
    %dma_start3A_1675 = arith.constant 0 : i32
    %dma_start3A_1676 = arith.constant 0 : i32
    %dma_start3A_1677 = tpu.memref_slice %arg6[%dma_start3A_1673, %dma_start3A_1675, %dma_start3A_1676] : memref<5x128x32xf32, #tpu.memory_space<vmem>> -> memref<1x128x32xf32, #tpu.memory_space<vmem>>
    %dma_start3A_1678 = tpu.memref_squeeze %dma_start3A_1677 : memref<1x128x32xf32, #tpu.memory_space<vmem>> -> memref<128x32xf32, #tpu.memory_space<vmem>>
    %dma_start3A_1679 = arith.constant 0 : i32
    %dma_start3A_1680 = tpu.memref_slice %arg4[%mul3A_2, %dma_start3A_1674, %dma_start3A_1679] : memref<4096x50x32xf32, #tpu.memory_space<hbm>> -> memref<128x1x32xf32, #tpu.memory_space<hbm>>
    %dma_start3A_1681 = tpu.memref_squeeze %dma_start3A_1680 : memref<128x1x32xf32, #tpu.memory_space<hbm>> -> memref<128x32xf32, #tpu.memory_space<hbm>>
    %dma_start3A_1682 = arith.constant 0 : i32
    %dma_start3A_1683 = tpu.memref_slice %arg4[%mul3A_2, %dma_start3A_1674, %dma_start3A_1682] : memref<4096x50x32xf32, #tpu.memory_space<hbm>> -> memref<128x1x32xf32, #tpu.memory_space<hbm>>
    %dma_start3A_1684 = tpu.memref_squeeze %dma_start3A_1683 : memref<128x1x32xf32, #tpu.memory_space<hbm>> -> memref<128x32xf32, #tpu.memory_space<hbm>>
    %dma_start3A_1685 = arith.constant 0 : i32
    %dma_start3A_1686 = arith.constant 0 : i32
    %dma_start3A_1687 = tpu.memref_slice %arg6[%dma_start3A_1673, %dma_start3A_1685, %dma_start3A_1686] : memref<5x128x32xf32, #tpu.memory_space<vmem>> -> memref<1x128x32xf32, #tpu.memory_space<vmem>>
    %dma_start3A_1688 = tpu.memref_squeeze %dma_start3A_1687 : memref<1x128x32xf32, #tpu.memory_space<vmem>> -> memref<128x32xf32, #tpu.memory_space<vmem>>
    tpu.enqueue_dma source(%dma_start3A_1688 : memref<128x32xf32, #tpu.memory_space<vmem>>) target(%dma_start3A_1684 : memref<128x32xf32, #tpu.memory_space<hbm>>) target_semaphore(%arg10 : memref<!tpu.dma_semaphore, #tpu.memory_space<semaphore_mem>>)
    %dma_wait3A_1689 = arith.constant 31 : i32
    %dma_wait3A_1690 = arith.constant 1 : i32
    %dma_wait3A_1691 = arith.constant 0 : i32
    %dma_wait3A_1692 = arith.constant 0 : i32
    %dma_wait3A_1693 = tpu.memref_slice %arg6[%dma_wait3A_1690, %dma_wait3A_1691, %dma_wait3A_1692] : memref<5x128x32xf32, #tpu.memory_space<vmem>> -> memref<1x128x32xf32, #tpu.memory_space<vmem>>
    %dma_wait3A_1694 = tpu.memref_squeeze %dma_wait3A_1693 : memref<1x128x32xf32, #tpu.memory_space<vmem>> -> memref<128x32xf32, #tpu.memory_space<vmem>>
    %dma_wait3A_1695 = arith.constant 0 : i32
    %dma_wait3A_1696 = tpu.memref_slice %arg5[%dma_wait3A_1689, %dma_wait3A_1695] : memref<50x128xi32, #tpu.memory_space<vmem>> -> memref<1x128xi32, #tpu.memory_space<vmem>>
    %dma_wait3A_1697 = tpu.memref_squeeze %dma_wait3A_1696 : memref<1x128xi32, #tpu.memory_space<vmem>> -> memref<128xi32, #tpu.memory_space<vmem>>
    %dma_wait3A_1698 = arith.constant 0 : i32
    %dma_wait3A_1699 = arith.constant 0 : i32
    %dma_wait3A_1700 = tpu.memref_slice %arg2[%dma_wait3A_1698, %dma_wait3A_1699] : memref<1007616x32xf32, #tpu.memory_space<hbm>> -> memref<1007616x32xf32, #tpu.memory_space<hbm>>
    tpu.wait_indirect_dma semaphore(%arg8 : memref<!tpu.dma_semaphore, #tpu.memory_space<semaphore_mem>>) src(%dma_wait3A_1700 : memref<1007616x32xf32, #tpu.memory_space<hbm>>) dst(%dma_wait3A_1694 : memref<128x32xf32, #tpu.memory_space<vmem>>)
    %dma_start3A_1701 = arith.constant 1 : i32
    %dma_start3A_1702 = arith.constant 31 : i32
    %dma_start3A_1703 = arith.constant 0 : i32
    %dma_start3A_1704 = arith.constant 0 : i32
    %dma_start3A_1705 = tpu.memref_slice %arg6[%dma_start3A_1701, %dma_start3A_1703, %dma_start3A_1704] : memref<5x128x32xf32, #tpu.memory_space<vmem>> -> memref<1x128x32xf32, #tpu.memory_space<vmem>>
    %dma_start3A_1706 = tpu.memref_squeeze %dma_start3A_1705 : memref<1x128x32xf32, #tpu.memory_space<vmem>> -> memref<128x32xf32, #tpu.memory_space<vmem>>
    %dma_start3A_1707 = arith.constant 0 : i32
    %dma_start3A_1708 = tpu.memref_slice %arg4[%mul3A_2, %dma_start3A_1702, %dma_start3A_1707] : memref<4096x50x32xf32, #tpu.memory_space<hbm>> -> memref<128x1x32xf32, #tpu.memory_space<hbm>>
    %dma_start3A_1709 = tpu.memref_squeeze %dma_start3A_1708 : memref<128x1x32xf32, #tpu.memory_space<hbm>> -> memref<128x32xf32, #tpu.memory_space<hbm>>
    %dma_start3A_1710 = arith.constant 0 : i32
    %dma_start3A_1711 = tpu.memref_slice %arg4[%mul3A_2, %dma_start3A_1702, %dma_start3A_1710] : memref<4096x50x32xf32, #tpu.memory_space<hbm>> -> memref<128x1x32xf32, #tpu.memory_space<hbm>>
    %dma_start3A_1712 = tpu.memref_squeeze %dma_start3A_1711 : memref<128x1x32xf32, #tpu.memory_space<hbm>> -> memref<128x32xf32, #tpu.memory_space<hbm>>
    %dma_start3A_1713 = arith.constant 0 : i32
    %dma_start3A_1714 = arith.constant 0 : i32
    %dma_start3A_1715 = tpu.memref_slice %arg6[%dma_start3A_1701, %dma_start3A_1713, %dma_start3A_1714] : memref<5x128x32xf32, #tpu.memory_space<vmem>> -> memref<1x128x32xf32, #tpu.memory_space<vmem>>
    %dma_start3A_1716 = tpu.memref_squeeze %dma_start3A_1715 : memref<1x128x32xf32, #tpu.memory_space<vmem>> -> memref<128x32xf32, #tpu.memory_space<vmem>>
    tpu.enqueue_dma source(%dma_start3A_1716 : memref<128x32xf32, #tpu.memory_space<vmem>>) target(%dma_start3A_1712 : memref<128x32xf32, #tpu.memory_space<hbm>>) target_semaphore(%arg10 : memref<!tpu.dma_semaphore, #tpu.memory_space<semaphore_mem>>)
    %dma_wait3A_1717 = arith.constant 32 : i32
    %dma_wait3A_1718 = arith.constant 2 : i32
    %dma_wait3A_1719 = arith.constant 0 : i32
    %dma_wait3A_1720 = arith.constant 0 : i32
    %dma_wait3A_1721 = tpu.memref_slice %arg6[%dma_wait3A_1718, %dma_wait3A_1719, %dma_wait3A_1720] : memref<5x128x32xf32, #tpu.memory_space<vmem>> -> memref<1x128x32xf32, #tpu.memory_space<vmem>>
    %dma_wait3A_1722 = tpu.memref_squeeze %dma_wait3A_1721 : memref<1x128x32xf32, #tpu.memory_space<vmem>> -> memref<128x32xf32, #tpu.memory_space<vmem>>
    %dma_wait3A_1723 = arith.constant 0 : i32
    %dma_wait3A_1724 = tpu.memref_slice %arg5[%dma_wait3A_1717, %dma_wait3A_1723] : memref<50x128xi32, #tpu.memory_space<vmem>> -> memref<1x128xi32, #tpu.memory_space<vmem>>
    %dma_wait3A_1725 = tpu.memref_squeeze %dma_wait3A_1724 : memref<1x128xi32, #tpu.memory_space<vmem>> -> memref<128xi32, #tpu.memory_space<vmem>>
    %dma_wait3A_1726 = arith.constant 0 : i32
    %dma_wait3A_1727 = arith.constant 0 : i32
    %dma_wait3A_1728 = tpu.memref_slice %arg2[%dma_wait3A_1726, %dma_wait3A_1727] : memref<1007616x32xf32, #tpu.memory_space<hbm>> -> memref<1007616x32xf32, #tpu.memory_space<hbm>>
    tpu.wait_indirect_dma semaphore(%arg8 : memref<!tpu.dma_semaphore, #tpu.memory_space<semaphore_mem>>) src(%dma_wait3A_1728 : memref<1007616x32xf32, #tpu.memory_space<hbm>>) dst(%dma_wait3A_1722 : memref<128x32xf32, #tpu.memory_space<vmem>>)
    %dma_start3A_1729 = arith.constant 2 : i32
    %dma_start3A_1730 = arith.constant 32 : i32
    %dma_start3A_1731 = arith.constant 0 : i32
    %dma_start3A_1732 = arith.constant 0 : i32
    %dma_start3A_1733 = tpu.memref_slice %arg6[%dma_start3A_1729, %dma_start3A_1731, %dma_start3A_1732] : memref<5x128x32xf32, #tpu.memory_space<vmem>> -> memref<1x128x32xf32, #tpu.memory_space<vmem>>
    %dma_start3A_1734 = tpu.memref_squeeze %dma_start3A_1733 : memref<1x128x32xf32, #tpu.memory_space<vmem>> -> memref<128x32xf32, #tpu.memory_space<vmem>>
    %dma_start3A_1735 = arith.constant 0 : i32
    %dma_start3A_1736 = tpu.memref_slice %arg4[%mul3A_2, %dma_start3A_1730, %dma_start3A_1735] : memref<4096x50x32xf32, #tpu.memory_space<hbm>> -> memref<128x1x32xf32, #tpu.memory_space<hbm>>
    %dma_start3A_1737 = tpu.memref_squeeze %dma_start3A_1736 : memref<128x1x32xf32, #tpu.memory_space<hbm>> -> memref<128x32xf32, #tpu.memory_space<hbm>>
    %dma_start3A_1738 = arith.constant 0 : i32
    %dma_start3A_1739 = tpu.memref_slice %arg4[%mul3A_2, %dma_start3A_1730, %dma_start3A_1738] : memref<4096x50x32xf32, #tpu.memory_space<hbm>> -> memref<128x1x32xf32, #tpu.memory_space<hbm>>
    %dma_start3A_1740 = tpu.memref_squeeze %dma_start3A_1739 : memref<128x1x32xf32, #tpu.memory_space<hbm>> -> memref<128x32xf32, #tpu.memory_space<hbm>>
    %dma_start3A_1741 = arith.constant 0 : i32
    %dma_start3A_1742 = arith.constant 0 : i32
    %dma_start3A_1743 = tpu.memref_slice %arg6[%dma_start3A_1729, %dma_start3A_1741, %dma_start3A_1742] : memref<5x128x32xf32, #tpu.memory_space<vmem>> -> memref<1x128x32xf32, #tpu.memory_space<vmem>>
    %dma_start3A_1744 = tpu.memref_squeeze %dma_start3A_1743 : memref<1x128x32xf32, #tpu.memory_space<vmem>> -> memref<128x32xf32, #tpu.memory_space<vmem>>
    tpu.enqueue_dma source(%dma_start3A_1744 : memref<128x32xf32, #tpu.memory_space<vmem>>) target(%dma_start3A_1740 : memref<128x32xf32, #tpu.memory_space<hbm>>) target_semaphore(%arg10 : memref<!tpu.dma_semaphore, #tpu.memory_space<semaphore_mem>>)
    %dma_wait3A_1745 = arith.constant 33 : i32
    %dma_wait3A_1746 = arith.constant 3 : i32
    %dma_wait3A_1747 = arith.constant 0 : i32
    %dma_wait3A_1748 = arith.constant 0 : i32
    %dma_wait3A_1749 = tpu.memref_slice %arg6[%dma_wait3A_1746, %dma_wait3A_1747, %dma_wait3A_1748] : memref<5x128x32xf32, #tpu.memory_space<vmem>> -> memref<1x128x32xf32, #tpu.memory_space<vmem>>
    %dma_wait3A_1750 = tpu.memref_squeeze %dma_wait3A_1749 : memref<1x128x32xf32, #tpu.memory_space<vmem>> -> memref<128x32xf32, #tpu.memory_space<vmem>>
    %dma_wait3A_1751 = arith.constant 0 : i32
    %dma_wait3A_1752 = tpu.memref_slice %arg5[%dma_wait3A_1745, %dma_wait3A_1751] : memref<50x128xi32, #tpu.memory_space<vmem>> -> memref<1x128xi32, #tpu.memory_space<vmem>>
    %dma_wait3A_1753 = tpu.memref_squeeze %dma_wait3A_1752 : memref<1x128xi32, #tpu.memory_space<vmem>> -> memref<128xi32, #tpu.memory_space<vmem>>
    %dma_wait3A_1754 = arith.constant 0 : i32
    %dma_wait3A_1755 = arith.constant 0 : i32
    %dma_wait3A_1756 = tpu.memref_slice %arg2[%dma_wait3A_1754, %dma_wait3A_1755] : memref<1007616x32xf32, #tpu.memory_space<hbm>> -> memref<1007616x32xf32, #tpu.memory_space<hbm>>
    tpu.wait_indirect_dma semaphore(%arg8 : memref<!tpu.dma_semaphore, #tpu.memory_space<semaphore_mem>>) src(%dma_wait3A_1756 : memref<1007616x32xf32, #tpu.memory_space<hbm>>) dst(%dma_wait3A_1750 : memref<128x32xf32, #tpu.memory_space<vmem>>)
    %dma_start3A_1757 = arith.constant 3 : i32
    %dma_start3A_1758 = arith.constant 33 : i32
    %dma_start3A_1759 = arith.constant 0 : i32
    %dma_start3A_1760 = arith.constant 0 : i32
    %dma_start3A_1761 = tpu.memref_slice %arg6[%dma_start3A_1757, %dma_start3A_1759, %dma_start3A_1760] : memref<5x128x32xf32, #tpu.memory_space<vmem>> -> memref<1x128x32xf32, #tpu.memory_space<vmem>>
    %dma_start3A_1762 = tpu.memref_squeeze %dma_start3A_1761 : memref<1x128x32xf32, #tpu.memory_space<vmem>> -> memref<128x32xf32, #tpu.memory_space<vmem>>
    %dma_start3A_1763 = arith.constant 0 : i32
    %dma_start3A_1764 = tpu.memref_slice %arg4[%mul3A_2, %dma_start3A_1758, %dma_start3A_1763] : memref<4096x50x32xf32, #tpu.memory_space<hbm>> -> memref<128x1x32xf32, #tpu.memory_space<hbm>>
    %dma_start3A_1765 = tpu.memref_squeeze %dma_start3A_1764 : memref<128x1x32xf32, #tpu.memory_space<hbm>> -> memref<128x32xf32, #tpu.memory_space<hbm>>
    %dma_start3A_1766 = arith.constant 0 : i32
    %dma_start3A_1767 = tpu.memref_slice %arg4[%mul3A_2, %dma_start3A_1758, %dma_start3A_1766] : memref<4096x50x32xf32, #tpu.memory_space<hbm>> -> memref<128x1x32xf32, #tpu.memory_space<hbm>>
    %dma_start3A_1768 = tpu.memref_squeeze %dma_start3A_1767 : memref<128x1x32xf32, #tpu.memory_space<hbm>> -> memref<128x32xf32, #tpu.memory_space<hbm>>
    %dma_start3A_1769 = arith.constant 0 : i32
    %dma_start3A_1770 = arith.constant 0 : i32
    %dma_start3A_1771 = tpu.memref_slice %arg6[%dma_start3A_1757, %dma_start3A_1769, %dma_start3A_1770] : memref<5x128x32xf32, #tpu.memory_space<vmem>> -> memref<1x128x32xf32, #tpu.memory_space<vmem>>
    %dma_start3A_1772 = tpu.memref_squeeze %dma_start3A_1771 : memref<1x128x32xf32, #tpu.memory_space<vmem>> -> memref<128x32xf32, #tpu.memory_space<vmem>>
    tpu.enqueue_dma source(%dma_start3A_1772 : memref<128x32xf32, #tpu.memory_space<vmem>>) target(%dma_start3A_1768 : memref<128x32xf32, #tpu.memory_space<hbm>>) target_semaphore(%arg10 : memref<!tpu.dma_semaphore, #tpu.memory_space<semaphore_mem>>)
    %dma_wait3A_1773 = arith.constant 34 : i32
    %dma_wait3A_1774 = arith.constant 4 : i32
    %dma_wait3A_1775 = arith.constant 0 : i32
    %dma_wait3A_1776 = arith.constant 0 : i32
    %dma_wait3A_1777 = tpu.memref_slice %arg6[%dma_wait3A_1774, %dma_wait3A_1775, %dma_wait3A_1776] : memref<5x128x32xf32, #tpu.memory_space<vmem>> -> memref<1x128x32xf32, #tpu.memory_space<vmem>>
    %dma_wait3A_1778 = tpu.memref_squeeze %dma_wait3A_1777 : memref<1x128x32xf32, #tpu.memory_space<vmem>> -> memref<128x32xf32, #tpu.memory_space<vmem>>
    %dma_wait3A_1779 = arith.constant 0 : i32
    %dma_wait3A_1780 = tpu.memref_slice %arg5[%dma_wait3A_1773, %dma_wait3A_1779] : memref<50x128xi32, #tpu.memory_space<vmem>> -> memref<1x128xi32, #tpu.memory_space<vmem>>
    %dma_wait3A_1781 = tpu.memref_squeeze %dma_wait3A_1780 : memref<1x128xi32, #tpu.memory_space<vmem>> -> memref<128xi32, #tpu.memory_space<vmem>>
    %dma_wait3A_1782 = arith.constant 0 : i32
    %dma_wait3A_1783 = arith.constant 0 : i32
    %dma_wait3A_1784 = tpu.memref_slice %arg2[%dma_wait3A_1782, %dma_wait3A_1783] : memref<1007616x32xf32, #tpu.memory_space<hbm>> -> memref<1007616x32xf32, #tpu.memory_space<hbm>>
    tpu.wait_indirect_dma semaphore(%arg8 : memref<!tpu.dma_semaphore, #tpu.memory_space<semaphore_mem>>) src(%dma_wait3A_1784 : memref<1007616x32xf32, #tpu.memory_space<hbm>>) dst(%dma_wait3A_1778 : memref<128x32xf32, #tpu.memory_space<vmem>>)
    %dma_start3A_1785 = arith.constant 4 : i32
    %dma_start3A_1786 = arith.constant 34 : i32
    %dma_start3A_1787 = arith.constant 0 : i32
    %dma_start3A_1788 = arith.constant 0 : i32
    %dma_start3A_1789 = tpu.memref_slice %arg6[%dma_start3A_1785, %dma_start3A_1787, %dma_start3A_1788] : memref<5x128x32xf32, #tpu.memory_space<vmem>> -> memref<1x128x32xf32, #tpu.memory_space<vmem>>
    %dma_start3A_1790 = tpu.memref_squeeze %dma_start3A_1789 : memref<1x128x32xf32, #tpu.memory_space<vmem>> -> memref<128x32xf32, #tpu.memory_space<vmem>>
    %dma_start3A_1791 = arith.constant 0 : i32
    %dma_start3A_1792 = tpu.memref_slice %arg4[%mul3A_2, %dma_start3A_1786, %dma_start3A_1791] : memref<4096x50x32xf32, #tpu.memory_space<hbm>> -> memref<128x1x32xf32, #tpu.memory_space<hbm>>
    %dma_start3A_1793 = tpu.memref_squeeze %dma_start3A_1792 : memref<128x1x32xf32, #tpu.memory_space<hbm>> -> memref<128x32xf32, #tpu.memory_space<hbm>>
    %dma_start3A_1794 = arith.constant 0 : i32
    %dma_start3A_1795 = tpu.memref_slice %arg4[%mul3A_2, %dma_start3A_1786, %dma_start3A_1794] : memref<4096x50x32xf32, #tpu.memory_space<hbm>> -> memref<128x1x32xf32, #tpu.memory_space<hbm>>
    %dma_start3A_1796 = tpu.memref_squeeze %dma_start3A_1795 : memref<128x1x32xf32, #tpu.memory_space<hbm>> -> memref<128x32xf32, #tpu.memory_space<hbm>>
    %dma_start3A_1797 = arith.constant 0 : i32
    %dma_start3A_1798 = arith.constant 0 : i32
    %dma_start3A_1799 = tpu.memref_slice %arg6[%dma_start3A_1785, %dma_start3A_1797, %dma_start3A_1798] : memref<5x128x32xf32, #tpu.memory_space<vmem>> -> memref<1x128x32xf32, #tpu.memory_space<vmem>>
    %dma_start3A_1800 = tpu.memref_squeeze %dma_start3A_1799 : memref<1x128x32xf32, #tpu.memory_space<vmem>> -> memref<128x32xf32, #tpu.memory_space<vmem>>
    tpu.enqueue_dma source(%dma_start3A_1800 : memref<128x32xf32, #tpu.memory_space<vmem>>) target(%dma_start3A_1796 : memref<128x32xf32, #tpu.memory_space<hbm>>) target_semaphore(%arg10 : memref<!tpu.dma_semaphore, #tpu.memory_space<semaphore_mem>>)
    %dma_wait3A_1801 = arith.constant 0 : i32
    %dma_wait3A_1802 = arith.constant 25 : i32
    %dma_wait3A_1803 = arith.constant 0 : i32
    %dma_wait3A_1804 = arith.constant 0 : i32
    %dma_wait3A_1805 = tpu.memref_slice %arg7[%dma_wait3A_1801, %dma_wait3A_1803, %dma_wait3A_1804] : memref<5x128x32xf32, #tpu.memory_space<vmem>> -> memref<1x128x32xf32, #tpu.memory_space<vmem>>
    %dma_wait3A_1806 = tpu.memref_squeeze %dma_wait3A_1805 : memref<1x128x32xf32, #tpu.memory_space<vmem>> -> memref<128x32xf32, #tpu.memory_space<vmem>>
    %dma_wait3A_1807 = arith.constant 0 : i32
    %dma_wait3A_1808 = tpu.memref_slice %arg4[%mul3A_2, %dma_wait3A_1802, %dma_wait3A_1807] : memref<4096x50x32xf32, #tpu.memory_space<hbm>> -> memref<128x1x32xf32, #tpu.memory_space<hbm>>
    %dma_wait3A_1809 = tpu.memref_squeeze %dma_wait3A_1808 : memref<128x1x32xf32, #tpu.memory_space<hbm>> -> memref<128x32xf32, #tpu.memory_space<hbm>>
    %dma_wait3A_1810 = arith.constant 0 : i32
    %dma_wait3A_1811 = tpu.memref_slice %arg4[%mul3A_2, %dma_wait3A_1802, %dma_wait3A_1810] : memref<4096x50x32xf32, #tpu.memory_space<hbm>> -> memref<128x1x32xf32, #tpu.memory_space<hbm>>
    %dma_wait3A_1812 = tpu.memref_squeeze %dma_wait3A_1811 : memref<128x1x32xf32, #tpu.memory_space<hbm>> -> memref<128x32xf32, #tpu.memory_space<hbm>>
    %dma_wait3A_1813 = arith.constant 0 : i32
    %dma_wait3A_1814 = arith.constant 0 : i32
    %dma_wait3A_1815 = tpu.memref_slice %arg7[%dma_wait3A_1801, %dma_wait3A_1813, %dma_wait3A_1814] : memref<5x128x32xf32, #tpu.memory_space<vmem>> -> memref<1x128x32xf32, #tpu.memory_space<vmem>>
    %dma_wait3A_1816 = tpu.memref_squeeze %dma_wait3A_1815 : memref<1x128x32xf32, #tpu.memory_space<vmem>> -> memref<128x32xf32, #tpu.memory_space<vmem>>
    tpu.wait_dma2 semaphore(%arg11 : memref<!tpu.dma_semaphore, #tpu.memory_space<semaphore_mem>>) src(%dma_wait3A_1816 : memref<128x32xf32, #tpu.memory_space<vmem>>) dst(%dma_wait3A_1812 : memref<128x32xf32, #tpu.memory_space<hbm>>)
    %dma_wait3A_1817 = arith.constant 1 : i32
    %dma_wait3A_1818 = arith.constant 26 : i32
    %dma_wait3A_1819 = arith.constant 0 : i32
    %dma_wait3A_1820 = arith.constant 0 : i32
    %dma_wait3A_1821 = tpu.memref_slice %arg7[%dma_wait3A_1817, %dma_wait3A_1819, %dma_wait3A_1820] : memref<5x128x32xf32, #tpu.memory_space<vmem>> -> memref<1x128x32xf32, #tpu.memory_space<vmem>>
    %dma_wait3A_1822 = tpu.memref_squeeze %dma_wait3A_1821 : memref<1x128x32xf32, #tpu.memory_space<vmem>> -> memref<128x32xf32, #tpu.memory_space<vmem>>
    %dma_wait3A_1823 = arith.constant 0 : i32
    %dma_wait3A_1824 = tpu.memref_slice %arg4[%mul3A_2, %dma_wait3A_1818, %dma_wait3A_1823] : memref<4096x50x32xf32, #tpu.memory_space<hbm>> -> memref<128x1x32xf32, #tpu.memory_space<hbm>>
    %dma_wait3A_1825 = tpu.memref_squeeze %dma_wait3A_1824 : memref<128x1x32xf32, #tpu.memory_space<hbm>> -> memref<128x32xf32, #tpu.memory_space<hbm>>
    %dma_wait3A_1826 = arith.constant 0 : i32
    %dma_wait3A_1827 = tpu.memref_slice %arg4[%mul3A_2, %dma_wait3A_1818, %dma_wait3A_1826] : memref<4096x50x32xf32, #tpu.memory_space<hbm>> -> memref<128x1x32xf32, #tpu.memory_space<hbm>>
    %dma_wait3A_1828 = tpu.memref_squeeze %dma_wait3A_1827 : memref<128x1x32xf32, #tpu.memory_space<hbm>> -> memref<128x32xf32, #tpu.memory_space<hbm>>
    %dma_wait3A_1829 = arith.constant 0 : i32
    %dma_wait3A_1830 = arith.constant 0 : i32
    %dma_wait3A_1831 = tpu.memref_slice %arg7[%dma_wait3A_1817, %dma_wait3A_1829, %dma_wait3A_1830] : memref<5x128x32xf32, #tpu.memory_space<vmem>> -> memref<1x128x32xf32, #tpu.memory_space<vmem>>
    %dma_wait3A_1832 = tpu.memref_squeeze %dma_wait3A_1831 : memref<1x128x32xf32, #tpu.memory_space<vmem>> -> memref<128x32xf32, #tpu.memory_space<vmem>>
    tpu.wait_dma2 semaphore(%arg11 : memref<!tpu.dma_semaphore, #tpu.memory_space<semaphore_mem>>) src(%dma_wait3A_1832 : memref<128x32xf32, #tpu.memory_space<vmem>>) dst(%dma_wait3A_1828 : memref<128x32xf32, #tpu.memory_space<hbm>>)
    %dma_wait3A_1833 = arith.constant 2 : i32
    %dma_wait3A_1834 = arith.constant 27 : i32
    %dma_wait3A_1835 = arith.constant 0 : i32
    %dma_wait3A_1836 = arith.constant 0 : i32
    %dma_wait3A_1837 = tpu.memref_slice %arg7[%dma_wait3A_1833, %dma_wait3A_1835, %dma_wait3A_1836] : memref<5x128x32xf32, #tpu.memory_space<vmem>> -> memref<1x128x32xf32, #tpu.memory_space<vmem>>
    %dma_wait3A_1838 = tpu.memref_squeeze %dma_wait3A_1837 : memref<1x128x32xf32, #tpu.memory_space<vmem>> -> memref<128x32xf32, #tpu.memory_space<vmem>>
    %dma_wait3A_1839 = arith.constant 0 : i32
    %dma_wait3A_1840 = tpu.memref_slice %arg4[%mul3A_2, %dma_wait3A_1834, %dma_wait3A_1839] : memref<4096x50x32xf32, #tpu.memory_space<hbm>> -> memref<128x1x32xf32, #tpu.memory_space<hbm>>
    %dma_wait3A_1841 = tpu.memref_squeeze %dma_wait3A_1840 : memref<128x1x32xf32, #tpu.memory_space<hbm>> -> memref<128x32xf32, #tpu.memory_space<hbm>>
    %dma_wait3A_1842 = arith.constant 0 : i32
    %dma_wait3A_1843 = tpu.memref_slice %arg4[%mul3A_2, %dma_wait3A_1834, %dma_wait3A_1842] : memref<4096x50x32xf32, #tpu.memory_space<hbm>> -> memref<128x1x32xf32, #tpu.memory_space<hbm>>
    %dma_wait3A_1844 = tpu.memref_squeeze %dma_wait3A_1843 : memref<128x1x32xf32, #tpu.memory_space<hbm>> -> memref<128x32xf32, #tpu.memory_space<hbm>>
    %dma_wait3A_1845 = arith.constant 0 : i32
    %dma_wait3A_1846 = arith.constant 0 : i32
    %dma_wait3A_1847 = tpu.memref_slice %arg7[%dma_wait3A_1833, %dma_wait3A_1845, %dma_wait3A_1846] : memref<5x128x32xf32, #tpu.memory_space<vmem>> -> memref<1x128x32xf32, #tpu.memory_space<vmem>>
    %dma_wait3A_1848 = tpu.memref_squeeze %dma_wait3A_1847 : memref<1x128x32xf32, #tpu.memory_space<vmem>> -> memref<128x32xf32, #tpu.memory_space<vmem>>
    tpu.wait_dma2 semaphore(%arg11 : memref<!tpu.dma_semaphore, #tpu.memory_space<semaphore_mem>>) src(%dma_wait3A_1848 : memref<128x32xf32, #tpu.memory_space<vmem>>) dst(%dma_wait3A_1844 : memref<128x32xf32, #tpu.memory_space<hbm>>)
    %dma_wait3A_1849 = arith.constant 3 : i32
    %dma_wait3A_1850 = arith.constant 28 : i32
    %dma_wait3A_1851 = arith.constant 0 : i32
    %dma_wait3A_1852 = arith.constant 0 : i32
    %dma_wait3A_1853 = tpu.memref_slice %arg7[%dma_wait3A_1849, %dma_wait3A_1851, %dma_wait3A_1852] : memref<5x128x32xf32, #tpu.memory_space<vmem>> -> memref<1x128x32xf32, #tpu.memory_space<vmem>>
    %dma_wait3A_1854 = tpu.memref_squeeze %dma_wait3A_1853 : memref<1x128x32xf32, #tpu.memory_space<vmem>> -> memref<128x32xf32, #tpu.memory_space<vmem>>
    %dma_wait3A_1855 = arith.constant 0 : i32
    %dma_wait3A_1856 = tpu.memref_slice %arg4[%mul3A_2, %dma_wait3A_1850, %dma_wait3A_1855] : memref<4096x50x32xf32, #tpu.memory_space<hbm>> -> memref<128x1x32xf32, #tpu.memory_space<hbm>>
    %dma_wait3A_1857 = tpu.memref_squeeze %dma_wait3A_1856 : memref<128x1x32xf32, #tpu.memory_space<hbm>> -> memref<128x32xf32, #tpu.memory_space<hbm>>
    %dma_wait3A_1858 = arith.constant 0 : i32
    %dma_wait3A_1859 = tpu.memref_slice %arg4[%mul3A_2, %dma_wait3A_1850, %dma_wait3A_1858] : memref<4096x50x32xf32, #tpu.memory_space<hbm>> -> memref<128x1x32xf32, #tpu.memory_space<hbm>>
    %dma_wait3A_1860 = tpu.memref_squeeze %dma_wait3A_1859 : memref<128x1x32xf32, #tpu.memory_space<hbm>> -> memref<128x32xf32, #tpu.memory_space<hbm>>
    %dma_wait3A_1861 = arith.constant 0 : i32
    %dma_wait3A_1862 = arith.constant 0 : i32
    %dma_wait3A_1863 = tpu.memref_slice %arg7[%dma_wait3A_1849, %dma_wait3A_1861, %dma_wait3A_1862] : memref<5x128x32xf32, #tpu.memory_space<vmem>> -> memref<1x128x32xf32, #tpu.memory_space<vmem>>
    %dma_wait3A_1864 = tpu.memref_squeeze %dma_wait3A_1863 : memref<1x128x32xf32, #tpu.memory_space<vmem>> -> memref<128x32xf32, #tpu.memory_space<vmem>>
    tpu.wait_dma2 semaphore(%arg11 : memref<!tpu.dma_semaphore, #tpu.memory_space<semaphore_mem>>) src(%dma_wait3A_1864 : memref<128x32xf32, #tpu.memory_space<vmem>>) dst(%dma_wait3A_1860 : memref<128x32xf32, #tpu.memory_space<hbm>>)
    %dma_wait3A_1865 = arith.constant 4 : i32
    %dma_wait3A_1866 = arith.constant 29 : i32
    %dma_wait3A_1867 = arith.constant 0 : i32
    %dma_wait3A_1868 = arith.constant 0 : i32
    %dma_wait3A_1869 = tpu.memref_slice %arg7[%dma_wait3A_1865, %dma_wait3A_1867, %dma_wait3A_1868] : memref<5x128x32xf32, #tpu.memory_space<vmem>> -> memref<1x128x32xf32, #tpu.memory_space<vmem>>
    %dma_wait3A_1870 = tpu.memref_squeeze %dma_wait3A_1869 : memref<1x128x32xf32, #tpu.memory_space<vmem>> -> memref<128x32xf32, #tpu.memory_space<vmem>>
    %dma_wait3A_1871 = arith.constant 0 : i32
    %dma_wait3A_1872 = tpu.memref_slice %arg4[%mul3A_2, %dma_wait3A_1866, %dma_wait3A_1871] : memref<4096x50x32xf32, #tpu.memory_space<hbm>> -> memref<128x1x32xf32, #tpu.memory_space<hbm>>
    %dma_wait3A_1873 = tpu.memref_squeeze %dma_wait3A_1872 : memref<128x1x32xf32, #tpu.memory_space<hbm>> -> memref<128x32xf32, #tpu.memory_space<hbm>>
    %dma_wait3A_1874 = arith.constant 0 : i32
    %dma_wait3A_1875 = tpu.memref_slice %arg4[%mul3A_2, %dma_wait3A_1866, %dma_wait3A_1874] : memref<4096x50x32xf32, #tpu.memory_space<hbm>> -> memref<128x1x32xf32, #tpu.memory_space<hbm>>
    %dma_wait3A_1876 = tpu.memref_squeeze %dma_wait3A_1875 : memref<128x1x32xf32, #tpu.memory_space<hbm>> -> memref<128x32xf32, #tpu.memory_space<hbm>>
    %dma_wait3A_1877 = arith.constant 0 : i32
    %dma_wait3A_1878 = arith.constant 0 : i32
    %dma_wait3A_1879 = tpu.memref_slice %arg7[%dma_wait3A_1865, %dma_wait3A_1877, %dma_wait3A_1878] : memref<5x128x32xf32, #tpu.memory_space<vmem>> -> memref<1x128x32xf32, #tpu.memory_space<vmem>>
    %dma_wait3A_1880 = tpu.memref_squeeze %dma_wait3A_1879 : memref<1x128x32xf32, #tpu.memory_space<vmem>> -> memref<128x32xf32, #tpu.memory_space<vmem>>
    tpu.wait_dma2 semaphore(%arg11 : memref<!tpu.dma_semaphore, #tpu.memory_space<semaphore_mem>>) src(%dma_wait3A_1880 : memref<128x32xf32, #tpu.memory_space<vmem>>) dst(%dma_wait3A_1876 : memref<128x32xf32, #tpu.memory_space<hbm>>)
    %dma_start3A_1881 = arith.constant 35 : i32
    %dma_start3A_1882 = arith.constant 0 : i32
    %dma_start3A_1883 = arith.constant 0 : i32
    %dma_start3A_1884 = arith.constant 0 : i32
    %dma_start3A_1885 = tpu.memref_slice %arg7[%dma_start3A_1882, %dma_start3A_1883, %dma_start3A_1884] : memref<5x128x32xf32, #tpu.memory_space<vmem>> -> memref<1x128x32xf32, #tpu.memory_space<vmem>>
    %dma_start3A_1886 = tpu.memref_squeeze %dma_start3A_1885 : memref<1x128x32xf32, #tpu.memory_space<vmem>> -> memref<128x32xf32, #tpu.memory_space<vmem>>
    %dma_start3A_1887 = arith.constant 0 : i32
    %dma_start3A_1888 = tpu.memref_slice %arg5[%dma_start3A_1881, %dma_start3A_1887] : memref<50x128xi32, #tpu.memory_space<vmem>> -> memref<1x128xi32, #tpu.memory_space<vmem>>
    %dma_start3A_1889 = tpu.memref_squeeze %dma_start3A_1888 : memref<1x128xi32, #tpu.memory_space<vmem>> -> memref<128xi32, #tpu.memory_space<vmem>>
    %dma_start3A_1890 = arith.constant 0 : i32
    %dma_start3A_1891 = arith.constant 0 : i32
    %dma_start3A_1892 = tpu.memref_slice %arg2[%dma_start3A_1890, %dma_start3A_1891] : memref<1007616x32xf32, #tpu.memory_space<hbm>> -> memref<1007616x32xf32, #tpu.memory_space<hbm>>
    tpu.enqueue_indirect_dma source(%dma_start3A_1892 : memref<1007616x32xf32, #tpu.memory_space<hbm>>) target(%dma_start3A_1886 : memref<128x32xf32, #tpu.memory_space<vmem>>) offsets(%dma_start3A_1889 : memref<128xi32, #tpu.memory_space<vmem>>) semaphore(%arg9 : memref<!tpu.dma_semaphore, #tpu.memory_space<semaphore_mem>>)
    %dma_start3A_1893 = arith.constant 36 : i32
    %dma_start3A_1894 = arith.constant 1 : i32
    %dma_start3A_1895 = arith.constant 0 : i32
    %dma_start3A_1896 = arith.constant 0 : i32
    %dma_start3A_1897 = tpu.memref_slice %arg7[%dma_start3A_1894, %dma_start3A_1895, %dma_start3A_1896] : memref<5x128x32xf32, #tpu.memory_space<vmem>> -> memref<1x128x32xf32, #tpu.memory_space<vmem>>
    %dma_start3A_1898 = tpu.memref_squeeze %dma_start3A_1897 : memref<1x128x32xf32, #tpu.memory_space<vmem>> -> memref<128x32xf32, #tpu.memory_space<vmem>>
    %dma_start3A_1899 = arith.constant 0 : i32
    %dma_start3A_1900 = tpu.memref_slice %arg5[%dma_start3A_1893, %dma_start3A_1899] : memref<50x128xi32, #tpu.memory_space<vmem>> -> memref<1x128xi32, #tpu.memory_space<vmem>>
    %dma_start3A_1901 = tpu.memref_squeeze %dma_start3A_1900 : memref<1x128xi32, #tpu.memory_space<vmem>> -> memref<128xi32, #tpu.memory_space<vmem>>
    %dma_start3A_1902 = arith.constant 0 : i32
    %dma_start3A_1903 = arith.constant 0 : i32
    %dma_start3A_1904 = tpu.memref_slice %arg2[%dma_start3A_1902, %dma_start3A_1903] : memref<1007616x32xf32, #tpu.memory_space<hbm>> -> memref<1007616x32xf32, #tpu.memory_space<hbm>>
    tpu.enqueue_indirect_dma source(%dma_start3A_1904 : memref<1007616x32xf32, #tpu.memory_space<hbm>>) target(%dma_start3A_1898 : memref<128x32xf32, #tpu.memory_space<vmem>>) offsets(%dma_start3A_1901 : memref<128xi32, #tpu.memory_space<vmem>>) semaphore(%arg9 : memref<!tpu.dma_semaphore, #tpu.memory_space<semaphore_mem>>)
    %dma_start3A_1905 = arith.constant 37 : i32
    %dma_start3A_1906 = arith.constant 2 : i32
    %dma_start3A_1907 = arith.constant 0 : i32
    %dma_start3A_1908 = arith.constant 0 : i32
    %dma_start3A_1909 = tpu.memref_slice %arg7[%dma_start3A_1906, %dma_start3A_1907, %dma_start3A_1908] : memref<5x128x32xf32, #tpu.memory_space<vmem>> -> memref<1x128x32xf32, #tpu.memory_space<vmem>>
    %dma_start3A_1910 = tpu.memref_squeeze %dma_start3A_1909 : memref<1x128x32xf32, #tpu.memory_space<vmem>> -> memref<128x32xf32, #tpu.memory_space<vmem>>
    %dma_start3A_1911 = arith.constant 0 : i32
    %dma_start3A_1912 = tpu.memref_slice %arg5[%dma_start3A_1905, %dma_start3A_1911] : memref<50x128xi32, #tpu.memory_space<vmem>> -> memref<1x128xi32, #tpu.memory_space<vmem>>
    %dma_start3A_1913 = tpu.memref_squeeze %dma_start3A_1912 : memref<1x128xi32, #tpu.memory_space<vmem>> -> memref<128xi32, #tpu.memory_space<vmem>>
    %dma_start3A_1914 = arith.constant 0 : i32
    %dma_start3A_1915 = arith.constant 0 : i32
    %dma_start3A_1916 = tpu.memref_slice %arg2[%dma_start3A_1914, %dma_start3A_1915] : memref<1007616x32xf32, #tpu.memory_space<hbm>> -> memref<1007616x32xf32, #tpu.memory_space<hbm>>
    tpu.enqueue_indirect_dma source(%dma_start3A_1916 : memref<1007616x32xf32, #tpu.memory_space<hbm>>) target(%dma_start3A_1910 : memref<128x32xf32, #tpu.memory_space<vmem>>) offsets(%dma_start3A_1913 : memref<128xi32, #tpu.memory_space<vmem>>) semaphore(%arg9 : memref<!tpu.dma_semaphore, #tpu.memory_space<semaphore_mem>>)
    %dma_start3A_1917 = arith.constant 38 : i32
    %dma_start3A_1918 = arith.constant 3 : i32
    %dma_start3A_1919 = arith.constant 0 : i32
    %dma_start3A_1920 = arith.constant 0 : i32
    %dma_start3A_1921 = tpu.memref_slice %arg7[%dma_start3A_1918, %dma_start3A_1919, %dma_start3A_1920] : memref<5x128x32xf32, #tpu.memory_space<vmem>> -> memref<1x128x32xf32, #tpu.memory_space<vmem>>
    %dma_start3A_1922 = tpu.memref_squeeze %dma_start3A_1921 : memref<1x128x32xf32, #tpu.memory_space<vmem>> -> memref<128x32xf32, #tpu.memory_space<vmem>>
    %dma_start3A_1923 = arith.constant 0 : i32
    %dma_start3A_1924 = tpu.memref_slice %arg5[%dma_start3A_1917, %dma_start3A_1923] : memref<50x128xi32, #tpu.memory_space<vmem>> -> memref<1x128xi32, #tpu.memory_space<vmem>>
    %dma_start3A_1925 = tpu.memref_squeeze %dma_start3A_1924 : memref<1x128xi32, #tpu.memory_space<vmem>> -> memref<128xi32, #tpu.memory_space<vmem>>
    %dma_start3A_1926 = arith.constant 0 : i32
    %dma_start3A_1927 = arith.constant 0 : i32
    %dma_start3A_1928 = tpu.memref_slice %arg2[%dma_start3A_1926, %dma_start3A_1927] : memref<1007616x32xf32, #tpu.memory_space<hbm>> -> memref<1007616x32xf32, #tpu.memory_space<hbm>>
    tpu.enqueue_indirect_dma source(%dma_start3A_1928 : memref<1007616x32xf32, #tpu.memory_space<hbm>>) target(%dma_start3A_1922 : memref<128x32xf32, #tpu.memory_space<vmem>>) offsets(%dma_start3A_1925 : memref<128xi32, #tpu.memory_space<vmem>>) semaphore(%arg9 : memref<!tpu.dma_semaphore, #tpu.memory_space<semaphore_mem>>)
    %dma_start3A_1929 = arith.constant 39 : i32
    %dma_start3A_1930 = arith.constant 4 : i32
    %dma_start3A_1931 = arith.constant 0 : i32
    %dma_start3A_1932 = arith.constant 0 : i32
    %dma_start3A_1933 = tpu.memref_slice %arg7[%dma_start3A_1930, %dma_start3A_1931, %dma_start3A_1932] : memref<5x128x32xf32, #tpu.memory_space<vmem>> -> memref<1x128x32xf32, #tpu.memory_space<vmem>>
    %dma_start3A_1934 = tpu.memref_squeeze %dma_start3A_1933 : memref<1x128x32xf32, #tpu.memory_space<vmem>> -> memref<128x32xf32, #tpu.memory_space<vmem>>
    %dma_start3A_1935 = arith.constant 0 : i32
    %dma_start3A_1936 = tpu.memref_slice %arg5[%dma_start3A_1929, %dma_start3A_1935] : memref<50x128xi32, #tpu.memory_space<vmem>> -> memref<1x128xi32, #tpu.memory_space<vmem>>
    %dma_start3A_1937 = tpu.memref_squeeze %dma_start3A_1936 : memref<1x128xi32, #tpu.memory_space<vmem>> -> memref<128xi32, #tpu.memory_space<vmem>>
    %dma_start3A_1938 = arith.constant 0 : i32
    %dma_start3A_1939 = arith.constant 0 : i32
    %dma_start3A_1940 = tpu.memref_slice %arg2[%dma_start3A_1938, %dma_start3A_1939] : memref<1007616x32xf32, #tpu.memory_space<hbm>> -> memref<1007616x32xf32, #tpu.memory_space<hbm>>
    tpu.enqueue_indirect_dma source(%dma_start3A_1940 : memref<1007616x32xf32, #tpu.memory_space<hbm>>) target(%dma_start3A_1934 : memref<128x32xf32, #tpu.memory_space<vmem>>) offsets(%dma_start3A_1937 : memref<128xi32, #tpu.memory_space<vmem>>) semaphore(%arg9 : memref<!tpu.dma_semaphore, #tpu.memory_space<semaphore_mem>>)
    %dma_wait3A_1941 = arith.constant 35 : i32
    %dma_wait3A_1942 = arith.constant 0 : i32
    %dma_wait3A_1943 = arith.constant 0 : i32
    %dma_wait3A_1944 = arith.constant 0 : i32
    %dma_wait3A_1945 = tpu.memref_slice %arg7[%dma_wait3A_1942, %dma_wait3A_1943, %dma_wait3A_1944] : memref<5x128x32xf32, #tpu.memory_space<vmem>> -> memref<1x128x32xf32, #tpu.memory_space<vmem>>
    %dma_wait3A_1946 = tpu.memref_squeeze %dma_wait3A_1945 : memref<1x128x32xf32, #tpu.memory_space<vmem>> -> memref<128x32xf32, #tpu.memory_space<vmem>>
    %dma_wait3A_1947 = arith.constant 0 : i32
    %dma_wait3A_1948 = tpu.memref_slice %arg5[%dma_wait3A_1941, %dma_wait3A_1947] : memref<50x128xi32, #tpu.memory_space<vmem>> -> memref<1x128xi32, #tpu.memory_space<vmem>>
    %dma_wait3A_1949 = tpu.memref_squeeze %dma_wait3A_1948 : memref<1x128xi32, #tpu.memory_space<vmem>> -> memref<128xi32, #tpu.memory_space<vmem>>
    %dma_wait3A_1950 = arith.constant 0 : i32
    %dma_wait3A_1951 = arith.constant 0 : i32
    %dma_wait3A_1952 = tpu.memref_slice %arg2[%dma_wait3A_1950, %dma_wait3A_1951] : memref<1007616x32xf32, #tpu.memory_space<hbm>> -> memref<1007616x32xf32, #tpu.memory_space<hbm>>
    tpu.wait_indirect_dma semaphore(%arg9 : memref<!tpu.dma_semaphore, #tpu.memory_space<semaphore_mem>>) src(%dma_wait3A_1952 : memref<1007616x32xf32, #tpu.memory_space<hbm>>) dst(%dma_wait3A_1946 : memref<128x32xf32, #tpu.memory_space<vmem>>)
    %dma_start3A_1953 = arith.constant 0 : i32
    %dma_start3A_1954 = arith.constant 35 : i32
    %dma_start3A_1955 = arith.constant 0 : i32
    %dma_start3A_1956 = arith.constant 0 : i32
    %dma_start3A_1957 = tpu.memref_slice %arg7[%dma_start3A_1953, %dma_start3A_1955, %dma_start3A_1956] : memref<5x128x32xf32, #tpu.memory_space<vmem>> -> memref<1x128x32xf32, #tpu.memory_space<vmem>>
    %dma_start3A_1958 = tpu.memref_squeeze %dma_start3A_1957 : memref<1x128x32xf32, #tpu.memory_space<vmem>> -> memref<128x32xf32, #tpu.memory_space<vmem>>
    %dma_start3A_1959 = arith.constant 0 : i32
    %dma_start3A_1960 = tpu.memref_slice %arg4[%mul3A_2, %dma_start3A_1954, %dma_start3A_1959] : memref<4096x50x32xf32, #tpu.memory_space<hbm>> -> memref<128x1x32xf32, #tpu.memory_space<hbm>>
    %dma_start3A_1961 = tpu.memref_squeeze %dma_start3A_1960 : memref<128x1x32xf32, #tpu.memory_space<hbm>> -> memref<128x32xf32, #tpu.memory_space<hbm>>
    %dma_start3A_1962 = arith.constant 0 : i32
    %dma_start3A_1963 = tpu.memref_slice %arg4[%mul3A_2, %dma_start3A_1954, %dma_start3A_1962] : memref<4096x50x32xf32, #tpu.memory_space<hbm>> -> memref<128x1x32xf32, #tpu.memory_space<hbm>>
    %dma_start3A_1964 = tpu.memref_squeeze %dma_start3A_1963 : memref<128x1x32xf32, #tpu.memory_space<hbm>> -> memref<128x32xf32, #tpu.memory_space<hbm>>
    %dma_start3A_1965 = arith.constant 0 : i32
    %dma_start3A_1966 = arith.constant 0 : i32
    %dma_start3A_1967 = tpu.memref_slice %arg7[%dma_start3A_1953, %dma_start3A_1965, %dma_start3A_1966] : memref<5x128x32xf32, #tpu.memory_space<vmem>> -> memref<1x128x32xf32, #tpu.memory_space<vmem>>
    %dma_start3A_1968 = tpu.memref_squeeze %dma_start3A_1967 : memref<1x128x32xf32, #tpu.memory_space<vmem>> -> memref<128x32xf32, #tpu.memory_space<vmem>>
    tpu.enqueue_dma source(%dma_start3A_1968 : memref<128x32xf32, #tpu.memory_space<vmem>>) target(%dma_start3A_1964 : memref<128x32xf32, #tpu.memory_space<hbm>>) target_semaphore(%arg11 : memref<!tpu.dma_semaphore, #tpu.memory_space<semaphore_mem>>)
    %dma_wait3A_1969 = arith.constant 36 : i32
    %dma_wait3A_1970 = arith.constant 1 : i32
    %dma_wait3A_1971 = arith.constant 0 : i32
    %dma_wait3A_1972 = arith.constant 0 : i32
    %dma_wait3A_1973 = tpu.memref_slice %arg7[%dma_wait3A_1970, %dma_wait3A_1971, %dma_wait3A_1972] : memref<5x128x32xf32, #tpu.memory_space<vmem>> -> memref<1x128x32xf32, #tpu.memory_space<vmem>>
    %dma_wait3A_1974 = tpu.memref_squeeze %dma_wait3A_1973 : memref<1x128x32xf32, #tpu.memory_space<vmem>> -> memref<128x32xf32, #tpu.memory_space<vmem>>
    %dma_wait3A_1975 = arith.constant 0 : i32
    %dma_wait3A_1976 = tpu.memref_slice %arg5[%dma_wait3A_1969, %dma_wait3A_1975] : memref<50x128xi32, #tpu.memory_space<vmem>> -> memref<1x128xi32, #tpu.memory_space<vmem>>
    %dma_wait3A_1977 = tpu.memref_squeeze %dma_wait3A_1976 : memref<1x128xi32, #tpu.memory_space<vmem>> -> memref<128xi32, #tpu.memory_space<vmem>>
    %dma_wait3A_1978 = arith.constant 0 : i32
    %dma_wait3A_1979 = arith.constant 0 : i32
    %dma_wait3A_1980 = tpu.memref_slice %arg2[%dma_wait3A_1978, %dma_wait3A_1979] : memref<1007616x32xf32, #tpu.memory_space<hbm>> -> memref<1007616x32xf32, #tpu.memory_space<hbm>>
    tpu.wait_indirect_dma semaphore(%arg9 : memref<!tpu.dma_semaphore, #tpu.memory_space<semaphore_mem>>) src(%dma_wait3A_1980 : memref<1007616x32xf32, #tpu.memory_space<hbm>>) dst(%dma_wait3A_1974 : memref<128x32xf32, #tpu.memory_space<vmem>>)
    %dma_start3A_1981 = arith.constant 1 : i32
    %dma_start3A_1982 = arith.constant 36 : i32
    %dma_start3A_1983 = arith.constant 0 : i32
    %dma_start3A_1984 = arith.constant 0 : i32
    %dma_start3A_1985 = tpu.memref_slice %arg7[%dma_start3A_1981, %dma_start3A_1983, %dma_start3A_1984] : memref<5x128x32xf32, #tpu.memory_space<vmem>> -> memref<1x128x32xf32, #tpu.memory_space<vmem>>
    %dma_start3A_1986 = tpu.memref_squeeze %dma_start3A_1985 : memref<1x128x32xf32, #tpu.memory_space<vmem>> -> memref<128x32xf32, #tpu.memory_space<vmem>>
    %dma_start3A_1987 = arith.constant 0 : i32
    %dma_start3A_1988 = tpu.memref_slice %arg4[%mul3A_2, %dma_start3A_1982, %dma_start3A_1987] : memref<4096x50x32xf32, #tpu.memory_space<hbm>> -> memref<128x1x32xf32, #tpu.memory_space<hbm>>
    %dma_start3A_1989 = tpu.memref_squeeze %dma_start3A_1988 : memref<128x1x32xf32, #tpu.memory_space<hbm>> -> memref<128x32xf32, #tpu.memory_space<hbm>>
    %dma_start3A_1990 = arith.constant 0 : i32
    %dma_start3A_1991 = tpu.memref_slice %arg4[%mul3A_2, %dma_start3A_1982, %dma_start3A_1990] : memref<4096x50x32xf32, #tpu.memory_space<hbm>> -> memref<128x1x32xf32, #tpu.memory_space<hbm>>
    %dma_start3A_1992 = tpu.memref_squeeze %dma_start3A_1991 : memref<128x1x32xf32, #tpu.memory_space<hbm>> -> memref<128x32xf32, #tpu.memory_space<hbm>>
    %dma_start3A_1993 = arith.constant 0 : i32
    %dma_start3A_1994 = arith.constant 0 : i32
    %dma_start3A_1995 = tpu.memref_slice %arg7[%dma_start3A_1981, %dma_start3A_1993, %dma_start3A_1994] : memref<5x128x32xf32, #tpu.memory_space<vmem>> -> memref<1x128x32xf32, #tpu.memory_space<vmem>>
    %dma_start3A_1996 = tpu.memref_squeeze %dma_start3A_1995 : memref<1x128x32xf32, #tpu.memory_space<vmem>> -> memref<128x32xf32, #tpu.memory_space<vmem>>
    tpu.enqueue_dma source(%dma_start3A_1996 : memref<128x32xf32, #tpu.memory_space<vmem>>) target(%dma_start3A_1992 : memref<128x32xf32, #tpu.memory_space<hbm>>) target_semaphore(%arg11 : memref<!tpu.dma_semaphore, #tpu.memory_space<semaphore_mem>>)
    %dma_wait3A_1997 = arith.constant 37 : i32
    %dma_wait3A_1998 = arith.constant 2 : i32
    %dma_wait3A_1999 = arith.constant 0 : i32
    %dma_wait3A_2000 = arith.constant 0 : i32
    %dma_wait3A_2001 = tpu.memref_slice %arg7[%dma_wait3A_1998, %dma_wait3A_1999, %dma_wait3A_2000] : memref<5x128x32xf32, #tpu.memory_space<vmem>> -> memref<1x128x32xf32, #tpu.memory_space<vmem>>
    %dma_wait3A_2002 = tpu.memref_squeeze %dma_wait3A_2001 : memref<1x128x32xf32, #tpu.memory_space<vmem>> -> memref<128x32xf32, #tpu.memory_space<vmem>>
    %dma_wait3A_2003 = arith.constant 0 : i32
    %dma_wait3A_2004 = tpu.memref_slice %arg5[%dma_wait3A_1997, %dma_wait3A_2003] : memref<50x128xi32, #tpu.memory_space<vmem>> -> memref<1x128xi32, #tpu.memory_space<vmem>>
    %dma_wait3A_2005 = tpu.memref_squeeze %dma_wait3A_2004 : memref<1x128xi32, #tpu.memory_space<vmem>> -> memref<128xi32, #tpu.memory_space<vmem>>
    %dma_wait3A_2006 = arith.constant 0 : i32
    %dma_wait3A_2007 = arith.constant 0 : i32
    %dma_wait3A_2008 = tpu.memref_slice %arg2[%dma_wait3A_2006, %dma_wait3A_2007] : memref<1007616x32xf32, #tpu.memory_space<hbm>> -> memref<1007616x32xf32, #tpu.memory_space<hbm>>
    tpu.wait_indirect_dma semaphore(%arg9 : memref<!tpu.dma_semaphore, #tpu.memory_space<semaphore_mem>>) src(%dma_wait3A_2008 : memref<1007616x32xf32, #tpu.memory_space<hbm>>) dst(%dma_wait3A_2002 : memref<128x32xf32, #tpu.memory_space<vmem>>)
    %dma_start3A_2009 = arith.constant 2 : i32
    %dma_start3A_2010 = arith.constant 37 : i32
    %dma_start3A_2011 = arith.constant 0 : i32
    %dma_start3A_2012 = arith.constant 0 : i32
    %dma_start3A_2013 = tpu.memref_slice %arg7[%dma_start3A_2009, %dma_start3A_2011, %dma_start3A_2012] : memref<5x128x32xf32, #tpu.memory_space<vmem>> -> memref<1x128x32xf32, #tpu.memory_space<vmem>>
    %dma_start3A_2014 = tpu.memref_squeeze %dma_start3A_2013 : memref<1x128x32xf32, #tpu.memory_space<vmem>> -> memref<128x32xf32, #tpu.memory_space<vmem>>
    %dma_start3A_2015 = arith.constant 0 : i32
    %dma_start3A_2016 = tpu.memref_slice %arg4[%mul3A_2, %dma_start3A_2010, %dma_start3A_2015] : memref<4096x50x32xf32, #tpu.memory_space<hbm>> -> memref<128x1x32xf32, #tpu.memory_space<hbm>>
    %dma_start3A_2017 = tpu.memref_squeeze %dma_start3A_2016 : memref<128x1x32xf32, #tpu.memory_space<hbm>> -> memref<128x32xf32, #tpu.memory_space<hbm>>
    %dma_start3A_2018 = arith.constant 0 : i32
    %dma_start3A_2019 = tpu.memref_slice %arg4[%mul3A_2, %dma_start3A_2010, %dma_start3A_2018] : memref<4096x50x32xf32, #tpu.memory_space<hbm>> -> memref<128x1x32xf32, #tpu.memory_space<hbm>>
    %dma_start3A_2020 = tpu.memref_squeeze %dma_start3A_2019 : memref<128x1x32xf32, #tpu.memory_space<hbm>> -> memref<128x32xf32, #tpu.memory_space<hbm>>
    %dma_start3A_2021 = arith.constant 0 : i32
    %dma_start3A_2022 = arith.constant 0 : i32
    %dma_start3A_2023 = tpu.memref_slice %arg7[%dma_start3A_2009, %dma_start3A_2021, %dma_start3A_2022] : memref<5x128x32xf32, #tpu.memory_space<vmem>> -> memref<1x128x32xf32, #tpu.memory_space<vmem>>
    %dma_start3A_2024 = tpu.memref_squeeze %dma_start3A_2023 : memref<1x128x32xf32, #tpu.memory_space<vmem>> -> memref<128x32xf32, #tpu.memory_space<vmem>>
    tpu.enqueue_dma source(%dma_start3A_2024 : memref<128x32xf32, #tpu.memory_space<vmem>>) target(%dma_start3A_2020 : memref<128x32xf32, #tpu.memory_space<hbm>>) target_semaphore(%arg11 : memref<!tpu.dma_semaphore, #tpu.memory_space<semaphore_mem>>)
    %dma_wait3A_2025 = arith.constant 38 : i32
    %dma_wait3A_2026 = arith.constant 3 : i32
    %dma_wait3A_2027 = arith.constant 0 : i32
    %dma_wait3A_2028 = arith.constant 0 : i32
    %dma_wait3A_2029 = tpu.memref_slice %arg7[%dma_wait3A_2026, %dma_wait3A_2027, %dma_wait3A_2028] : memref<5x128x32xf32, #tpu.memory_space<vmem>> -> memref<1x128x32xf32, #tpu.memory_space<vmem>>
    %dma_wait3A_2030 = tpu.memref_squeeze %dma_wait3A_2029 : memref<1x128x32xf32, #tpu.memory_space<vmem>> -> memref<128x32xf32, #tpu.memory_space<vmem>>
    %dma_wait3A_2031 = arith.constant 0 : i32
    %dma_wait3A_2032 = tpu.memref_slice %arg5[%dma_wait3A_2025, %dma_wait3A_2031] : memref<50x128xi32, #tpu.memory_space<vmem>> -> memref<1x128xi32, #tpu.memory_space<vmem>>
    %dma_wait3A_2033 = tpu.memref_squeeze %dma_wait3A_2032 : memref<1x128xi32, #tpu.memory_space<vmem>> -> memref<128xi32, #tpu.memory_space<vmem>>
    %dma_wait3A_2034 = arith.constant 0 : i32
    %dma_wait3A_2035 = arith.constant 0 : i32
    %dma_wait3A_2036 = tpu.memref_slice %arg2[%dma_wait3A_2034, %dma_wait3A_2035] : memref<1007616x32xf32, #tpu.memory_space<hbm>> -> memref<1007616x32xf32, #tpu.memory_space<hbm>>
    tpu.wait_indirect_dma semaphore(%arg9 : memref<!tpu.dma_semaphore, #tpu.memory_space<semaphore_mem>>) src(%dma_wait3A_2036 : memref<1007616x32xf32, #tpu.memory_space<hbm>>) dst(%dma_wait3A_2030 : memref<128x32xf32, #tpu.memory_space<vmem>>)
    %dma_start3A_2037 = arith.constant 3 : i32
    %dma_start3A_2038 = arith.constant 38 : i32
    %dma_start3A_2039 = arith.constant 0 : i32
    %dma_start3A_2040 = arith.constant 0 : i32
    %dma_start3A_2041 = tpu.memref_slice %arg7[%dma_start3A_2037, %dma_start3A_2039, %dma_start3A_2040] : memref<5x128x32xf32, #tpu.memory_space<vmem>> -> memref<1x128x32xf32, #tpu.memory_space<vmem>>
    %dma_start3A_2042 = tpu.memref_squeeze %dma_start3A_2041 : memref<1x128x32xf32, #tpu.memory_space<vmem>> -> memref<128x32xf32, #tpu.memory_space<vmem>>
    %dma_start3A_2043 = arith.constant 0 : i32
    %dma_start3A_2044 = tpu.memref_slice %arg4[%mul3A_2, %dma_start3A_2038, %dma_start3A_2043] : memref<4096x50x32xf32, #tpu.memory_space<hbm>> -> memref<128x1x32xf32, #tpu.memory_space<hbm>>
    %dma_start3A_2045 = tpu.memref_squeeze %dma_start3A_2044 : memref<128x1x32xf32, #tpu.memory_space<hbm>> -> memref<128x32xf32, #tpu.memory_space<hbm>>
    %dma_start3A_2046 = arith.constant 0 : i32
    %dma_start3A_2047 = tpu.memref_slice %arg4[%mul3A_2, %dma_start3A_2038, %dma_start3A_2046] : memref<4096x50x32xf32, #tpu.memory_space<hbm>> -> memref<128x1x32xf32, #tpu.memory_space<hbm>>
    %dma_start3A_2048 = tpu.memref_squeeze %dma_start3A_2047 : memref<128x1x32xf32, #tpu.memory_space<hbm>> -> memref<128x32xf32, #tpu.memory_space<hbm>>
    %dma_start3A_2049 = arith.constant 0 : i32
    %dma_start3A_2050 = arith.constant 0 : i32
    %dma_start3A_2051 = tpu.memref_slice %arg7[%dma_start3A_2037, %dma_start3A_2049, %dma_start3A_2050] : memref<5x128x32xf32, #tpu.memory_space<vmem>> -> memref<1x128x32xf32, #tpu.memory_space<vmem>>
    %dma_start3A_2052 = tpu.memref_squeeze %dma_start3A_2051 : memref<1x128x32xf32, #tpu.memory_space<vmem>> -> memref<128x32xf32, #tpu.memory_space<vmem>>
    tpu.enqueue_dma source(%dma_start3A_2052 : memref<128x32xf32, #tpu.memory_space<vmem>>) target(%dma_start3A_2048 : memref<128x32xf32, #tpu.memory_space<hbm>>) target_semaphore(%arg11 : memref<!tpu.dma_semaphore, #tpu.memory_space<semaphore_mem>>)
    %dma_wait3A_2053 = arith.constant 39 : i32
    %dma_wait3A_2054 = arith.constant 4 : i32
    %dma_wait3A_2055 = arith.constant 0 : i32
    %dma_wait3A_2056 = arith.constant 0 : i32
    %dma_wait3A_2057 = tpu.memref_slice %arg7[%dma_wait3A_2054, %dma_wait3A_2055, %dma_wait3A_2056] : memref<5x128x32xf32, #tpu.memory_space<vmem>> -> memref<1x128x32xf32, #tpu.memory_space<vmem>>
    %dma_wait3A_2058 = tpu.memref_squeeze %dma_wait3A_2057 : memref<1x128x32xf32, #tpu.memory_space<vmem>> -> memref<128x32xf32, #tpu.memory_space<vmem>>
    %dma_wait3A_2059 = arith.constant 0 : i32
    %dma_wait3A_2060 = tpu.memref_slice %arg5[%dma_wait3A_2053, %dma_wait3A_2059] : memref<50x128xi32, #tpu.memory_space<vmem>> -> memref<1x128xi32, #tpu.memory_space<vmem>>
    %dma_wait3A_2061 = tpu.memref_squeeze %dma_wait3A_2060 : memref<1x128xi32, #tpu.memory_space<vmem>> -> memref<128xi32, #tpu.memory_space<vmem>>
    %dma_wait3A_2062 = arith.constant 0 : i32
    %dma_wait3A_2063 = arith.constant 0 : i32
    %dma_wait3A_2064 = tpu.memref_slice %arg2[%dma_wait3A_2062, %dma_wait3A_2063] : memref<1007616x32xf32, #tpu.memory_space<hbm>> -> memref<1007616x32xf32, #tpu.memory_space<hbm>>
    tpu.wait_indirect_dma semaphore(%arg9 : memref<!tpu.dma_semaphore, #tpu.memory_space<semaphore_mem>>) src(%dma_wait3A_2064 : memref<1007616x32xf32, #tpu.memory_space<hbm>>) dst(%dma_wait3A_2058 : memref<128x32xf32, #tpu.memory_space<vmem>>)
    %dma_start3A_2065 = arith.constant 4 : i32
    %dma_start3A_2066 = arith.constant 39 : i32
    %dma_start3A_2067 = arith.constant 0 : i32
    %dma_start3A_2068 = arith.constant 0 : i32
    %dma_start3A_2069 = tpu.memref_slice %arg7[%dma_start3A_2065, %dma_start3A_2067, %dma_start3A_2068] : memref<5x128x32xf32, #tpu.memory_space<vmem>> -> memref<1x128x32xf32, #tpu.memory_space<vmem>>
    %dma_start3A_2070 = tpu.memref_squeeze %dma_start3A_2069 : memref<1x128x32xf32, #tpu.memory_space<vmem>> -> memref<128x32xf32, #tpu.memory_space<vmem>>
    %dma_start3A_2071 = arith.constant 0 : i32
    %dma_start3A_2072 = tpu.memref_slice %arg4[%mul3A_2, %dma_start3A_2066, %dma_start3A_2071] : memref<4096x50x32xf32, #tpu.memory_space<hbm>> -> memref<128x1x32xf32, #tpu.memory_space<hbm>>
    %dma_start3A_2073 = tpu.memref_squeeze %dma_start3A_2072 : memref<128x1x32xf32, #tpu.memory_space<hbm>> -> memref<128x32xf32, #tpu.memory_space<hbm>>
    %dma_start3A_2074 = arith.constant 0 : i32
    %dma_start3A_2075 = tpu.memref_slice %arg4[%mul3A_2, %dma_start3A_2066, %dma_start3A_2074] : memref<4096x50x32xf32, #tpu.memory_space<hbm>> -> memref<128x1x32xf32, #tpu.memory_space<hbm>>
    %dma_start3A_2076 = tpu.memref_squeeze %dma_start3A_2075 : memref<128x1x32xf32, #tpu.memory_space<hbm>> -> memref<128x32xf32, #tpu.memory_space<hbm>>
    %dma_start3A_2077 = arith.constant 0 : i32
    %dma_start3A_2078 = arith.constant 0 : i32
    %dma_start3A_2079 = tpu.memref_slice %arg7[%dma_start3A_2065, %dma_start3A_2077, %dma_start3A_2078] : memref<5x128x32xf32, #tpu.memory_space<vmem>> -> memref<1x128x32xf32, #tpu.memory_space<vmem>>
    %dma_start3A_2080 = tpu.memref_squeeze %dma_start3A_2079 : memref<1x128x32xf32, #tpu.memory_space<vmem>> -> memref<128x32xf32, #tpu.memory_space<vmem>>
    tpu.enqueue_dma source(%dma_start3A_2080 : memref<128x32xf32, #tpu.memory_space<vmem>>) target(%dma_start3A_2076 : memref<128x32xf32, #tpu.memory_space<hbm>>) target_semaphore(%arg11 : memref<!tpu.dma_semaphore, #tpu.memory_space<semaphore_mem>>)
    %dma_wait3A_2081 = arith.constant 0 : i32
    %dma_wait3A_2082 = arith.constant 30 : i32
    %dma_wait3A_2083 = arith.constant 0 : i32
    %dma_wait3A_2084 = arith.constant 0 : i32
    %dma_wait3A_2085 = tpu.memref_slice %arg6[%dma_wait3A_2081, %dma_wait3A_2083, %dma_wait3A_2084] : memref<5x128x32xf32, #tpu.memory_space<vmem>> -> memref<1x128x32xf32, #tpu.memory_space<vmem>>
    %dma_wait3A_2086 = tpu.memref_squeeze %dma_wait3A_2085 : memref<1x128x32xf32, #tpu.memory_space<vmem>> -> memref<128x32xf32, #tpu.memory_space<vmem>>
    %dma_wait3A_2087 = arith.constant 0 : i32
    %dma_wait3A_2088 = tpu.memref_slice %arg4[%mul3A_2, %dma_wait3A_2082, %dma_wait3A_2087] : memref<4096x50x32xf32, #tpu.memory_space<hbm>> -> memref<128x1x32xf32, #tpu.memory_space<hbm>>
    %dma_wait3A_2089 = tpu.memref_squeeze %dma_wait3A_2088 : memref<128x1x32xf32, #tpu.memory_space<hbm>> -> memref<128x32xf32, #tpu.memory_space<hbm>>
    %dma_wait3A_2090 = arith.constant 0 : i32
    %dma_wait3A_2091 = tpu.memref_slice %arg4[%mul3A_2, %dma_wait3A_2082, %dma_wait3A_2090] : memref<4096x50x32xf32, #tpu.memory_space<hbm>> -> memref<128x1x32xf32, #tpu.memory_space<hbm>>
    %dma_wait3A_2092 = tpu.memref_squeeze %dma_wait3A_2091 : memref<128x1x32xf32, #tpu.memory_space<hbm>> -> memref<128x32xf32, #tpu.memory_space<hbm>>
    %dma_wait3A_2093 = arith.constant 0 : i32
    %dma_wait3A_2094 = arith.constant 0 : i32
    %dma_wait3A_2095 = tpu.memref_slice %arg6[%dma_wait3A_2081, %dma_wait3A_2093, %dma_wait3A_2094] : memref<5x128x32xf32, #tpu.memory_space<vmem>> -> memref<1x128x32xf32, #tpu.memory_space<vmem>>
    %dma_wait3A_2096 = tpu.memref_squeeze %dma_wait3A_2095 : memref<1x128x32xf32, #tpu.memory_space<vmem>> -> memref<128x32xf32, #tpu.memory_space<vmem>>
    tpu.wait_dma2 semaphore(%arg10 : memref<!tpu.dma_semaphore, #tpu.memory_space<semaphore_mem>>) src(%dma_wait3A_2096 : memref<128x32xf32, #tpu.memory_space<vmem>>) dst(%dma_wait3A_2092 : memref<128x32xf32, #tpu.memory_space<hbm>>)
    %dma_wait3A_2097 = arith.constant 1 : i32
    %dma_wait3A_2098 = arith.constant 31 : i32
    %dma_wait3A_2099 = arith.constant 0 : i32
    %dma_wait3A_2100 = arith.constant 0 : i32
    %dma_wait3A_2101 = tpu.memref_slice %arg6[%dma_wait3A_2097, %dma_wait3A_2099, %dma_wait3A_2100] : memref<5x128x32xf32, #tpu.memory_space<vmem>> -> memref<1x128x32xf32, #tpu.memory_space<vmem>>
    %dma_wait3A_2102 = tpu.memref_squeeze %dma_wait3A_2101 : memref<1x128x32xf32, #tpu.memory_space<vmem>> -> memref<128x32xf32, #tpu.memory_space<vmem>>
    %dma_wait3A_2103 = arith.constant 0 : i32
    %dma_wait3A_2104 = tpu.memref_slice %arg4[%mul3A_2, %dma_wait3A_2098, %dma_wait3A_2103] : memref<4096x50x32xf32, #tpu.memory_space<hbm>> -> memref<128x1x32xf32, #tpu.memory_space<hbm>>
    %dma_wait3A_2105 = tpu.memref_squeeze %dma_wait3A_2104 : memref<128x1x32xf32, #tpu.memory_space<hbm>> -> memref<128x32xf32, #tpu.memory_space<hbm>>
    %dma_wait3A_2106 = arith.constant 0 : i32
    %dma_wait3A_2107 = tpu.memref_slice %arg4[%mul3A_2, %dma_wait3A_2098, %dma_wait3A_2106] : memref<4096x50x32xf32, #tpu.memory_space<hbm>> -> memref<128x1x32xf32, #tpu.memory_space<hbm>>
    %dma_wait3A_2108 = tpu.memref_squeeze %dma_wait3A_2107 : memref<128x1x32xf32, #tpu.memory_space<hbm>> -> memref<128x32xf32, #tpu.memory_space<hbm>>
    %dma_wait3A_2109 = arith.constant 0 : i32
    %dma_wait3A_2110 = arith.constant 0 : i32
    %dma_wait3A_2111 = tpu.memref_slice %arg6[%dma_wait3A_2097, %dma_wait3A_2109, %dma_wait3A_2110] : memref<5x128x32xf32, #tpu.memory_space<vmem>> -> memref<1x128x32xf32, #tpu.memory_space<vmem>>
    %dma_wait3A_2112 = tpu.memref_squeeze %dma_wait3A_2111 : memref<1x128x32xf32, #tpu.memory_space<vmem>> -> memref<128x32xf32, #tpu.memory_space<vmem>>
    tpu.wait_dma2 semaphore(%arg10 : memref<!tpu.dma_semaphore, #tpu.memory_space<semaphore_mem>>) src(%dma_wait3A_2112 : memref<128x32xf32, #tpu.memory_space<vmem>>) dst(%dma_wait3A_2108 : memref<128x32xf32, #tpu.memory_space<hbm>>)
    %dma_wait3A_2113 = arith.constant 2 : i32
    %dma_wait3A_2114 = arith.constant 32 : i32
    %dma_wait3A_2115 = arith.constant 0 : i32
    %dma_wait3A_2116 = arith.constant 0 : i32
    %dma_wait3A_2117 = tpu.memref_slice %arg6[%dma_wait3A_2113, %dma_wait3A_2115, %dma_wait3A_2116] : memref<5x128x32xf32, #tpu.memory_space<vmem>> -> memref<1x128x32xf32, #tpu.memory_space<vmem>>
    %dma_wait3A_2118 = tpu.memref_squeeze %dma_wait3A_2117 : memref<1x128x32xf32, #tpu.memory_space<vmem>> -> memref<128x32xf32, #tpu.memory_space<vmem>>
    %dma_wait3A_2119 = arith.constant 0 : i32
    %dma_wait3A_2120 = tpu.memref_slice %arg4[%mul3A_2, %dma_wait3A_2114, %dma_wait3A_2119] : memref<4096x50x32xf32, #tpu.memory_space<hbm>> -> memref<128x1x32xf32, #tpu.memory_space<hbm>>
    %dma_wait3A_2121 = tpu.memref_squeeze %dma_wait3A_2120 : memref<128x1x32xf32, #tpu.memory_space<hbm>> -> memref<128x32xf32, #tpu.memory_space<hbm>>
    %dma_wait3A_2122 = arith.constant 0 : i32
    %dma_wait3A_2123 = tpu.memref_slice %arg4[%mul3A_2, %dma_wait3A_2114, %dma_wait3A_2122] : memref<4096x50x32xf32, #tpu.memory_space<hbm>> -> memref<128x1x32xf32, #tpu.memory_space<hbm>>
    %dma_wait3A_2124 = tpu.memref_squeeze %dma_wait3A_2123 : memref<128x1x32xf32, #tpu.memory_space<hbm>> -> memref<128x32xf32, #tpu.memory_space<hbm>>
    %dma_wait3A_2125 = arith.constant 0 : i32
    %dma_wait3A_2126 = arith.constant 0 : i32
    %dma_wait3A_2127 = tpu.memref_slice %arg6[%dma_wait3A_2113, %dma_wait3A_2125, %dma_wait3A_2126] : memref<5x128x32xf32, #tpu.memory_space<vmem>> -> memref<1x128x32xf32, #tpu.memory_space<vmem>>
    %dma_wait3A_2128 = tpu.memref_squeeze %dma_wait3A_2127 : memref<1x128x32xf32, #tpu.memory_space<vmem>> -> memref<128x32xf32, #tpu.memory_space<vmem>>
    tpu.wait_dma2 semaphore(%arg10 : memref<!tpu.dma_semaphore, #tpu.memory_space<semaphore_mem>>) src(%dma_wait3A_2128 : memref<128x32xf32, #tpu.memory_space<vmem>>) dst(%dma_wait3A_2124 : memref<128x32xf32, #tpu.memory_space<hbm>>)
    %dma_wait3A_2129 = arith.constant 3 : i32
    %dma_wait3A_2130 = arith.constant 33 : i32
    %dma_wait3A_2131 = arith.constant 0 : i32
    %dma_wait3A_2132 = arith.constant 0 : i32
    %dma_wait3A_2133 = tpu.memref_slice %arg6[%dma_wait3A_2129, %dma_wait3A_2131, %dma_wait3A_2132] : memref<5x128x32xf32, #tpu.memory_space<vmem>> -> memref<1x128x32xf32, #tpu.memory_space<vmem>>
    %dma_wait3A_2134 = tpu.memref_squeeze %dma_wait3A_2133 : memref<1x128x32xf32, #tpu.memory_space<vmem>> -> memref<128x32xf32, #tpu.memory_space<vmem>>
    %dma_wait3A_2135 = arith.constant 0 : i32
    %dma_wait3A_2136 = tpu.memref_slice %arg4[%mul3A_2, %dma_wait3A_2130, %dma_wait3A_2135] : memref<4096x50x32xf32, #tpu.memory_space<hbm>> -> memref<128x1x32xf32, #tpu.memory_space<hbm>>
    %dma_wait3A_2137 = tpu.memref_squeeze %dma_wait3A_2136 : memref<128x1x32xf32, #tpu.memory_space<hbm>> -> memref<128x32xf32, #tpu.memory_space<hbm>>
    %dma_wait3A_2138 = arith.constant 0 : i32
    %dma_wait3A_2139 = tpu.memref_slice %arg4[%mul3A_2, %dma_wait3A_2130, %dma_wait3A_2138] : memref<4096x50x32xf32, #tpu.memory_space<hbm>> -> memref<128x1x32xf32, #tpu.memory_space<hbm>>
    %dma_wait3A_2140 = tpu.memref_squeeze %dma_wait3A_2139 : memref<128x1x32xf32, #tpu.memory_space<hbm>> -> memref<128x32xf32, #tpu.memory_space<hbm>>
    %dma_wait3A_2141 = arith.constant 0 : i32
    %dma_wait3A_2142 = arith.constant 0 : i32
    %dma_wait3A_2143 = tpu.memref_slice %arg6[%dma_wait3A_2129, %dma_wait3A_2141, %dma_wait3A_2142] : memref<5x128x32xf32, #tpu.memory_space<vmem>> -> memref<1x128x32xf32, #tpu.memory_space<vmem>>
    %dma_wait3A_2144 = tpu.memref_squeeze %dma_wait3A_2143 : memref<1x128x32xf32, #tpu.memory_space<vmem>> -> memref<128x32xf32, #tpu.memory_space<vmem>>
    tpu.wait_dma2 semaphore(%arg10 : memref<!tpu.dma_semaphore, #tpu.memory_space<semaphore_mem>>) src(%dma_wait3A_2144 : memref<128x32xf32, #tpu.memory_space<vmem>>) dst(%dma_wait3A_2140 : memref<128x32xf32, #tpu.memory_space<hbm>>)
    %dma_wait3A_2145 = arith.constant 4 : i32
    %dma_wait3A_2146 = arith.constant 34 : i32
    %dma_wait3A_2147 = arith.constant 0 : i32
    %dma_wait3A_2148 = arith.constant 0 : i32
    %dma_wait3A_2149 = tpu.memref_slice %arg6[%dma_wait3A_2145, %dma_wait3A_2147, %dma_wait3A_2148] : memref<5x128x32xf32, #tpu.memory_space<vmem>> -> memref<1x128x32xf32, #tpu.memory_space<vmem>>
    %dma_wait3A_2150 = tpu.memref_squeeze %dma_wait3A_2149 : memref<1x128x32xf32, #tpu.memory_space<vmem>> -> memref<128x32xf32, #tpu.memory_space<vmem>>
    %dma_wait3A_2151 = arith.constant 0 : i32
    %dma_wait3A_2152 = tpu.memref_slice %arg4[%mul3A_2, %dma_wait3A_2146, %dma_wait3A_2151] : memref<4096x50x32xf32, #tpu.memory_space<hbm>> -> memref<128x1x32xf32, #tpu.memory_space<hbm>>
    %dma_wait3A_2153 = tpu.memref_squeeze %dma_wait3A_2152 : memref<128x1x32xf32, #tpu.memory_space<hbm>> -> memref<128x32xf32, #tpu.memory_space<hbm>>
    %dma_wait3A_2154 = arith.constant 0 : i32
    %dma_wait3A_2155 = tpu.memref_slice %arg4[%mul3A_2, %dma_wait3A_2146, %dma_wait3A_2154] : memref<4096x50x32xf32, #tpu.memory_space<hbm>> -> memref<128x1x32xf32, #tpu.memory_space<hbm>>
    %dma_wait3A_2156 = tpu.memref_squeeze %dma_wait3A_2155 : memref<128x1x32xf32, #tpu.memory_space<hbm>> -> memref<128x32xf32, #tpu.memory_space<hbm>>
    %dma_wait3A_2157 = arith.constant 0 : i32
    %dma_wait3A_2158 = arith.constant 0 : i32
    %dma_wait3A_2159 = tpu.memref_slice %arg6[%dma_wait3A_2145, %dma_wait3A_2157, %dma_wait3A_2158] : memref<5x128x32xf32, #tpu.memory_space<vmem>> -> memref<1x128x32xf32, #tpu.memory_space<vmem>>
    %dma_wait3A_2160 = tpu.memref_squeeze %dma_wait3A_2159 : memref<1x128x32xf32, #tpu.memory_space<vmem>> -> memref<128x32xf32, #tpu.memory_space<vmem>>
    tpu.wait_dma2 semaphore(%arg10 : memref<!tpu.dma_semaphore, #tpu.memory_space<semaphore_mem>>) src(%dma_wait3A_2160 : memref<128x32xf32, #tpu.memory_space<vmem>>) dst(%dma_wait3A_2156 : memref<128x32xf32, #tpu.memory_space<hbm>>)
    %dma_start3A_2161 = arith.constant 40 : i32
    %dma_start3A_2162 = arith.constant 0 : i32
    %dma_start3A_2163 = arith.constant 0 : i32
    %dma_start3A_2164 = arith.constant 0 : i32
    %dma_start3A_2165 = tpu.memref_slice %arg6[%dma_start3A_2162, %dma_start3A_2163, %dma_start3A_2164] : memref<5x128x32xf32, #tpu.memory_space<vmem>> -> memref<1x128x32xf32, #tpu.memory_space<vmem>>
    %dma_start3A_2166 = tpu.memref_squeeze %dma_start3A_2165 : memref<1x128x32xf32, #tpu.memory_space<vmem>> -> memref<128x32xf32, #tpu.memory_space<vmem>>
    %dma_start3A_2167 = arith.constant 0 : i32
    %dma_start3A_2168 = tpu.memref_slice %arg5[%dma_start3A_2161, %dma_start3A_2167] : memref<50x128xi32, #tpu.memory_space<vmem>> -> memref<1x128xi32, #tpu.memory_space<vmem>>
    %dma_start3A_2169 = tpu.memref_squeeze %dma_start3A_2168 : memref<1x128xi32, #tpu.memory_space<vmem>> -> memref<128xi32, #tpu.memory_space<vmem>>
    %dma_start3A_2170 = arith.constant 0 : i32
    %dma_start3A_2171 = arith.constant 0 : i32
    %dma_start3A_2172 = tpu.memref_slice %arg2[%dma_start3A_2170, %dma_start3A_2171] : memref<1007616x32xf32, #tpu.memory_space<hbm>> -> memref<1007616x32xf32, #tpu.memory_space<hbm>>
    tpu.enqueue_indirect_dma source(%dma_start3A_2172 : memref<1007616x32xf32, #tpu.memory_space<hbm>>) target(%dma_start3A_2166 : memref<128x32xf32, #tpu.memory_space<vmem>>) offsets(%dma_start3A_2169 : memref<128xi32, #tpu.memory_space<vmem>>) semaphore(%arg8 : memref<!tpu.dma_semaphore, #tpu.memory_space<semaphore_mem>>)
    %dma_start3A_2173 = arith.constant 41 : i32
    %dma_start3A_2174 = arith.constant 1 : i32
    %dma_start3A_2175 = arith.constant 0 : i32
    %dma_start3A_2176 = arith.constant 0 : i32
    %dma_start3A_2177 = tpu.memref_slice %arg6[%dma_start3A_2174, %dma_start3A_2175, %dma_start3A_2176] : memref<5x128x32xf32, #tpu.memory_space<vmem>> -> memref<1x128x32xf32, #tpu.memory_space<vmem>>
    %dma_start3A_2178 = tpu.memref_squeeze %dma_start3A_2177 : memref<1x128x32xf32, #tpu.memory_space<vmem>> -> memref<128x32xf32, #tpu.memory_space<vmem>>
    %dma_start3A_2179 = arith.constant 0 : i32
    %dma_start3A_2180 = tpu.memref_slice %arg5[%dma_start3A_2173, %dma_start3A_2179] : memref<50x128xi32, #tpu.memory_space<vmem>> -> memref<1x128xi32, #tpu.memory_space<vmem>>
    %dma_start3A_2181 = tpu.memref_squeeze %dma_start3A_2180 : memref<1x128xi32, #tpu.memory_space<vmem>> -> memref<128xi32, #tpu.memory_space<vmem>>
    %dma_start3A_2182 = arith.constant 0 : i32
    %dma_start3A_2183 = arith.constant 0 : i32
    %dma_start3A_2184 = tpu.memref_slice %arg2[%dma_start3A_2182, %dma_start3A_2183] : memref<1007616x32xf32, #tpu.memory_space<hbm>> -> memref<1007616x32xf32, #tpu.memory_space<hbm>>
    tpu.enqueue_indirect_dma source(%dma_start3A_2184 : memref<1007616x32xf32, #tpu.memory_space<hbm>>) target(%dma_start3A_2178 : memref<128x32xf32, #tpu.memory_space<vmem>>) offsets(%dma_start3A_2181 : memref<128xi32, #tpu.memory_space<vmem>>) semaphore(%arg8 : memref<!tpu.dma_semaphore, #tpu.memory_space<semaphore_mem>>)
    %dma_start3A_2185 = arith.constant 42 : i32
    %dma_start3A_2186 = arith.constant 2 : i32
    %dma_start3A_2187 = arith.constant 0 : i32
    %dma_start3A_2188 = arith.constant 0 : i32
    %dma_start3A_2189 = tpu.memref_slice %arg6[%dma_start3A_2186, %dma_start3A_2187, %dma_start3A_2188] : memref<5x128x32xf32, #tpu.memory_space<vmem>> -> memref<1x128x32xf32, #tpu.memory_space<vmem>>
    %dma_start3A_2190 = tpu.memref_squeeze %dma_start3A_2189 : memref<1x128x32xf32, #tpu.memory_space<vmem>> -> memref<128x32xf32, #tpu.memory_space<vmem>>
    %dma_start3A_2191 = arith.constant 0 : i32
    %dma_start3A_2192 = tpu.memref_slice %arg5[%dma_start3A_2185, %dma_start3A_2191] : memref<50x128xi32, #tpu.memory_space<vmem>> -> memref<1x128xi32, #tpu.memory_space<vmem>>
    %dma_start3A_2193 = tpu.memref_squeeze %dma_start3A_2192 : memref<1x128xi32, #tpu.memory_space<vmem>> -> memref<128xi32, #tpu.memory_space<vmem>>
    %dma_start3A_2194 = arith.constant 0 : i32
    %dma_start3A_2195 = arith.constant 0 : i32
    %dma_start3A_2196 = tpu.memref_slice %arg2[%dma_start3A_2194, %dma_start3A_2195] : memref<1007616x32xf32, #tpu.memory_space<hbm>> -> memref<1007616x32xf32, #tpu.memory_space<hbm>>
    tpu.enqueue_indirect_dma source(%dma_start3A_2196 : memref<1007616x32xf32, #tpu.memory_space<hbm>>) target(%dma_start3A_2190 : memref<128x32xf32, #tpu.memory_space<vmem>>) offsets(%dma_start3A_2193 : memref<128xi32, #tpu.memory_space<vmem>>) semaphore(%arg8 : memref<!tpu.dma_semaphore, #tpu.memory_space<semaphore_mem>>)
    %dma_start3A_2197 = arith.constant 43 : i32
    %dma_start3A_2198 = arith.constant 3 : i32
    %dma_start3A_2199 = arith.constant 0 : i32
    %dma_start3A_2200 = arith.constant 0 : i32
    %dma_start3A_2201 = tpu.memref_slice %arg6[%dma_start3A_2198, %dma_start3A_2199, %dma_start3A_2200] : memref<5x128x32xf32, #tpu.memory_space<vmem>> -> memref<1x128x32xf32, #tpu.memory_space<vmem>>
    %dma_start3A_2202 = tpu.memref_squeeze %dma_start3A_2201 : memref<1x128x32xf32, #tpu.memory_space<vmem>> -> memref<128x32xf32, #tpu.memory_space<vmem>>
    %dma_start3A_2203 = arith.constant 0 : i32
    %dma_start3A_2204 = tpu.memref_slice %arg5[%dma_start3A_2197, %dma_start3A_2203] : memref<50x128xi32, #tpu.memory_space<vmem>> -> memref<1x128xi32, #tpu.memory_space<vmem>>
    %dma_start3A_2205 = tpu.memref_squeeze %dma_start3A_2204 : memref<1x128xi32, #tpu.memory_space<vmem>> -> memref<128xi32, #tpu.memory_space<vmem>>
    %dma_start3A_2206 = arith.constant 0 : i32
    %dma_start3A_2207 = arith.constant 0 : i32
    %dma_start3A_2208 = tpu.memref_slice %arg2[%dma_start3A_2206, %dma_start3A_2207] : memref<1007616x32xf32, #tpu.memory_space<hbm>> -> memref<1007616x32xf32, #tpu.memory_space<hbm>>
    tpu.enqueue_indirect_dma source(%dma_start3A_2208 : memref<1007616x32xf32, #tpu.memory_space<hbm>>) target(%dma_start3A_2202 : memref<128x32xf32, #tpu.memory_space<vmem>>) offsets(%dma_start3A_2205 : memref<128xi32, #tpu.memory_space<vmem>>) semaphore(%arg8 : memref<!tpu.dma_semaphore, #tpu.memory_space<semaphore_mem>>)
    %dma_start3A_2209 = arith.constant 44 : i32
    %dma_start3A_2210 = arith.constant 4 : i32
    %dma_start3A_2211 = arith.constant 0 : i32
    %dma_start3A_2212 = arith.constant 0 : i32
    %dma_start3A_2213 = tpu.memref_slice %arg6[%dma_start3A_2210, %dma_start3A_2211, %dma_start3A_2212] : memref<5x128x32xf32, #tpu.memory_space<vmem>> -> memref<1x128x32xf32, #tpu.memory_space<vmem>>
    %dma_start3A_2214 = tpu.memref_squeeze %dma_start3A_2213 : memref<1x128x32xf32, #tpu.memory_space<vmem>> -> memref<128x32xf32, #tpu.memory_space<vmem>>
    %dma_start3A_2215 = arith.constant 0 : i32
    %dma_start3A_2216 = tpu.memref_slice %arg5[%dma_start3A_2209, %dma_start3A_2215] : memref<50x128xi32, #tpu.memory_space<vmem>> -> memref<1x128xi32, #tpu.memory_space<vmem>>
    %dma_start3A_2217 = tpu.memref_squeeze %dma_start3A_2216 : memref<1x128xi32, #tpu.memory_space<vmem>> -> memref<128xi32, #tpu.memory_space<vmem>>
    %dma_start3A_2218 = arith.constant 0 : i32
    %dma_start3A_2219 = arith.constant 0 : i32
    %dma_start3A_2220 = tpu.memref_slice %arg2[%dma_start3A_2218, %dma_start3A_2219] : memref<1007616x32xf32, #tpu.memory_space<hbm>> -> memref<1007616x32xf32, #tpu.memory_space<hbm>>
    tpu.enqueue_indirect_dma source(%dma_start3A_2220 : memref<1007616x32xf32, #tpu.memory_space<hbm>>) target(%dma_start3A_2214 : memref<128x32xf32, #tpu.memory_space<vmem>>) offsets(%dma_start3A_2217 : memref<128xi32, #tpu.memory_space<vmem>>) semaphore(%arg8 : memref<!tpu.dma_semaphore, #tpu.memory_space<semaphore_mem>>)
    %dma_wait3A_2221 = arith.constant 40 : i32
    %dma_wait3A_2222 = arith.constant 0 : i32
    %dma_wait3A_2223 = arith.constant 0 : i32
    %dma_wait3A_2224 = arith.constant 0 : i32
    %dma_wait3A_2225 = tpu.memref_slice %arg6[%dma_wait3A_2222, %dma_wait3A_2223, %dma_wait3A_2224] : memref<5x128x32xf32, #tpu.memory_space<vmem>> -> memref<1x128x32xf32, #tpu.memory_space<vmem>>
    %dma_wait3A_2226 = tpu.memref_squeeze %dma_wait3A_2225 : memref<1x128x32xf32, #tpu.memory_space<vmem>> -> memref<128x32xf32, #tpu.memory_space<vmem>>
    %dma_wait3A_2227 = arith.constant 0 : i32
    %dma_wait3A_2228 = tpu.memref_slice %arg5[%dma_wait3A_2221, %dma_wait3A_2227] : memref<50x128xi32, #tpu.memory_space<vmem>> -> memref<1x128xi32, #tpu.memory_space<vmem>>
    %dma_wait3A_2229 = tpu.memref_squeeze %dma_wait3A_2228 : memref<1x128xi32, #tpu.memory_space<vmem>> -> memref<128xi32, #tpu.memory_space<vmem>>
    %dma_wait3A_2230 = arith.constant 0 : i32
    %dma_wait3A_2231 = arith.constant 0 : i32
    %dma_wait3A_2232 = tpu.memref_slice %arg2[%dma_wait3A_2230, %dma_wait3A_2231] : memref<1007616x32xf32, #tpu.memory_space<hbm>> -> memref<1007616x32xf32, #tpu.memory_space<hbm>>
    tpu.wait_indirect_dma semaphore(%arg8 : memref<!tpu.dma_semaphore, #tpu.memory_space<semaphore_mem>>) src(%dma_wait3A_2232 : memref<1007616x32xf32, #tpu.memory_space<hbm>>) dst(%dma_wait3A_2226 : memref<128x32xf32, #tpu.memory_space<vmem>>)
    %dma_start3A_2233 = arith.constant 0 : i32
    %dma_start3A_2234 = arith.constant 40 : i32
    %dma_start3A_2235 = arith.constant 0 : i32
    %dma_start3A_2236 = arith.constant 0 : i32
    %dma_start3A_2237 = tpu.memref_slice %arg6[%dma_start3A_2233, %dma_start3A_2235, %dma_start3A_2236] : memref<5x128x32xf32, #tpu.memory_space<vmem>> -> memref<1x128x32xf32, #tpu.memory_space<vmem>>
    %dma_start3A_2238 = tpu.memref_squeeze %dma_start3A_2237 : memref<1x128x32xf32, #tpu.memory_space<vmem>> -> memref<128x32xf32, #tpu.memory_space<vmem>>
    %dma_start3A_2239 = arith.constant 0 : i32
    %dma_start3A_2240 = tpu.memref_slice %arg4[%mul3A_2, %dma_start3A_2234, %dma_start3A_2239] : memref<4096x50x32xf32, #tpu.memory_space<hbm>> -> memref<128x1x32xf32, #tpu.memory_space<hbm>>
    %dma_start3A_2241 = tpu.memref_squeeze %dma_start3A_2240 : memref<128x1x32xf32, #tpu.memory_space<hbm>> -> memref<128x32xf32, #tpu.memory_space<hbm>>
    %dma_start3A_2242 = arith.constant 0 : i32
    %dma_start3A_2243 = tpu.memref_slice %arg4[%mul3A_2, %dma_start3A_2234, %dma_start3A_2242] : memref<4096x50x32xf32, #tpu.memory_space<hbm>> -> memref<128x1x32xf32, #tpu.memory_space<hbm>>
    %dma_start3A_2244 = tpu.memref_squeeze %dma_start3A_2243 : memref<128x1x32xf32, #tpu.memory_space<hbm>> -> memref<128x32xf32, #tpu.memory_space<hbm>>
    %dma_start3A_2245 = arith.constant 0 : i32
    %dma_start3A_2246 = arith.constant 0 : i32
    %dma_start3A_2247 = tpu.memref_slice %arg6[%dma_start3A_2233, %dma_start3A_2245, %dma_start3A_2246] : memref<5x128x32xf32, #tpu.memory_space<vmem>> -> memref<1x128x32xf32, #tpu.memory_space<vmem>>
    %dma_start3A_2248 = tpu.memref_squeeze %dma_start3A_2247 : memref<1x128x32xf32, #tpu.memory_space<vmem>> -> memref<128x32xf32, #tpu.memory_space<vmem>>
    tpu.enqueue_dma source(%dma_start3A_2248 : memref<128x32xf32, #tpu.memory_space<vmem>>) target(%dma_start3A_2244 : memref<128x32xf32, #tpu.memory_space<hbm>>) target_semaphore(%arg10 : memref<!tpu.dma_semaphore, #tpu.memory_space<semaphore_mem>>)
    %dma_wait3A_2249 = arith.constant 41 : i32
    %dma_wait3A_2250 = arith.constant 1 : i32
    %dma_wait3A_2251 = arith.constant 0 : i32
    %dma_wait3A_2252 = arith.constant 0 : i32
    %dma_wait3A_2253 = tpu.memref_slice %arg6[%dma_wait3A_2250, %dma_wait3A_2251, %dma_wait3A_2252] : memref<5x128x32xf32, #tpu.memory_space<vmem>> -> memref<1x128x32xf32, #tpu.memory_space<vmem>>
    %dma_wait3A_2254 = tpu.memref_squeeze %dma_wait3A_2253 : memref<1x128x32xf32, #tpu.memory_space<vmem>> -> memref<128x32xf32, #tpu.memory_space<vmem>>
    %dma_wait3A_2255 = arith.constant 0 : i32
    %dma_wait3A_2256 = tpu.memref_slice %arg5[%dma_wait3A_2249, %dma_wait3A_2255] : memref<50x128xi32, #tpu.memory_space<vmem>> -> memref<1x128xi32, #tpu.memory_space<vmem>>
    %dma_wait3A_2257 = tpu.memref_squeeze %dma_wait3A_2256 : memref<1x128xi32, #tpu.memory_space<vmem>> -> memref<128xi32, #tpu.memory_space<vmem>>
    %dma_wait3A_2258 = arith.constant 0 : i32
    %dma_wait3A_2259 = arith.constant 0 : i32
    %dma_wait3A_2260 = tpu.memref_slice %arg2[%dma_wait3A_2258, %dma_wait3A_2259] : memref<1007616x32xf32, #tpu.memory_space<hbm>> -> memref<1007616x32xf32, #tpu.memory_space<hbm>>
    tpu.wait_indirect_dma semaphore(%arg8 : memref<!tpu.dma_semaphore, #tpu.memory_space<semaphore_mem>>) src(%dma_wait3A_2260 : memref<1007616x32xf32, #tpu.memory_space<hbm>>) dst(%dma_wait3A_2254 : memref<128x32xf32, #tpu.memory_space<vmem>>)
    %dma_start3A_2261 = arith.constant 1 : i32
    %dma_start3A_2262 = arith.constant 41 : i32
    %dma_start3A_2263 = arith.constant 0 : i32
    %dma_start3A_2264 = arith.constant 0 : i32
    %dma_start3A_2265 = tpu.memref_slice %arg6[%dma_start3A_2261, %dma_start3A_2263, %dma_start3A_2264] : memref<5x128x32xf32, #tpu.memory_space<vmem>> -> memref<1x128x32xf32, #tpu.memory_space<vmem>>
    %dma_start3A_2266 = tpu.memref_squeeze %dma_start3A_2265 : memref<1x128x32xf32, #tpu.memory_space<vmem>> -> memref<128x32xf32, #tpu.memory_space<vmem>>
    %dma_start3A_2267 = arith.constant 0 : i32
    %dma_start3A_2268 = tpu.memref_slice %arg4[%mul3A_2, %dma_start3A_2262, %dma_start3A_2267] : memref<4096x50x32xf32, #tpu.memory_space<hbm>> -> memref<128x1x32xf32, #tpu.memory_space<hbm>>
    %dma_start3A_2269 = tpu.memref_squeeze %dma_start3A_2268 : memref<128x1x32xf32, #tpu.memory_space<hbm>> -> memref<128x32xf32, #tpu.memory_space<hbm>>
    %dma_start3A_2270 = arith.constant 0 : i32
    %dma_start3A_2271 = tpu.memref_slice %arg4[%mul3A_2, %dma_start3A_2262, %dma_start3A_2270] : memref<4096x50x32xf32, #tpu.memory_space<hbm>> -> memref<128x1x32xf32, #tpu.memory_space<hbm>>
    %dma_start3A_2272 = tpu.memref_squeeze %dma_start3A_2271 : memref<128x1x32xf32, #tpu.memory_space<hbm>> -> memref<128x32xf32, #tpu.memory_space<hbm>>
    %dma_start3A_2273 = arith.constant 0 : i32
    %dma_start3A_2274 = arith.constant 0 : i32
    %dma_start3A_2275 = tpu.memref_slice %arg6[%dma_start3A_2261, %dma_start3A_2273, %dma_start3A_2274] : memref<5x128x32xf32, #tpu.memory_space<vmem>> -> memref<1x128x32xf32, #tpu.memory_space<vmem>>
    %dma_start3A_2276 = tpu.memref_squeeze %dma_start3A_2275 : memref<1x128x32xf32, #tpu.memory_space<vmem>> -> memref<128x32xf32, #tpu.memory_space<vmem>>
    tpu.enqueue_dma source(%dma_start3A_2276 : memref<128x32xf32, #tpu.memory_space<vmem>>) target(%dma_start3A_2272 : memref<128x32xf32, #tpu.memory_space<hbm>>) target_semaphore(%arg10 : memref<!tpu.dma_semaphore, #tpu.memory_space<semaphore_mem>>)
    %dma_wait3A_2277 = arith.constant 42 : i32
    %dma_wait3A_2278 = arith.constant 2 : i32
    %dma_wait3A_2279 = arith.constant 0 : i32
    %dma_wait3A_2280 = arith.constant 0 : i32
    %dma_wait3A_2281 = tpu.memref_slice %arg6[%dma_wait3A_2278, %dma_wait3A_2279, %dma_wait3A_2280] : memref<5x128x32xf32, #tpu.memory_space<vmem>> -> memref<1x128x32xf32, #tpu.memory_space<vmem>>
    %dma_wait3A_2282 = tpu.memref_squeeze %dma_wait3A_2281 : memref<1x128x32xf32, #tpu.memory_space<vmem>> -> memref<128x32xf32, #tpu.memory_space<vmem>>
    %dma_wait3A_2283 = arith.constant 0 : i32
    %dma_wait3A_2284 = tpu.memref_slice %arg5[%dma_wait3A_2277, %dma_wait3A_2283] : memref<50x128xi32, #tpu.memory_space<vmem>> -> memref<1x128xi32, #tpu.memory_space<vmem>>
    %dma_wait3A_2285 = tpu.memref_squeeze %dma_wait3A_2284 : memref<1x128xi32, #tpu.memory_space<vmem>> -> memref<128xi32, #tpu.memory_space<vmem>>
    %dma_wait3A_2286 = arith.constant 0 : i32
    %dma_wait3A_2287 = arith.constant 0 : i32
    %dma_wait3A_2288 = tpu.memref_slice %arg2[%dma_wait3A_2286, %dma_wait3A_2287] : memref<1007616x32xf32, #tpu.memory_space<hbm>> -> memref<1007616x32xf32, #tpu.memory_space<hbm>>
    tpu.wait_indirect_dma semaphore(%arg8 : memref<!tpu.dma_semaphore, #tpu.memory_space<semaphore_mem>>) src(%dma_wait3A_2288 : memref<1007616x32xf32, #tpu.memory_space<hbm>>) dst(%dma_wait3A_2282 : memref<128x32xf32, #tpu.memory_space<vmem>>)
    %dma_start3A_2289 = arith.constant 2 : i32
    %dma_start3A_2290 = arith.constant 42 : i32
    %dma_start3A_2291 = arith.constant 0 : i32
    %dma_start3A_2292 = arith.constant 0 : i32
    %dma_start3A_2293 = tpu.memref_slice %arg6[%dma_start3A_2289, %dma_start3A_2291, %dma_start3A_2292] : memref<5x128x32xf32, #tpu.memory_space<vmem>> -> memref<1x128x32xf32, #tpu.memory_space<vmem>>
    %dma_start3A_2294 = tpu.memref_squeeze %dma_start3A_2293 : memref<1x128x32xf32, #tpu.memory_space<vmem>> -> memref<128x32xf32, #tpu.memory_space<vmem>>
    %dma_start3A_2295 = arith.constant 0 : i32
    %dma_start3A_2296 = tpu.memref_slice %arg4[%mul3A_2, %dma_start3A_2290, %dma_start3A_2295] : memref<4096x50x32xf32, #tpu.memory_space<hbm>> -> memref<128x1x32xf32, #tpu.memory_space<hbm>>
    %dma_start3A_2297 = tpu.memref_squeeze %dma_start3A_2296 : memref<128x1x32xf32, #tpu.memory_space<hbm>> -> memref<128x32xf32, #tpu.memory_space<hbm>>
    %dma_start3A_2298 = arith.constant 0 : i32
    %dma_start3A_2299 = tpu.memref_slice %arg4[%mul3A_2, %dma_start3A_2290, %dma_start3A_2298] : memref<4096x50x32xf32, #tpu.memory_space<hbm>> -> memref<128x1x32xf32, #tpu.memory_space<hbm>>
    %dma_start3A_2300 = tpu.memref_squeeze %dma_start3A_2299 : memref<128x1x32xf32, #tpu.memory_space<hbm>> -> memref<128x32xf32, #tpu.memory_space<hbm>>
    %dma_start3A_2301 = arith.constant 0 : i32
    %dma_start3A_2302 = arith.constant 0 : i32
    %dma_start3A_2303 = tpu.memref_slice %arg6[%dma_start3A_2289, %dma_start3A_2301, %dma_start3A_2302] : memref<5x128x32xf32, #tpu.memory_space<vmem>> -> memref<1x128x32xf32, #tpu.memory_space<vmem>>
    %dma_start3A_2304 = tpu.memref_squeeze %dma_start3A_2303 : memref<1x128x32xf32, #tpu.memory_space<vmem>> -> memref<128x32xf32, #tpu.memory_space<vmem>>
    tpu.enqueue_dma source(%dma_start3A_2304 : memref<128x32xf32, #tpu.memory_space<vmem>>) target(%dma_start3A_2300 : memref<128x32xf32, #tpu.memory_space<hbm>>) target_semaphore(%arg10 : memref<!tpu.dma_semaphore, #tpu.memory_space<semaphore_mem>>)
    %dma_wait3A_2305 = arith.constant 43 : i32
    %dma_wait3A_2306 = arith.constant 3 : i32
    %dma_wait3A_2307 = arith.constant 0 : i32
    %dma_wait3A_2308 = arith.constant 0 : i32
    %dma_wait3A_2309 = tpu.memref_slice %arg6[%dma_wait3A_2306, %dma_wait3A_2307, %dma_wait3A_2308] : memref<5x128x32xf32, #tpu.memory_space<vmem>> -> memref<1x128x32xf32, #tpu.memory_space<vmem>>
    %dma_wait3A_2310 = tpu.memref_squeeze %dma_wait3A_2309 : memref<1x128x32xf32, #tpu.memory_space<vmem>> -> memref<128x32xf32, #tpu.memory_space<vmem>>
    %dma_wait3A_2311 = arith.constant 0 : i32
    %dma_wait3A_2312 = tpu.memref_slice %arg5[%dma_wait3A_2305, %dma_wait3A_2311] : memref<50x128xi32, #tpu.memory_space<vmem>> -> memref<1x128xi32, #tpu.memory_space<vmem>>
    %dma_wait3A_2313 = tpu.memref_squeeze %dma_wait3A_2312 : memref<1x128xi32, #tpu.memory_space<vmem>> -> memref<128xi32, #tpu.memory_space<vmem>>
    %dma_wait3A_2314 = arith.constant 0 : i32
    %dma_wait3A_2315 = arith.constant 0 : i32
    %dma_wait3A_2316 = tpu.memref_slice %arg2[%dma_wait3A_2314, %dma_wait3A_2315] : memref<1007616x32xf32, #tpu.memory_space<hbm>> -> memref<1007616x32xf32, #tpu.memory_space<hbm>>
    tpu.wait_indirect_dma semaphore(%arg8 : memref<!tpu.dma_semaphore, #tpu.memory_space<semaphore_mem>>) src(%dma_wait3A_2316 : memref<1007616x32xf32, #tpu.memory_space<hbm>>) dst(%dma_wait3A_2310 : memref<128x32xf32, #tpu.memory_space<vmem>>)
    %dma_start3A_2317 = arith.constant 3 : i32
    %dma_start3A_2318 = arith.constant 43 : i32
    %dma_start3A_2319 = arith.constant 0 : i32
    %dma_start3A_2320 = arith.constant 0 : i32
    %dma_start3A_2321 = tpu.memref_slice %arg6[%dma_start3A_2317, %dma_start3A_2319, %dma_start3A_2320] : memref<5x128x32xf32, #tpu.memory_space<vmem>> -> memref<1x128x32xf32, #tpu.memory_space<vmem>>
    %dma_start3A_2322 = tpu.memref_squeeze %dma_start3A_2321 : memref<1x128x32xf32, #tpu.memory_space<vmem>> -> memref<128x32xf32, #tpu.memory_space<vmem>>
    %dma_start3A_2323 = arith.constant 0 : i32
    %dma_start3A_2324 = tpu.memref_slice %arg4[%mul3A_2, %dma_start3A_2318, %dma_start3A_2323] : memref<4096x50x32xf32, #tpu.memory_space<hbm>> -> memref<128x1x32xf32, #tpu.memory_space<hbm>>
    %dma_start3A_2325 = tpu.memref_squeeze %dma_start3A_2324 : memref<128x1x32xf32, #tpu.memory_space<hbm>> -> memref<128x32xf32, #tpu.memory_space<hbm>>
    %dma_start3A_2326 = arith.constant 0 : i32
    %dma_start3A_2327 = tpu.memref_slice %arg4[%mul3A_2, %dma_start3A_2318, %dma_start3A_2326] : memref<4096x50x32xf32, #tpu.memory_space<hbm>> -> memref<128x1x32xf32, #tpu.memory_space<hbm>>
    %dma_start3A_2328 = tpu.memref_squeeze %dma_start3A_2327 : memref<128x1x32xf32, #tpu.memory_space<hbm>> -> memref<128x32xf32, #tpu.memory_space<hbm>>
    %dma_start3A_2329 = arith.constant 0 : i32
    %dma_start3A_2330 = arith.constant 0 : i32
    %dma_start3A_2331 = tpu.memref_slice %arg6[%dma_start3A_2317, %dma_start3A_2329, %dma_start3A_2330] : memref<5x128x32xf32, #tpu.memory_space<vmem>> -> memref<1x128x32xf32, #tpu.memory_space<vmem>>
    %dma_start3A_2332 = tpu.memref_squeeze %dma_start3A_2331 : memref<1x128x32xf32, #tpu.memory_space<vmem>> -> memref<128x32xf32, #tpu.memory_space<vmem>>
    tpu.enqueue_dma source(%dma_start3A_2332 : memref<128x32xf32, #tpu.memory_space<vmem>>) target(%dma_start3A_2328 : memref<128x32xf32, #tpu.memory_space<hbm>>) target_semaphore(%arg10 : memref<!tpu.dma_semaphore, #tpu.memory_space<semaphore_mem>>)
    %dma_wait3A_2333 = arith.constant 44 : i32
    %dma_wait3A_2334 = arith.constant 4 : i32
    %dma_wait3A_2335 = arith.constant 0 : i32
    %dma_wait3A_2336 = arith.constant 0 : i32
    %dma_wait3A_2337 = tpu.memref_slice %arg6[%dma_wait3A_2334, %dma_wait3A_2335, %dma_wait3A_2336] : memref<5x128x32xf32, #tpu.memory_space<vmem>> -> memref<1x128x32xf32, #tpu.memory_space<vmem>>
    %dma_wait3A_2338 = tpu.memref_squeeze %dma_wait3A_2337 : memref<1x128x32xf32, #tpu.memory_space<vmem>> -> memref<128x32xf32, #tpu.memory_space<vmem>>
    %dma_wait3A_2339 = arith.constant 0 : i32
    %dma_wait3A_2340 = tpu.memref_slice %arg5[%dma_wait3A_2333, %dma_wait3A_2339] : memref<50x128xi32, #tpu.memory_space<vmem>> -> memref<1x128xi32, #tpu.memory_space<vmem>>
    %dma_wait3A_2341 = tpu.memref_squeeze %dma_wait3A_2340 : memref<1x128xi32, #tpu.memory_space<vmem>> -> memref<128xi32, #tpu.memory_space<vmem>>
    %dma_wait3A_2342 = arith.constant 0 : i32
    %dma_wait3A_2343 = arith.constant 0 : i32
    %dma_wait3A_2344 = tpu.memref_slice %arg2[%dma_wait3A_2342, %dma_wait3A_2343] : memref<1007616x32xf32, #tpu.memory_space<hbm>> -> memref<1007616x32xf32, #tpu.memory_space<hbm>>
    tpu.wait_indirect_dma semaphore(%arg8 : memref<!tpu.dma_semaphore, #tpu.memory_space<semaphore_mem>>) src(%dma_wait3A_2344 : memref<1007616x32xf32, #tpu.memory_space<hbm>>) dst(%dma_wait3A_2338 : memref<128x32xf32, #tpu.memory_space<vmem>>)
    %dma_start3A_2345 = arith.constant 4 : i32
    %dma_start3A_2346 = arith.constant 44 : i32
    %dma_start3A_2347 = arith.constant 0 : i32
    %dma_start3A_2348 = arith.constant 0 : i32
    %dma_start3A_2349 = tpu.memref_slice %arg6[%dma_start3A_2345, %dma_start3A_2347, %dma_start3A_2348] : memref<5x128x32xf32, #tpu.memory_space<vmem>> -> memref<1x128x32xf32, #tpu.memory_space<vmem>>
    %dma_start3A_2350 = tpu.memref_squeeze %dma_start3A_2349 : memref<1x128x32xf32, #tpu.memory_space<vmem>> -> memref<128x32xf32, #tpu.memory_space<vmem>>
    %dma_start3A_2351 = arith.constant 0 : i32
    %dma_start3A_2352 = tpu.memref_slice %arg4[%mul3A_2, %dma_start3A_2346, %dma_start3A_2351] : memref<4096x50x32xf32, #tpu.memory_space<hbm>> -> memref<128x1x32xf32, #tpu.memory_space<hbm>>
    %dma_start3A_2353 = tpu.memref_squeeze %dma_start3A_2352 : memref<128x1x32xf32, #tpu.memory_space<hbm>> -> memref<128x32xf32, #tpu.memory_space<hbm>>
    %dma_start3A_2354 = arith.constant 0 : i32
    %dma_start3A_2355 = tpu.memref_slice %arg4[%mul3A_2, %dma_start3A_2346, %dma_start3A_2354] : memref<4096x50x32xf32, #tpu.memory_space<hbm>> -> memref<128x1x32xf32, #tpu.memory_space<hbm>>
    %dma_start3A_2356 = tpu.memref_squeeze %dma_start3A_2355 : memref<128x1x32xf32, #tpu.memory_space<hbm>> -> memref<128x32xf32, #tpu.memory_space<hbm>>
    %dma_start3A_2357 = arith.constant 0 : i32
    %dma_start3A_2358 = arith.constant 0 : i32
    %dma_start3A_2359 = tpu.memref_slice %arg6[%dma_start3A_2345, %dma_start3A_2357, %dma_start3A_2358] : memref<5x128x32xf32, #tpu.memory_space<vmem>> -> memref<1x128x32xf32, #tpu.memory_space<vmem>>
    %dma_start3A_2360 = tpu.memref_squeeze %dma_start3A_2359 : memref<1x128x32xf32, #tpu.memory_space<vmem>> -> memref<128x32xf32, #tpu.memory_space<vmem>>
    tpu.enqueue_dma source(%dma_start3A_2360 : memref<128x32xf32, #tpu.memory_space<vmem>>) target(%dma_start3A_2356 : memref<128x32xf32, #tpu.memory_space<hbm>>) target_semaphore(%arg10 : memref<!tpu.dma_semaphore, #tpu.memory_space<semaphore_mem>>)
    %dma_wait3A_2361 = arith.constant 0 : i32
    %dma_wait3A_2362 = arith.constant 35 : i32
    %dma_wait3A_2363 = arith.constant 0 : i32
    %dma_wait3A_2364 = arith.constant 0 : i32
    %dma_wait3A_2365 = tpu.memref_slice %arg7[%dma_wait3A_2361, %dma_wait3A_2363, %dma_wait3A_2364] : memref<5x128x32xf32, #tpu.memory_space<vmem>> -> memref<1x128x32xf32, #tpu.memory_space<vmem>>
    %dma_wait3A_2366 = tpu.memref_squeeze %dma_wait3A_2365 : memref<1x128x32xf32, #tpu.memory_space<vmem>> -> memref<128x32xf32, #tpu.memory_space<vmem>>
    %dma_wait3A_2367 = arith.constant 0 : i32
    %dma_wait3A_2368 = tpu.memref_slice %arg4[%mul3A_2, %dma_wait3A_2362, %dma_wait3A_2367] : memref<4096x50x32xf32, #tpu.memory_space<hbm>> -> memref<128x1x32xf32, #tpu.memory_space<hbm>>
    %dma_wait3A_2369 = tpu.memref_squeeze %dma_wait3A_2368 : memref<128x1x32xf32, #tpu.memory_space<hbm>> -> memref<128x32xf32, #tpu.memory_space<hbm>>
    %dma_wait3A_2370 = arith.constant 0 : i32
    %dma_wait3A_2371 = tpu.memref_slice %arg4[%mul3A_2, %dma_wait3A_2362, %dma_wait3A_2370] : memref<4096x50x32xf32, #tpu.memory_space<hbm>> -> memref<128x1x32xf32, #tpu.memory_space<hbm>>
    %dma_wait3A_2372 = tpu.memref_squeeze %dma_wait3A_2371 : memref<128x1x32xf32, #tpu.memory_space<hbm>> -> memref<128x32xf32, #tpu.memory_space<hbm>>
    %dma_wait3A_2373 = arith.constant 0 : i32
    %dma_wait3A_2374 = arith.constant 0 : i32
    %dma_wait3A_2375 = tpu.memref_slice %arg7[%dma_wait3A_2361, %dma_wait3A_2373, %dma_wait3A_2374] : memref<5x128x32xf32, #tpu.memory_space<vmem>> -> memref<1x128x32xf32, #tpu.memory_space<vmem>>
    %dma_wait3A_2376 = tpu.memref_squeeze %dma_wait3A_2375 : memref<1x128x32xf32, #tpu.memory_space<vmem>> -> memref<128x32xf32, #tpu.memory_space<vmem>>
    tpu.wait_dma2 semaphore(%arg11 : memref<!tpu.dma_semaphore, #tpu.memory_space<semaphore_mem>>) src(%dma_wait3A_2376 : memref<128x32xf32, #tpu.memory_space<vmem>>) dst(%dma_wait3A_2372 : memref<128x32xf32, #tpu.memory_space<hbm>>)
    %dma_wait3A_2377 = arith.constant 1 : i32
    %dma_wait3A_2378 = arith.constant 36 : i32
    %dma_wait3A_2379 = arith.constant 0 : i32
    %dma_wait3A_2380 = arith.constant 0 : i32
    %dma_wait3A_2381 = tpu.memref_slice %arg7[%dma_wait3A_2377, %dma_wait3A_2379, %dma_wait3A_2380] : memref<5x128x32xf32, #tpu.memory_space<vmem>> -> memref<1x128x32xf32, #tpu.memory_space<vmem>>
    %dma_wait3A_2382 = tpu.memref_squeeze %dma_wait3A_2381 : memref<1x128x32xf32, #tpu.memory_space<vmem>> -> memref<128x32xf32, #tpu.memory_space<vmem>>
    %dma_wait3A_2383 = arith.constant 0 : i32
    %dma_wait3A_2384 = tpu.memref_slice %arg4[%mul3A_2, %dma_wait3A_2378, %dma_wait3A_2383] : memref<4096x50x32xf32, #tpu.memory_space<hbm>> -> memref<128x1x32xf32, #tpu.memory_space<hbm>>
    %dma_wait3A_2385 = tpu.memref_squeeze %dma_wait3A_2384 : memref<128x1x32xf32, #tpu.memory_space<hbm>> -> memref<128x32xf32, #tpu.memory_space<hbm>>
    %dma_wait3A_2386 = arith.constant 0 : i32
    %dma_wait3A_2387 = tpu.memref_slice %arg4[%mul3A_2, %dma_wait3A_2378, %dma_wait3A_2386] : memref<4096x50x32xf32, #tpu.memory_space<hbm>> -> memref<128x1x32xf32, #tpu.memory_space<hbm>>
    %dma_wait3A_2388 = tpu.memref_squeeze %dma_wait3A_2387 : memref<128x1x32xf32, #tpu.memory_space<hbm>> -> memref<128x32xf32, #tpu.memory_space<hbm>>
    %dma_wait3A_2389 = arith.constant 0 : i32
    %dma_wait3A_2390 = arith.constant 0 : i32
    %dma_wait3A_2391 = tpu.memref_slice %arg7[%dma_wait3A_2377, %dma_wait3A_2389, %dma_wait3A_2390] : memref<5x128x32xf32, #tpu.memory_space<vmem>> -> memref<1x128x32xf32, #tpu.memory_space<vmem>>
    %dma_wait3A_2392 = tpu.memref_squeeze %dma_wait3A_2391 : memref<1x128x32xf32, #tpu.memory_space<vmem>> -> memref<128x32xf32, #tpu.memory_space<vmem>>
    tpu.wait_dma2 semaphore(%arg11 : memref<!tpu.dma_semaphore, #tpu.memory_space<semaphore_mem>>) src(%dma_wait3A_2392 : memref<128x32xf32, #tpu.memory_space<vmem>>) dst(%dma_wait3A_2388 : memref<128x32xf32, #tpu.memory_space<hbm>>)
    %dma_wait3A_2393 = arith.constant 2 : i32
    %dma_wait3A_2394 = arith.constant 37 : i32
    %dma_wait3A_2395 = arith.constant 0 : i32
    %dma_wait3A_2396 = arith.constant 0 : i32
    %dma_wait3A_2397 = tpu.memref_slice %arg7[%dma_wait3A_2393, %dma_wait3A_2395, %dma_wait3A_2396] : memref<5x128x32xf32, #tpu.memory_space<vmem>> -> memref<1x128x32xf32, #tpu.memory_space<vmem>>
    %dma_wait3A_2398 = tpu.memref_squeeze %dma_wait3A_2397 : memref<1x128x32xf32, #tpu.memory_space<vmem>> -> memref<128x32xf32, #tpu.memory_space<vmem>>
    %dma_wait3A_2399 = arith.constant 0 : i32
    %dma_wait3A_2400 = tpu.memref_slice %arg4[%mul3A_2, %dma_wait3A_2394, %dma_wait3A_2399] : memref<4096x50x32xf32, #tpu.memory_space<hbm>> -> memref<128x1x32xf32, #tpu.memory_space<hbm>>
    %dma_wait3A_2401 = tpu.memref_squeeze %dma_wait3A_2400 : memref<128x1x32xf32, #tpu.memory_space<hbm>> -> memref<128x32xf32, #tpu.memory_space<hbm>>
    %dma_wait3A_2402 = arith.constant 0 : i32
    %dma_wait3A_2403 = tpu.memref_slice %arg4[%mul3A_2, %dma_wait3A_2394, %dma_wait3A_2402] : memref<4096x50x32xf32, #tpu.memory_space<hbm>> -> memref<128x1x32xf32, #tpu.memory_space<hbm>>
    %dma_wait3A_2404 = tpu.memref_squeeze %dma_wait3A_2403 : memref<128x1x32xf32, #tpu.memory_space<hbm>> -> memref<128x32xf32, #tpu.memory_space<hbm>>
    %dma_wait3A_2405 = arith.constant 0 : i32
    %dma_wait3A_2406 = arith.constant 0 : i32
    %dma_wait3A_2407 = tpu.memref_slice %arg7[%dma_wait3A_2393, %dma_wait3A_2405, %dma_wait3A_2406] : memref<5x128x32xf32, #tpu.memory_space<vmem>> -> memref<1x128x32xf32, #tpu.memory_space<vmem>>
    %dma_wait3A_2408 = tpu.memref_squeeze %dma_wait3A_2407 : memref<1x128x32xf32, #tpu.memory_space<vmem>> -> memref<128x32xf32, #tpu.memory_space<vmem>>
    tpu.wait_dma2 semaphore(%arg11 : memref<!tpu.dma_semaphore, #tpu.memory_space<semaphore_mem>>) src(%dma_wait3A_2408 : memref<128x32xf32, #tpu.memory_space<vmem>>) dst(%dma_wait3A_2404 : memref<128x32xf32, #tpu.memory_space<hbm>>)
    %dma_wait3A_2409 = arith.constant 3 : i32
    %dma_wait3A_2410 = arith.constant 38 : i32
    %dma_wait3A_2411 = arith.constant 0 : i32
    %dma_wait3A_2412 = arith.constant 0 : i32
    %dma_wait3A_2413 = tpu.memref_slice %arg7[%dma_wait3A_2409, %dma_wait3A_2411, %dma_wait3A_2412] : memref<5x128x32xf32, #tpu.memory_space<vmem>> -> memref<1x128x32xf32, #tpu.memory_space<vmem>>
    %dma_wait3A_2414 = tpu.memref_squeeze %dma_wait3A_2413 : memref<1x128x32xf32, #tpu.memory_space<vmem>> -> memref<128x32xf32, #tpu.memory_space<vmem>>
    %dma_wait3A_2415 = arith.constant 0 : i32
    %dma_wait3A_2416 = tpu.memref_slice %arg4[%mul3A_2, %dma_wait3A_2410, %dma_wait3A_2415] : memref<4096x50x32xf32, #tpu.memory_space<hbm>> -> memref<128x1x32xf32, #tpu.memory_space<hbm>>
    %dma_wait3A_2417 = tpu.memref_squeeze %dma_wait3A_2416 : memref<128x1x32xf32, #tpu.memory_space<hbm>> -> memref<128x32xf32, #tpu.memory_space<hbm>>
    %dma_wait3A_2418 = arith.constant 0 : i32
    %dma_wait3A_2419 = tpu.memref_slice %arg4[%mul3A_2, %dma_wait3A_2410, %dma_wait3A_2418] : memref<4096x50x32xf32, #tpu.memory_space<hbm>> -> memref<128x1x32xf32, #tpu.memory_space<hbm>>
    %dma_wait3A_2420 = tpu.memref_squeeze %dma_wait3A_2419 : memref<128x1x32xf32, #tpu.memory_space<hbm>> -> memref<128x32xf32, #tpu.memory_space<hbm>>
    %dma_wait3A_2421 = arith.constant 0 : i32
    %dma_wait3A_2422 = arith.constant 0 : i32
    %dma_wait3A_2423 = tpu.memref_slice %arg7[%dma_wait3A_2409, %dma_wait3A_2421, %dma_wait3A_2422] : memref<5x128x32xf32, #tpu.memory_space<vmem>> -> memref<1x128x32xf32, #tpu.memory_space<vmem>>
    %dma_wait3A_2424 = tpu.memref_squeeze %dma_wait3A_2423 : memref<1x128x32xf32, #tpu.memory_space<vmem>> -> memref<128x32xf32, #tpu.memory_space<vmem>>
    tpu.wait_dma2 semaphore(%arg11 : memref<!tpu.dma_semaphore, #tpu.memory_space<semaphore_mem>>) src(%dma_wait3A_2424 : memref<128x32xf32, #tpu.memory_space<vmem>>) dst(%dma_wait3A_2420 : memref<128x32xf32, #tpu.memory_space<hbm>>)
    %dma_wait3A_2425 = arith.constant 4 : i32
    %dma_wait3A_2426 = arith.constant 39 : i32
    %dma_wait3A_2427 = arith.constant 0 : i32
    %dma_wait3A_2428 = arith.constant 0 : i32
    %dma_wait3A_2429 = tpu.memref_slice %arg7[%dma_wait3A_2425, %dma_wait3A_2427, %dma_wait3A_2428] : memref<5x128x32xf32, #tpu.memory_space<vmem>> -> memref<1x128x32xf32, #tpu.memory_space<vmem>>
    %dma_wait3A_2430 = tpu.memref_squeeze %dma_wait3A_2429 : memref<1x128x32xf32, #tpu.memory_space<vmem>> -> memref<128x32xf32, #tpu.memory_space<vmem>>
    %dma_wait3A_2431 = arith.constant 0 : i32
    %dma_wait3A_2432 = tpu.memref_slice %arg4[%mul3A_2, %dma_wait3A_2426, %dma_wait3A_2431] : memref<4096x50x32xf32, #tpu.memory_space<hbm>> -> memref<128x1x32xf32, #tpu.memory_space<hbm>>
    %dma_wait3A_2433 = tpu.memref_squeeze %dma_wait3A_2432 : memref<128x1x32xf32, #tpu.memory_space<hbm>> -> memref<128x32xf32, #tpu.memory_space<hbm>>
    %dma_wait3A_2434 = arith.constant 0 : i32
    %dma_wait3A_2435 = tpu.memref_slice %arg4[%mul3A_2, %dma_wait3A_2426, %dma_wait3A_2434] : memref<4096x50x32xf32, #tpu.memory_space<hbm>> -> memref<128x1x32xf32, #tpu.memory_space<hbm>>
    %dma_wait3A_2436 = tpu.memref_squeeze %dma_wait3A_2435 : memref<128x1x32xf32, #tpu.memory_space<hbm>> -> memref<128x32xf32, #tpu.memory_space<hbm>>
    %dma_wait3A_2437 = arith.constant 0 : i32
    %dma_wait3A_2438 = arith.constant 0 : i32
    %dma_wait3A_2439 = tpu.memref_slice %arg7[%dma_wait3A_2425, %dma_wait3A_2437, %dma_wait3A_2438] : memref<5x128x32xf32, #tpu.memory_space<vmem>> -> memref<1x128x32xf32, #tpu.memory_space<vmem>>
    %dma_wait3A_2440 = tpu.memref_squeeze %dma_wait3A_2439 : memref<1x128x32xf32, #tpu.memory_space<vmem>> -> memref<128x32xf32, #tpu.memory_space<vmem>>
    tpu.wait_dma2 semaphore(%arg11 : memref<!tpu.dma_semaphore, #tpu.memory_space<semaphore_mem>>) src(%dma_wait3A_2440 : memref<128x32xf32, #tpu.memory_space<vmem>>) dst(%dma_wait3A_2436 : memref<128x32xf32, #tpu.memory_space<hbm>>)
    %dma_start3A_2441 = arith.constant 45 : i32
    %dma_start3A_2442 = arith.constant 0 : i32
    %dma_start3A_2443 = arith.constant 0 : i32
    %dma_start3A_2444 = arith.constant 0 : i32
    %dma_start3A_2445 = tpu.memref_slice %arg7[%dma_start3A_2442, %dma_start3A_2443, %dma_start3A_2444] : memref<5x128x32xf32, #tpu.memory_space<vmem>> -> memref<1x128x32xf32, #tpu.memory_space<vmem>>
    %dma_start3A_2446 = tpu.memref_squeeze %dma_start3A_2445 : memref<1x128x32xf32, #tpu.memory_space<vmem>> -> memref<128x32xf32, #tpu.memory_space<vmem>>
    %dma_start3A_2447 = arith.constant 0 : i32
    %dma_start3A_2448 = tpu.memref_slice %arg5[%dma_start3A_2441, %dma_start3A_2447] : memref<50x128xi32, #tpu.memory_space<vmem>> -> memref<1x128xi32, #tpu.memory_space<vmem>>
    %dma_start3A_2449 = tpu.memref_squeeze %dma_start3A_2448 : memref<1x128xi32, #tpu.memory_space<vmem>> -> memref<128xi32, #tpu.memory_space<vmem>>
    %dma_start3A_2450 = arith.constant 0 : i32
    %dma_start3A_2451 = arith.constant 0 : i32
    %dma_start3A_2452 = tpu.memref_slice %arg2[%dma_start3A_2450, %dma_start3A_2451] : memref<1007616x32xf32, #tpu.memory_space<hbm>> -> memref<1007616x32xf32, #tpu.memory_space<hbm>>
    tpu.enqueue_indirect_dma source(%dma_start3A_2452 : memref<1007616x32xf32, #tpu.memory_space<hbm>>) target(%dma_start3A_2446 : memref<128x32xf32, #tpu.memory_space<vmem>>) offsets(%dma_start3A_2449 : memref<128xi32, #tpu.memory_space<vmem>>) semaphore(%arg9 : memref<!tpu.dma_semaphore, #tpu.memory_space<semaphore_mem>>)
    %dma_start3A_2453 = arith.constant 46 : i32
    %dma_start3A_2454 = arith.constant 1 : i32
    %dma_start3A_2455 = arith.constant 0 : i32
    %dma_start3A_2456 = arith.constant 0 : i32
    %dma_start3A_2457 = tpu.memref_slice %arg7[%dma_start3A_2454, %dma_start3A_2455, %dma_start3A_2456] : memref<5x128x32xf32, #tpu.memory_space<vmem>> -> memref<1x128x32xf32, #tpu.memory_space<vmem>>
    %dma_start3A_2458 = tpu.memref_squeeze %dma_start3A_2457 : memref<1x128x32xf32, #tpu.memory_space<vmem>> -> memref<128x32xf32, #tpu.memory_space<vmem>>
    %dma_start3A_2459 = arith.constant 0 : i32
    %dma_start3A_2460 = tpu.memref_slice %arg5[%dma_start3A_2453, %dma_start3A_2459] : memref<50x128xi32, #tpu.memory_space<vmem>> -> memref<1x128xi32, #tpu.memory_space<vmem>>
    %dma_start3A_2461 = tpu.memref_squeeze %dma_start3A_2460 : memref<1x128xi32, #tpu.memory_space<vmem>> -> memref<128xi32, #tpu.memory_space<vmem>>
    %dma_start3A_2462 = arith.constant 0 : i32
    %dma_start3A_2463 = arith.constant 0 : i32
    %dma_start3A_2464 = tpu.memref_slice %arg2[%dma_start3A_2462, %dma_start3A_2463] : memref<1007616x32xf32, #tpu.memory_space<hbm>> -> memref<1007616x32xf32, #tpu.memory_space<hbm>>
    tpu.enqueue_indirect_dma source(%dma_start3A_2464 : memref<1007616x32xf32, #tpu.memory_space<hbm>>) target(%dma_start3A_2458 : memref<128x32xf32, #tpu.memory_space<vmem>>) offsets(%dma_start3A_2461 : memref<128xi32, #tpu.memory_space<vmem>>) semaphore(%arg9 : memref<!tpu.dma_semaphore, #tpu.memory_space<semaphore_mem>>)
    %dma_start3A_2465 = arith.constant 47 : i32
    %dma_start3A_2466 = arith.constant 2 : i32
    %dma_start3A_2467 = arith.constant 0 : i32
    %dma_start3A_2468 = arith.constant 0 : i32
    %dma_start3A_2469 = tpu.memref_slice %arg7[%dma_start3A_2466, %dma_start3A_2467, %dma_start3A_2468] : memref<5x128x32xf32, #tpu.memory_space<vmem>> -> memref<1x128x32xf32, #tpu.memory_space<vmem>>
    %dma_start3A_2470 = tpu.memref_squeeze %dma_start3A_2469 : memref<1x128x32xf32, #tpu.memory_space<vmem>> -> memref<128x32xf32, #tpu.memory_space<vmem>>
    %dma_start3A_2471 = arith.constant 0 : i32
    %dma_start3A_2472 = tpu.memref_slice %arg5[%dma_start3A_2465, %dma_start3A_2471] : memref<50x128xi32, #tpu.memory_space<vmem>> -> memref<1x128xi32, #tpu.memory_space<vmem>>
    %dma_start3A_2473 = tpu.memref_squeeze %dma_start3A_2472 : memref<1x128xi32, #tpu.memory_space<vmem>> -> memref<128xi32, #tpu.memory_space<vmem>>
    %dma_start3A_2474 = arith.constant 0 : i32
    %dma_start3A_2475 = arith.constant 0 : i32
    %dma_start3A_2476 = tpu.memref_slice %arg2[%dma_start3A_2474, %dma_start3A_2475] : memref<1007616x32xf32, #tpu.memory_space<hbm>> -> memref<1007616x32xf32, #tpu.memory_space<hbm>>
    tpu.enqueue_indirect_dma source(%dma_start3A_2476 : memref<1007616x32xf32, #tpu.memory_space<hbm>>) target(%dma_start3A_2470 : memref<128x32xf32, #tpu.memory_space<vmem>>) offsets(%dma_start3A_2473 : memref<128xi32, #tpu.memory_space<vmem>>) semaphore(%arg9 : memref<!tpu.dma_semaphore, #tpu.memory_space<semaphore_mem>>)
    %dma_start3A_2477 = arith.constant 48 : i32
    %dma_start3A_2478 = arith.constant 3 : i32
    %dma_start3A_2479 = arith.constant 0 : i32
    %dma_start3A_2480 = arith.constant 0 : i32
    %dma_start3A_2481 = tpu.memref_slice %arg7[%dma_start3A_2478, %dma_start3A_2479, %dma_start3A_2480] : memref<5x128x32xf32, #tpu.memory_space<vmem>> -> memref<1x128x32xf32, #tpu.memory_space<vmem>>
    %dma_start3A_2482 = tpu.memref_squeeze %dma_start3A_2481 : memref<1x128x32xf32, #tpu.memory_space<vmem>> -> memref<128x32xf32, #tpu.memory_space<vmem>>
    %dma_start3A_2483 = arith.constant 0 : i32
    %dma_start3A_2484 = tpu.memref_slice %arg5[%dma_start3A_2477, %dma_start3A_2483] : memref<50x128xi32, #tpu.memory_space<vmem>> -> memref<1x128xi32, #tpu.memory_space<vmem>>
    %dma_start3A_2485 = tpu.memref_squeeze %dma_start3A_2484 : memref<1x128xi32, #tpu.memory_space<vmem>> -> memref<128xi32, #tpu.memory_space<vmem>>
    %dma_start3A_2486 = arith.constant 0 : i32
    %dma_start3A_2487 = arith.constant 0 : i32
    %dma_start3A_2488 = tpu.memref_slice %arg2[%dma_start3A_2486, %dma_start3A_2487] : memref<1007616x32xf32, #tpu.memory_space<hbm>> -> memref<1007616x32xf32, #tpu.memory_space<hbm>>
    tpu.enqueue_indirect_dma source(%dma_start3A_2488 : memref<1007616x32xf32, #tpu.memory_space<hbm>>) target(%dma_start3A_2482 : memref<128x32xf32, #tpu.memory_space<vmem>>) offsets(%dma_start3A_2485 : memref<128xi32, #tpu.memory_space<vmem>>) semaphore(%arg9 : memref<!tpu.dma_semaphore, #tpu.memory_space<semaphore_mem>>)
    %dma_start3A_2489 = arith.constant 49 : i32
    %dma_start3A_2490 = arith.constant 4 : i32
    %dma_start3A_2491 = arith.constant 0 : i32
    %dma_start3A_2492 = arith.constant 0 : i32
    %dma_start3A_2493 = tpu.memref_slice %arg7[%dma_start3A_2490, %dma_start3A_2491, %dma_start3A_2492] : memref<5x128x32xf32, #tpu.memory_space<vmem>> -> memref<1x128x32xf32, #tpu.memory_space<vmem>>
    %dma_start3A_2494 = tpu.memref_squeeze %dma_start3A_2493 : memref<1x128x32xf32, #tpu.memory_space<vmem>> -> memref<128x32xf32, #tpu.memory_space<vmem>>
    %dma_start3A_2495 = arith.constant 0 : i32
    %dma_start3A_2496 = tpu.memref_slice %arg5[%dma_start3A_2489, %dma_start3A_2495] : memref<50x128xi32, #tpu.memory_space<vmem>> -> memref<1x128xi32, #tpu.memory_space<vmem>>
    %dma_start3A_2497 = tpu.memref_squeeze %dma_start3A_2496 : memref<1x128xi32, #tpu.memory_space<vmem>> -> memref<128xi32, #tpu.memory_space<vmem>>
    %dma_start3A_2498 = arith.constant 0 : i32
    %dma_start3A_2499 = arith.constant 0 : i32
    %dma_start3A_2500 = tpu.memref_slice %arg2[%dma_start3A_2498, %dma_start3A_2499] : memref<1007616x32xf32, #tpu.memory_space<hbm>> -> memref<1007616x32xf32, #tpu.memory_space<hbm>>
    tpu.enqueue_indirect_dma source(%dma_start3A_2500 : memref<1007616x32xf32, #tpu.memory_space<hbm>>) target(%dma_start3A_2494 : memref<128x32xf32, #tpu.memory_space<vmem>>) offsets(%dma_start3A_2497 : memref<128xi32, #tpu.memory_space<vmem>>) semaphore(%arg9 : memref<!tpu.dma_semaphore, #tpu.memory_space<semaphore_mem>>)
    %dma_wait3A_2501 = arith.constant 45 : i32
    %dma_wait3A_2502 = arith.constant 0 : i32
    %dma_wait3A_2503 = arith.constant 0 : i32
    %dma_wait3A_2504 = arith.constant 0 : i32
    %dma_wait3A_2505 = tpu.memref_slice %arg7[%dma_wait3A_2502, %dma_wait3A_2503, %dma_wait3A_2504] : memref<5x128x32xf32, #tpu.memory_space<vmem>> -> memref<1x128x32xf32, #tpu.memory_space<vmem>>
    %dma_wait3A_2506 = tpu.memref_squeeze %dma_wait3A_2505 : memref<1x128x32xf32, #tpu.memory_space<vmem>> -> memref<128x32xf32, #tpu.memory_space<vmem>>
    %dma_wait3A_2507 = arith.constant 0 : i32
    %dma_wait3A_2508 = tpu.memref_slice %arg5[%dma_wait3A_2501, %dma_wait3A_2507] : memref<50x128xi32, #tpu.memory_space<vmem>> -> memref<1x128xi32, #tpu.memory_space<vmem>>
    %dma_wait3A_2509 = tpu.memref_squeeze %dma_wait3A_2508 : memref<1x128xi32, #tpu.memory_space<vmem>> -> memref<128xi32, #tpu.memory_space<vmem>>
    %dma_wait3A_2510 = arith.constant 0 : i32
    %dma_wait3A_2511 = arith.constant 0 : i32
    %dma_wait3A_2512 = tpu.memref_slice %arg2[%dma_wait3A_2510, %dma_wait3A_2511] : memref<1007616x32xf32, #tpu.memory_space<hbm>> -> memref<1007616x32xf32, #tpu.memory_space<hbm>>
    tpu.wait_indirect_dma semaphore(%arg9 : memref<!tpu.dma_semaphore, #tpu.memory_space<semaphore_mem>>) src(%dma_wait3A_2512 : memref<1007616x32xf32, #tpu.memory_space<hbm>>) dst(%dma_wait3A_2506 : memref<128x32xf32, #tpu.memory_space<vmem>>)
    %dma_start3A_2513 = arith.constant 0 : i32
    %dma_start3A_2514 = arith.constant 45 : i32
    %dma_start3A_2515 = arith.constant 0 : i32
    %dma_start3A_2516 = arith.constant 0 : i32
    %dma_start3A_2517 = tpu.memref_slice %arg7[%dma_start3A_2513, %dma_start3A_2515, %dma_start3A_2516] : memref<5x128x32xf32, #tpu.memory_space<vmem>> -> memref<1x128x32xf32, #tpu.memory_space<vmem>>
    %dma_start3A_2518 = tpu.memref_squeeze %dma_start3A_2517 : memref<1x128x32xf32, #tpu.memory_space<vmem>> -> memref<128x32xf32, #tpu.memory_space<vmem>>
    %dma_start3A_2519 = arith.constant 0 : i32
    %dma_start3A_2520 = tpu.memref_slice %arg4[%mul3A_2, %dma_start3A_2514, %dma_start3A_2519] : memref<4096x50x32xf32, #tpu.memory_space<hbm>> -> memref<128x1x32xf32, #tpu.memory_space<hbm>>
    %dma_start3A_2521 = tpu.memref_squeeze %dma_start3A_2520 : memref<128x1x32xf32, #tpu.memory_space<hbm>> -> memref<128x32xf32, #tpu.memory_space<hbm>>
    %dma_start3A_2522 = arith.constant 0 : i32
    %dma_start3A_2523 = tpu.memref_slice %arg4[%mul3A_2, %dma_start3A_2514, %dma_start3A_2522] : memref<4096x50x32xf32, #tpu.memory_space<hbm>> -> memref<128x1x32xf32, #tpu.memory_space<hbm>>
    %dma_start3A_2524 = tpu.memref_squeeze %dma_start3A_2523 : memref<128x1x32xf32, #tpu.memory_space<hbm>> -> memref<128x32xf32, #tpu.memory_space<hbm>>
    %dma_start3A_2525 = arith.constant 0 : i32
    %dma_start3A_2526 = arith.constant 0 : i32
    %dma_start3A_2527 = tpu.memref_slice %arg7[%dma_start3A_2513, %dma_start3A_2525, %dma_start3A_2526] : memref<5x128x32xf32, #tpu.memory_space<vmem>> -> memref<1x128x32xf32, #tpu.memory_space<vmem>>
    %dma_start3A_2528 = tpu.memref_squeeze %dma_start3A_2527 : memref<1x128x32xf32, #tpu.memory_space<vmem>> -> memref<128x32xf32, #tpu.memory_space<vmem>>
    tpu.enqueue_dma source(%dma_start3A_2528 : memref<128x32xf32, #tpu.memory_space<vmem>>) target(%dma_start3A_2524 : memref<128x32xf32, #tpu.memory_space<hbm>>) target_semaphore(%arg11 : memref<!tpu.dma_semaphore, #tpu.memory_space<semaphore_mem>>)
    %dma_wait3A_2529 = arith.constant 46 : i32
    %dma_wait3A_2530 = arith.constant 1 : i32
    %dma_wait3A_2531 = arith.constant 0 : i32
    %dma_wait3A_2532 = arith.constant 0 : i32
    %dma_wait3A_2533 = tpu.memref_slice %arg7[%dma_wait3A_2530, %dma_wait3A_2531, %dma_wait3A_2532] : memref<5x128x32xf32, #tpu.memory_space<vmem>> -> memref<1x128x32xf32, #tpu.memory_space<vmem>>
    %dma_wait3A_2534 = tpu.memref_squeeze %dma_wait3A_2533 : memref<1x128x32xf32, #tpu.memory_space<vmem>> -> memref<128x32xf32, #tpu.memory_space<vmem>>
    %dma_wait3A_2535 = arith.constant 0 : i32
    %dma_wait3A_2536 = tpu.memref_slice %arg5[%dma_wait3A_2529, %dma_wait3A_2535] : memref<50x128xi32, #tpu.memory_space<vmem>> -> memref<1x128xi32, #tpu.memory_space<vmem>>
    %dma_wait3A_2537 = tpu.memref_squeeze %dma_wait3A_2536 : memref<1x128xi32, #tpu.memory_space<vmem>> -> memref<128xi32, #tpu.memory_space<vmem>>
    %dma_wait3A_2538 = arith.constant 0 : i32
    %dma_wait3A_2539 = arith.constant 0 : i32
    %dma_wait3A_2540 = tpu.memref_slice %arg2[%dma_wait3A_2538, %dma_wait3A_2539] : memref<1007616x32xf32, #tpu.memory_space<hbm>> -> memref<1007616x32xf32, #tpu.memory_space<hbm>>
    tpu.wait_indirect_dma semaphore(%arg9 : memref<!tpu.dma_semaphore, #tpu.memory_space<semaphore_mem>>) src(%dma_wait3A_2540 : memref<1007616x32xf32, #tpu.memory_space<hbm>>) dst(%dma_wait3A_2534 : memref<128x32xf32, #tpu.memory_space<vmem>>)
    %dma_start3A_2541 = arith.constant 1 : i32
    %dma_start3A_2542 = arith.constant 46 : i32
    %dma_start3A_2543 = arith.constant 0 : i32
    %dma_start3A_2544 = arith.constant 0 : i32
    %dma_start3A_2545 = tpu.memref_slice %arg7[%dma_start3A_2541, %dma_start3A_2543, %dma_start3A_2544] : memref<5x128x32xf32, #tpu.memory_space<vmem>> -> memref<1x128x32xf32, #tpu.memory_space<vmem>>
    %dma_start3A_2546 = tpu.memref_squeeze %dma_start3A_2545 : memref<1x128x32xf32, #tpu.memory_space<vmem>> -> memref<128x32xf32, #tpu.memory_space<vmem>>
    %dma_start3A_2547 = arith.constant 0 : i32
    %dma_start3A_2548 = tpu.memref_slice %arg4[%mul3A_2, %dma_start3A_2542, %dma_start3A_2547] : memref<4096x50x32xf32, #tpu.memory_space<hbm>> -> memref<128x1x32xf32, #tpu.memory_space<hbm>>
    %dma_start3A_2549 = tpu.memref_squeeze %dma_start3A_2548 : memref<128x1x32xf32, #tpu.memory_space<hbm>> -> memref<128x32xf32, #tpu.memory_space<hbm>>
    %dma_start3A_2550 = arith.constant 0 : i32
    %dma_start3A_2551 = tpu.memref_slice %arg4[%mul3A_2, %dma_start3A_2542, %dma_start3A_2550] : memref<4096x50x32xf32, #tpu.memory_space<hbm>> -> memref<128x1x32xf32, #tpu.memory_space<hbm>>
    %dma_start3A_2552 = tpu.memref_squeeze %dma_start3A_2551 : memref<128x1x32xf32, #tpu.memory_space<hbm>> -> memref<128x32xf32, #tpu.memory_space<hbm>>
    %dma_start3A_2553 = arith.constant 0 : i32
    %dma_start3A_2554 = arith.constant 0 : i32
    %dma_start3A_2555 = tpu.memref_slice %arg7[%dma_start3A_2541, %dma_start3A_2553, %dma_start3A_2554] : memref<5x128x32xf32, #tpu.memory_space<vmem>> -> memref<1x128x32xf32, #tpu.memory_space<vmem>>
    %dma_start3A_2556 = tpu.memref_squeeze %dma_start3A_2555 : memref<1x128x32xf32, #tpu.memory_space<vmem>> -> memref<128x32xf32, #tpu.memory_space<vmem>>
    tpu.enqueue_dma source(%dma_start3A_2556 : memref<128x32xf32, #tpu.memory_space<vmem>>) target(%dma_start3A_2552 : memref<128x32xf32, #tpu.memory_space<hbm>>) target_semaphore(%arg11 : memref<!tpu.dma_semaphore, #tpu.memory_space<semaphore_mem>>)
    %dma_wait3A_2557 = arith.constant 47 : i32
    %dma_wait3A_2558 = arith.constant 2 : i32
    %dma_wait3A_2559 = arith.constant 0 : i32
    %dma_wait3A_2560 = arith.constant 0 : i32
    %dma_wait3A_2561 = tpu.memref_slice %arg7[%dma_wait3A_2558, %dma_wait3A_2559, %dma_wait3A_2560] : memref<5x128x32xf32, #tpu.memory_space<vmem>> -> memref<1x128x32xf32, #tpu.memory_space<vmem>>
    %dma_wait3A_2562 = tpu.memref_squeeze %dma_wait3A_2561 : memref<1x128x32xf32, #tpu.memory_space<vmem>> -> memref<128x32xf32, #tpu.memory_space<vmem>>
    %dma_wait3A_2563 = arith.constant 0 : i32
    %dma_wait3A_2564 = tpu.memref_slice %arg5[%dma_wait3A_2557, %dma_wait3A_2563] : memref<50x128xi32, #tpu.memory_space<vmem>> -> memref<1x128xi32, #tpu.memory_space<vmem>>
    %dma_wait3A_2565 = tpu.memref_squeeze %dma_wait3A_2564 : memref<1x128xi32, #tpu.memory_space<vmem>> -> memref<128xi32, #tpu.memory_space<vmem>>
    %dma_wait3A_2566 = arith.constant 0 : i32
    %dma_wait3A_2567 = arith.constant 0 : i32
    %dma_wait3A_2568 = tpu.memref_slice %arg2[%dma_wait3A_2566, %dma_wait3A_2567] : memref<1007616x32xf32, #tpu.memory_space<hbm>> -> memref<1007616x32xf32, #tpu.memory_space<hbm>>
    tpu.wait_indirect_dma semaphore(%arg9 : memref<!tpu.dma_semaphore, #tpu.memory_space<semaphore_mem>>) src(%dma_wait3A_2568 : memref<1007616x32xf32, #tpu.memory_space<hbm>>) dst(%dma_wait3A_2562 : memref<128x32xf32, #tpu.memory_space<vmem>>)
    %dma_start3A_2569 = arith.constant 2 : i32
    %dma_start3A_2570 = arith.constant 47 : i32
    %dma_start3A_2571 = arith.constant 0 : i32
    %dma_start3A_2572 = arith.constant 0 : i32
    %dma_start3A_2573 = tpu.memref_slice %arg7[%dma_start3A_2569, %dma_start3A_2571, %dma_start3A_2572] : memref<5x128x32xf32, #tpu.memory_space<vmem>> -> memref<1x128x32xf32, #tpu.memory_space<vmem>>
    %dma_start3A_2574 = tpu.memref_squeeze %dma_start3A_2573 : memref<1x128x32xf32, #tpu.memory_space<vmem>> -> memref<128x32xf32, #tpu.memory_space<vmem>>
    %dma_start3A_2575 = arith.constant 0 : i32
    %dma_start3A_2576 = tpu.memref_slice %arg4[%mul3A_2, %dma_start3A_2570, %dma_start3A_2575] : memref<4096x50x32xf32, #tpu.memory_space<hbm>> -> memref<128x1x32xf32, #tpu.memory_space<hbm>>
    %dma_start3A_2577 = tpu.memref_squeeze %dma_start3A_2576 : memref<128x1x32xf32, #tpu.memory_space<hbm>> -> memref<128x32xf32, #tpu.memory_space<hbm>>
    %dma_start3A_2578 = arith.constant 0 : i32
    %dma_start3A_2579 = tpu.memref_slice %arg4[%mul3A_2, %dma_start3A_2570, %dma_start3A_2578] : memref<4096x50x32xf32, #tpu.memory_space<hbm>> -> memref<128x1x32xf32, #tpu.memory_space<hbm>>
    %dma_start3A_2580 = tpu.memref_squeeze %dma_start3A_2579 : memref<128x1x32xf32, #tpu.memory_space<hbm>> -> memref<128x32xf32, #tpu.memory_space<hbm>>
    %dma_start3A_2581 = arith.constant 0 : i32
    %dma_start3A_2582 = arith.constant 0 : i32
    %dma_start3A_2583 = tpu.memref_slice %arg7[%dma_start3A_2569, %dma_start3A_2581, %dma_start3A_2582] : memref<5x128x32xf32, #tpu.memory_space<vmem>> -> memref<1x128x32xf32, #tpu.memory_space<vmem>>
    %dma_start3A_2584 = tpu.memref_squeeze %dma_start3A_2583 : memref<1x128x32xf32, #tpu.memory_space<vmem>> -> memref<128x32xf32, #tpu.memory_space<vmem>>
    tpu.enqueue_dma source(%dma_start3A_2584 : memref<128x32xf32, #tpu.memory_space<vmem>>) target(%dma_start3A_2580 : memref<128x32xf32, #tpu.memory_space<hbm>>) target_semaphore(%arg11 : memref<!tpu.dma_semaphore, #tpu.memory_space<semaphore_mem>>)
    %dma_wait3A_2585 = arith.constant 48 : i32
    %dma_wait3A_2586 = arith.constant 3 : i32
    %dma_wait3A_2587 = arith.constant 0 : i32
    %dma_wait3A_2588 = arith.constant 0 : i32
    %dma_wait3A_2589 = tpu.memref_slice %arg7[%dma_wait3A_2586, %dma_wait3A_2587, %dma_wait3A_2588] : memref<5x128x32xf32, #tpu.memory_space<vmem>> -> memref<1x128x32xf32, #tpu.memory_space<vmem>>
    %dma_wait3A_2590 = tpu.memref_squeeze %dma_wait3A_2589 : memref<1x128x32xf32, #tpu.memory_space<vmem>> -> memref<128x32xf32, #tpu.memory_space<vmem>>
    %dma_wait3A_2591 = arith.constant 0 : i32
    %dma_wait3A_2592 = tpu.memref_slice %arg5[%dma_wait3A_2585, %dma_wait3A_2591] : memref<50x128xi32, #tpu.memory_space<vmem>> -> memref<1x128xi32, #tpu.memory_space<vmem>>
    %dma_wait3A_2593 = tpu.memref_squeeze %dma_wait3A_2592 : memref<1x128xi32, #tpu.memory_space<vmem>> -> memref<128xi32, #tpu.memory_space<vmem>>
    %dma_wait3A_2594 = arith.constant 0 : i32
    %dma_wait3A_2595 = arith.constant 0 : i32
    %dma_wait3A_2596 = tpu.memref_slice %arg2[%dma_wait3A_2594, %dma_wait3A_2595] : memref<1007616x32xf32, #tpu.memory_space<hbm>> -> memref<1007616x32xf32, #tpu.memory_space<hbm>>
    tpu.wait_indirect_dma semaphore(%arg9 : memref<!tpu.dma_semaphore, #tpu.memory_space<semaphore_mem>>) src(%dma_wait3A_2596 : memref<1007616x32xf32, #tpu.memory_space<hbm>>) dst(%dma_wait3A_2590 : memref<128x32xf32, #tpu.memory_space<vmem>>)
    %dma_start3A_2597 = arith.constant 3 : i32
    %dma_start3A_2598 = arith.constant 48 : i32
    %dma_start3A_2599 = arith.constant 0 : i32
    %dma_start3A_2600 = arith.constant 0 : i32
    %dma_start3A_2601 = tpu.memref_slice %arg7[%dma_start3A_2597, %dma_start3A_2599, %dma_start3A_2600] : memref<5x128x32xf32, #tpu.memory_space<vmem>> -> memref<1x128x32xf32, #tpu.memory_space<vmem>>
    %dma_start3A_2602 = tpu.memref_squeeze %dma_start3A_2601 : memref<1x128x32xf32, #tpu.memory_space<vmem>> -> memref<128x32xf32, #tpu.memory_space<vmem>>
    %dma_start3A_2603 = arith.constant 0 : i32
    %dma_start3A_2604 = tpu.memref_slice %arg4[%mul3A_2, %dma_start3A_2598, %dma_start3A_2603] : memref<4096x50x32xf32, #tpu.memory_space<hbm>> -> memref<128x1x32xf32, #tpu.memory_space<hbm>>
    %dma_start3A_2605 = tpu.memref_squeeze %dma_start3A_2604 : memref<128x1x32xf32, #tpu.memory_space<hbm>> -> memref<128x32xf32, #tpu.memory_space<hbm>>
    %dma_start3A_2606 = arith.constant 0 : i32
    %dma_start3A_2607 = tpu.memref_slice %arg4[%mul3A_2, %dma_start3A_2598, %dma_start3A_2606] : memref<4096x50x32xf32, #tpu.memory_space<hbm>> -> memref<128x1x32xf32, #tpu.memory_space<hbm>>
    %dma_start3A_2608 = tpu.memref_squeeze %dma_start3A_2607 : memref<128x1x32xf32, #tpu.memory_space<hbm>> -> memref<128x32xf32, #tpu.memory_space<hbm>>
    %dma_start3A_2609 = arith.constant 0 : i32
    %dma_start3A_2610 = arith.constant 0 : i32
    %dma_start3A_2611 = tpu.memref_slice %arg7[%dma_start3A_2597, %dma_start3A_2609, %dma_start3A_2610] : memref<5x128x32xf32, #tpu.memory_space<vmem>> -> memref<1x128x32xf32, #tpu.memory_space<vmem>>
    %dma_start3A_2612 = tpu.memref_squeeze %dma_start3A_2611 : memref<1x128x32xf32, #tpu.memory_space<vmem>> -> memref<128x32xf32, #tpu.memory_space<vmem>>
    tpu.enqueue_dma source(%dma_start3A_2612 : memref<128x32xf32, #tpu.memory_space<vmem>>) target(%dma_start3A_2608 : memref<128x32xf32, #tpu.memory_space<hbm>>) target_semaphore(%arg11 : memref<!tpu.dma_semaphore, #tpu.memory_space<semaphore_mem>>)
    %dma_wait3A_2613 = arith.constant 49 : i32
    %dma_wait3A_2614 = arith.constant 4 : i32
    %dma_wait3A_2615 = arith.constant 0 : i32
    %dma_wait3A_2616 = arith.constant 0 : i32
    %dma_wait3A_2617 = tpu.memref_slice %arg7[%dma_wait3A_2614, %dma_wait3A_2615, %dma_wait3A_2616] : memref<5x128x32xf32, #tpu.memory_space<vmem>> -> memref<1x128x32xf32, #tpu.memory_space<vmem>>
    %dma_wait3A_2618 = tpu.memref_squeeze %dma_wait3A_2617 : memref<1x128x32xf32, #tpu.memory_space<vmem>> -> memref<128x32xf32, #tpu.memory_space<vmem>>
    %dma_wait3A_2619 = arith.constant 0 : i32
    %dma_wait3A_2620 = tpu.memref_slice %arg5[%dma_wait3A_2613, %dma_wait3A_2619] : memref<50x128xi32, #tpu.memory_space<vmem>> -> memref<1x128xi32, #tpu.memory_space<vmem>>
    %dma_wait3A_2621 = tpu.memref_squeeze %dma_wait3A_2620 : memref<1x128xi32, #tpu.memory_space<vmem>> -> memref<128xi32, #tpu.memory_space<vmem>>
    %dma_wait3A_2622 = arith.constant 0 : i32
    %dma_wait3A_2623 = arith.constant 0 : i32
    %dma_wait3A_2624 = tpu.memref_slice %arg2[%dma_wait3A_2622, %dma_wait3A_2623] : memref<1007616x32xf32, #tpu.memory_space<hbm>> -> memref<1007616x32xf32, #tpu.memory_space<hbm>>
    tpu.wait_indirect_dma semaphore(%arg9 : memref<!tpu.dma_semaphore, #tpu.memory_space<semaphore_mem>>) src(%dma_wait3A_2624 : memref<1007616x32xf32, #tpu.memory_space<hbm>>) dst(%dma_wait3A_2618 : memref<128x32xf32, #tpu.memory_space<vmem>>)
    %dma_start3A_2625 = arith.constant 4 : i32
    %dma_start3A_2626 = arith.constant 49 : i32
    %dma_start3A_2627 = arith.constant 0 : i32
    %dma_start3A_2628 = arith.constant 0 : i32
    %dma_start3A_2629 = tpu.memref_slice %arg7[%dma_start3A_2625, %dma_start3A_2627, %dma_start3A_2628] : memref<5x128x32xf32, #tpu.memory_space<vmem>> -> memref<1x128x32xf32, #tpu.memory_space<vmem>>
    %dma_start3A_2630 = tpu.memref_squeeze %dma_start3A_2629 : memref<1x128x32xf32, #tpu.memory_space<vmem>> -> memref<128x32xf32, #tpu.memory_space<vmem>>
    %dma_start3A_2631 = arith.constant 0 : i32
    %dma_start3A_2632 = tpu.memref_slice %arg4[%mul3A_2, %dma_start3A_2626, %dma_start3A_2631] : memref<4096x50x32xf32, #tpu.memory_space<hbm>> -> memref<128x1x32xf32, #tpu.memory_space<hbm>>
    %dma_start3A_2633 = tpu.memref_squeeze %dma_start3A_2632 : memref<128x1x32xf32, #tpu.memory_space<hbm>> -> memref<128x32xf32, #tpu.memory_space<hbm>>
    %dma_start3A_2634 = arith.constant 0 : i32
    %dma_start3A_2635 = tpu.memref_slice %arg4[%mul3A_2, %dma_start3A_2626, %dma_start3A_2634] : memref<4096x50x32xf32, #tpu.memory_space<hbm>> -> memref<128x1x32xf32, #tpu.memory_space<hbm>>
    %dma_start3A_2636 = tpu.memref_squeeze %dma_start3A_2635 : memref<128x1x32xf32, #tpu.memory_space<hbm>> -> memref<128x32xf32, #tpu.memory_space<hbm>>
    %dma_start3A_2637 = arith.constant 0 : i32
    %dma_start3A_2638 = arith.constant 0 : i32
    %dma_start3A_2639 = tpu.memref_slice %arg7[%dma_start3A_2625, %dma_start3A_2637, %dma_start3A_2638] : memref<5x128x32xf32, #tpu.memory_space<vmem>> -> memref<1x128x32xf32, #tpu.memory_space<vmem>>
    %dma_start3A_2640 = tpu.memref_squeeze %dma_start3A_2639 : memref<1x128x32xf32, #tpu.memory_space<vmem>> -> memref<128x32xf32, #tpu.memory_space<vmem>>
    tpu.enqueue_dma source(%dma_start3A_2640 : memref<128x32xf32, #tpu.memory_space<vmem>>) target(%dma_start3A_2636 : memref<128x32xf32, #tpu.memory_space<hbm>>) target_semaphore(%arg11 : memref<!tpu.dma_semaphore, #tpu.memory_space<semaphore_mem>>)
    %dma_wait3A_2641 = arith.constant 0 : i32
    %dma_wait3A_2642 = arith.constant 40 : i32
    %dma_wait3A_2643 = arith.constant 0 : i32
    %dma_wait3A_2644 = arith.constant 0 : i32
    %dma_wait3A_2645 = tpu.memref_slice %arg6[%dma_wait3A_2641, %dma_wait3A_2643, %dma_wait3A_2644] : memref<5x128x32xf32, #tpu.memory_space<vmem>> -> memref<1x128x32xf32, #tpu.memory_space<vmem>>
    %dma_wait3A_2646 = tpu.memref_squeeze %dma_wait3A_2645 : memref<1x128x32xf32, #tpu.memory_space<vmem>> -> memref<128x32xf32, #tpu.memory_space<vmem>>
    %dma_wait3A_2647 = arith.constant 0 : i32
    %dma_wait3A_2648 = tpu.memref_slice %arg4[%mul3A_2, %dma_wait3A_2642, %dma_wait3A_2647] : memref<4096x50x32xf32, #tpu.memory_space<hbm>> -> memref<128x1x32xf32, #tpu.memory_space<hbm>>
    %dma_wait3A_2649 = tpu.memref_squeeze %dma_wait3A_2648 : memref<128x1x32xf32, #tpu.memory_space<hbm>> -> memref<128x32xf32, #tpu.memory_space<hbm>>
    %dma_wait3A_2650 = arith.constant 0 : i32
    %dma_wait3A_2651 = tpu.memref_slice %arg4[%mul3A_2, %dma_wait3A_2642, %dma_wait3A_2650] : memref<4096x50x32xf32, #tpu.memory_space<hbm>> -> memref<128x1x32xf32, #tpu.memory_space<hbm>>
    %dma_wait3A_2652 = tpu.memref_squeeze %dma_wait3A_2651 : memref<128x1x32xf32, #tpu.memory_space<hbm>> -> memref<128x32xf32, #tpu.memory_space<hbm>>
    %dma_wait3A_2653 = arith.constant 0 : i32
    %dma_wait3A_2654 = arith.constant 0 : i32
    %dma_wait3A_2655 = tpu.memref_slice %arg6[%dma_wait3A_2641, %dma_wait3A_2653, %dma_wait3A_2654] : memref<5x128x32xf32, #tpu.memory_space<vmem>> -> memref<1x128x32xf32, #tpu.memory_space<vmem>>
    %dma_wait3A_2656 = tpu.memref_squeeze %dma_wait3A_2655 : memref<1x128x32xf32, #tpu.memory_space<vmem>> -> memref<128x32xf32, #tpu.memory_space<vmem>>
    tpu.wait_dma2 semaphore(%arg10 : memref<!tpu.dma_semaphore, #tpu.memory_space<semaphore_mem>>) src(%dma_wait3A_2656 : memref<128x32xf32, #tpu.memory_space<vmem>>) dst(%dma_wait3A_2652 : memref<128x32xf32, #tpu.memory_space<hbm>>)
    %dma_wait3A_2657 = arith.constant 1 : i32
    %dma_wait3A_2658 = arith.constant 41 : i32
    %dma_wait3A_2659 = arith.constant 0 : i32
    %dma_wait3A_2660 = arith.constant 0 : i32
    %dma_wait3A_2661 = tpu.memref_slice %arg6[%dma_wait3A_2657, %dma_wait3A_2659, %dma_wait3A_2660] : memref<5x128x32xf32, #tpu.memory_space<vmem>> -> memref<1x128x32xf32, #tpu.memory_space<vmem>>
    %dma_wait3A_2662 = tpu.memref_squeeze %dma_wait3A_2661 : memref<1x128x32xf32, #tpu.memory_space<vmem>> -> memref<128x32xf32, #tpu.memory_space<vmem>>
    %dma_wait3A_2663 = arith.constant 0 : i32
    %dma_wait3A_2664 = tpu.memref_slice %arg4[%mul3A_2, %dma_wait3A_2658, %dma_wait3A_2663] : memref<4096x50x32xf32, #tpu.memory_space<hbm>> -> memref<128x1x32xf32, #tpu.memory_space<hbm>>
    %dma_wait3A_2665 = tpu.memref_squeeze %dma_wait3A_2664 : memref<128x1x32xf32, #tpu.memory_space<hbm>> -> memref<128x32xf32, #tpu.memory_space<hbm>>
    %dma_wait3A_2666 = arith.constant 0 : i32
    %dma_wait3A_2667 = tpu.memref_slice %arg4[%mul3A_2, %dma_wait3A_2658, %dma_wait3A_2666] : memref<4096x50x32xf32, #tpu.memory_space<hbm>> -> memref<128x1x32xf32, #tpu.memory_space<hbm>>
    %dma_wait3A_2668 = tpu.memref_squeeze %dma_wait3A_2667 : memref<128x1x32xf32, #tpu.memory_space<hbm>> -> memref<128x32xf32, #tpu.memory_space<hbm>>
    %dma_wait3A_2669 = arith.constant 0 : i32
    %dma_wait3A_2670 = arith.constant 0 : i32
    %dma_wait3A_2671 = tpu.memref_slice %arg6[%dma_wait3A_2657, %dma_wait3A_2669, %dma_wait3A_2670] : memref<5x128x32xf32, #tpu.memory_space<vmem>> -> memref<1x128x32xf32, #tpu.memory_space<vmem>>
    %dma_wait3A_2672 = tpu.memref_squeeze %dma_wait3A_2671 : memref<1x128x32xf32, #tpu.memory_space<vmem>> -> memref<128x32xf32, #tpu.memory_space<vmem>>
    tpu.wait_dma2 semaphore(%arg10 : memref<!tpu.dma_semaphore, #tpu.memory_space<semaphore_mem>>) src(%dma_wait3A_2672 : memref<128x32xf32, #tpu.memory_space<vmem>>) dst(%dma_wait3A_2668 : memref<128x32xf32, #tpu.memory_space<hbm>>)
    %dma_wait3A_2673 = arith.constant 2 : i32
    %dma_wait3A_2674 = arith.constant 42 : i32
    %dma_wait3A_2675 = arith.constant 0 : i32
    %dma_wait3A_2676 = arith.constant 0 : i32
    %dma_wait3A_2677 = tpu.memref_slice %arg6[%dma_wait3A_2673, %dma_wait3A_2675, %dma_wait3A_2676] : memref<5x128x32xf32, #tpu.memory_space<vmem>> -> memref<1x128x32xf32, #tpu.memory_space<vmem>>
    %dma_wait3A_2678 = tpu.memref_squeeze %dma_wait3A_2677 : memref<1x128x32xf32, #tpu.memory_space<vmem>> -> memref<128x32xf32, #tpu.memory_space<vmem>>
    %dma_wait3A_2679 = arith.constant 0 : i32
    %dma_wait3A_2680 = tpu.memref_slice %arg4[%mul3A_2, %dma_wait3A_2674, %dma_wait3A_2679] : memref<4096x50x32xf32, #tpu.memory_space<hbm>> -> memref<128x1x32xf32, #tpu.memory_space<hbm>>
    %dma_wait3A_2681 = tpu.memref_squeeze %dma_wait3A_2680 : memref<128x1x32xf32, #tpu.memory_space<hbm>> -> memref<128x32xf32, #tpu.memory_space<hbm>>
    %dma_wait3A_2682 = arith.constant 0 : i32
    %dma_wait3A_2683 = tpu.memref_slice %arg4[%mul3A_2, %dma_wait3A_2674, %dma_wait3A_2682] : memref<4096x50x32xf32, #tpu.memory_space<hbm>> -> memref<128x1x32xf32, #tpu.memory_space<hbm>>
    %dma_wait3A_2684 = tpu.memref_squeeze %dma_wait3A_2683 : memref<128x1x32xf32, #tpu.memory_space<hbm>> -> memref<128x32xf32, #tpu.memory_space<hbm>>
    %dma_wait3A_2685 = arith.constant 0 : i32
    %dma_wait3A_2686 = arith.constant 0 : i32
    %dma_wait3A_2687 = tpu.memref_slice %arg6[%dma_wait3A_2673, %dma_wait3A_2685, %dma_wait3A_2686] : memref<5x128x32xf32, #tpu.memory_space<vmem>> -> memref<1x128x32xf32, #tpu.memory_space<vmem>>
    %dma_wait3A_2688 = tpu.memref_squeeze %dma_wait3A_2687 : memref<1x128x32xf32, #tpu.memory_space<vmem>> -> memref<128x32xf32, #tpu.memory_space<vmem>>
    tpu.wait_dma2 semaphore(%arg10 : memref<!tpu.dma_semaphore, #tpu.memory_space<semaphore_mem>>) src(%dma_wait3A_2688 : memref<128x32xf32, #tpu.memory_space<vmem>>) dst(%dma_wait3A_2684 : memref<128x32xf32, #tpu.memory_space<hbm>>)
    %dma_wait3A_2689 = arith.constant 3 : i32
    %dma_wait3A_2690 = arith.constant 43 : i32
    %dma_wait3A_2691 = arith.constant 0 : i32
    %dma_wait3A_2692 = arith.constant 0 : i32
    %dma_wait3A_2693 = tpu.memref_slice %arg6[%dma_wait3A_2689, %dma_wait3A_2691, %dma_wait3A_2692] : memref<5x128x32xf32, #tpu.memory_space<vmem>> -> memref<1x128x32xf32, #tpu.memory_space<vmem>>
    %dma_wait3A_2694 = tpu.memref_squeeze %dma_wait3A_2693 : memref<1x128x32xf32, #tpu.memory_space<vmem>> -> memref<128x32xf32, #tpu.memory_space<vmem>>
    %dma_wait3A_2695 = arith.constant 0 : i32
    %dma_wait3A_2696 = tpu.memref_slice %arg4[%mul3A_2, %dma_wait3A_2690, %dma_wait3A_2695] : memref<4096x50x32xf32, #tpu.memory_space<hbm>> -> memref<128x1x32xf32, #tpu.memory_space<hbm>>
    %dma_wait3A_2697 = tpu.memref_squeeze %dma_wait3A_2696 : memref<128x1x32xf32, #tpu.memory_space<hbm>> -> memref<128x32xf32, #tpu.memory_space<hbm>>
    %dma_wait3A_2698 = arith.constant 0 : i32
    %dma_wait3A_2699 = tpu.memref_slice %arg4[%mul3A_2, %dma_wait3A_2690, %dma_wait3A_2698] : memref<4096x50x32xf32, #tpu.memory_space<hbm>> -> memref<128x1x32xf32, #tpu.memory_space<hbm>>
    %dma_wait3A_2700 = tpu.memref_squeeze %dma_wait3A_2699 : memref<128x1x32xf32, #tpu.memory_space<hbm>> -> memref<128x32xf32, #tpu.memory_space<hbm>>
    %dma_wait3A_2701 = arith.constant 0 : i32
    %dma_wait3A_2702 = arith.constant 0 : i32
    %dma_wait3A_2703 = tpu.memref_slice %arg6[%dma_wait3A_2689, %dma_wait3A_2701, %dma_wait3A_2702] : memref<5x128x32xf32, #tpu.memory_space<vmem>> -> memref<1x128x32xf32, #tpu.memory_space<vmem>>
    %dma_wait3A_2704 = tpu.memref_squeeze %dma_wait3A_2703 : memref<1x128x32xf32, #tpu.memory_space<vmem>> -> memref<128x32xf32, #tpu.memory_space<vmem>>
    tpu.wait_dma2 semaphore(%arg10 : memref<!tpu.dma_semaphore, #tpu.memory_space<semaphore_mem>>) src(%dma_wait3A_2704 : memref<128x32xf32, #tpu.memory_space<vmem>>) dst(%dma_wait3A_2700 : memref<128x32xf32, #tpu.memory_space<hbm>>)
    %dma_wait3A_2705 = arith.constant 4 : i32
    %dma_wait3A_2706 = arith.constant 44 : i32
    %dma_wait3A_2707 = arith.constant 0 : i32
    %dma_wait3A_2708 = arith.constant 0 : i32
    %dma_wait3A_2709 = tpu.memref_slice %arg6[%dma_wait3A_2705, %dma_wait3A_2707, %dma_wait3A_2708] : memref<5x128x32xf32, #tpu.memory_space<vmem>> -> memref<1x128x32xf32, #tpu.memory_space<vmem>>
    %dma_wait3A_2710 = tpu.memref_squeeze %dma_wait3A_2709 : memref<1x128x32xf32, #tpu.memory_space<vmem>> -> memref<128x32xf32, #tpu.memory_space<vmem>>
    %dma_wait3A_2711 = arith.constant 0 : i32
    %dma_wait3A_2712 = tpu.memref_slice %arg4[%mul3A_2, %dma_wait3A_2706, %dma_wait3A_2711] : memref<4096x50x32xf32, #tpu.memory_space<hbm>> -> memref<128x1x32xf32, #tpu.memory_space<hbm>>
    %dma_wait3A_2713 = tpu.memref_squeeze %dma_wait3A_2712 : memref<128x1x32xf32, #tpu.memory_space<hbm>> -> memref<128x32xf32, #tpu.memory_space<hbm>>
    %dma_wait3A_2714 = arith.constant 0 : i32
    %dma_wait3A_2715 = tpu.memref_slice %arg4[%mul3A_2, %dma_wait3A_2706, %dma_wait3A_2714] : memref<4096x50x32xf32, #tpu.memory_space<hbm>> -> memref<128x1x32xf32, #tpu.memory_space<hbm>>
    %dma_wait3A_2716 = tpu.memref_squeeze %dma_wait3A_2715 : memref<128x1x32xf32, #tpu.memory_space<hbm>> -> memref<128x32xf32, #tpu.memory_space<hbm>>
    %dma_wait3A_2717 = arith.constant 0 : i32
    %dma_wait3A_2718 = arith.constant 0 : i32
    %dma_wait3A_2719 = tpu.memref_slice %arg6[%dma_wait3A_2705, %dma_wait3A_2717, %dma_wait3A_2718] : memref<5x128x32xf32, #tpu.memory_space<vmem>> -> memref<1x128x32xf32, #tpu.memory_space<vmem>>
    %dma_wait3A_2720 = tpu.memref_squeeze %dma_wait3A_2719 : memref<1x128x32xf32, #tpu.memory_space<vmem>> -> memref<128x32xf32, #tpu.memory_space<vmem>>
    tpu.wait_dma2 semaphore(%arg10 : memref<!tpu.dma_semaphore, #tpu.memory_space<semaphore_mem>>) src(%dma_wait3A_2720 : memref<128x32xf32, #tpu.memory_space<vmem>>) dst(%dma_wait3A_2716 : memref<128x32xf32, #tpu.memory_space<hbm>>)
    %dma_wait3A_2721 = arith.constant 0 : i32
    %dma_wait3A_2722 = arith.constant 45 : i32
    %dma_wait3A_2723 = arith.constant 0 : i32
    %dma_wait3A_2724 = arith.constant 0 : i32
    %dma_wait3A_2725 = tpu.memref_slice %arg7[%dma_wait3A_2721, %dma_wait3A_2723, %dma_wait3A_2724] : memref<5x128x32xf32, #tpu.memory_space<vmem>> -> memref<1x128x32xf32, #tpu.memory_space<vmem>>
    %dma_wait3A_2726 = tpu.memref_squeeze %dma_wait3A_2725 : memref<1x128x32xf32, #tpu.memory_space<vmem>> -> memref<128x32xf32, #tpu.memory_space<vmem>>
    %dma_wait3A_2727 = arith.constant 0 : i32
    %dma_wait3A_2728 = tpu.memref_slice %arg4[%mul3A_2, %dma_wait3A_2722, %dma_wait3A_2727] : memref<4096x50x32xf32, #tpu.memory_space<hbm>> -> memref<128x1x32xf32, #tpu.memory_space<hbm>>
    %dma_wait3A_2729 = tpu.memref_squeeze %dma_wait3A_2728 : memref<128x1x32xf32, #tpu.memory_space<hbm>> -> memref<128x32xf32, #tpu.memory_space<hbm>>
    %dma_wait3A_2730 = arith.constant 0 : i32
    %dma_wait3A_2731 = tpu.memref_slice %arg4[%mul3A_2, %dma_wait3A_2722, %dma_wait3A_2730] : memref<4096x50x32xf32, #tpu.memory_space<hbm>> -> memref<128x1x32xf32, #tpu.memory_space<hbm>>
    %dma_wait3A_2732 = tpu.memref_squeeze %dma_wait3A_2731 : memref<128x1x32xf32, #tpu.memory_space<hbm>> -> memref<128x32xf32, #tpu.memory_space<hbm>>
    %dma_wait3A_2733 = arith.constant 0 : i32
    %dma_wait3A_2734 = arith.constant 0 : i32
    %dma_wait3A_2735 = tpu.memref_slice %arg7[%dma_wait3A_2721, %dma_wait3A_2733, %dma_wait3A_2734] : memref<5x128x32xf32, #tpu.memory_space<vmem>> -> memref<1x128x32xf32, #tpu.memory_space<vmem>>
    %dma_wait3A_2736 = tpu.memref_squeeze %dma_wait3A_2735 : memref<1x128x32xf32, #tpu.memory_space<vmem>> -> memref<128x32xf32, #tpu.memory_space<vmem>>
    tpu.wait_dma2 semaphore(%arg11 : memref<!tpu.dma_semaphore, #tpu.memory_space<semaphore_mem>>) src(%dma_wait3A_2736 : memref<128x32xf32, #tpu.memory_space<vmem>>) dst(%dma_wait3A_2732 : memref<128x32xf32, #tpu.memory_space<hbm>>)
    %dma_wait3A_2737 = arith.constant 1 : i32
    %dma_wait3A_2738 = arith.constant 46 : i32
    %dma_wait3A_2739 = arith.constant 0 : i32
    %dma_wait3A_2740 = arith.constant 0 : i32
    %dma_wait3A_2741 = tpu.memref_slice %arg7[%dma_wait3A_2737, %dma_wait3A_2739, %dma_wait3A_2740] : memref<5x128x32xf32, #tpu.memory_space<vmem>> -> memref<1x128x32xf32, #tpu.memory_space<vmem>>
    %dma_wait3A_2742 = tpu.memref_squeeze %dma_wait3A_2741 : memref<1x128x32xf32, #tpu.memory_space<vmem>> -> memref<128x32xf32, #tpu.memory_space<vmem>>
    %dma_wait3A_2743 = arith.constant 0 : i32
    %dma_wait3A_2744 = tpu.memref_slice %arg4[%mul3A_2, %dma_wait3A_2738, %dma_wait3A_2743] : memref<4096x50x32xf32, #tpu.memory_space<hbm>> -> memref<128x1x32xf32, #tpu.memory_space<hbm>>
    %dma_wait3A_2745 = tpu.memref_squeeze %dma_wait3A_2744 : memref<128x1x32xf32, #tpu.memory_space<hbm>> -> memref<128x32xf32, #tpu.memory_space<hbm>>
    %dma_wait3A_2746 = arith.constant 0 : i32
    %dma_wait3A_2747 = tpu.memref_slice %arg4[%mul3A_2, %dma_wait3A_2738, %dma_wait3A_2746] : memref<4096x50x32xf32, #tpu.memory_space<hbm>> -> memref<128x1x32xf32, #tpu.memory_space<hbm>>
    %dma_wait3A_2748 = tpu.memref_squeeze %dma_wait3A_2747 : memref<128x1x32xf32, #tpu.memory_space<hbm>> -> memref<128x32xf32, #tpu.memory_space<hbm>>
    %dma_wait3A_2749 = arith.constant 0 : i32
    %dma_wait3A_2750 = arith.constant 0 : i32
    %dma_wait3A_2751 = tpu.memref_slice %arg7[%dma_wait3A_2737, %dma_wait3A_2749, %dma_wait3A_2750] : memref<5x128x32xf32, #tpu.memory_space<vmem>> -> memref<1x128x32xf32, #tpu.memory_space<vmem>>
    %dma_wait3A_2752 = tpu.memref_squeeze %dma_wait3A_2751 : memref<1x128x32xf32, #tpu.memory_space<vmem>> -> memref<128x32xf32, #tpu.memory_space<vmem>>
    tpu.wait_dma2 semaphore(%arg11 : memref<!tpu.dma_semaphore, #tpu.memory_space<semaphore_mem>>) src(%dma_wait3A_2752 : memref<128x32xf32, #tpu.memory_space<vmem>>) dst(%dma_wait3A_2748 : memref<128x32xf32, #tpu.memory_space<hbm>>)
    %dma_wait3A_2753 = arith.constant 2 : i32
    %dma_wait3A_2754 = arith.constant 47 : i32
    %dma_wait3A_2755 = arith.constant 0 : i32
    %dma_wait3A_2756 = arith.constant 0 : i32
    %dma_wait3A_2757 = tpu.memref_slice %arg7[%dma_wait3A_2753, %dma_wait3A_2755, %dma_wait3A_2756] : memref<5x128x32xf32, #tpu.memory_space<vmem>> -> memref<1x128x32xf32, #tpu.memory_space<vmem>>
    %dma_wait3A_2758 = tpu.memref_squeeze %dma_wait3A_2757 : memref<1x128x32xf32, #tpu.memory_space<vmem>> -> memref<128x32xf32, #tpu.memory_space<vmem>>
    %dma_wait3A_2759 = arith.constant 0 : i32
    %dma_wait3A_2760 = tpu.memref_slice %arg4[%mul3A_2, %dma_wait3A_2754, %dma_wait3A_2759] : memref<4096x50x32xf32, #tpu.memory_space<hbm>> -> memref<128x1x32xf32, #tpu.memory_space<hbm>>
    %dma_wait3A_2761 = tpu.memref_squeeze %dma_wait3A_2760 : memref<128x1x32xf32, #tpu.memory_space<hbm>> -> memref<128x32xf32, #tpu.memory_space<hbm>>
    %dma_wait3A_2762 = arith.constant 0 : i32
    %dma_wait3A_2763 = tpu.memref_slice %arg4[%mul3A_2, %dma_wait3A_2754, %dma_wait3A_2762] : memref<4096x50x32xf32, #tpu.memory_space<hbm>> -> memref<128x1x32xf32, #tpu.memory_space<hbm>>
    %dma_wait3A_2764 = tpu.memref_squeeze %dma_wait3A_2763 : memref<128x1x32xf32, #tpu.memory_space<hbm>> -> memref<128x32xf32, #tpu.memory_space<hbm>>
    %dma_wait3A_2765 = arith.constant 0 : i32
    %dma_wait3A_2766 = arith.constant 0 : i32
    %dma_wait3A_2767 = tpu.memref_slice %arg7[%dma_wait3A_2753, %dma_wait3A_2765, %dma_wait3A_2766] : memref<5x128x32xf32, #tpu.memory_space<vmem>> -> memref<1x128x32xf32, #tpu.memory_space<vmem>>
    %dma_wait3A_2768 = tpu.memref_squeeze %dma_wait3A_2767 : memref<1x128x32xf32, #tpu.memory_space<vmem>> -> memref<128x32xf32, #tpu.memory_space<vmem>>
    tpu.wait_dma2 semaphore(%arg11 : memref<!tpu.dma_semaphore, #tpu.memory_space<semaphore_mem>>) src(%dma_wait3A_2768 : memref<128x32xf32, #tpu.memory_space<vmem>>) dst(%dma_wait3A_2764 : memref<128x32xf32, #tpu.memory_space<hbm>>)
    %dma_wait3A_2769 = arith.constant 3 : i32
    %dma_wait3A_2770 = arith.constant 48 : i32
    %dma_wait3A_2771 = arith.constant 0 : i32
    %dma_wait3A_2772 = arith.constant 0 : i32
    %dma_wait3A_2773 = tpu.memref_slice %arg7[%dma_wait3A_2769, %dma_wait3A_2771, %dma_wait3A_2772] : memref<5x128x32xf32, #tpu.memory_space<vmem>> -> memref<1x128x32xf32, #tpu.memory_space<vmem>>
    %dma_wait3A_2774 = tpu.memref_squeeze %dma_wait3A_2773 : memref<1x128x32xf32, #tpu.memory_space<vmem>> -> memref<128x32xf32, #tpu.memory_space<vmem>>
    %dma_wait3A_2775 = arith.constant 0 : i32
    %dma_wait3A_2776 = tpu.memref_slice %arg4[%mul3A_2, %dma_wait3A_2770, %dma_wait3A_2775] : memref<4096x50x32xf32, #tpu.memory_space<hbm>> -> memref<128x1x32xf32, #tpu.memory_space<hbm>>
    %dma_wait3A_2777 = tpu.memref_squeeze %dma_wait3A_2776 : memref<128x1x32xf32, #tpu.memory_space<hbm>> -> memref<128x32xf32, #tpu.memory_space<hbm>>
    %dma_wait3A_2778 = arith.constant 0 : i32
    %dma_wait3A_2779 = tpu.memref_slice %arg4[%mul3A_2, %dma_wait3A_2770, %dma_wait3A_2778] : memref<4096x50x32xf32, #tpu.memory_space<hbm>> -> memref<128x1x32xf32, #tpu.memory_space<hbm>>
    %dma_wait3A_2780 = tpu.memref_squeeze %dma_wait3A_2779 : memref<128x1x32xf32, #tpu.memory_space<hbm>> -> memref<128x32xf32, #tpu.memory_space<hbm>>
    %dma_wait3A_2781 = arith.constant 0 : i32
    %dma_wait3A_2782 = arith.constant 0 : i32
    %dma_wait3A_2783 = tpu.memref_slice %arg7[%dma_wait3A_2769, %dma_wait3A_2781, %dma_wait3A_2782] : memref<5x128x32xf32, #tpu.memory_space<vmem>> -> memref<1x128x32xf32, #tpu.memory_space<vmem>>
    %dma_wait3A_2784 = tpu.memref_squeeze %dma_wait3A_2783 : memref<1x128x32xf32, #tpu.memory_space<vmem>> -> memref<128x32xf32, #tpu.memory_space<vmem>>
    tpu.wait_dma2 semaphore(%arg11 : memref<!tpu.dma_semaphore, #tpu.memory_space<semaphore_mem>>) src(%dma_wait3A_2784 : memref<128x32xf32, #tpu.memory_space<vmem>>) dst(%dma_wait3A_2780 : memref<128x32xf32, #tpu.memory_space<hbm>>)
    %dma_wait3A_2785 = arith.constant 4 : i32
    %dma_wait3A_2786 = arith.constant 49 : i32
    %dma_wait3A_2787 = arith.constant 0 : i32
    %dma_wait3A_2788 = arith.constant 0 : i32
    %dma_wait3A_2789 = tpu.memref_slice %arg7[%dma_wait3A_2785, %dma_wait3A_2787, %dma_wait3A_2788] : memref<5x128x32xf32, #tpu.memory_space<vmem>> -> memref<1x128x32xf32, #tpu.memory_space<vmem>>
    %dma_wait3A_2790 = tpu.memref_squeeze %dma_wait3A_2789 : memref<1x128x32xf32, #tpu.memory_space<vmem>> -> memref<128x32xf32, #tpu.memory_space<vmem>>
    %dma_wait3A_2791 = arith.constant 0 : i32
    %dma_wait3A_2792 = tpu.memref_slice %arg4[%mul3A_2, %dma_wait3A_2786, %dma_wait3A_2791] : memref<4096x50x32xf32, #tpu.memory_space<hbm>> -> memref<128x1x32xf32, #tpu.memory_space<hbm>>
    %dma_wait3A_2793 = tpu.memref_squeeze %dma_wait3A_2792 : memref<128x1x32xf32, #tpu.memory_space<hbm>> -> memref<128x32xf32, #tpu.memory_space<hbm>>
    %dma_wait3A_2794 = arith.constant 0 : i32
    %dma_wait3A_2795 = tpu.memref_slice %arg4[%mul3A_2, %dma_wait3A_2786, %dma_wait3A_2794] : memref<4096x50x32xf32, #tpu.memory_space<hbm>> -> memref<128x1x32xf32, #tpu.memory_space<hbm>>
    %dma_wait3A_2796 = tpu.memref_squeeze %dma_wait3A_2795 : memref<128x1x32xf32, #tpu.memory_space<hbm>> -> memref<128x32xf32, #tpu.memory_space<hbm>>
    %dma_wait3A_2797 = arith.constant 0 : i32
    %dma_wait3A_2798 = arith.constant 0 : i32
    %dma_wait3A_2799 = tpu.memref_slice %arg7[%dma_wait3A_2785, %dma_wait3A_2797, %dma_wait3A_2798] : memref<5x128x32xf32, #tpu.memory_space<vmem>> -> memref<1x128x32xf32, #tpu.memory_space<vmem>>
    %dma_wait3A_2800 = tpu.memref_squeeze %dma_wait3A_2799 : memref<1x128x32xf32, #tpu.memory_space<vmem>> -> memref<128x32xf32, #tpu.memory_space<vmem>>
    tpu.wait_dma2 semaphore(%arg11 : memref<!tpu.dma_semaphore, #tpu.memory_space<semaphore_mem>>) src(%dma_wait3A_2800 : memref<128x32xf32, #tpu.memory_space<vmem>>) dst(%dma_wait3A_2796 : memref<128x32xf32, #tpu.memory_space<hbm>>)
    return
  }
}

module attributes {stable_mosaic.version = 14 : i64} {
  func.func @_relayout_kernel(%arg0: i32, %arg1: memref<32x8192xf32, #tpu.memory_space<vmem>>, %arg2: memref<2048x128xf32, #tpu.memory_space<vmem>>) attributes {dimension_semantics = [#tpu.dimension_semantics<arbitrary>], iteration_bounds = array<i64: 123>, scalar_prefetch = 0 : i64, scratch_operands = 0 : i64, tpu.core_type = #tpu.core_type<tc>, window_params = [{transform_indices = @transform_0, window_bounds = array<i64: 32, 8192>}, {transform_indices = @transform_1, window_bounds = array<i64: 2048, 128>}]} {
    %get3A = arith.constant 0 : index
    %get3A_0 = arith.constant 0 : index
    %get3A_1 = vector.load %arg1[%get3A, %get3A_0] : memref<32x8192xf32, #tpu.memory_space<vmem>>, vector<32x2048xf32>
    %transpose3A = tpu.transpose %get3A_1, [1, 0] : vector<32x2048xf32> -> vector<2048x32xf32>
    %swap3A = arith.constant 0 : index
    %swap3A_2 = arith.constant 0 : index
    %swap3A_3 = vector.load %arg2[%swap3A, %swap3A_2] : memref<2048x128xf32, #tpu.memory_space<vmem>>, vector<2048x32xf32>
    tpu.vector_store %arg2[%swap3A, %swap3A_2], %transpose3A {strides = array<i32>} : memref<2048x128xf32, #tpu.memory_space<vmem>>, vector<2048x32xf32>,
    %get3A_4 = arith.constant 0 : index
    %get3A_5 = arith.constant 2048 : index
    %get3A_6 = vector.load %arg1[%get3A_4, %get3A_5] : memref<32x8192xf32, #tpu.memory_space<vmem>>, vector<32x2048xf32>
    %transpose3A_7 = tpu.transpose %get3A_6, [1, 0] : vector<32x2048xf32> -> vector<2048x32xf32>
    %swap3A_8 = arith.constant 0 : index
    %swap3A_9 = arith.constant 32 : index
    %swap3A_10 = vector.load %arg2[%swap3A_8, %swap3A_9] : memref<2048x128xf32, #tpu.memory_space<vmem>>, vector<2048x32xf32>
    tpu.vector_store %arg2[%swap3A_8, %swap3A_9], %transpose3A_7 {strides = array<i32>} : memref<2048x128xf32, #tpu.memory_space<vmem>>, vector<2048x32xf32>,
    %get3A_11 = arith.constant 0 : index
    %get3A_12 = arith.constant 4096 : index
    %get3A_13 = vector.load %arg1[%get3A_11, %get3A_12] : memref<32x8192xf32, #tpu.memory_space<vmem>>, vector<32x2048xf32>
    %transpose3A_14 = tpu.transpose %get3A_13, [1, 0] : vector<32x2048xf32> -> vector<2048x32xf32>
    %swap3A_15 = arith.constant 0 : index
    %swap3A_16 = arith.constant 64 : index
    %swap3A_17 = vector.load %arg2[%swap3A_15, %swap3A_16] : memref<2048x128xf32, #tpu.memory_space<vmem>>, vector<2048x32xf32>
    tpu.vector_store %arg2[%swap3A_15, %swap3A_16], %transpose3A_14 {strides = array<i32>} : memref<2048x128xf32, #tpu.memory_space<vmem>>, vector<2048x32xf32>,
    %get3A_18 = arith.constant 0 : index
    %get3A_19 = arith.constant 6144 : index
    %get3A_20 = vector.load %arg1[%get3A_18, %get3A_19] : memref<32x8192xf32, #tpu.memory_space<vmem>>, vector<32x2048xf32>
    %transpose3A_21 = tpu.transpose %get3A_20, [1, 0] : vector<32x2048xf32> -> vector<2048x32xf32>
    %swap3A_22 = arith.constant 0 : index
    %swap3A_23 = arith.constant 96 : index
    %swap3A_24 = vector.load %arg2[%swap3A_22, %swap3A_23] : memref<2048x128xf32, #tpu.memory_space<vmem>>, vector<2048x32xf32>
    tpu.vector_store %arg2[%swap3A_22, %swap3A_23], %transpose3A_21 {strides = array<i32>} : memref<2048x128xf32, #tpu.memory_space<vmem>>, vector<2048x32xf32>,
    return
  }
  func.func @transform_0(%arg0: i32) -> (i32, i32) {
    %c0_i32 = arith.constant 0 : i32
    %c0_i32_0 = arith.constant 0 : i32
    return %c0_i32, %arg0 : i32, i32
  }
  func.func @transform_1(%arg0: i32) -> (i32, i32) {
    %c0_i32 = arith.constant 0 : i32
    %c0_i32_0 = arith.constant 0 : i32
    return %arg0, %c0_i32 : i32, i32
  }
}

</mosaic_0001>

<sc_bundles>
// kernel: kernel.4.cloned.1.call-start
scs
__scs_entry_jumppad:
0x0: {  	(pc) =	sbr.rel $0x88, $3  }
0x1: {  	(tag) =	ssettag $0x0;
	lr =	simm.s32 $0x1  }
0x2: {  	[smem:$0x3F9F] =	sst lr;
	_ =	strace $0xD0000000  }
0x3: {  	_ = 	snop  }
0x4: {  	_ = 	snop  }
0x5: {  	_ = 	snop  }
0x6: {  	_ = 	snop  }
0x7: {  	_ = 	snop  }
__scs_overlays_trampoline_lowered:
0x8: {  	[smem:$0x3FAE] =	sst s0  }
0x9: {  	[smem:$0x3FAF] =	sst s1  }
0xa: {  	[smem:$0x3FB0] =	sst s2  }
0xb: {  	[smem:$0x3FB1] =	sst s3  }
0xc: {  	[smem:$0x3FB2] =	sst s4  }
0xd: {  	[smem:$0x3FB3] =	sst s5  }
0xe: {  	[smem:$0x3FB4] =	sst s6  }
0xf: {  	[smem:$0x3FB5] =	sst s7  }
0x10: {  	[smem:$0x3FB6] =	sst s8  }
0x11: {  	[smem:$0x3FB7] =	sst s9;
	s0 =	simm.s32 @!p0 $0x0  }
0x12: {  	s1 =	sld [smem:$0x3F9D];
	s0 =	simm.s32 @p0 $0x1  }
0x13: {  	[smem:$0x3FB8] =	sst s0;
	s0 =	simm.s32 @!p1 $0x0  }
0x14: {  	s2 =	sld [smem:$0x3F9C];
	s0 =	simm.s32 @p1 $0x1  }
0x15: {  	[smem:$0x3FB9] =	sst s0;
	s0 =	simm.s32 @!p2 $0x0  }
0x16: {  	s3 =	sld [smem:$0x3FDB];
	s0 =	simm.s32 @p2 $0x1  }
0x17: {  	s4 =	simm.s32 $0x1BF5;
	[smem:$0x3FBB] =	sst s0  }
0x18: {  	s0 =	sld [smem:$0x3F9E];
	_ =	swait.ge [sflag:s4], $0x0  }
0x19: {  	s7 =	sld [smem:$0x3F9F]  }
0x1a: {  	s8 =	sadd.s32 $0xFFFFE003, lr  }
0x1b: {  	s9 =	sadd.s32 $0xFFFFFEF7, lr;
	s5 =	simm.s32 $0xFFFFFFFF;
	p2 =	slt.u32 s8, $0xFFFFF086  }
0x1c: {  	p1 =	slt.u32 s9, $0xF7A;
	s5 =	simm.s32 @!p2 $0x0  }
0x1d: {  	s5 =	simm.s32 @p1 $0x1;
	p0 =	seq.s32 s7, s2  }
0x1e: {  	s7 =	smul.u32 @!p0 $0xF7A, s2;
	p2 =	seq.s32 @!p0 s5, $0x0  }
0x1f: {  	s9 =	smul.u32 $0xF7A, s1;
	s8 =	simm.s32 @!p0 $0x1BF5;
	p2 =	por !p2, p0  }
0x20: {  	[sflag:s8] =	ssyncset.s32 @!p0 $0xFFFFF086;
	s6 =	sadd.s32 @!p0 s3, s7;
	s7 =	simm.s32 @!p0 $0x108  }
0x21: {  	s3 =	sadd.s32 s3, s9;
	s6 =	sadd.s32 @!p0 $0x88, s6;
	s7 =	simm.s32 @p2 $0x1082  }
0x22: {  	[simem:s7], [sflag:s8] =	dma.local @!p0 [hbm:s6], $0xF7A  }
0x23: {  	s9 =	sor.u32 $0xD0000000, s2;
	s6 =	simm.s32 $0x108;
	_ =	swait.ge @!p0 [sflag:s8], $0x0  }
0x24: {  	s3 =	sadd.s32 $0x88, s3;
	s6 =	simm.s32 @!p1 $0x1082;
	[sflag:s4] =	ssyncset.s32 $0xFFFFF086  }
0x25: {  	[simem:s6], [sflag:s4] =	dma.local [hbm:s3], $0xF7A  }
0x26: {  	[smem:$0x3F9F] =	sst s1;
	(tag) =	ssettag s2;
	_ =	strace s9  }
0x27: {  	s1 =	sld [smem:$0x3FAF]  }
0x28: {  	s2 =	sld [smem:$0x3FB0]  }
0x29: {  	s4 =	sld [smem:$0x3FB2]  }
0x2a: {  	p0 =	seq.s32 s5, $0x0;
	s5 =	sld [smem:$0x3FB3]  }
0x2b: {  	s6 =	sld [smem:$0x3FB4]  }
0x2c: {  	s7 =	sld [smem:$0x3FB5]  }
0x2d: {  	s3 =	simm.s32 $0x108;
	s8 =	sld [smem:$0x3FB6]  }
0x2e: {  	s3 =	simm.s32 @!p0 $0x1082;
	s9 =	sld [smem:$0x3FB7]  }
0x2f: {  	lr =	sadd.s32 s0, s3;
	s0 =	sld [smem:$0x3FAE]  }
0x30: {  	s3 =	sld [smem:$0x3FB1]  }
0x31: {  	[smem:$0x3FBA] =	sst s10  }
0x32: {  	s10 =	sld [smem:$0x3FB8];
	_ =	sdelay $0x3  }
0x33: {  	p0 =	seq.s32 s10, $0x1;
	s10 =	sld [smem:$0x3FBA];
	_ =	sdelay $0x3  }
0x34: {  	[smem:$0x3FBA] =	sst s10  }
0x35: {  	s10 =	sld [smem:$0x3FB9];
	_ =	sdelay $0x3  }
0x36: {  	p1 =	seq.s32 s10, $0x1;
	s10 =	sld [smem:$0x3FBA];
	_ =	sdelay $0x3  }
0x37: {  	[smem:$0x3FBA] =	sst s10  }
0x38: {  	s10 =	sld [smem:$0x3FBB]  }
0x39: {  	_ = 	snop;
	(pc) =	sbr.ind lr, $3  }
0x3a: {  	_ = 	snop  }
0x3b: {  	_ = 	snop  }
0x3c: {  	p2 =	seq.s32 s10, $0x1;
	s10 =	sld [smem:$0x3FBA]  }
0x3d: {  	_ =	shalt  }
0x3e: {  	_ =	shalt  }
0x3f: {  	_ =	shalt  }
0x40: {  	_ =	shalt  }
0x41: {  	_ =	shalt  }
0x42: {  	_ =	shalt  }
0x43: {  	_ =	shalt  }
0x44: {  	_ =	shalt  }
0x45: {  	_ =	shalt  }
0x46: {  	_ =	shalt  }
0x47: {  	_ =	shalt  }
0x48: {  	_ =	shalt  }
0x49: {  	_ =	shalt  }
0x4a: {  	_ =	shalt  }
0x4b: {  	_ =	shalt  }
0x4c: {  	_ =	shalt  }
0x4d: {  	_ =	shalt  }
0x4e: {  	_ =	shalt  }
0x4f: {  	_ =	shalt  }
0x50: {  	_ =	shalt  }
0x51: {  	_ =	shalt  }
0x52: {  	_ =	shalt  }
0x53: {  	_ =	shalt  }
0x54: {  	_ =	shalt  }
0x55: {  	_ =	shalt  }
0x56: {  	_ =	shalt  }
0x57: {  	_ =	shalt  }
0x58: {  	_ =	shalt  }
0x59: {  	_ =	shalt  }
0x5a: {  	_ =	shalt  }
0x5b: {  	_ =	shalt  }
0x5c: {  	_ =	shalt  }
0x5d: {  	_ =	shalt  }
0x5e: {  	_ =	shalt  }
0x5f: {  	_ =	shalt  }
0x60: {  	_ =	shalt  }
0x61: {  	_ =	shalt  }
0x62: {  	_ =	shalt  }
0x63: {  	_ =	shalt  }
0x64: {  	_ =	shalt  }
0x65: {  	_ =	shalt  }
0x66: {  	_ =	shalt  }
0x67: {  	_ =	shalt  }
0x68: {  	_ =	shalt  }
0x69: {  	_ =	shalt  }
0x6a: {  	_ =	shalt  }
0x6b: {  	_ =	shalt  }
0x6c: {  	_ =	shalt  }
0x6d: {  	_ =	shalt  }
0x6e: {  	_ =	shalt  }
0x6f: {  	_ =	shalt  }
0x70: {  	_ =	shalt  }
0x71: {  	_ =	shalt  }
0x72: {  	_ =	shalt  }
0x73: {  	_ =	shalt  }
0x74: {  	_ =	shalt  }
0x75: {  	_ =	shalt  }
0x76: {  	_ =	shalt  }
0x77: {  	_ =	shalt  }
0x78: {  	_ =	shalt  }
0x79: {  	_ =	shalt  }
0x7a: {  	_ =	shalt  }
0x7b: {  	_ =	shalt  }
0x7c: {  	_ =	shalt  }
0x7d: {  	_ =	shalt  }
0x7e: {  	_ =	shalt  }
0x7f: {  	_ =	shalt  }
0x80: {  	_ =	shalt  }
0x81: {  	_ =	shalt  }
0x82: {  	_ =	shalt  }
0x83: {  	_ =	shalt  }
0x84: {  	_ =	shalt  }
0x85: {  	_ =	shalt  }
0x86: {  	_ =	shalt  }
0x87: {  	_ =	shalt  }
.Lfunc_end0:
.L_simem_size_0:
called_computation_lowered:
.L_overlay_start_0:
0x88: {  	s2 =	sld [smem:$0x3FD9]  }
0x89: {  	s3 =	sld [smem:$0x3FFE];
	_ =	sdelay $0x1  }
0x8a: {  	s1 =	srdreg.scid  }
0x8b: {  	s0 =	sand.u32 $0x1, s1  }
0x8c: {  	s17 =	sshll.u32 s0, $0xA;
	s2 =	sadd.s32 s3, s2  }
0x8d: {  	s2 =	sadd.s32 s2, s17  }
0x8e: {  	[smem:$0x3FC6] =	sst s2  }
0x8f: {  	_ = 	snop  }
0x90: {  	s2 =	sld [smem:$0x3FD0];
	(tm) =	ssettm $0x1  }
0x91: {  	s18 =	sld [smem:$0x3FFB];
	_ =	sdelay $0x3  }
0x92: {  	_ =	strace s18  }
0x93: {  	s3 =	sld [smem:$0x3FFC];
	_ =	sdelay $0x3  }
0x94: {  	_ =	strace s3  }
0x95: {  	s3 =	sld [smem:$0x3FFD];
	_ =	sdelay $0x3  }
0x96: {  	_ =	strace s3  }
0x97: {  	_ =	strace $0x8FFFFFFF  }
0x98: {  	s19 =	sld [smem:$0x3FDB];
	_ =	sdelay $0x1  }
0x99: {  	s4 =	simm.s32 $_scs_section_size  }
0x9a: {  	s5 =	simm.s32 $_size__tile_overlayer_lowered;
	s6 =	simm.s32 $_tile_overlayer_lowered  }
0x9b: {  	s22 =	simm.s32 $0x1BFF;
	s21 =	sshll.u32 s6, $0x1;
	s3 =	sadd.s32 s4, s19  }
0x9c: {  	s7 =	simm.s32 $0x0;
	s20 =	sshll.u32 s5, $0x1;
	s5 =	sadd.s32 s21, s3  }
0x9d: {  	[timem:s7], [sflag:s22] =	dma.local [hbm:s5], s20  }
0x9e: {  	_ =	swait.ge [sflag:s22], s20  }
0x9f: {  	s4 =	ssub.s32 $0x0, s20;
	[sflag:s22] =	ssyncset.done $0x0  }
0xa0: {  	[sflag:s22] =	ssyncadd.s32 s4;
	_ =	sdelay $0x1  }
0xa1: {  	s23 =	simm.s32 $0x1B8B  }
0xa2: {  	_ =	swait.ge [sflag:s23], $0x1  }
0xa3: {  	[sflag:s23] =	ssyncset.done $0x0  }
0xa4: {  	s25 =	simm.s32 $0x1B8E;
	s24 =	sld [smem:$0x3FFE];
	[sflag:s23] =	ssyncadd.s32 $0xFFFFFFFF  }
0xa5: {  	s26 =	simm.s32 $execute0_lowered;
	[smem:$0x3FD2] =	sst s25  }
0xa6: {  	s5 =	sshll.u32 s26, $0x1;
	_ =	strace $0x80000046;
	[dreg:$0x1] =	wrdreg $0xFFFFFFFF  }
0xa7: {  	s28 =	simm.s32 $_size_execute0_lowered;
	s3 =	sadd.s32 s3, s5;
	[dreg:$0x0] =	wrdreg $0x0  }
0xa8: {  	s5 =	sshll.u32 s28, $0x1;
	[dreg:$0x2] =	wrdreg s3  }
0xa9: {  	[dreg:$0x3] =	wrdreg s5  }
0xaa: {  	[dreg:$0x4] =	wrdreg $0xC0  }
0xab: {  	_ =	task [dreg:s7], $0x5FFFF  }
0xac: {  	[dreg:$0x1] =	wrdreg $0xFFFFFFFF  }
0xad: {  	[dreg:$0x0] =	wrdreg $0x60  }
0xae: {  	[dreg:$0x2] =	wrdreg s24  }
0xaf: {  	[dreg:$0x3] =	wrdreg s2  }
0xb0: {  	[dreg:$0x4] =	wrdreg $0x9  }
0xb1: {  	_ =	task.clear_ibuf [dreg:s7], $0x5FFFF;
	_ =	strace $0x90000046  }
0xb2: {  	s29 =	simm.s32 $0x9;
	_ =	strace $0x80000048  }
0xb3: {  	_ =	swait.ge [sflag:s29], $0x1  }
0xb4: {  	[sflag:s29] =	ssyncadd.s32 $0xFFFFFFFF  }
0xb5: {  	_ =	strace $0x90000048  }
0xb6: {  	_ =	sfence  }
0xb7: {  	s30 =	sld [smem:$0x0];
	_ =	sdelay $0x2  }
0xb8: {  	s31 =	sshll.u32 s1, $0xD;
	s1 =	sshrl.u32 s1, $0x2  }
0xb9: {  	s3 =	sand.u32 $0x4000, s31;
	s1 =	sadd.s32 s1, s30  }
0xba: {  	s0 =	sor.u32 s3, s0;
	s1 =	sshll.u32 s1, $0x11  }
0xbb: {  	s0 =	sor.u32 s1, s0  }
0xbc: {  	s0 =	sadd.s32 $0x8F2B, s0  }
0xbd: {  	[sflag:s0] =	ssyncadd.remote.s32 $0x1  }
0xbe: {  	_ =	sfence.sel $0xFFFF  }
0xbf: {  	[dreg:$0x0] =	wrdreg $0xFFFFFFFF;
	(pc) =	sbr.abs _section_cstart, $3  }
0xc0: {  	[dreg:$0x1] =	wrdreg $0xFFFFFFFF  }
0xc1: {  	_ =	task.clear_ibuf [dreg:s7], $0x2FFFF;
	_ =	strace $0x9FFFFFFF  }
0xc2: {  	(tm) =	ssettm $0x7FFFFFFF  }
0xc3: {  	_ =	shalt  }
tec
execute0_lowered:
.L_overlay_start_1:
0x0: {  	(tag) =	ssettag $0x1  }
0x1: {  	s0 =	srdreg.scid  }
0x2: {  	s20 =	stileid.u32;
	s1 =	sand.u32 $0x1, s0  }
0x3: {  	s3 =	sshll.u32 s20, $0x8;
	s4 =	sshll.u32 s1, $0x7  }
0x4: {  	s3 =	sor.u32 s4, s3  }
0x5: {  	s2 =	rddreg [dreg:$0x0];
	s4 =	sshrl.u32 s3, $0x3;
	s3 =	smul.u32 $0xC8, s3  }
0x6: {  	s19 =	rddreg [dreg:$0x1];
	s30 =	simm.s32 $0x0;
	s4 =	sadd.s32 s4, s2  }
0x7: {  	[smem:$0x7FF] =	sst s30;
	s4 =	sadd.s32 $0x400, s4;
	s29 =	sadd.s32 s19, s3  }
0x8: {  	_ =	strace $0x80000047;
	[dreg:$0x3] =	wrdreg s4;
	s0 =	sadd.s32 $0x4, s29  }
0x9: {  	s21 =	sadd.s32 $0x8, s29;
	[dreg:$0x4] =	wrdreg s0  }
0xa: {  	s22 =	sadd.s32 $0xC, s29;
	[dreg:$0x5] =	wrdreg s21  }
0xb: {  	s23 =	sadd.s32 $0x10, s29;
	[dreg:$0x6] =	wrdreg s22  }
0xc: {  	s24 =	sadd.s32 $0x14, s29;
	[dreg:$0x7] =	wrdreg s23  }
0xd: {  	s25 =	sadd.s32 $0x18, s29;
	[dreg:$0x8] =	wrdreg s24  }
0xe: {  	s26 =	sadd.s32 $0x1C, s29;
	[dreg:$0x9] =	wrdreg s25  }
0xf: {  	s3 =	sadd.s32 $0x20, s29;
	[dreg:$0xa] =	wrdreg s26  }
0x10: {  	s4 =	sadd.s32 $0x24, s29;
	[dreg:$0xb] =	wrdreg s3  }
0x11: {  	s5 =	sadd.s32 $0x28, s29;
	[dreg:$0xc] =	wrdreg s4  }
0x12: {  	s6 =	sadd.s32 $0x2C, s29;
	[dreg:$0xd] =	wrdreg s5  }
0x13: {  	s7 =	sadd.s32 $0x30, s29;
	[dreg:$0xe] =	wrdreg s6  }
0x14: {  	s8 =	sadd.s32 $0x34, s29;
	[dreg:$0xf] =	wrdreg s7  }
0x15: {  	s9 =	sadd.s32 $0x38, s29;
	[dreg:$0x10] =	wrdreg s8  }
0x16: {  	s10 =	sadd.s32 $0x3C, s29;
	[dreg:$0x11] =	wrdreg s9  }
0x17: {  	s11 =	sadd.s32 $0x40, s29;
	[dreg:$0x12] =	wrdreg s10  }
0x18: {  	s12 =	sadd.s32 $0x44, s29;
	[dreg:$0x13] =	wrdreg s11  }
0x19: {  	s13 =	sadd.s32 $0x48, s29;
	[dreg:$0x14] =	wrdreg s12  }
0x1a: {  	s14 =	sadd.s32 $0x4C, s29;
	[dreg:$0x15] =	wrdreg s13  }
0x1b: {  	s15 =	sadd.s32 $0x50, s29;
	[dreg:$0x16] =	wrdreg s14  }
0x1c: {  	s16 =	sadd.s32 $0x54, s29;
	[dreg:$0x17] =	wrdreg s15  }
0x1d: {  	s17 =	sadd.s32 $0x58, s29;
	[dreg:$0x18] =	wrdreg s16  }
0x1e: {  	s18 =	sadd.s32 $0x5C, s29;
	[dreg:$0x19] =	wrdreg s17  }
0x1f: {  	s19 =	sadd.s32 $0x60, s29;
	[dreg:$0x1a] =	wrdreg s18  }
0x20: {  	[dreg:$0x1b] =	wrdreg s19  }
0x21: {  	s21 =	sadd.s32 $0x64, s29;
	s0 =	rddreg [dreg:$0x3]  }
0x22: {  	s22 =	sadd.s32 $0x68, s29;
	[dreg:$0x1c] =	wrdreg s21  }
0x23: {  	s23 =	sadd.s32 $0x6C, s29;
	[dreg:$0x1d] =	wrdreg s22  }
0x24: {  	s24 =	sadd.s32 $0x70, s29;
	[dreg:$0x1e] =	wrdreg s23  }
0x25: {  	s25 =	sadd.s32 $0x74, s29;
	[dreg:$0x1f] =	wrdreg s24  }
0x26: {  	s26 =	sadd.s32 $0x78, s29;
	[smem:$0x7C1] =	sst s25  }
0x27: {  	s3 =	sadd.s32 $0x7C, s29;
	[smem:$0x7C2] =	sst s26  }
0x28: {  	s4 =	sadd.s32 $0x80, s29;
	[smem:$0x7C3] =	sst s3  }
0x29: {  	s5 =	sadd.s32 $0x84, s29;
	[smem:$0x7C4] =	sst s4  }
0x2a: {  	s6 =	sadd.s32 $0x88, s29;
	[smem:$0x7C5] =	sst s5  }
0x2b: {  	s7 =	sadd.s32 $0x8C, s29;
	[smem:$0x7C6] =	sst s6  }
0x2c: {  	s8 =	sadd.s32 $0x90, s29;
	[smem:$0x7C7] =	sst s7  }
0x2d: {  	s9 =	sadd.s32 $0x94, s29;
	[smem:$0x7C8] =	sst s8  }
0x2e: {  	s10 =	sadd.s32 $0x98, s29;
	[smem:$0x7C9] =	sst s9  }
0x2f: {  	s11 =	sadd.s32 $0x9C, s29;
	[smem:$0x7CA] =	sst s10  }
0x30: {  	s12 =	sadd.s32 $0xA0, s29;
	[smem:$0x7CB] =	sst s11  }
0x31: {  	s13 =	sadd.s32 $0xA4, s29;
	[smem:$0x7CC] =	sst s12  }
0x32: {  	s14 =	sadd.s32 $0xA8, s29;
	[smem:$0x7CD] =	sst s13  }
0x33: {  	s15 =	sadd.s32 $0xAC, s29;
	[smem:$0x7CE] =	sst s14  }
0x34: {  	s16 =	sadd.s32 $0xB0, s29;
	[smem:$0x7CF] =	sst s15  }
0x35: {  	s17 =	sadd.s32 $0xB4, s29;
	[smem:$0x7D0] =	sst s16  }
0x36: {  	s18 =	sadd.s32 $0xB8, s29;
	[smem:$0x7D1] =	sst s17  }
0x37: {  	s19 =	sadd.s32 $0xBC, s29;
	[smem:$0x7D2] =	sst s18  }
0x38: {  	[smem:$0x7D3] =	sst s19;
	s21 =	sadd.s32 $0xC0, s29  }
0x39: {  	s22 =	sadd.s32 $0xC4, s29;
	[smem:$0x7D4] =	sst s21  }
0x3a: {  	s23 =	simm.s32 $0x100;
	[smem:$0x7D5] =	sst s22  }
0x3b: {  	s24 =	simm.s32 $0x180;
	[smem:$0x7D6] =	sst s23  }
0x3c: {  	s25 =	simm.s32 $0x200;
	[smem:$0x7D7] =	sst s24  }
0x3d: {  	s26 =	simm.s32 $0x280;
	[smem:$0x7D8] =	sst s25  }
0x3e: {  	s3 =	simm.s32 $0x300;
	[smem:$0x7D9] =	sst s26  }
0x3f: {  	s4 =	simm.s32 $0x380;
	[smem:$0x7DA] =	sst s3  }
0x40: {  	s5 =	simm.s32 $0x400;
	[smem:$0x7DB] =	sst s4  }
0x41: {  	s6 =	simm.s32 $0x480;
	[smem:$0x7DC] =	sst s5  }
0x42: {  	s7 =	simm.s32 $0x500;
	[smem:$0x7DD] =	sst s6  }
0x43: {  	s8 =	simm.s32 $0x580;
	[smem:$0x7DE] =	sst s7  }
0x44: {  	s9 =	simm.s32 $0x600;
	[smem:$0x7DF] =	sst s8  }
0x45: {  	s10 =	simm.s32 $0x680;
	[smem:$0x7E0] =	sst s9  }
0x46: {  	s11 =	simm.s32 $0x700;
	[smem:$0x7E1] =	sst s10  }
0x47: {  	s12 =	simm.s32 $0x780;
	[smem:$0x7E2] =	sst s11  }
0x48: {  	s28 =	simm.s32 $0x1000;
	s13 =	simm.s32 $0x800;
	[smem:$0x7E3] =	sst s12  }
0x49: {  	s31 =	simm.s32 $0x5;
	s14 =	simm.s32 $0x880;
	[smem:$0x7E4] =	sst s13  }
0x4a: {  	p0 =	por $0x0, $0x0;
	s15 =	simm.s32 $0x900;
	[smem:$0x7E5] =	sst s14  }
0x4b: {  	s1 =	ssub.s32 $0x2, s1;
	s16 =	simm.s32 $0x980;
	[smem:$0x7E6] =	sst s15  }
0x4c: {  	s2 =	sadd.s32 $0x6800, s2;
	s18 =	simm.s32 $0xA00;
	[smem:$0x7E7] =	sst s16  }
0x4d: {  	s17 =	sshrl.u32 s1, $0x1;
	s19 =	simm.s32 $0xA80;
	[smem:$0x7E8] =	sst s18  }
0x4e: {  	s1 =	ssub.s32 s1, s17;
	[smem:$0x7E9] =	sst s19;
	s21 =	simm.s32 $0xB00  }
0x4f: {  	s4 =	simm.s32 $0x80;
	s22 =	simm.s32 $0xB80;
	[smem:$0x7EA] =	sst s21  }
0x50: {  	s23 =	simm.s32 $0xC00;
	s24 =	simm.s32 $0xC80;
	[smem:$0x7EB] =	sst s22  }
0x51: {  	s19 =	simm.s32 $0x1900;
	s25 =	simm.s32 $0xD00;
	[smem:$0x7EC] =	sst s23  }
0x52: {  	s18 =	simm.s32 $0x2900;
	s26 =	simm.s32 $0xD80;
	[smem:$0x7ED] =	sst s24  }
0x53: {  	s16 =	simm.s32 $0x3900;
	s3 =	simm.s32 $0xE00;
	[smem:$0x7EE] =	sst s25  }
0x54: {  	s15 =	simm.s32 $0x4900;
	s5 =	simm.s32 $0xE80;
	[smem:$0x7EF] =	sst s26  }
0x55: {  	s14 =	simm.s32 $0x5900;
	s6 =	simm.s32 $0xF00;
	[smem:$0x7F0] =	sst s3  }
0x56: {  	s17 =	simm.s32 $0x1;
	s7 =	simm.s32 $0xF80;
	[smem:$0x7F1] =	sst s5  }
0x57: {  	s8 =	simm.s32 $0x1080;
	s9 =	simm.s32 $0x1100;
	[smem:$0x7F2] =	sst s6  }
0x58: {  	s13 =	simm.s32 $0x6900;
	s10 =	simm.s32 $0x1180;
	[smem:$0x7F3] =	sst s7  }
0x59: {  	s12 =	simm.s32 $0x7900;
	s11 =	simm.s32 $0x1200;
	[smem:$0x7F4] =	sst s8  }
0x5a: {  	s1 =	smax.u32 s1, $0x1;
	s5 =	simm.s32 $0x20;
	[smem:$0x7F5] =	sst s9  }
0x5b: {  	s6 =	simm.s32 $0x640;
	[smem:$0x7F6] =	sst s10;
	s10 =	simm.s32 $0x8900  }
0x5c: {  	[smem:$0x7F7] =	sst s11;
	s21 =	simm.s32 $0x1280;
	s9 =	simm.s32 $0x9900  }
0x5d: {  	s22 =	simm.s32 $0x1300;
	s8 =	simm.s32 $0xA900;
	[smem:$0x7F8] =	sst s21  }
0x5e: {  	s23 =	simm.s32 $0x1380;
	s11 =	simm.s32 $0x2;
	[smem:$0x7F9] =	sst s22  }
0x5f: {  	s24 =	simm.s32 $0x1400;
	[smem:$0x7FA] =	sst s23;
	p1 =	sne.s32 s1, $0x1  }
.Ltmp0:
0x60: {  	s25 =	simm.s32 $0x1480;
	[smem:$0x7FB] =	sst s24;
	(pc) =	sbr.rel @!p1 .LBB2_1-.Ltmp0, $4  }
0x61: {  	s7 =	simm.s32 $0x3;
	s26 =	simm.s32 $0x1500;
	[smem:$0x7FC] =	sst s25  }
0x62: {  	s3 =	simm.s32 $0x4;
	[smem:$0x7FD] =	sst s26;
	s1 =	sadd.s32 $0xFFFFFFFF, s1  }
0x63: {  	s26 =	simm.s32 $0x1600;
	s21 =	simm.s32 $0x1680;
	s22 =	simm.s32 $0x1700  }
0x64: {  	s23 =	simm.s32 $0x1780;
	s24 =	simm.s32 $0x1800;
	s25 =	simm.s32 $0x1880  }
0x65: {  	[tilespmem:s30], [sflag:$0x5] =	stream.strided.gather [hbm4b:s0+s4], $0x1900, s28, s4, $0x38;
	[tilespmem:$0xB900] =	vst v63  }
0x66: {  	_ =	swait.ge [sflag:s31], $0x1900  }
0x67: {  	[sflag:s31] =	ssyncset.done $0x0  }
0x68: {  	[sflag:s31] =	ssyncadd.s32 $0xFFFFE700  }
0x69: {  	[tilespmem:s19], [sflag:$0x1] =	stream.indirect.gather [hbm4b:s2+s4], $0x20, s30, s4, $0xb8;
	[tilespmem:$0xB900] =	vst v63  }
0x6a: {  	s0 =	sld [smem:$0x7D6]  }
0x6b: {  	[tilespmem:s18], [sflag:$0x1] =	stream.indirect.gather [hbm4b:s2+s4], $0x20, s4, s4, $0xb8;
	[tilespmem:$0xB900] =	vst v63  }
0x6c: {  	s20 =	smov.u32 s1;
	s1 =	sld [smem:$0x7D7]  }
0x6d: {  	[tilespmem:s16], [sflag:$0x1] =	stream.indirect.gather [hbm4b:s2+s4], $0x20, s0, s4, $0xb8;
	[tilespmem:$0xB900] =	vst v63  }
0x6e: {  	s0 =	sld [smem:$0x7D8]  }
0x6f: {  	[tilespmem:s15], [sflag:$0x1] =	stream.indirect.gather [hbm4b:s2+s4], $0x20, s1, s4, $0xb8;
	[tilespmem:$0xB900] =	vst v63  }
0x70: {  	_ = 	snop  }
0x71: {  	[tilespmem:s14], [sflag:$0x1] =	stream.indirect.gather [hbm4b:s2+s4], $0x20, s0, s4, $0xb8;
	[tilespmem:$0xB900] =	vst v63  }
0x72: {  	_ =	swait.ge [sflag:s17], $0x1000  }
0x73: {  	[sflag:s17] =	ssyncset.done $0x0  }
0x74: {  	[sflag:s17] =	ssyncadd.s32 $0xFFFFF000  }
0x75: {  	[hbm4b:s29+s5] =	stream.strided.scatter [tilespmem:s19], [sflag:$0x3], $0x1000, s6, s5, $0x38;
	[tilespmem:$0xB900] =	vst v63  }
0x76: {  	_ =	swait.ge [sflag:s17], $0x1000  }
0x77: {  	[sflag:s17] =	ssyncset.done $0x0  }
0x78: {  	s1 =	rddreg [dreg:$0x4];
	[sflag:s17] =	ssyncadd.s32 $0xFFFFF000  }
0x79: {  	[hbm4b:s1+s5] =	stream.strided.scatter [tilespmem:s18], [sflag:$0x3], $0x1000, s6, s5, $0x38;
	[tilespmem:$0xB900] =	vst v63  }
0x7a: {  	_ =	swait.ge [sflag:s17], $0x1000  }
0x7b: {  	[sflag:s17] =	ssyncset.done $0x0  }
0x7c: {  	s1 =	rddreg [dreg:$0x5];
	[sflag:s17] =	ssyncadd.s32 $0xFFFFF000  }
0x7d: {  	[hbm4b:s1+s5] =	stream.strided.scatter [tilespmem:s16], [sflag:$0x3], $0x1000, s6, s5, $0x38;
	[tilespmem:$0xB900] =	vst v63  }
0x7e: {  	_ =	swait.ge [sflag:s17], $0x1000  }
0x7f: {  	[sflag:s17] =	ssyncset.done $0x0  }
0x80: {  	s1 =	rddreg [dreg:$0x6];
	[sflag:s17] =	ssyncadd.s32 $0xFFFFF000  }
0x81: {  	[hbm4b:s1+s5] =	stream.strided.scatter [tilespmem:s15], [sflag:$0x3], $0x1000, s6, s5, $0x38;
	[tilespmem:$0xB900] =	vst v63  }
0x82: {  	_ =	swait.ge [sflag:s17], $0x1000  }
0x83: {  	s0 =	rddreg [dreg:$0x7];
	[sflag:s17] =	ssyncset.done $0x0  }
0x84: {  	s1 =	sld [smem:$0x7D9];
	[sflag:s17] =	ssyncadd.s32 $0xFFFFF000  }
0x85: {  	[hbm4b:s0+s5] =	stream.strided.scatter [tilespmem:s14], [sflag:$0x3], $0x1000, s6, s5, $0x38;
	[tilespmem:$0xB900] =	vst v63  }
0x86: {  	s0 =	sld [smem:$0x7DA]  }
0x87: {  	[tilespmem:s13], [sflag:$0x2] =	stream.indirect.gather [hbm4b:s2+s4], $0x20, s1, s4, $0xb8;
	[tilespmem:$0xB900] =	vst v63  }
0x88: {  	s1 =	sld [smem:$0x7DB]  }
0x89: {  	[tilespmem:s12], [sflag:$0x2] =	stream.indirect.gather [hbm4b:s2+s4], $0x20, s0, s4, $0xb8;
	[tilespmem:$0xB900] =	vst v63  }
0x8a: {  	s0 =	sld [smem:$0x7DC]  }
0x8b: {  	[tilespmem:s10], [sflag:$0x2] =	stream.indirect.gather [hbm4b:s2+s4], $0x20, s1, s4, $0xb8;
	[tilespmem:$0xB900] =	vst v63  }
0x8c: {  	s1 =	sld [smem:$0x7DD]  }
0x8d: {  	[tilespmem:s9], [sflag:$0x2] =	stream.indirect.gather [hbm4b:s2+s4], $0x20, s0, s4, $0xb8;
	[tilespmem:$0xB900] =	vst v63  }
0x8e: {  	_ = 	snop  }
0x8f: {  	[tilespmem:s8], [sflag:$0x2] =	stream.indirect.gather [hbm4b:s2+s4], $0x20, s1, s4, $0xb8;
	[tilespmem:$0xB900] =	vst v63  }
0x90: {  	_ =	swait.ge [sflag:s11], $0x1000  }
0x91: {  	[sflag:s11] =	ssyncset.done $0x0  }
0x92: {  	s1 =	rddreg [dreg:$0x8];
	[sflag:s11] =	ssyncadd.s32 $0xFFFFF000  }
0x93: {  	[hbm4b:s1+s5] =	stream.strided.scatter [tilespmem:s13], [sflag:$0x4], $0x1000, s6, s5, $0x38;
	[tilespmem:$0xB900] =	vst v63  }
0x94: {  	_ =	swait.ge [sflag:s11], $0x1000  }
0x95: {  	[sflag:s11] =	ssyncset.done $0x0  }
0x96: {  	s1 =	rddreg [dreg:$0x9];
	[sflag:s11] =	ssyncadd.s32 $0xFFFFF000  }
0x97: {  	[hbm4b:s1+s5] =	stream.strided.scatter [tilespmem:s12], [sflag:$0x4], $0x1000, s6, s5, $0x38;
	[tilespmem:$0xB900] =	vst v63  }
0x98: {  	_ =	swait.ge [sflag:s11], $0x1000  }
0x99: {  	[sflag:s11] =	ssyncset.done $0x0  }
0x9a: {  	s1 =	rddreg [dreg:$0xa];
	[sflag:s11] =	ssyncadd.s32 $0xFFFFF000  }
0x9b: {  	[hbm4b:s1+s5] =	stream.strided.scatter [tilespmem:s10], [sflag:$0x4], $0x1000, s6, s5, $0x38;
	[tilespmem:$0xB900] =	vst v63  }
0x9c: {  	_ =	swait.ge [sflag:s11], $0x1000  }
0x9d: {  	[sflag:s11] =	ssyncset.done $0x0  }
0x9e: {  	s1 =	rddreg [dreg:$0xb];
	[sflag:s11] =	ssyncadd.s32 $0xFFFFF000  }
0x9f: {  	[hbm4b:s1+s5] =	stream.strided.scatter [tilespmem:s9], [sflag:$0x4], $0x1000, s6, s5, $0x38;
	[tilespmem:$0xB900] =	vst v63  }
0xa0: {  	_ =	swait.ge [sflag:s11], $0x1000  }
0xa1: {  	[sflag:s11] =	ssyncset.done $0x0  }
0xa2: {  	s1 =	rddreg [dreg:$0xc];
	[sflag:s11] =	ssyncadd.s32 $0xFFFFF000  }
0xa3: {  	[hbm4b:s1+s5] =	stream.strided.scatter [tilespmem:s8], [sflag:$0x4], $0x1000, s6, s5, $0x38;
	[tilespmem:$0xB900] =	vst v63  }
0xa4: {  	_ =	swait.ge [sflag:s7], $0x1000  }
0xa5: {  	[sflag:s7] =	ssyncset.done $0x0  }
0xa6: {  	[sflag:s7] =	ssyncadd.s32 $0xFFFFF000  }
0xa7: {  	_ =	swait.ge [sflag:s7], $0x1000  }
0xa8: {  	[sflag:s7] =	ssyncset.done $0x0  }
0xa9: {  	[sflag:s7] =	ssyncadd.s32 $0xFFFFF000  }
0xaa: {  	_ =	swait.ge [sflag:s7], $0x1000  }
0xab: {  	[sflag:s7] =	ssyncset.done $0x0  }
0xac: {  	[sflag:s7] =	ssyncadd.s32 $0xFFFFF000  }
0xad: {  	_ =	swait.ge [sflag:s7], $0x1000  }
0xae: {  	[sflag:s7] =	ssyncset.done $0x0  }
0xaf: {  	[sflag:s7] =	ssyncadd.s32 $0xFFFFF000  }
0xb0: {  	_ =	swait.ge [sflag:s7], $0x1000  }
0xb1: {  	s0 =	sld [smem:$0x7DE]  }
0xb2: {  	[sflag:s7] =	ssyncset.done $0x0  }
0xb3: {  	s1 =	sld [smem:$0x7DF];
	[sflag:s7] =	ssyncadd.s32 $0xFFFFF000  }
0xb4: {  	[tilespmem:s19], [sflag:$0x1] =	stream.indirect.gather [hbm4b:s2+s4], $0x20, s0, s4, $0xb8;
	[tilespmem:$0xB900] =	vst v63  }
0xb5: {  	s0 =	sld [smem:$0x7E0]  }
0xb6: {  	[tilespmem:s18], [sflag:$0x1] =	stream.indirect.gather [hbm4b:s2+s4], $0x20, s1, s4, $0xb8;
	[tilespmem:$0xB900] =	vst v63  }
0xb7: {  	s1 =	sld [smem:$0x7E1]  }
0xb8: {  	[tilespmem:s16], [sflag:$0x1] =	stream.indirect.gather [hbm4b:s2+s4], $0x20, s0, s4, $0xb8;
	[tilespmem:$0xB900] =	vst v63  }
0xb9: {  	s0 =	sld [smem:$0x7E2]  }
0xba: {  	[tilespmem:s15], [sflag:$0x1] =	stream.indirect.gather [hbm4b:s2+s4], $0x20, s1, s4, $0xb8;
	[tilespmem:$0xB900] =	vst v63  }
0xbb: {  	_ = 	snop  }
0xbc: {  	[tilespmem:s14], [sflag:$0x1] =	stream.indirect.gather [hbm4b:s2+s4], $0x20, s0, s4, $0xb8;
	[tilespmem:$0xB900] =	vst v63  }
0xbd: {  	_ =	swait.ge [sflag:s17], $0x1000  }
0xbe: {  	[sflag:s17] =	ssyncset.done $0x0  }
0xbf: {  	s1 =	rddreg [dreg:$0xd];
	[sflag:s17] =	ssyncadd.s32 $0xFFFFF000  }
0xc0: {  	[hbm4b:s1+s5] =	stream.strided.scatter [tilespmem:s19], [sflag:$0x3], $0x1000, s6, s5, $0x38;
	[tilespmem:$0xB900] =	vst v63  }
0xc1: {  	_ =	swait.ge [sflag:s17], $0x1000  }
0xc2: {  	[sflag:s17] =	ssyncset.done $0x0  }
0xc3: {  	s1 =	rddreg [dreg:$0xe];
	[sflag:s17] =	ssyncadd.s32 $0xFFFFF000  }
0xc4: {  	[hbm4b:s1+s5] =	stream.strided.scatter [tilespmem:s18], [sflag:$0x3], $0x1000, s6, s5, $0x38;
	[tilespmem:$0xB900] =	vst v63  }
0xc5: {  	_ =	swait.ge [sflag:s17], $0x1000  }
0xc6: {  	[sflag:s17] =	ssyncset.done $0x0  }
0xc7: {  	s1 =	rddreg [dreg:$0xf];
	[sflag:s17] =	ssyncadd.s32 $0xFFFFF000  }
0xc8: {  	[hbm4b:s1+s5] =	stream.strided.scatter [tilespmem:s16], [sflag:$0x3], $0x1000, s6, s5, $0x38;
	[tilespmem:$0xB900] =	vst v63  }
0xc9: {  	_ =	swait.ge [sflag:s17], $0x1000  }
0xca: {  	[sflag:s17] =	ssyncset.done $0x0  }
0xcb: {  	s1 =	rddreg [dreg:$0x10];
	[sflag:s17] =	ssyncadd.s32 $0xFFFFF000  }
0xcc: {  	[hbm4b:s1+s5] =	stream.strided.scatter [tilespmem:s15], [sflag:$0x3], $0x1000, s6, s5, $0x38;
	[tilespmem:$0xB900] =	vst v63  }
0xcd: {  	_ =	swait.ge [sflag:s17], $0x1000  }
0xce: {  	[sflag:s17] =	ssyncset.done $0x0  }
0xcf: {  	s1 =	rddreg [dreg:$0x11];
	[sflag:s17] =	ssyncadd.s32 $0xFFFFF000  }
0xd0: {  	[hbm4b:s1+s5] =	stream.strided.scatter [tilespmem:s14], [sflag:$0x3], $0x1000, s6, s5, $0x38;
	[tilespmem:$0xB900] =	vst v63  }
0xd1: {  	_ =	swait.ge [sflag:s3], $0x1000  }
0xd2: {  	[sflag:s3] =	ssyncset.done $0x0  }
0xd3: {  	[sflag:s3] =	ssyncadd.s32 $0xFFFFF000  }
0xd4: {  	_ =	swait.ge [sflag:s3], $0x1000  }
0xd5: {  	[sflag:s3] =	ssyncset.done $0x0  }
0xd6: {  	[sflag:s3] =	ssyncadd.s32 $0xFFFFF000  }
0xd7: {  	_ =	swait.ge [sflag:s3], $0x1000  }
0xd8: {  	[sflag:s3] =	ssyncset.done $0x0  }
0xd9: {  	[sflag:s3] =	ssyncadd.s32 $0xFFFFF000  }
0xda: {  	_ =	swait.ge [sflag:s3], $0x1000  }
0xdb: {  	[sflag:s3] =	ssyncset.done $0x0  }
0xdc: {  	[sflag:s3] =	ssyncadd.s32 $0xFFFFF000  }
0xdd: {  	_ =	swait.ge [sflag:s3], $0x1000  }
0xde: {  	s0 =	sld [smem:$0x7E3]  }
0xdf: {  	[sflag:s3] =	ssyncset.done $0x0  }
0xe0: {  	s1 =	sld [smem:$0x7E4];
	[sflag:s3] =	ssyncadd.s32 $0xFFFFF000  }
0xe1: {  	[tilespmem:s13], [sflag:$0x2] =	stream.indirect.gather [hbm4b:s2+s4], $0x20, s0, s4, $0xb8;
	[tilespmem:$0xB900] =	vst v63  }
0xe2: {  	s0 =	sld [smem:$0x7E5]  }
0xe3: {  	[tilespmem:s12], [sflag:$0x2] =	stream.indirect.gather [hbm4b:s2+s4], $0x20, s1, s4, $0xb8;
	[tilespmem:$0xB900] =	vst v63  }
0xe4: {  	s1 =	sld [smem:$0x7E6]  }
0xe5: {  	[tilespmem:s10], [sflag:$0x2] =	stream.indirect.gather [hbm4b:s2+s4], $0x20, s0, s4, $0xb8;
	[tilespmem:$0xB900] =	vst v63  }
0xe6: {  	s0 =	sld [smem:$0x7E7]  }
0xe7: {  	[tilespmem:s9], [sflag:$0x2] =	stream.indirect.gather [hbm4b:s2+s4], $0x20, s1, s4, $0xb8;
	[tilespmem:$0xB900] =	vst v63  }
0xe8: {  	_ = 	snop  }
0xe9: {  	[tilespmem:s8], [sflag:$0x2] =	stream.indirect.gather [hbm4b:s2+s4], $0x20, s0, s4, $0xb8;
	[tilespmem:$0xB900] =	vst v63  }
0xea: {  	_ =	swait.ge [sflag:s11], $0x1000  }
0xeb: {  	[sflag:s11] =	ssyncset.done $0x0  }
0xec: {  	s1 =	rddreg [dreg:$0x12];
	[sflag:s11] =	ssyncadd.s32 $0xFFFFF000  }
0xed: {  	[hbm4b:s1+s5] =	stream.strided.scatter [tilespmem:s13], [sflag:$0x4], $0x1000, s6, s5, $0x38;
	[tilespmem:$0xB900] =	vst v63  }
0xee: {  	_ =	swait.ge [sflag:s11], $0x1000  }
0xef: {  	[sflag:s11] =	ssyncset.done $0x0  }
0xf0: {  	s1 =	rddreg [dreg:$0x13];
	[sflag:s11] =	ssyncadd.s32 $0xFFFFF000  }
0xf1: {  	[hbm4b:s1+s5] =	stream.strided.scatter [tilespmem:s12], [sflag:$0x4], $0x1000, s6, s5, $0x38;
	[tilespmem:$0xB900] =	vst v63  }
0xf2: {  	_ =	swait.ge [sflag:s11], $0x1000  }
0xf3: {  	[sflag:s11] =	ssyncset.done $0x0  }
0xf4: {  	s1 =	rddreg [dreg:$0x14];
	[sflag:s11] =	ssyncadd.s32 $0xFFFFF000  }
0xf5: {  	[hbm4b:s1+s5] =	stream.strided.scatter [tilespmem:s10], [sflag:$0x4], $0x1000, s6, s5, $0x38;
	[tilespmem:$0xB900] =	vst v63  }
0xf6: {  	_ =	swait.ge [sflag:s11], $0x1000  }
0xf7: {  	[sflag:s11] =	ssyncset.done $0x0  }
0xf8: {  	s1 =	rddreg [dreg:$0x15];
	[sflag:s11] =	ssyncadd.s32 $0xFFFFF000  }
0xf9: {  	[hbm4b:s1+s5] =	stream.strided.scatter [tilespmem:s9], [sflag:$0x4], $0x1000, s6, s5, $0x38;
	[tilespmem:$0xB900] =	vst v63  }
0xfa: {  	_ =	swait.ge [sflag:s11], $0x1000  }
0xfb: {  	[sflag:s11] =	ssyncset.done $0x0  }
0xfc: {  	s1 =	rddreg [dreg:$0x16];
	[sflag:s11] =	ssyncadd.s32 $0xFFFFF000  }
0xfd: {  	[hbm4b:s1+s5] =	stream.strided.scatter [tilespmem:s8], [sflag:$0x4], $0x1000, s6, s5, $0x38;
	[tilespmem:$0xB900] =	vst v63  }
0xfe: {  	_ =	swait.ge [sflag:s7], $0x1000  }
0xff: {  	[sflag:s7] =	ssyncset.done $0x0  }
0x100: {  	[sflag:s7] =	ssyncadd.s32 $0xFFFFF000  }
0x101: {  	_ =	swait.ge [sflag:s7], $0x1000  }
0x102: {  	[sflag:s7] =	ssyncset.done $0x0  }
0x103: {  	[sflag:s7] =	ssyncadd.s32 $0xFFFFF000  }
0x104: {  	_ =	swait.ge [sflag:s7], $0x1000  }
0x105: {  	[sflag:s7] =	ssyncset.done $0x0  }
0x106: {  	[sflag:s7] =	ssyncadd.s32 $0xFFFFF000  }
0x107: {  	_ =	swait.ge [sflag:s7], $0x1000  }
0x108: {  	[sflag:s7] =	ssyncset.done $0x0  }
0x109: {  	[sflag:s7] =	ssyncadd.s32 $0xFFFFF000  }
0x10a: {  	_ =	swait.ge [sflag:s7], $0x1000  }
0x10b: {  	s0 =	sld [smem:$0x7E8]  }
0x10c: {  	[sflag:s7] =	ssyncset.done $0x0  }
0x10d: {  	s1 =	sld [smem:$0x7E9];
	[sflag:s7] =	ssyncadd.s32 $0xFFFFF000  }
0x10e: {  	[tilespmem:s19], [sflag:$0x1] =	stream.indirect.gather [hbm4b:s2+s4], $0x20, s0, s4, $0xb8;
	[tilespmem:$0xB900] =	vst v63  }
0x10f: {  	s0 =	sld [smem:$0x7EA]  }
0x110: {  	[tilespmem:s18], [sflag:$0x1] =	stream.indirect.gather [hbm4b:s2+s4], $0x20, s1, s4, $0xb8;
	[tilespmem:$0xB900] =	vst v63  }
0x111: {  	s1 =	sld [smem:$0x7EB]  }
0x112: {  	[tilespmem:s16], [sflag:$0x1] =	stream.indirect.gather [hbm4b:s2+s4], $0x20, s0, s4, $0xb8;
	[tilespmem:$0xB900] =	vst v63  }
0x113: {  	s0 =	sld [smem:$0x7EC]  }
0x114: {  	[tilespmem:s15], [sflag:$0x1] =	stream.indirect.gather [hbm4b:s2+s4], $0x20, s1, s4, $0xb8;
	[tilespmem:$0xB900] =	vst v63  }
0x115: {  	_ = 	snop  }
0x116: {  	[tilespmem:s14], [sflag:$0x1] =	stream.indirect.gather [hbm4b:s2+s4], $0x20, s0, s4, $0xb8;
	[tilespmem:$0xB900] =	vst v63  }
0x117: {  	_ =	swait.ge [sflag:s17], $0x1000  }
0x118: {  	[sflag:s17] =	ssyncset.done $0x0  }
0x119: {  	s1 =	rddreg [dreg:$0x17];
	[sflag:s17] =	ssyncadd.s32 $0xFFFFF000  }
0x11a: {  	[hbm4b:s1+s5] =	stream.strided.scatter [tilespmem:s19], [sflag:$0x3], $0x1000, s6, s5, $0x38;
	[tilespmem:$0xB900] =	vst v63  }
0x11b: {  	_ =	swait.ge [sflag:s17], $0x1000  }
0x11c: {  	[sflag:s17] =	ssyncset.done $0x0  }
0x11d: {  	s1 =	rddreg [dreg:$0x18];
	[sflag:s17] =	ssyncadd.s32 $0xFFFFF000  }
0x11e: {  	[hbm4b:s1+s5] =	stream.strided.scatter [tilespmem:s18], [sflag:$0x3], $0x1000, s6, s5, $0x38;
	[tilespmem:$0xB900] =	vst v63  }
0x11f: {  	_ =	swait.ge [sflag:s17], $0x1000  }
0x120: {  	[sflag:s17] =	ssyncset.done $0x0  }
0x121: {  	s1 =	rddreg [dreg:$0x19];
	[sflag:s17] =	ssyncadd.s32 $0xFFFFF000  }
0x122: {  	[hbm4b:s1+s5] =	stream.strided.scatter [tilespmem:s16], [sflag:$0x3], $0x1000, s6, s5, $0x38;
	[tilespmem:$0xB900] =	vst v63  }
0x123: {  	_ =	swait.ge [sflag:s17], $0x1000  }
0x124: {  	[sflag:s17] =	ssyncset.done $0x0  }
0x125: {  	s1 =	rddreg [dreg:$0x1a];
	[sflag:s17] =	ssyncadd.s32 $0xFFFFF000  }
0x126: {  	[hbm4b:s1+s5] =	stream.strided.scatter [tilespmem:s15], [sflag:$0x3], $0x1000, s6, s5, $0x38;
	[tilespmem:$0xB900] =	vst v63  }
0x127: {  	_ =	swait.ge [sflag:s17], $0x1000  }
0x128: {  	[sflag:s17] =	ssyncset.done $0x0  }
0x129: {  	s1 =	rddreg [dreg:$0x1b];
	[sflag:s17] =	ssyncadd.s32 $0xFFFFF000  }
0x12a: {  	[hbm4b:s1+s5] =	stream.strided.scatter [tilespmem:s14], [sflag:$0x3], $0x1000, s6, s5, $0x38;
	[tilespmem:$0xB900] =	vst v63  }
0x12b: {  	_ =	swait.ge [sflag:s3], $0x1000  }
0x12c: {  	[sflag:s3] =	ssyncset.done $0x0  }
0x12d: {  	[sflag:s3] =	ssyncadd.s32 $0xFFFFF000  }
0x12e: {  	_ =	swait.ge [sflag:s3], $0x1000  }
0x12f: {  	[sflag:s3] =	ssyncset.done $0x0  }
0x130: {  	[sflag:s3] =	ssyncadd.s32 $0xFFFFF000  }
0x131: {  	_ =	swait.ge [sflag:s3], $0x1000  }
0x132: {  	[sflag:s3] =	ssyncset.done $0x0  }
0x133: {  	[sflag:s3] =	ssyncadd.s32 $0xFFFFF000  }
0x134: {  	_ =	swait.ge [sflag:s3], $0x1000  }
0x135: {  	[sflag:s3] =	ssyncset.done $0x0  }
0x136: {  	[sflag:s3] =	ssyncadd.s32 $0xFFFFF000  }
0x137: {  	_ =	swait.ge [sflag:s3], $0x1000  }
0x138: {  	s0 =	sld [smem:$0x7ED]  }
0x139: {  	[sflag:s3] =	ssyncset.done $0x0  }
0x13a: {  	s1 =	sld [smem:$0x7EE];
	[sflag:s3] =	ssyncadd.s32 $0xFFFFF000  }
0x13b: {  	[tilespmem:s13], [sflag:$0x2] =	stream.indirect.gather [hbm4b:s2+s4], $0x20, s0, s4, $0xb8;
	[tilespmem:$0xB900] =	vst v63  }
0x13c: {  	s0 =	sld [smem:$0x7EF]  }
0x13d: {  	[tilespmem:s12], [sflag:$0x2] =	stream.indirect.gather [hbm4b:s2+s4], $0x20, s1, s4, $0xb8;
	[tilespmem:$0xB900] =	vst v63  }
0x13e: {  	s1 =	sld [smem:$0x7F0]  }
0x13f: {  	[tilespmem:s10], [sflag:$0x2] =	stream.indirect.gather [hbm4b:s2+s4], $0x20, s0, s4, $0xb8;
	[tilespmem:$0xB900] =	vst v63  }
0x140: {  	s0 =	sld [smem:$0x7F1]  }
0x141: {  	[tilespmem:s9], [sflag:$0x2] =	stream.indirect.gather [hbm4b:s2+s4], $0x20, s1, s4, $0xb8;
	[tilespmem:$0xB900] =	vst v63  }
0x142: {  	_ = 	snop  }
0x143: {  	[tilespmem:s8], [sflag:$0x2] =	stream.indirect.gather [hbm4b:s2+s4], $0x20, s0, s4, $0xb8;
	[tilespmem:$0xB900] =	vst v63  }
0x144: {  	_ =	swait.ge [sflag:s11], $0x1000  }
0x145: {  	[sflag:s11] =	ssyncset.done $0x0  }
0x146: {  	s1 =	rddreg [dreg:$0x1c];
	[sflag:s11] =	ssyncadd.s32 $0xFFFFF000  }
0x147: {  	[hbm4b:s1+s5] =	stream.strided.scatter [tilespmem:s13], [sflag:$0x4], $0x1000, s6, s5, $0x38;
	[tilespmem:$0xB900] =	vst v63  }
0x148: {  	_ =	swait.ge [sflag:s11], $0x1000  }
0x149: {  	[sflag:s11] =	ssyncset.done $0x0  }
0x14a: {  	s1 =	rddreg [dreg:$0x1d];
	[sflag:s11] =	ssyncadd.s32 $0xFFFFF000  }
0x14b: {  	[hbm4b:s1+s5] =	stream.strided.scatter [tilespmem:s12], [sflag:$0x4], $0x1000, s6, s5, $0x38;
	[tilespmem:$0xB900] =	vst v63  }
0x14c: {  	_ =	swait.ge [sflag:s11], $0x1000  }
0x14d: {  	[sflag:s11] =	ssyncset.done $0x0  }
0x14e: {  	s1 =	rddreg [dreg:$0x1e];
	[sflag:s11] =	ssyncadd.s32 $0xFFFFF000  }
0x14f: {  	[hbm4b:s1+s5] =	stream.strided.scatter [tilespmem:s10], [sflag:$0x4], $0x1000, s6, s5, $0x38;
	[tilespmem:$0xB900] =	vst v63  }
0x150: {  	_ =	swait.ge [sflag:s11], $0x1000  }
0x151: {  	[sflag:s11] =	ssyncset.done $0x0  }
0x152: {  	s1 =	rddreg [dreg:$0x1f];
	[sflag:s11] =	ssyncadd.s32 $0xFFFFF000  }
0x153: {  	[hbm4b:s1+s5] =	stream.strided.scatter [tilespmem:s9], [sflag:$0x4], $0x1000, s6, s5, $0x38;
	[tilespmem:$0xB900] =	vst v63  }
0x154: {  	_ =	swait.ge [sflag:s11], $0x1000  }
0x155: {  	s1 =	sld [smem:$0x7C1]  }
0x156: {  	[sflag:s11] =	ssyncset.done $0x0  }
0x157: {  	[sflag:s11] =	ssyncadd.s32 $0xFFFFF000  }
0x158: {  	[hbm4b:s1+s5] =	stream.strided.scatter [tilespmem:s8], [sflag:$0x4], $0x1000, s6, s5, $0x38;
	[tilespmem:$0xB900] =	vst v63  }
0x159: {  	_ =	swait.ge [sflag:s7], $0x1000  }
0x15a: {  	[sflag:s7] =	ssyncset.done $0x0  }
0x15b: {  	[sflag:s7] =	ssyncadd.s32 $0xFFFFF000  }
0x15c: {  	_ =	swait.ge [sflag:s7], $0x1000  }
0x15d: {  	[sflag:s7] =	ssyncset.done $0x0  }
0x15e: {  	[sflag:s7] =	ssyncadd.s32 $0xFFFFF000  }
0x15f: {  	_ =	swait.ge [sflag:s7], $0x1000  }
0x160: {  	[sflag:s7] =	ssyncset.done $0x0  }
0x161: {  	[sflag:s7] =	ssyncadd.s32 $0xFFFFF000  }
0x162: {  	_ =	swait.ge [sflag:s7], $0x1000  }
0x163: {  	[sflag:s7] =	ssyncset.done $0x0  }
0x164: {  	[sflag:s7] =	ssyncadd.s32 $0xFFFFF000  }
0x165: {  	_ =	swait.ge [sflag:s7], $0x1000  }
0x166: {  	s0 =	sld [smem:$0x7F2]  }
0x167: {  	[sflag:s7] =	ssyncset.done $0x0  }
0x168: {  	s1 =	sld [smem:$0x7F3];
	[sflag:s7] =	ssyncadd.s32 $0xFFFFF000  }
0x169: {  	[tilespmem:s19], [sflag:$0x1] =	stream.indirect.gather [hbm4b:s2+s4], $0x20, s0, s4, $0xb8;
	[tilespmem:$0xB900] =	vst v63  }
0x16a: {  	_ = 	snop  }
0x16b: {  	[tilespmem:s18], [sflag:$0x1] =	stream.indirect.gather [hbm4b:s2+s4], $0x20, s1, s4, $0xb8;
	[tilespmem:$0xB900] =	vst v63  }
0x16c: {  	s0 =	sld [smem:$0x7F4]  }
0x16d: {  	[tilespmem:s16], [sflag:$0x1] =	stream.indirect.gather [hbm4b:s2+s4], $0x20, s28, s4, $0xb8;
	[tilespmem:$0xB900] =	vst v63  }
0x16e: {  	s1 =	sld [smem:$0x7F5]  }
0x16f: {  	[tilespmem:s15], [sflag:$0x1] =	stream.indirect.gather [hbm4b:s2+s4], $0x20, s0, s4, $0xb8;
	[tilespmem:$0xB900] =	vst v63  }
0x170: {  	_ = 	snop  }
0x171: {  	[tilespmem:s14], [sflag:$0x1] =	stream.indirect.gather [hbm4b:s2+s4], $0x20, s1, s4, $0xb8;
	[tilespmem:$0xB900] =	vst v63  }
0x172: {  	_ =	swait.ge [sflag:s17], $0x1000  }
0x173: {  	s1 =	sld [smem:$0x7C2]  }
0x174: {  	[sflag:s17] =	ssyncset.done $0x0  }
0x175: {  	[sflag:s17] =	ssyncadd.s32 $0xFFFFF000  }
0x176: {  	[hbm4b:s1+s5] =	stream.strided.scatter [tilespmem:s19], [sflag:$0x3], $0x1000, s6, s5, $0x38;
	[tilespmem:$0xB900] =	vst v63  }
0x177: {  	_ =	swait.ge [sflag:s17], $0x1000  }
0x178: {  	s1 =	sld [smem:$0x7C3]  }
0x179: {  	[sflag:s17] =	ssyncset.done $0x0  }
0x17a: {  	[sflag:s17] =	ssyncadd.s32 $0xFFFFF000  }
0x17b: {  	[hbm4b:s1+s5] =	stream.strided.scatter [tilespmem:s18], [sflag:$0x3], $0x1000, s6, s5, $0x38;
	[tilespmem:$0xB900] =	vst v63  }
0x17c: {  	_ =	swait.ge [sflag:s17], $0x1000  }
0x17d: {  	s1 =	sld [smem:$0x7C4]  }
0x17e: {  	[sflag:s17] =	ssyncset.done $0x0  }
0x17f: {  	[sflag:s17] =	ssyncadd.s32 $0xFFFFF000  }
0x180: {  	[hbm4b:s1+s5] =	stream.strided.scatter [tilespmem:s16], [sflag:$0x3], $0x1000, s6, s5, $0x38;
	[tilespmem:$0xB900] =	vst v63  }
0x181: {  	_ =	swait.ge [sflag:s17], $0x1000  }
0x182: {  	s1 =	sld [smem:$0x7C5]  }
0x183: {  	[sflag:s17] =	ssyncset.done $0x0  }
0x184: {  	[sflag:s17] =	ssyncadd.s32 $0xFFFFF000  }
0x185: {  	[hbm4b:s1+s5] =	stream.strided.scatter [tilespmem:s15], [sflag:$0x3], $0x1000, s6, s5, $0x38;
	[tilespmem:$0xB900] =	vst v63  }
0x186: {  	_ =	swait.ge [sflag:s17], $0x1000  }
0x187: {  	s1 =	sld [smem:$0x7C6]  }
0x188: {  	[sflag:s17] =	ssyncset.done $0x0  }
0x189: {  	[sflag:s17] =	ssyncadd.s32 $0xFFFFF000  }
0x18a: {  	[hbm4b:s1+s5] =	stream.strided.scatter [tilespmem:s14], [sflag:$0x3], $0x1000, s6, s5, $0x38;
	[tilespmem:$0xB900] =	vst v63  }
0x18b: {  	_ =	swait.ge [sflag:s3], $0x1000  }
0x18c: {  	[sflag:s3] =	ssyncset.done $0x0  }
0x18d: {  	[sflag:s3] =	ssyncadd.s32 $0xFFFFF000  }
0x18e: {  	_ =	swait.ge [sflag:s3], $0x1000  }
0x18f: {  	[sflag:s3] =	ssyncset.done $0x0  }
0x190: {  	[sflag:s3] =	ssyncadd.s32 $0xFFFFF000  }
0x191: {  	_ =	swait.ge [sflag:s3], $0x1000  }
0x192: {  	[sflag:s3] =	ssyncset.done $0x0  }
0x193: {  	[sflag:s3] =	ssyncadd.s32 $0xFFFFF000  }
0x194: {  	_ =	swait.ge [sflag:s3], $0x1000  }
0x195: {  	[sflag:s3] =	ssyncset.done $0x0  }
0x196: {  	[sflag:s3] =	ssyncadd.s32 $0xFFFFF000  }
0x197: {  	_ =	swait.ge [sflag:s3], $0x1000  }
0x198: {  	s0 =	sld [smem:$0x7F6]  }
0x199: {  	[sflag:s3] =	ssyncset.done $0x0  }
0x19a: {  	s1 =	sld [smem:$0x7F7];
	[sflag:s3] =	ssyncadd.s32 $0xFFFFF000  }
0x19b: {  	[tilespmem:s13], [sflag:$0x2] =	stream.indirect.gather [hbm4b:s2+s4], $0x20, s0, s4, $0xb8;
	[tilespmem:$0xB900] =	vst v63  }
0x19c: {  	s0 =	sld [smem:$0x7F8]  }
0x19d: {  	[tilespmem:s12], [sflag:$0x2] =	stream.indirect.gather [hbm4b:s2+s4], $0x20, s1, s4, $0xb8;
	[tilespmem:$0xB900] =	vst v63  }
0x19e: {  	s1 =	sld [smem:$0x7F9]  }
0x19f: {  	[tilespmem:s10], [sflag:$0x2] =	stream.indirect.gather [hbm4b:s2+s4], $0x20, s0, s4, $0xb8;
	[tilespmem:$0xB900] =	vst v63  }
0x1a0: {  	s0 =	sld [smem:$0x7FA]  }
0x1a1: {  	[tilespmem:s9], [sflag:$0x2] =	stream.indirect.gather [hbm4b:s2+s4], $0x20, s1, s4, $0xb8;
	[tilespmem:$0xB900] =	vst v63  }
0x1a2: {  	_ = 	snop  }
0x1a3: {  	[tilespmem:s8], [sflag:$0x2] =	stream.indirect.gather [hbm4b:s2+s4], $0x20, s0, s4, $0xb8;
	[tilespmem:$0xB900] =	vst v63  }
0x1a4: {  	_ =	swait.ge [sflag:s11], $0x1000  }
0x1a5: {  	s1 =	sld [smem:$0x7C7]  }
0x1a6: {  	[sflag:s11] =	ssyncset.done $0x0  }
0x1a7: {  	[sflag:s11] =	ssyncadd.s32 $0xFFFFF000  }
0x1a8: {  	[hbm4b:s1+s5] =	stream.strided.scatter [tilespmem:s13], [sflag:$0x4], $0x1000, s6, s5, $0x38;
	[tilespmem:$0xB900] =	vst v63  }
0x1a9: {  	_ =	swait.ge [sflag:s11], $0x1000  }
0x1aa: {  	s1 =	sld [smem:$0x7C8]  }
0x1ab: {  	[sflag:s11] =	ssyncset.done $0x0  }
0x1ac: {  	[sflag:s11] =	ssyncadd.s32 $0xFFFFF000  }
0x1ad: {  	[hbm4b:s1+s5] =	stream.strided.scatter [tilespmem:s12], [sflag:$0x4], $0x1000, s6, s5, $0x38;
	[tilespmem:$0xB900] =	vst v63  }
0x1ae: {  	_ =	swait.ge [sflag:s11], $0x1000  }
0x1af: {  	s1 =	sld [smem:$0x7C9]  }
0x1b0: {  	[sflag:s11] =	ssyncset.done $0x0  }
0x1b1: {  	[sflag:s11] =	ssyncadd.s32 $0xFFFFF000  }
0x1b2: {  	[hbm4b:s1+s5] =	stream.strided.scatter [tilespmem:s10], [sflag:$0x4], $0x1000, s6, s5, $0x38;
	[tilespmem:$0xB900] =	vst v63  }
0x1b3: {  	_ =	swait.ge [sflag:s11], $0x1000  }
0x1b4: {  	s1 =	sld [smem:$0x7CA]  }
0x1b5: {  	[sflag:s11] =	ssyncset.done $0x0  }
0x1b6: {  	[sflag:s11] =	ssyncadd.s32 $0xFFFFF000  }
0x1b7: {  	[hbm4b:s1+s5] =	stream.strided.scatter [tilespmem:s9], [sflag:$0x4], $0x1000, s6, s5, $0x38;
	[tilespmem:$0xB900] =	vst v63  }
0x1b8: {  	_ =	swait.ge [sflag:s11], $0x1000  }
0x1b9: {  	s1 =	sld [smem:$0x7CB]  }
0x1ba: {  	[sflag:s11] =	ssyncset.done $0x0  }
0x1bb: {  	[sflag:s11] =	ssyncadd.s32 $0xFFFFF000  }
0x1bc: {  	[hbm4b:s1+s5] =	stream.strided.scatter [tilespmem:s8], [sflag:$0x4], $0x1000, s6, s5, $0x38;
	[tilespmem:$0xB900] =	vst v63  }
0x1bd: {  	_ =	swait.ge [sflag:s7], $0x1000  }
0x1be: {  	[sflag:s7] =	ssyncset.done $0x0  }
0x1bf: {  	[sflag:s7] =	ssyncadd.s32 $0xFFFFF000  }
0x1c0: {  	_ =	swait.ge [sflag:s7], $0x1000  }
0x1c1: {  	[sflag:s7] =	ssyncset.done $0x0  }
0x1c2: {  	[sflag:s7] =	ssyncadd.s32 $0xFFFFF000  }
0x1c3: {  	_ =	swait.ge [sflag:s7], $0x1000  }
0x1c4: {  	[sflag:s7] =	ssyncset.done $0x0  }
0x1c5: {  	[sflag:s7] =	ssyncadd.s32 $0xFFFFF000  }
0x1c6: {  	_ =	swait.ge [sflag:s7], $0x1000  }
0x1c7: {  	[sflag:s7] =	ssyncset.done $0x0  }
0x1c8: {  	[sflag:s7] =	ssyncadd.s32 $0xFFFFF000  }
0x1c9: {  	_ =	swait.ge [sflag:s7], $0x1000  }
0x1ca: {  	s0 =	sld [smem:$0x7FB]  }
0x1cb: {  	[sflag:s7] =	ssyncset.done $0x0  }
0x1cc: {  	s1 =	sld [smem:$0x7FC];
	[sflag:s7] =	ssyncadd.s32 $0xFFFFF000  }
0x1cd: {  	[tilespmem:s19], [sflag:$0x1] =	stream.indirect.gather [hbm4b:s2+s4], $0x20, s0, s4, $0xb8;
	[tilespmem:$0xB900] =	vst v63  }
0x1ce: {  	s0 =	sld [smem:$0x7FD]  }
0x1cf: {  	[tilespmem:s18], [sflag:$0x1] =	stream.indirect.gather [hbm4b:s2+s4], $0x20, s1, s4, $0xb8;
	[tilespmem:$0xB900] =	vst v63  }
0x1d0: {  	_ = 	snop  }
0x1d1: {  	[tilespmem:s16], [sflag:$0x1] =	stream.indirect.gather [hbm4b:s2+s4], $0x20, s0, s4, $0xb8;
	[tilespmem:$0xB900] =	vst v63  }
0x1d2: {  	s1 =	simm.s32 $0x1580  }
0x1d3: {  	[tilespmem:s15], [sflag:$0x1] =	stream.indirect.gather [hbm4b:s2+s4], $0x20, s1, s4, $0xb8;
	[tilespmem:$0xB900] =	vst v63  }
0x1d4: {  	_ = 	snop  }
0x1d5: {  	[tilespmem:s14], [sflag:$0x1] =	stream.indirect.gather [hbm4b:s2+s4], $0x20, s26, s4, $0xb8;
	[tilespmem:$0xB900] =	vst v63  }
0x1d6: {  	_ =	swait.ge [sflag:s17], $0x1000  }
0x1d7: {  	s1 =	sld [smem:$0x7CC]  }
0x1d8: {  	[sflag:s17] =	ssyncset.done $0x0  }
0x1d9: {  	[sflag:s17] =	ssyncadd.s32 $0xFFFFF000  }
0x1da: {  	[hbm4b:s1+s5] =	stream.strided.scatter [tilespmem:s19], [sflag:$0x3], $0x1000, s6, s5, $0x38;
	[tilespmem:$0xB900] =	vst v63  }
0x1db: {  	_ =	swait.ge [sflag:s17], $0x1000  }
0x1dc: {  	s1 =	sld [smem:$0x7CD]  }
0x1dd: {  	[sflag:s17] =	ssyncset.done $0x0  }
0x1de: {  	[sflag:s17] =	ssyncadd.s32 $0xFFFFF000  }
0x1df: {  	[hbm4b:s1+s5] =	stream.strided.scatter [tilespmem:s18], [sflag:$0x3], $0x1000, s6, s5, $0x38;
	[tilespmem:$0xB900] =	vst v63  }
0x1e0: {  	_ =	swait.ge [sflag:s17], $0x1000  }
0x1e1: {  	s1 =	sld [smem:$0x7CE]  }
0x1e2: {  	[sflag:s17] =	ssyncset.done $0x0  }
0x1e3: {  	[sflag:s17] =	ssyncadd.s32 $0xFFFFF000  }
0x1e4: {  	[hbm4b:s1+s5] =	stream.strided.scatter [tilespmem:s16], [sflag:$0x3], $0x1000, s6, s5, $0x38;
	[tilespmem:$0xB900] =	vst v63  }
0x1e5: {  	_ =	swait.ge [sflag:s17], $0x1000  }
0x1e6: {  	s1 =	sld [smem:$0x7CF]  }
0x1e7: {  	[sflag:s17] =	ssyncset.done $0x0  }
0x1e8: {  	[sflag:s17] =	ssyncadd.s32 $0xFFFFF000  }
0x1e9: {  	[hbm4b:s1+s5] =	stream.strided.scatter [tilespmem:s15], [sflag:$0x3], $0x1000, s6, s5, $0x38;
	[tilespmem:$0xB900] =	vst v63  }
0x1ea: {  	_ =	swait.ge [sflag:s17], $0x1000  }
0x1eb: {  	s1 =	sld [smem:$0x7D0]  }
0x1ec: {  	[sflag:s17] =	ssyncset.done $0x0  }
0x1ed: {  	[sflag:s17] =	ssyncadd.s32 $0xFFFFF000  }
0x1ee: {  	[hbm4b:s1+s5] =	stream.strided.scatter [tilespmem:s14], [sflag:$0x3], $0x1000, s6, s5, $0x38;
	[tilespmem:$0xB900] =	vst v63  }
0x1ef: {  	_ =	swait.ge [sflag:s3], $0x1000  }
0x1f0: {  	[sflag:s3] =	ssyncset.done $0x0  }
0x1f1: {  	[sflag:s3] =	ssyncadd.s32 $0xFFFFF000  }
0x1f2: {  	_ =	swait.ge [sflag:s3], $0x1000  }
0x1f3: {  	[sflag:s3] =	ssyncset.done $0x0  }
0x1f4: {  	[sflag:s3] =	ssyncadd.s32 $0xFFFFF000  }
0x1f5: {  	_ =	swait.ge [sflag:s3], $0x1000  }
0x1f6: {  	[sflag:s3] =	ssyncset.done $0x0  }
0x1f7: {  	[sflag:s3] =	ssyncadd.s32 $0xFFFFF000  }
0x1f8: {  	_ =	swait.ge [sflag:s3], $0x1000  }
0x1f9: {  	[sflag:s3] =	ssyncset.done $0x0  }
0x1fa: {  	[sflag:s3] =	ssyncadd.s32 $0xFFFFF000  }
0x1fb: {  	_ =	swait.ge [sflag:s3], $0x1000  }
0x1fc: {  	[sflag:s3] =	ssyncset.done $0x0  }
0x1fd: {  	[sflag:s3] =	ssyncadd.s32 $0xFFFFF000  }
0x1fe: {  	[tilespmem:s13], [sflag:$0x2] =	stream.indirect.gather [hbm4b:s2+s4], $0x20, s21, s4, $0xb8;
	[tilespmem:$0xB900] =	vst v63  }
0x1ff: {  	_ = 	snop  }
0x200: {  	[tilespmem:s12], [sflag:$0x2] =	stream.indirect.gather [hbm4b:s2+s4], $0x20, s22, s4, $0xb8;
	[tilespmem:$0xB900] =	vst v63  }
0x201: {  	_ = 	snop  }
0x202: {  	[tilespmem:s10], [sflag:$0x2] =	stream.indirect.gather [hbm4b:s2+s4], $0x20, s23, s4, $0xb8;
	[tilespmem:$0xB900] =	vst v63  }
0x203: {  	_ = 	snop  }
0x204: {  	[tilespmem:s9], [sflag:$0x2] =	stream.indirect.gather [hbm4b:s2+s4], $0x20, s24, s4, $0xb8;
	[tilespmem:$0xB900] =	vst v63  }
0x205: {  	_ = 	snop  }
0x206: {  	[tilespmem:s8], [sflag:$0x2] =	stream.indirect.gather [hbm4b:s2+s4], $0x20, s25, s4, $0xb8;
	[tilespmem:$0xB900] =	vst v63  }
0x207: {  	_ =	swait.ge [sflag:s11], $0x1000  }
0x208: {  	s1 =	sld [smem:$0x7D1]  }
0x209: {  	[sflag:s11] =	ssyncset.done $0x0  }
0x20a: {  	[sflag:s11] =	ssyncadd.s32 $0xFFFFF000  }
0x20b: {  	[hbm4b:s1+s5] =	stream.strided.scatter [tilespmem:s13], [sflag:$0x4], $0x1000, s6, s5, $0x38;
	[tilespmem:$0xB900] =	vst v63  }
0x20c: {  	_ =	swait.ge [sflag:s11], $0x1000  }
0x20d: {  	s1 =	sld [smem:$0x7D2]  }
0x20e: {  	[sflag:s11] =	ssyncset.done $0x0  }
0x20f: {  	[sflag:s11] =	ssyncadd.s32 $0xFFFFF000  }
0x210: {  	[hbm4b:s1+s5] =	stream.strided.scatter [tilespmem:s12], [sflag:$0x4], $0x1000, s6, s5, $0x38;
	[tilespmem:$0xB900] =	vst v63  }
0x211: {  	_ =	swait.ge [sflag:s11], $0x1000  }
0x212: {  	s1 =	sld [smem:$0x7D3]  }
0x213: {  	[sflag:s11] =	ssyncset.done $0x0  }
0x214: {  	[sflag:s11] =	ssyncadd.s32 $0xFFFFF000  }
0x215: {  	[hbm4b:s1+s5] =	stream.strided.scatter [tilespmem:s10], [sflag:$0x4], $0x1000, s6, s5, $0x38;
	[tilespmem:$0xB900] =	vst v63  }
0x216: {  	_ =	swait.ge [sflag:s11], $0x1000  }
0x217: {  	s1 =	sld [smem:$0x7D4]  }
0x218: {  	[sflag:s11] =	ssyncset.done $0x0  }
0x219: {  	[sflag:s11] =	ssyncadd.s32 $0xFFFFF000  }
0x21a: {  	[hbm4b:s1+s5] =	stream.strided.scatter [tilespmem:s9], [sflag:$0x4], $0x1000, s6, s5, $0x38;
	[tilespmem:$0xB900] =	vst v63  }
0x21b: {  	_ =	swait.ge [sflag:s11], $0x1000  }
0x21c: {  	s1 =	sld [smem:$0x7D5]  }
0x21d: {  	[sflag:s11] =	ssyncset.done $0x0  }
0x21e: {  	[sflag:s11] =	ssyncadd.s32 $0xFFFFF000  }
0x21f: {  	[hbm4b:s1+s5] =	stream.strided.scatter [tilespmem:s8], [sflag:$0x4], $0x1000, s6, s5, $0x38;
	[tilespmem:$0xB900] =	vst v63  }
0x220: {  	_ =	swait.ge [sflag:s7], $0x1000  }
0x221: {  	[sflag:s7] =	ssyncset.done $0x0  }
0x222: {  	[sflag:s7] =	ssyncadd.s32 $0xFFFFF000  }
0x223: {  	_ =	swait.ge [sflag:s7], $0x1000  }
0x224: {  	[sflag:s7] =	ssyncset.done $0x0  }
0x225: {  	[sflag:s7] =	ssyncadd.s32 $0xFFFFF000  }
0x226: {  	_ =	swait.ge [sflag:s7], $0x1000  }
0x227: {  	[sflag:s7] =	ssyncset.done $0x0  }
0x228: {  	[sflag:s7] =	ssyncadd.s32 $0xFFFFF000  }
0x229: {  	_ =	swait.ge [sflag:s7], $0x1000  }
0x22a: {  	[sflag:s7] =	ssyncset.done $0x0  }
0x22b: {  	[sflag:s7] =	ssyncadd.s32 $0xFFFFF000  }
0x22c: {  	_ =	swait.ge [sflag:s7], $0x1000  }
0x22d: {  	[sflag:s7] =	ssyncset.done $0x0  }
0x22e: {  	[sflag:s7] =	ssyncadd.s32 $0xFFFFF000  }
0x22f: {  	_ =	swait.ge [sflag:s3], $0x1000  }
0x230: {  	[sflag:s3] =	ssyncset.done $0x0  }
0x231: {  	[sflag:s3] =	ssyncadd.s32 $0xFFFFF000  }
0x232: {  	_ =	swait.ge [sflag:s3], $0x1000  }
0x233: {  	[sflag:s3] =	ssyncset.done $0x0  }
0x234: {  	[sflag:s3] =	ssyncadd.s32 $0xFFFFF000  }
0x235: {  	_ =	swait.ge [sflag:s3], $0x1000  }
0x236: {  	[sflag:s3] =	ssyncset.done $0x0  }
0x237: {  	p1 =	sne.s32 s20, $0x1;
	[sflag:s3] =	ssyncadd.s32 $0xFFFFF000  }
.Ltmp1:
0x238: {  	_ =	swait.ge [sflag:s3], $0x1000;
	(pc) =	sbr.rel @!p1 .LBB2_3-.Ltmp1, $4  }
0x239: {  	[sflag:s3] =	ssyncset.done $0x0  }
0x23a: {  	[sflag:s3] =	ssyncadd.s32 $0xFFFFF000  }
0x23b: {  	p0 =	por $0x1, $0x1;
	_ =	swait.ge [sflag:s3], $0x1000  }
0x23c: {  	s1 =	sadd.s32 $0xFFFFFFFF, s20;
	s0 =	rddreg [dreg:$0x3];
	[sflag:s3] =	ssyncset.done $0x0  }
.LBB2_4:
0x23d: {  	[sflag:s3] =	ssyncadd.s32 $0xFFFFF000  }
0x23e: {  	[tilespmem:s30], [sflag:$0x5] =	stream.strided.gather [hbm4b:s0+s4], $0x1900, s28, s4, $0x38;
	[tilespmem:$0xB900] =	vst v63  }
0x23f: {  	_ =	swait.ge [sflag:s31], $0x1900  }
0x240: {  	[sflag:s31] =	ssyncset.done $0x0  }
0x241: {  	[sflag:s31] =	ssyncadd.s32 $0xFFFFE700  }
0x242: {  	[tilespmem:s19], [sflag:$0x1] =	stream.indirect.gather [hbm4b:s2+s4], $0x20, s30, s4, $0xb8;
	[tilespmem:$0xB900] =	vst v63  }
0x243: {  	s0 =	sld [smem:$0x7D6]  }
0x244: {  	[tilespmem:s18], [sflag:$0x1] =	stream.indirect.gather [hbm4b:s2+s4], $0x20, s4, s4, $0xb8;
	[tilespmem:$0xB900] =	vst v63  }
0x245: {  	s20 =	sld [smem:$0x7D7]  }
0x246: {  	[tilespmem:s16], [sflag:$0x1] =	stream.indirect.gather [hbm4b:s2+s4], $0x20, s0, s4, $0xb8;
	[tilespmem:$0xB900] =	vst v63  }
0x247: {  	s0 =	sld [smem:$0x7D8]  }
0x248: {  	[tilespmem:s15], [sflag:$0x1] =	stream.indirect.gather [hbm4b:s2+s4], $0x20, s20, s4, $0xb8;
	[tilespmem:$0xB900] =	vst v63  }
0x249: {  	_ = 	snop  }
0x24a: {  	[tilespmem:s14], [sflag:$0x1] =	stream.indirect.gather [hbm4b:s2+s4], $0x20, s0, s4, $0xb8;
	[tilespmem:$0xB900] =	vst v63  }
0x24b: {  	_ =	swait.ge [sflag:s17], $0x1000  }
0x24c: {  	[sflag:s17] =	ssyncset.done $0x0  }
0x24d: {  	[sflag:s17] =	ssyncadd.s32 $0xFFFFF000  }
0x24e: {  	[hbm4b:s29+s5] =	stream.strided.scatter [tilespmem:s19], [sflag:$0x3], $0x1000, s6, s5, $0x38;
	[tilespmem:$0xB900] =	vst v63  }
0x24f: {  	_ =	swait.ge [sflag:s17], $0x1000  }
0x250: {  	[sflag:s17] =	ssyncset.done $0x0  }
0x251: {  	s20 =	rddreg [dreg:$0x4];
	[sflag:s17] =	ssyncadd.s32 $0xFFFFF000  }
0x252: {  	[hbm4b:s20+s5] =	stream.strided.scatter [tilespmem:s18], [sflag:$0x3], $0x1000, s6, s5, $0x38;
	[tilespmem:$0xB900] =	vst v63  }
0x253: {  	_ =	swait.ge [sflag:s17], $0x1000  }
0x254: {  	[sflag:s17] =	ssyncset.done $0x0  }
0x255: {  	s20 =	rddreg [dreg:$0x5];
	[sflag:s17] =	ssyncadd.s32 $0xFFFFF000  }
0x256: {  	[hbm4b:s20+s5] =	stream.strided.scatter [tilespmem:s16], [sflag:$0x3], $0x1000, s6, s5, $0x38;
	[tilespmem:$0xB900] =	vst v63  }
0x257: {  	_ =	swait.ge [sflag:s17], $0x1000  }
0x258: {  	[sflag:s17] =	ssyncset.done $0x0  }
0x259: {  	s20 =	rddreg [dreg:$0x6];
	[sflag:s17] =	ssyncadd.s32 $0xFFFFF000  }
0x25a: {  	[hbm4b:s20+s5] =	stream.strided.scatter [tilespmem:s15], [sflag:$0x3], $0x1000, s6, s5, $0x38;
	[tilespmem:$0xB900] =	vst v63  }
0x25b: {  	_ =	swait.ge [sflag:s17], $0x1000  }
0x25c: {  	s0 =	rddreg [dreg:$0x7];
	[sflag:s17] =	ssyncset.done $0x0  }
0x25d: {  	s20 =	sld [smem:$0x7D9];
	[sflag:s17] =	ssyncadd.s32 $0xFFFFF000  }
0x25e: {  	[hbm4b:s0+s5] =	stream.strided.scatter [tilespmem:s14], [sflag:$0x3], $0x1000, s6, s5, $0x38;
	[tilespmem:$0xB900] =	vst v63  }
0x25f: {  	s0 =	sld [smem:$0x7DA]  }
0x260: {  	[tilespmem:s13], [sflag:$0x2] =	stream.indirect.gather [hbm4b:s2+s4], $0x20, s20, s4, $0xb8;
	[tilespmem:$0xB900] =	vst v63  }
0x261: {  	s20 =	sld [smem:$0x7DB]  }
0x262: {  	[tilespmem:s12], [sflag:$0x2] =	stream.indirect.gather [hbm4b:s2+s4], $0x20, s0, s4, $0xb8;
	[tilespmem:$0xB900] =	vst v63  }
0x263: {  	s0 =	sld [smem:$0x7DC]  }
0x264: {  	[tilespmem:s10], [sflag:$0x2] =	stream.indirect.gather [hbm4b:s2+s4], $0x20, s20, s4, $0xb8;
	[tilespmem:$0xB900] =	vst v63  }
0x265: {  	s20 =	sld [smem:$0x7DD]  }
0x266: {  	[tilespmem:s9], [sflag:$0x2] =	stream.indirect.gather [hbm4b:s2+s4], $0x20, s0, s4, $0xb8;
	[tilespmem:$0xB900] =	vst v63  }
0x267: {  	_ = 	snop  }
0x268: {  	[tilespmem:s8], [sflag:$0x2] =	stream.indirect.gather [hbm4b:s2+s4], $0x20, s20, s4, $0xb8;
	[tilespmem:$0xB900] =	vst v63  }
0x269: {  	_ =	swait.ge [sflag:s11], $0x1000  }
0x26a: {  	[sflag:s11] =	ssyncset.done $0x0  }
0x26b: {  	s20 =	rddreg [dreg:$0x8];
	[sflag:s11] =	ssyncadd.s32 $0xFFFFF000  }
0x26c: {  	[hbm4b:s20+s5] =	stream.strided.scatter [tilespmem:s13], [sflag:$0x4], $0x1000, s6, s5, $0x38;
	[tilespmem:$0xB900] =	vst v63  }
0x26d: {  	_ =	swait.ge [sflag:s11], $0x1000  }
0x26e: {  	[sflag:s11] =	ssyncset.done $0x0  }
0x26f: {  	s20 =	rddreg [dreg:$0x9];
	[sflag:s11] =	ssyncadd.s32 $0xFFFFF000  }
0x270: {  	[hbm4b:s20+s5] =	stream.strided.scatter [tilespmem:s12], [sflag:$0x4], $0x1000, s6, s5, $0x38;
	[tilespmem:$0xB900] =	vst v63  }
0x271: {  	_ =	swait.ge [sflag:s11], $0x1000  }
0x272: {  	[sflag:s11] =	ssyncset.done $0x0  }
0x273: {  	s20 =	rddreg [dreg:$0xa];
	[sflag:s11] =	ssyncadd.s32 $0xFFFFF000  }
0x274: {  	[hbm4b:s20+s5] =	stream.strided.scatter [tilespmem:s10], [sflag:$0x4], $0x1000, s6, s5, $0x38;
	[tilespmem:$0xB900] =	vst v63  }
0x275: {  	_ =	swait.ge [sflag:s11], $0x1000  }
0x276: {  	[sflag:s11] =	ssyncset.done $0x0  }
0x277: {  	s20 =	rddreg [dreg:$0xb];
	[sflag:s11] =	ssyncadd.s32 $0xFFFFF000  }
0x278: {  	[hbm4b:s20+s5] =	stream.strided.scatter [tilespmem:s9], [sflag:$0x4], $0x1000, s6, s5, $0x38;
	[tilespmem:$0xB900] =	vst v63  }
0x279: {  	_ =	swait.ge [sflag:s11], $0x1000  }
0x27a: {  	[sflag:s11] =	ssyncset.done $0x0  }
0x27b: {  	s20 =	rddreg [dreg:$0xc];
	[sflag:s11] =	ssyncadd.s32 $0xFFFFF000  }
0x27c: {  	[hbm4b:s20+s5] =	stream.strided.scatter [tilespmem:s8], [sflag:$0x4], $0x1000, s6, s5, $0x38;
	[tilespmem:$0xB900] =	vst v63  }
0x27d: {  	_ =	swait.ge [sflag:s7], $0x1000  }
0x27e: {  	[sflag:s7] =	ssyncset.done $0x0  }
0x27f: {  	[sflag:s7] =	ssyncadd.s32 $0xFFFFF000  }
0x280: {  	_ =	swait.ge [sflag:s7], $0x1000  }
0x281: {  	[sflag:s7] =	ssyncset.done $0x0  }
0x282: {  	[sflag:s7] =	ssyncadd.s32 $0xFFFFF000  }
0x283: {  	_ =	swait.ge [sflag:s7], $0x1000  }
0x284: {  	[sflag:s7] =	ssyncset.done $0x0  }
0x285: {  	[sflag:s7] =	ssyncadd.s32 $0xFFFFF000  }
0x286: {  	_ =	swait.ge [sflag:s7], $0x1000  }
0x287: {  	[sflag:s7] =	ssyncset.done $0x0  }
0x288: {  	[sflag:s7] =	ssyncadd.s32 $0xFFFFF000  }
0x289: {  	_ =	swait.ge [sflag:s7], $0x1000  }
0x28a: {  	s0 =	sld [smem:$0x7DE]  }
0x28b: {  	[sflag:s7] =	ssyncset.done $0x0  }
0x28c: {  	s20 =	sld [smem:$0x7DF];
	[sflag:s7] =	ssyncadd.s32 $0xFFFFF000  }
0x28d: {  	[tilespmem:s19], [sflag:$0x1] =	stream.indirect.gather [hbm4b:s2+s4], $0x20, s0, s4, $0xb8;
	[tilespmem:$0xB900] =	vst v63  }
0x28e: {  	s0 =	sld [smem:$0x7E0]  }
0x28f: {  	[tilespmem:s18], [sflag:$0x1] =	stream.indirect.gather [hbm4b:s2+s4], $0x20, s20, s4, $0xb8;
	[tilespmem:$0xB900] =	vst v63  }
0x290: {  	s20 =	sld [smem:$0x7E1]  }
0x291: {  	[tilespmem:s16], [sflag:$0x1] =	stream.indirect.gather [hbm4b:s2+s4], $0x20, s0, s4, $0xb8;
	[tilespmem:$0xB900] =	vst v63  }
0x292: {  	s0 =	sld [smem:$0x7E2]  }
0x293: {  	[tilespmem:s15], [sflag:$0x1] =	stream.indirect.gather [hbm4b:s2+s4], $0x20, s20, s4, $0xb8;
	[tilespmem:$0xB900] =	vst v63  }
0x294: {  	_ = 	snop  }
0x295: {  	[tilespmem:s14], [sflag:$0x1] =	stream.indirect.gather [hbm4b:s2+s4], $0x20, s0, s4, $0xb8;
	[tilespmem:$0xB900] =	vst v63  }
0x296: {  	_ =	swait.ge [sflag:s17], $0x1000  }
0x297: {  	[sflag:s17] =	ssyncset.done $0x0  }
0x298: {  	s20 =	rddreg [dreg:$0xd];
	[sflag:s17] =	ssyncadd.s32 $0xFFFFF000  }
0x299: {  	[hbm4b:s20+s5] =	stream.strided.scatter [tilespmem:s19], [sflag:$0x3], $0x1000, s6, s5, $0x38;
	[tilespmem:$0xB900] =	vst v63  }
0x29a: {  	_ =	swait.ge [sflag:s17], $0x1000  }
0x29b: {  	[sflag:s17] =	ssyncset.done $0x0  }
0x29c: {  	s20 =	rddreg [dreg:$0xe];
	[sflag:s17] =	ssyncadd.s32 $0xFFFFF000  }
0x29d: {  	[hbm4b:s20+s5] =	stream.strided.scatter [tilespmem:s18], [sflag:$0x3], $0x1000, s6, s5, $0x38;
	[tilespmem:$0xB900] =	vst v63  }
0x29e: {  	_ =	swait.ge [sflag:s17], $0x1000  }
0x29f: {  	[sflag:s17] =	ssyncset.done $0x0  }
0x2a0: {  	s20 =	rddreg [dreg:$0xf];
	[sflag:s17] =	ssyncadd.s32 $0xFFFFF000  }
0x2a1: {  	[hbm4b:s20+s5] =	stream.strided.scatter [tilespmem:s16], [sflag:$0x3], $0x1000, s6, s5, $0x38;
	[tilespmem:$0xB900] =	vst v63  }
0x2a2: {  	_ =	swait.ge [sflag:s17], $0x1000  }
0x2a3: {  	[sflag:s17] =	ssyncset.done $0x0  }
0x2a4: {  	s20 =	rddreg [dreg:$0x10];
	[sflag:s17] =	ssyncadd.s32 $0xFFFFF000  }
0x2a5: {  	[hbm4b:s20+s5] =	stream.strided.scatter [tilespmem:s15], [sflag:$0x3], $0x1000, s6, s5, $0x38;
	[tilespmem:$0xB900] =	vst v63  }
0x2a6: {  	_ =	swait.ge [sflag:s17], $0x1000  }
0x2a7: {  	[sflag:s17] =	ssyncset.done $0x0  }
0x2a8: {  	s20 =	rddreg [dreg:$0x11];
	[sflag:s17] =	ssyncadd.s32 $0xFFFFF000  }
0x2a9: {  	[hbm4b:s20+s5] =	stream.strided.scatter [tilespmem:s14], [sflag:$0x3], $0x1000, s6, s5, $0x38;
	[tilespmem:$0xB900] =	vst v63  }
0x2aa: {  	_ =	swait.ge [sflag:s3], $0x1000  }
0x2ab: {  	[sflag:s3] =	ssyncset.done $0x0  }
0x2ac: {  	[sflag:s3] =	ssyncadd.s32 $0xFFFFF000  }
0x2ad: {  	_ =	swait.ge [sflag:s3], $0x1000  }
0x2ae: {  	[sflag:s3] =	ssyncset.done $0x0  }
0x2af: {  	[sflag:s3] =	ssyncadd.s32 $0xFFFFF000  }
0x2b0: {  	_ =	swait.ge [sflag:s3], $0x1000  }
0x2b1: {  	[sflag:s3] =	ssyncset.done $0x0  }
0x2b2: {  	[sflag:s3] =	ssyncadd.s32 $0xFFFFF000  }
0x2b3: {  	_ =	swait.ge [sflag:s3], $0x1000  }
0x2b4: {  	[sflag:s3] =	ssyncset.done $0x0  }
0x2b5: {  	[sflag:s3] =	ssyncadd.s32 $0xFFFFF000  }
0x2b6: {  	_ =	swait.ge [sflag:s3], $0x1000  }
0x2b7: {  	s0 =	sld [smem:$0x7E3]  }
0x2b8: {  	[sflag:s3] =	ssyncset.done $0x0  }
0x2b9: {  	s20 =	sld [smem:$0x7E4];
	[sflag:s3] =	ssyncadd.s32 $0xFFFFF000  }
0x2ba: {  	[tilespmem:s13], [sflag:$0x2] =	stream.indirect.gather [hbm4b:s2+s4], $0x20, s0, s4, $0xb8;
	[tilespmem:$0xB900] =	vst v63  }
0x2bb: {  	s0 =	sld [smem:$0x7E5]  }
0x2bc: {  	[tilespmem:s12], [sflag:$0x2] =	stream.indirect.gather [hbm4b:s2+s4], $0x20, s20, s4, $0xb8;
	[tilespmem:$0xB900] =	vst v63  }
0x2bd: {  	s20 =	sld [smem:$0x7E6]  }
0x2be: {  	[tilespmem:s10], [sflag:$0x2] =	stream.indirect.gather [hbm4b:s2+s4], $0x20, s0, s4, $0xb8;
	[tilespmem:$0xB900] =	vst v63  }
0x2bf: {  	s0 =	sld [smem:$0x7E7]  }
0x2c0: {  	[tilespmem:s9], [sflag:$0x2] =	stream.indirect.gather [hbm4b:s2+s4], $0x20, s20, s4, $0xb8;
	[tilespmem:$0xB900] =	vst v63  }
0x2c1: {  	_ = 	snop  }
0x2c2: {  	[tilespmem:s8], [sflag:$0x2] =	stream.indirect.gather [hbm4b:s2+s4], $0x20, s0, s4, $0xb8;
	[tilespmem:$0xB900] =	vst v63  }
0x2c3: {  	_ =	swait.ge [sflag:s11], $0x1000  }
0x2c4: {  	[sflag:s11] =	ssyncset.done $0x0  }
0x2c5: {  	s20 =	rddreg [dreg:$0x12];
	[sflag:s11] =	ssyncadd.s32 $0xFFFFF000  }
0x2c6: {  	[hbm4b:s20+s5] =	stream.strided.scatter [tilespmem:s13], [sflag:$0x4], $0x1000, s6, s5, $0x38;
	[tilespmem:$0xB900] =	vst v63  }
0x2c7: {  	_ =	swait.ge [sflag:s11], $0x1000  }
0x2c8: {  	[sflag:s11] =	ssyncset.done $0x0  }
0x2c9: {  	s20 =	rddreg [dreg:$0x13];
	[sflag:s11] =	ssyncadd.s32 $0xFFFFF000  }
0x2ca: {  	[hbm4b:s20+s5] =	stream.strided.scatter [tilespmem:s12], [sflag:$0x4], $0x1000, s6, s5, $0x38;
	[tilespmem:$0xB900] =	vst v63  }
0x2cb: {  	_ =	swait.ge [sflag:s11], $0x1000  }
0x2cc: {  	[sflag:s11] =	ssyncset.done $0x0  }
0x2cd: {  	s20 =	rddreg [dreg:$0x14];
	[sflag:s11] =	ssyncadd.s32 $0xFFFFF000  }
0x2ce: {  	[hbm4b:s20+s5] =	stream.strided.scatter [tilespmem:s10], [sflag:$0x4], $0x1000, s6, s5, $0x38;
	[tilespmem:$0xB900] =	vst v63  }
0x2cf: {  	_ =	swait.ge [sflag:s11], $0x1000  }
0x2d0: {  	[sflag:s11] =	ssyncset.done $0x0  }
0x2d1: {  	s20 =	rddreg [dreg:$0x15];
	[sflag:s11] =	ssyncadd.s32 $0xFFFFF000  }
0x2d2: {  	[hbm4b:s20+s5] =	stream.strided.scatter [tilespmem:s9], [sflag:$0x4], $0x1000, s6, s5, $0x38;
	[tilespmem:$0xB900] =	vst v63  }
0x2d3: {  	_ =	swait.ge [sflag:s11], $0x1000  }
0x2d4: {  	[sflag:s11] =	ssyncset.done $0x0  }
0x2d5: {  	s20 =	rddreg [dreg:$0x16];
	[sflag:s11] =	ssyncadd.s32 $0xFFFFF000  }
0x2d6: {  	[hbm4b:s20+s5] =	stream.strided.scatter [tilespmem:s8], [sflag:$0x4], $0x1000, s6, s5, $0x38;
	[tilespmem:$0xB900] =	vst v63  }
0x2d7: {  	_ =	swait.ge [sflag:s7], $0x1000  }
0x2d8: {  	[sflag:s7] =	ssyncset.done $0x0  }
0x2d9: {  	[sflag:s7] =	ssyncadd.s32 $0xFFFFF000  }
0x2da: {  	_ =	swait.ge [sflag:s7], $0x1000  }
0x2db: {  	[sflag:s7] =	ssyncset.done $0x0  }
0x2dc: {  	[sflag:s7] =	ssyncadd.s32 $0xFFFFF000  }
0x2dd: {  	_ =	swait.ge [sflag:s7], $0x1000  }
0x2de: {  	[sflag:s7] =	ssyncset.done $0x0  }
0x2df: {  	[sflag:s7] =	ssyncadd.s32 $0xFFFFF000  }
0x2e0: {  	_ =	swait.ge [sflag:s7], $0x1000  }
0x2e1: {  	[sflag:s7] =	ssyncset.done $0x0  }
0x2e2: {  	[sflag:s7] =	ssyncadd.s32 $0xFFFFF000  }
0x2e3: {  	_ =	swait.ge [sflag:s7], $0x1000  }
0x2e4: {  	s0 =	sld [smem:$0x7E8]  }
0x2e5: {  	[sflag:s7] =	ssyncset.done $0x0  }
0x2e6: {  	s20 =	sld [smem:$0x7E9];
	[sflag:s7] =	ssyncadd.s32 $0xFFFFF000  }
0x2e7: {  	[tilespmem:s19], [sflag:$0x1] =	stream.indirect.gather [hbm4b:s2+s4], $0x20, s0, s4, $0xb8;
	[tilespmem:$0xB900] =	vst v63  }
0x2e8: {  	s0 =	sld [smem:$0x7EA]  }
0x2e9: {  	[tilespmem:s18], [sflag:$0x1] =	stream.indirect.gather [hbm4b:s2+s4], $0x20, s20, s4, $0xb8;
	[tilespmem:$0xB900] =	vst v63  }
0x2ea: {  	s20 =	sld [smem:$0x7EB]  }
0x2eb: {  	[tilespmem:s16], [sflag:$0x1] =	stream.indirect.gather [hbm4b:s2+s4], $0x20, s0, s4, $0xb8;
	[tilespmem:$0xB900] =	vst v63  }
0x2ec: {  	s0 =	sld [smem:$0x7EC]  }
0x2ed: {  	[tilespmem:s15], [sflag:$0x1] =	stream.indirect.gather [hbm4b:s2+s4], $0x20, s20, s4, $0xb8;
	[tilespmem:$0xB900] =	vst v63  }
0x2ee: {  	_ = 	snop  }
0x2ef: {  	[tilespmem:s14], [sflag:$0x1] =	stream.indirect.gather [hbm4b:s2+s4], $0x20, s0, s4, $0xb8;
	[tilespmem:$0xB900] =	vst v63  }
0x2f0: {  	_ =	swait.ge [sflag:s17], $0x1000  }
0x2f1: {  	[sflag:s17] =	ssyncset.done $0x0  }
0x2f2: {  	s20 =	rddreg [dreg:$0x17];
	[sflag:s17] =	ssyncadd.s32 $0xFFFFF000  }
0x2f3: {  	[hbm4b:s20+s5] =	stream.strided.scatter [tilespmem:s19], [sflag:$0x3], $0x1000, s6, s5, $0x38;
	[tilespmem:$0xB900] =	vst v63  }
0x2f4: {  	_ =	swait.ge [sflag:s17], $0x1000  }
0x2f5: {  	[sflag:s17] =	ssyncset.done $0x0  }
0x2f6: {  	s20 =	rddreg [dreg:$0x18];
	[sflag:s17] =	ssyncadd.s32 $0xFFFFF000  }
0x2f7: {  	[hbm4b:s20+s5] =	stream.strided.scatter [tilespmem:s18], [sflag:$0x3], $0x1000, s6, s5, $0x38;
	[tilespmem:$0xB900] =	vst v63  }
0x2f8: {  	_ =	swait.ge [sflag:s17], $0x1000  }
0x2f9: {  	[sflag:s17] =	ssyncset.done $0x0  }
0x2fa: {  	s20 =	rddreg [dreg:$0x19];
	[sflag:s17] =	ssyncadd.s32 $0xFFFFF000  }
0x2fb: {  	[hbm4b:s20+s5] =	stream.strided.scatter [tilespmem:s16], [sflag:$0x3], $0x1000, s6, s5, $0x38;
	[tilespmem:$0xB900] =	vst v63  }
0x2fc: {  	_ =	swait.ge [sflag:s17], $0x1000  }
0x2fd: {  	[sflag:s17] =	ssyncset.done $0x0  }
0x2fe: {  	s20 =	rddreg [dreg:$0x1a];
	[sflag:s17] =	ssyncadd.s32 $0xFFFFF000  }
0x2ff: {  	[hbm4b:s20+s5] =	stream.strided.scatter [tilespmem:s15], [sflag:$0x3], $0x1000, s6, s5, $0x38;
	[tilespmem:$0xB900] =	vst v63  }
0x300: {  	_ =	swait.ge [sflag:s17], $0x1000  }
0x301: {  	[sflag:s17] =	ssyncset.done $0x0  }
0x302: {  	s20 =	rddreg [dreg:$0x1b];
	[sflag:s17] =	ssyncadd.s32 $0xFFFFF000  }
0x303: {  	[hbm4b:s20+s5] =	stream.strided.scatter [tilespmem:s14], [sflag:$0x3], $0x1000, s6, s5, $0x38;
	[tilespmem:$0xB900] =	vst v63  }
0x304: {  	_ =	swait.ge [sflag:s3], $0x1000  }
0x305: {  	[sflag:s3] =	ssyncset.done $0x0  }
0x306: {  	[sflag:s3] =	ssyncadd.s32 $0xFFFFF000  }
0x307: {  	_ =	swait.ge [sflag:s3], $0x1000  }
0x308: {  	[sflag:s3] =	ssyncset.done $0x0  }
0x309: {  	[sflag:s3] =	ssyncadd.s32 $0xFFFFF000  }
0x30a: {  	_ =	swait.ge [sflag:s3], $0x1000  }
0x30b: {  	[sflag:s3] =	ssyncset.done $0x0  }
0x30c: {  	[sflag:s3] =	ssyncadd.s32 $0xFFFFF000  }
0x30d: {  	_ =	swait.ge [sflag:s3], $0x1000  }
0x30e: {  	[sflag:s3] =	ssyncset.done $0x0  }
0x30f: {  	[sflag:s3] =	ssyncadd.s32 $0xFFFFF000  }
0x310: {  	_ =	swait.ge [sflag:s3], $0x1000  }
0x311: {  	s0 =	sld [smem:$0x7ED]  }
0x312: {  	[sflag:s3] =	ssyncset.done $0x0  }
0x313: {  	s20 =	sld [smem:$0x7EE];
	[sflag:s3] =	ssyncadd.s32 $0xFFFFF000  }
0x314: {  	[tilespmem:s13], [sflag:$0x2] =	stream.indirect.gather [hbm4b:s2+s4], $0x20, s0, s4, $0xb8;
	[tilespmem:$0xB900] =	vst v63  }
0x315: {  	s0 =	sld [smem:$0x7EF]  }
0x316: {  	[tilespmem:s12], [sflag:$0x2] =	stream.indirect.gather [hbm4b:s2+s4], $0x20, s20, s4, $0xb8;
	[tilespmem:$0xB900] =	vst v63  }
0x317: {  	s20 =	sld [smem:$0x7F0]  }
0x318: {  	[tilespmem:s10], [sflag:$0x2] =	stream.indirect.gather [hbm4b:s2+s4], $0x20, s0, s4, $0xb8;
	[tilespmem:$0xB900] =	vst v63  }
0x319: {  	s0 =	sld [smem:$0x7F1]  }
0x31a: {  	[tilespmem:s9], [sflag:$0x2] =	stream.indirect.gather [hbm4b:s2+s4], $0x20, s20, s4, $0xb8;
	[tilespmem:$0xB900] =	vst v63  }
0x31b: {  	_ = 	snop  }
0x31c: {  	[tilespmem:s8], [sflag:$0x2] =	stream.indirect.gather [hbm4b:s2+s4], $0x20, s0, s4, $0xb8;
	[tilespmem:$0xB900] =	vst v63  }
0x31d: {  	_ =	swait.ge [sflag:s11], $0x1000  }
0x31e: {  	[sflag:s11] =	ssyncset.done $0x0  }
0x31f: {  	s20 =	rddreg [dreg:$0x1c];
	[sflag:s11] =	ssyncadd.s32 $0xFFFFF000  }
0x320: {  	[hbm4b:s20+s5] =	stream.strided.scatter [tilespmem:s13], [sflag:$0x4], $0x1000, s6, s5, $0x38;
	[tilespmem:$0xB900] =	vst v63  }
0x321: {  	_ =	swait.ge [sflag:s11], $0x1000  }
0x322: {  	[sflag:s11] =	ssyncset.done $0x0  }
0x323: {  	s20 =	rddreg [dreg:$0x1d];
	[sflag:s11] =	ssyncadd.s32 $0xFFFFF000  }
0x324: {  	[hbm4b:s20+s5] =	stream.strided.scatter [tilespmem:s12], [sflag:$0x4], $0x1000, s6, s5, $0x38;
	[tilespmem:$0xB900] =	vst v63  }
0x325: {  	_ =	swait.ge [sflag:s11], $0x1000  }
0x326: {  	[sflag:s11] =	ssyncset.done $0x0  }
0x327: {  	s20 =	rddreg [dreg:$0x1e];
	[sflag:s11] =	ssyncadd.s32 $0xFFFFF000  }
0x328: {  	[hbm4b:s20+s5] =	stream.strided.scatter [tilespmem:s10], [sflag:$0x4], $0x1000, s6, s5, $0x38;
	[tilespmem:$0xB900] =	vst v63  }
0x329: {  	_ =	swait.ge [sflag:s11], $0x1000  }
0x32a: {  	[sflag:s11] =	ssyncset.done $0x0  }
0x32b: {  	s20 =	rddreg [dreg:$0x1f];
	[sflag:s11] =	ssyncadd.s32 $0xFFFFF000  }
0x32c: {  	[hbm4b:s20+s5] =	stream.strided.scatter [tilespmem:s9], [sflag:$0x4], $0x1000, s6, s5, $0x38;
	[tilespmem:$0xB900] =	vst v63  }
0x32d: {  	_ =	swait.ge [sflag:s11], $0x1000  }
0x32e: {  	s20 =	sld [smem:$0x7C1]  }
0x32f: {  	[sflag:s11] =	ssyncset.done $0x0  }
0x330: {  	[sflag:s11] =	ssyncadd.s32 $0xFFFFF000  }
0x331: {  	[hbm4b:s20+s5] =	stream.strided.scatter [tilespmem:s8], [sflag:$0x4], $0x1000, s6, s5, $0x38;
	[tilespmem:$0xB900] =	vst v63  }
0x332: {  	_ =	swait.ge [sflag:s7], $0x1000  }
0x333: {  	[sflag:s7] =	ssyncset.done $0x0  }
0x334: {  	[sflag:s7] =	ssyncadd.s32 $0xFFFFF000  }
0x335: {  	_ =	swait.ge [sflag:s7], $0x1000  }
0x336: {  	[sflag:s7] =	ssyncset.done $0x0  }
0x337: {  	[sflag:s7] =	ssyncadd.s32 $0xFFFFF000  }
0x338: {  	_ =	swait.ge [sflag:s7], $0x1000  }
0x339: {  	[sflag:s7] =	ssyncset.done $0x0  }
0x33a: {  	[sflag:s7] =	ssyncadd.s32 $0xFFFFF000  }
0x33b: {  	_ =	swait.ge [sflag:s7], $0x1000  }
0x33c: {  	[sflag:s7] =	ssyncset.done $0x0  }
0x33d: {  	[sflag:s7] =	ssyncadd.s32 $0xFFFFF000  }
0x33e: {  	_ =	swait.ge [sflag:s7], $0x1000  }
0x33f: {  	s0 =	sld [smem:$0x7F2]  }
0x340: {  	[sflag:s7] =	ssyncset.done $0x0  }
0x341: {  	s20 =	sld [smem:$0x7F3];
	[sflag:s7] =	ssyncadd.s32 $0xFFFFF000  }
0x342: {  	[tilespmem:s19], [sflag:$0x1] =	stream.indirect.gather [hbm4b:s2+s4], $0x20, s0, s4, $0xb8;
	[tilespmem:$0xB900] =	vst v63  }
0x343: {  	_ = 	snop  }
0x344: {  	[tilespmem:s18], [sflag:$0x1] =	stream.indirect.gather [hbm4b:s2+s4], $0x20, s20, s4, $0xb8;
	[tilespmem:$0xB900] =	vst v63  }
0x345: {  	s0 =	sld [smem:$0x7F4]  }
0x346: {  	[tilespmem:s16], [sflag:$0x1] =	stream.indirect.gather [hbm4b:s2+s4], $0x20, s28, s4, $0xb8;
	[tilespmem:$0xB900] =	vst v63  }
0x347: {  	s20 =	sld [smem:$0x7F5]  }
0x348: {  	[tilespmem:s15], [sflag:$0x1] =	stream.indirect.gather [hbm4b:s2+s4], $0x20, s0, s4, $0xb8;
	[tilespmem:$0xB900] =	vst v63  }
0x349: {  	_ = 	snop  }
0x34a: {  	[tilespmem:s14], [sflag:$0x1] =	stream.indirect.gather [hbm4b:s2+s4], $0x20, s20, s4, $0xb8;
	[tilespmem:$0xB900] =	vst v63  }
0x34b: {  	_ =	swait.ge [sflag:s17], $0x1000  }
0x34c: {  	s20 =	sld [smem:$0x7C2]  }
0x34d: {  	[sflag:s17] =	ssyncset.done $0x0  }
0x34e: {  	[sflag:s17] =	ssyncadd.s32 $0xFFFFF000  }
0x34f: {  	[hbm4b:s20+s5] =	stream.strided.scatter [tilespmem:s19], [sflag:$0x3], $0x1000, s6, s5, $0x38;
	[tilespmem:$0xB900] =	vst v63  }
0x350: {  	_ =	swait.ge [sflag:s17], $0x1000  }
0x351: {  	s20 =	sld [smem:$0x7C3]  }
0x352: {  	[sflag:s17] =	ssyncset.done $0x0  }
0x353: {  	[sflag:s17] =	ssyncadd.s32 $0xFFFFF000  }
0x354: {  	[hbm4b:s20+s5] =	stream.strided.scatter [tilespmem:s18], [sflag:$0x3], $0x1000, s6, s5, $0x38;
	[tilespmem:$0xB900] =	vst v63  }
0x355: {  	_ =	swait.ge [sflag:s17], $0x1000  }
0x356: {  	s20 =	sld [smem:$0x7C4]  }
0x357: {  	[sflag:s17] =	ssyncset.done $0x0  }
0x358: {  	[sflag:s17] =	ssyncadd.s32 $0xFFFFF000  }
0x359: {  	[hbm4b:s20+s5] =	stream.strided.scatter [tilespmem:s16], [sflag:$0x3], $0x1000, s6, s5, $0x38;
	[tilespmem:$0xB900] =	vst v63  }
0x35a: {  	_ =	swait.ge [sflag:s17], $0x1000  }
0x35b: {  	s20 =	sld [smem:$0x7C5]  }
0x35c: {  	[sflag:s17] =	ssyncset.done $0x0  }
0x35d: {  	[sflag:s17] =	ssyncadd.s32 $0xFFFFF000  }
0x35e: {  	[hbm4b:s20+s5] =	stream.strided.scatter [tilespmem:s15], [sflag:$0x3], $0x1000, s6, s5, $0x38;
	[tilespmem:$0xB900] =	vst v63  }
0x35f: {  	_ =	swait.ge [sflag:s17], $0x1000  }
0x360: {  	s20 =	sld [smem:$0x7C6]  }
0x361: {  	[sflag:s17] =	ssyncset.done $0x0  }
0x362: {  	[sflag:s17] =	ssyncadd.s32 $0xFFFFF000  }
0x363: {  	[hbm4b:s20+s5] =	stream.strided.scatter [tilespmem:s14], [sflag:$0x3], $0x1000, s6, s5, $0x38;
	[tilespmem:$0xB900] =	vst v63  }
0x364: {  	_ =	swait.ge [sflag:s3], $0x1000  }
0x365: {  	[sflag:s3] =	ssyncset.done $0x0  }
0x366: {  	[sflag:s3] =	ssyncadd.s32 $0xFFFFF000  }
0x367: {  	_ =	swait.ge [sflag:s3], $0x1000  }
0x368: {  	[sflag:s3] =	ssyncset.done $0x0  }
0x369: {  	[sflag:s3] =	ssyncadd.s32 $0xFFFFF000  }
0x36a: {  	_ =	swait.ge [sflag:s3], $0x1000  }
0x36b: {  	[sflag:s3] =	ssyncset.done $0x0  }
0x36c: {  	[sflag:s3] =	ssyncadd.s32 $0xFFFFF000  }
0x36d: {  	_ =	swait.ge [sflag:s3], $0x1000  }
0x36e: {  	[sflag:s3] =	ssyncset.done $0x0  }
0x36f: {  	[sflag:s3] =	ssyncadd.s32 $0xFFFFF000  }
0x370: {  	_ =	swait.ge [sflag:s3], $0x1000  }
0x371: {  	s0 =	sld [smem:$0x7F6]  }
0x372: {  	[sflag:s3] =	ssyncset.done $0x0  }
0x373: {  	s20 =	sld [smem:$0x7F7];
	[sflag:s3] =	ssyncadd.s32 $0xFFFFF000  }
0x374: {  	[tilespmem:s13], [sflag:$0x2] =	stream.indirect.gather [hbm4b:s2+s4], $0x20, s0, s4, $0xb8;
	[tilespmem:$0xB900] =	vst v63  }
0x375: {  	s0 =	sld [smem:$0x7F8]  }
0x376: {  	[tilespmem:s12], [sflag:$0x2] =	stream.indirect.gather [hbm4b:s2+s4], $0x20, s20, s4, $0xb8;
	[tilespmem:$0xB900] =	vst v63  }
0x377: {  	s20 =	sld [smem:$0x7F9]  }
0x378: {  	[tilespmem:s10], [sflag:$0x2] =	stream.indirect.gather [hbm4b:s2+s4], $0x20, s0, s4, $0xb8;
	[tilespmem:$0xB900] =	vst v63  }
0x379: {  	s0 =	sld [smem:$0x7FA]  }
0x37a: {  	[tilespmem:s9], [sflag:$0x2] =	stream.indirect.gather [hbm4b:s2+s4], $0x20, s20, s4, $0xb8;
	[tilespmem:$0xB900] =	vst v63  }
0x37b: {  	_ = 	snop  }
0x37c: {  	[tilespmem:s8], [sflag:$0x2] =	stream.indirect.gather [hbm4b:s2+s4], $0x20, s0, s4, $0xb8;
	[tilespmem:$0xB900] =	vst v63  }
0x37d: {  	_ =	swait.ge [sflag:s11], $0x1000  }
0x37e: {  	s20 =	sld [smem:$0x7C7]  }
0x37f: {  	[sflag:s11] =	ssyncset.done $0x0  }
0x380: {  	[sflag:s11] =	ssyncadd.s32 $0xFFFFF000  }
0x381: {  	[hbm4b:s20+s5] =	stream.strided.scatter [tilespmem:s13], [sflag:$0x4], $0x1000, s6, s5, $0x38;
	[tilespmem:$0xB900] =	vst v63  }
0x382: {  	_ =	swait.ge [sflag:s11], $0x1000  }
0x383: {  	s20 =	sld [smem:$0x7C8]  }
0x384: {  	[sflag:s11] =	ssyncset.done $0x0  }
0x385: {  	[sflag:s11] =	ssyncadd.s32 $0xFFFFF000  }
0x386: {  	[hbm4b:s20+s5] =	stream.strided.scatter [tilespmem:s12], [sflag:$0x4], $0x1000, s6, s5, $0x38;
	[tilespmem:$0xB900] =	vst v63  }
0x387: {  	_ =	swait.ge [sflag:s11], $0x1000  }
0x388: {  	s20 =	sld [smem:$0x7C9]  }
0x389: {  	[sflag:s11] =	ssyncset.done $0x0  }
0x38a: {  	[sflag:s11] =	ssyncadd.s32 $0xFFFFF000  }
0x38b: {  	[hbm4b:s20+s5] =	stream.strided.scatter [tilespmem:s10], [sflag:$0x4], $0x1000, s6, s5, $0x38;
	[tilespmem:$0xB900] =	vst v63  }
0x38c: {  	_ =	swait.ge [sflag:s11], $0x1000  }
0x38d: {  	s20 =	sld [smem:$0x7CA]  }
0x38e: {  	[sflag:s11] =	ssyncset.done $0x0  }
0x38f: {  	[sflag:s11] =	ssyncadd.s32 $0xFFFFF000  }
0x390: {  	[hbm4b:s20+s5] =	stream.strided.scatter [tilespmem:s9], [sflag:$0x4], $0x1000, s6, s5, $0x38;
	[tilespmem:$0xB900] =	vst v63  }
0x391: {  	_ =	swait.ge [sflag:s11], $0x1000  }
0x392: {  	s20 =	sld [smem:$0x7CB]  }
0x393: {  	[sflag:s11] =	ssyncset.done $0x0  }
0x394: {  	[sflag:s11] =	ssyncadd.s32 $0xFFFFF000  }
0x395: {  	[hbm4b:s20+s5] =	stream.strided.scatter [tilespmem:s8], [sflag:$0x4], $0x1000, s6, s5, $0x38;
	[tilespmem:$0xB900] =	vst v63  }
0x396: {  	_ =	swait.ge [sflag:s7], $0x1000  }
0x397: {  	[sflag:s7] =	ssyncset.done $0x0  }
0x398: {  	[sflag:s7] =	ssyncadd.s32 $0xFFFFF000  }
0x399: {  	_ =	swait.ge [sflag:s7], $0x1000  }
0x39a: {  	[sflag:s7] =	ssyncset.done $0x0  }
0x39b: {  	[sflag:s7] =	ssyncadd.s32 $0xFFFFF000  }
0x39c: {  	_ =	swait.ge [sflag:s7], $0x1000  }
0x39d: {  	[sflag:s7] =	ssyncset.done $0x0  }
0x39e: {  	[sflag:s7] =	ssyncadd.s32 $0xFFFFF000  }
0x39f: {  	_ =	swait.ge [sflag:s7], $0x1000  }
0x3a0: {  	[sflag:s7] =	ssyncset.done $0x0  }
0x3a1: {  	[sflag:s7] =	ssyncadd.s32 $0xFFFFF000  }
0x3a2: {  	_ =	swait.ge [sflag:s7], $0x1000  }
0x3a3: {  	s0 =	sld [smem:$0x7FB]  }
0x3a4: {  	[sflag:s7] =	ssyncset.done $0x0  }
0x3a5: {  	s20 =	sld [smem:$0x7FC];
	[sflag:s7] =	ssyncadd.s32 $0xFFFFF000  }
0x3a6: {  	[tilespmem:s19], [sflag:$0x1] =	stream.indirect.gather [hbm4b:s2+s4], $0x20, s0, s4, $0xb8;
	[tilespmem:$0xB900] =	vst v63  }
0x3a7: {  	s0 =	sld [smem:$0x7FD]  }
0x3a8: {  	[tilespmem:s18], [sflag:$0x1] =	stream.indirect.gather [hbm4b:s2+s4], $0x20, s20, s4, $0xb8;
	[tilespmem:$0xB900] =	vst v63  }
0x3a9: {  	_ = 	snop  }
0x3aa: {  	[tilespmem:s16], [sflag:$0x1] =	stream.indirect.gather [hbm4b:s2+s4], $0x20, s0, s4, $0xb8;
	[tilespmem:$0xB900] =	vst v63  }
0x3ab: {  	s20 =	simm.s32 $0x1580  }
0x3ac: {  	[tilespmem:s15], [sflag:$0x1] =	stream.indirect.gather [hbm4b:s2+s4], $0x20, s20, s4, $0xb8;
	[tilespmem:$0xB900] =	vst v63  }
0x3ad: {  	_ = 	snop  }
0x3ae: {  	[tilespmem:s14], [sflag:$0x1] =	stream.indirect.gather [hbm4b:s2+s4], $0x20, s26, s4, $0xb8;
	[tilespmem:$0xB900] =	vst v63  }
0x3af: {  	_ =	swait.ge [sflag:s17], $0x1000  }
0x3b0: {  	s20 =	sld [smem:$0x7CC]  }
0x3b1: {  	[sflag:s17] =	ssyncset.done $0x0  }
0x3b2: {  	[sflag:s17] =	ssyncadd.s32 $0xFFFFF000  }
0x3b3: {  	[hbm4b:s20+s5] =	stream.strided.scatter [tilespmem:s19], [sflag:$0x3], $0x1000, s6, s5, $0x38;
	[tilespmem:$0xB900] =	vst v63  }
0x3b4: {  	_ =	swait.ge [sflag:s17], $0x1000  }
0x3b5: {  	s20 =	sld [smem:$0x7CD]  }
0x3b6: {  	[sflag:s17] =	ssyncset.done $0x0  }
0x3b7: {  	[sflag:s17] =	ssyncadd.s32 $0xFFFFF000  }
0x3b8: {  	[hbm4b:s20+s5] =	stream.strided.scatter [tilespmem:s18], [sflag:$0x3], $0x1000, s6, s5, $0x38;
	[tilespmem:$0xB900] =	vst v63  }
0x3b9: {  	_ =	swait.ge [sflag:s17], $0x1000  }
0x3ba: {  	s20 =	sld [smem:$0x7CE]  }
0x3bb: {  	[sflag:s17] =	ssyncset.done $0x0  }
0x3bc: {  	[sflag:s17] =	ssyncadd.s32 $0xFFFFF000  }
0x3bd: {  	[hbm4b:s20+s5] =	stream.strided.scatter [tilespmem:s16], [sflag:$0x3], $0x1000, s6, s5, $0x38;
	[tilespmem:$0xB900] =	vst v63  }
0x3be: {  	_ =	swait.ge [sflag:s17], $0x1000  }
0x3bf: {  	s20 =	sld [smem:$0x7CF]  }
0x3c0: {  	[sflag:s17] =	ssyncset.done $0x0  }
0x3c1: {  	[sflag:s17] =	ssyncadd.s32 $0xFFFFF000  }
0x3c2: {  	[hbm4b:s20+s5] =	stream.strided.scatter [tilespmem:s15], [sflag:$0x3], $0x1000, s6, s5, $0x38;
	[tilespmem:$0xB900] =	vst v63  }
0x3c3: {  	_ =	swait.ge [sflag:s17], $0x1000  }
0x3c4: {  	s20 =	sld [smem:$0x7D0]  }
0x3c5: {  	[sflag:s17] =	ssyncset.done $0x0  }
0x3c6: {  	[sflag:s17] =	ssyncadd.s32 $0xFFFFF000  }
0x3c7: {  	[hbm4b:s20+s5] =	stream.strided.scatter [tilespmem:s14], [sflag:$0x3], $0x1000, s6, s5, $0x38;
	[tilespmem:$0xB900] =	vst v63  }
0x3c8: {  	_ =	swait.ge [sflag:s3], $0x1000  }
0x3c9: {  	[sflag:s3] =	ssyncset.done $0x0  }
0x3ca: {  	[sflag:s3] =	ssyncadd.s32 $0xFFFFF000  }
0x3cb: {  	_ =	swait.ge [sflag:s3], $0x1000  }
0x3cc: {  	[sflag:s3] =	ssyncset.done $0x0  }
0x3cd: {  	[sflag:s3] =	ssyncadd.s32 $0xFFFFF000  }
0x3ce: {  	_ =	swait.ge [sflag:s3], $0x1000  }
0x3cf: {  	[sflag:s3] =	ssyncset.done $0x0  }
0x3d0: {  	[sflag:s3] =	ssyncadd.s32 $0xFFFFF000  }
0x3d1: {  	_ =	swait.ge [sflag:s3], $0x1000  }
0x3d2: {  	[sflag:s3] =	ssyncset.done $0x0  }
0x3d3: {  	[sflag:s3] =	ssyncadd.s32 $0xFFFFF000  }
0x3d4: {  	_ =	swait.ge [sflag:s3], $0x1000  }
0x3d5: {  	[sflag:s3] =	ssyncset.done $0x0  }
0x3d6: {  	[sflag:s3] =	ssyncadd.s32 $0xFFFFF000  }
0x3d7: {  	[tilespmem:s13], [sflag:$0x2] =	stream.indirect.gather [hbm4b:s2+s4], $0x20, s21, s4, $0xb8;
	[tilespmem:$0xB900] =	vst v63  }
0x3d8: {  	_ = 	snop  }
0x3d9: {  	[tilespmem:s12], [sflag:$0x2] =	stream.indirect.gather [hbm4b:s2+s4], $0x20, s22, s4, $0xb8;
	[tilespmem:$0xB900] =	vst v63  }
0x3da: {  	_ = 	snop  }
0x3db: {  	[tilespmem:s10], [sflag:$0x2] =	stream.indirect.gather [hbm4b:s2+s4], $0x20, s23, s4, $0xb8;
	[tilespmem:$0xB900] =	vst v63  }
0x3dc: {  	_ = 	snop  }
0x3dd: {  	[tilespmem:s9], [sflag:$0x2] =	stream.indirect.gather [hbm4b:s2+s4], $0x20, s24, s4, $0xb8;
	[tilespmem:$0xB900] =	vst v63  }
0x3de: {  	_ = 	snop  }
0x3df: {  	[tilespmem:s8], [sflag:$0x2] =	stream.indirect.gather [hbm4b:s2+s4], $0x20, s25, s4, $0xb8;
	[tilespmem:$0xB900] =	vst v63  }
0x3e0: {  	_ =	swait.ge [sflag:s11], $0x1000  }
0x3e1: {  	s20 =	sld [smem:$0x7D1]  }
0x3e2: {  	[sflag:s11] =	ssyncset.done $0x0  }
0x3e3: {  	[sflag:s11] =	ssyncadd.s32 $0xFFFFF000  }
0x3e4: {  	[hbm4b:s20+s5] =	stream.strided.scatter [tilespmem:s13], [sflag:$0x4], $0x1000, s6, s5, $0x38;
	[tilespmem:$0xB900] =	vst v63  }
0x3e5: {  	_ =	swait.ge [sflag:s11], $0x1000  }
0x3e6: {  	s20 =	sld [smem:$0x7D2]  }
0x3e7: {  	[sflag:s11] =	ssyncset.done $0x0  }
0x3e8: {  	[sflag:s11] =	ssyncadd.s32 $0xFFFFF000  }
0x3e9: {  	[hbm4b:s20+s5] =	stream.strided.scatter [tilespmem:s12], [sflag:$0x4], $0x1000, s6, s5, $0x38;
	[tilespmem:$0xB900] =	vst v63  }
0x3ea: {  	_ =	swait.ge [sflag:s11], $0x1000  }
0x3eb: {  	s20 =	sld [smem:$0x7D3]  }
0x3ec: {  	[sflag:s11] =	ssyncset.done $0x0  }
0x3ed: {  	[sflag:s11] =	ssyncadd.s32 $0xFFFFF000  }
0x3ee: {  	[hbm4b:s20+s5] =	stream.strided.scatter [tilespmem:s10], [sflag:$0x4], $0x1000, s6, s5, $0x38;
	[tilespmem:$0xB900] =	vst v63  }
0x3ef: {  	_ =	swait.ge [sflag:s11], $0x1000  }
0x3f0: {  	s20 =	sld [smem:$0x7D4]  }
0x3f1: {  	[sflag:s11] =	ssyncset.done $0x0  }
0x3f2: {  	[sflag:s11] =	ssyncadd.s32 $0xFFFFF000  }
0x3f3: {  	[hbm4b:s20+s5] =	stream.strided.scatter [tilespmem:s9], [sflag:$0x4], $0x1000, s6, s5, $0x38;
	[tilespmem:$0xB900] =	vst v63  }
0x3f4: {  	_ =	swait.ge [sflag:s11], $0x1000  }
0x3f5: {  	s20 =	sld [smem:$0x7D5]  }
0x3f6: {  	[sflag:s11] =	ssyncset.done $0x0  }
0x3f7: {  	[sflag:s11] =	ssyncadd.s32 $0xFFFFF000  }
0x3f8: {  	[hbm4b:s20+s5] =	stream.strided.scatter [tilespmem:s8], [sflag:$0x4], $0x1000, s6, s5, $0x38;
	[tilespmem:$0xB900] =	vst v63  }
0x3f9: {  	_ =	swait.ge [sflag:s7], $0x1000  }
0x3fa: {  	[sflag:s7] =	ssyncset.done $0x0  }
0x3fb: {  	[sflag:s7] =	ssyncadd.s32 $0xFFFFF000  }
0x3fc: {  	_ =	swait.ge [sflag:s7], $0x1000  }
0x3fd: {  	[sflag:s7] =	ssyncset.done $0x0  }
0x3fe: {  	[sflag:s7] =	ssyncadd.s32 $0xFFFFF000  }
0x3ff: {  	_ =	swait.ge [sflag:s7], $0x1000  }
0x400: {  	[sflag:s7] =	ssyncset.done $0x0  }
0x401: {  	[sflag:s7] =	ssyncadd.s32 $0xFFFFF000  }
0x402: {  	_ =	swait.ge [sflag:s7], $0x1000  }
0x403: {  	[sflag:s7] =	ssyncset.done $0x0  }
0x404: {  	[sflag:s7] =	ssyncadd.s32 $0xFFFFF000  }
0x405: {  	_ =	swait.ge [sflag:s7], $0x1000  }
0x406: {  	[sflag:s7] =	ssyncset.done $0x0  }
0x407: {  	[sflag:s7] =	ssyncadd.s32 $0xFFFFF000  }
0x408: {  	_ =	swait.ge [sflag:s3], $0x1000  }
0x409: {  	[sflag:s3] =	ssyncset.done $0x0  }
0x40a: {  	[sflag:s3] =	ssyncadd.s32 $0xFFFFF000  }
0x40b: {  	_ =	swait.ge [sflag:s3], $0x1000  }
0x40c: {  	[sflag:s3] =	ssyncset.done $0x0  }
0x40d: {  	[sflag:s3] =	ssyncadd.s32 $0xFFFFF000  }
0x40e: {  	_ =	swait.ge [sflag:s3], $0x1000  }
0x40f: {  	[sflag:s3] =	ssyncset.done $0x0  }
0x410: {  	p1 =	sne.s32 s1, $0x1;
	[sflag:s3] =	ssyncadd.s32 $0xFFFFF000  }
.Ltmp2:
0x411: {  	_ =	swait.ge [sflag:s3], $0x1000;
	(pc) =	sbr.rel @p1 .LBB2_4-.Ltmp2, $4  }
0x412: {  	[sflag:s3] =	ssyncset.done $0x0  }
0x413: {  	[sflag:s3] =	ssyncadd.s32 $0xFFFFF000  }
0x414: {  	_ =	swait.ge [sflag:s3], $0x1000  }
0x415: {  	s1 =	sadd.s32 $0xFFFFFFFF, s1;
	s0 =	rddreg [dreg:$0x3];
	[sflag:s3] =	ssyncset.done $0x0  }
0x416: {  	s25 =	simm.s32 $0x1600  }
0x417: {  	s26 =	simm.s32 $0x1580;
	s24 =	simm.s32 $0x1800;
	s23 =	simm.s32 $0x1780  }
0x418: {  	s22 =	simm.s32 $0x1700;
	s21 =	simm.s32 $0x1680;
	s20 =	stileid.u32  }
.LBB2_6:
0x419: {  	[sflag:s3] =	ssyncadd.s32 @p0 $0xFFFFF000  }
0x41a: {  	[tilespmem:s30], [sflag:$0x5] =	stream.strided.gather [hbm4b:s0+s4], $0x1900, s28, s4, $0x38;
	[tilespmem:$0xB900] =	vst v63  }
0x41b: {  	_ =	swait.ge [sflag:s31], $0x1900  }
0x41c: {  	[sflag:s31] =	ssyncset.done $0x0  }
0x41d: {  	[sflag:s31] =	ssyncadd.s32 $0xFFFFE700  }
0x41e: {  	[tilespmem:s19], [sflag:$0x1] =	stream.indirect.gather [hbm4b:s2+s4], $0x20, s30, s4, $0xb8;
	[tilespmem:$0xB900] =	vst v63  }
0x41f: {  	s30 =	sld [smem:$0x7D6]  }
0x420: {  	[tilespmem:s18], [sflag:$0x1] =	stream.indirect.gather [hbm4b:s2+s4], $0x20, s4, s4, $0xb8;
	[tilespmem:$0xB900] =	vst v63  }
0x421: {  	s1 =	sld [smem:$0x7D7]  }
0x422: {  	[tilespmem:s16], [sflag:$0x1] =	stream.indirect.gather [hbm4b:s2+s4], $0x20, s30, s4, $0xb8;
	[tilespmem:$0xB900] =	vst v63  }
0x423: {  	s31 =	sld [smem:$0x7D8]  }
0x424: {  	[tilespmem:s15], [sflag:$0x1] =	stream.indirect.gather [hbm4b:s2+s4], $0x20, s1, s4, $0xb8;
	[tilespmem:$0xB900] =	vst v63  }
0x425: {  	_ = 	snop  }
0x426: {  	[tilespmem:s14], [sflag:$0x1] =	stream.indirect.gather [hbm4b:s2+s4], $0x20, s31, s4, $0xb8;
	[tilespmem:$0xB900] =	vst v63  }
0x427: {  	_ =	swait.ge [sflag:s17], $0x1000  }
0x428: {  	[sflag:s17] =	ssyncset.done $0x0  }
0x429: {  	[sflag:s17] =	ssyncadd.s32 $0xFFFFF000  }
0x42a: {  	[hbm4b:s29+s5] =	stream.strided.scatter [tilespmem:s19], [sflag:$0x3], $0x1000, s6, s5, $0x38;
	[tilespmem:$0xB900] =	vst v63  }
0x42b: {  	_ =	swait.ge [sflag:s17], $0x1000  }
0x42c: {  	[sflag:s17] =	ssyncset.done $0x0  }
0x42d: {  	s30 =	rddreg [dreg:$0x4];
	[sflag:s17] =	ssyncadd.s32 $0xFFFFF000  }
0x42e: {  	[hbm4b:s30+s5] =	stream.strided.scatter [tilespmem:s18], [sflag:$0x3], $0x1000, s6, s5, $0x38;
	[tilespmem:$0xB900] =	vst v63  }
0x42f: {  	_ =	swait.ge [sflag:s17], $0x1000  }
0x430: {  	[sflag:s17] =	ssyncset.done $0x0  }
0x431: {  	s31 =	rddreg [dreg:$0x5];
	[sflag:s17] =	ssyncadd.s32 $0xFFFFF000  }
0x432: {  	[hbm4b:s31+s5] =	stream.strided.scatter [tilespmem:s16], [sflag:$0x3], $0x1000, s6, s5, $0x38;
	[tilespmem:$0xB900] =	vst v63  }
0x433: {  	_ =	swait.ge [sflag:s17], $0x1000  }
0x434: {  	[sflag:s17] =	ssyncset.done $0x0  }
0x435: {  	s1 =	rddreg [dreg:$0x6];
	[sflag:s17] =	ssyncadd.s32 $0xFFFFF000  }
0x436: {  	[hbm4b:s1+s5] =	stream.strided.scatter [tilespmem:s15], [sflag:$0x3], $0x1000, s6, s5, $0x38;
	[tilespmem:$0xB900] =	vst v63  }
0x437: {  	_ =	swait.ge [sflag:s17], $0x1000  }
0x438: {  	s29 =	rddreg [dreg:$0x7];
	[sflag:s17] =	ssyncset.done $0x0  }
0x439: {  	s30 =	sld [smem:$0x7D9];
	[sflag:s17] =	ssyncadd.s32 $0xFFFFF000  }
0x43a: {  	[hbm4b:s29+s5] =	stream.strided.scatter [tilespmem:s14], [sflag:$0x3], $0x1000, s6, s5, $0x38;
	[tilespmem:$0xB900] =	vst v63  }
0x43b: {  	s31 =	sld [smem:$0x7DA]  }
0x43c: {  	[tilespmem:s13], [sflag:$0x2] =	stream.indirect.gather [hbm4b:s2+s4], $0x20, s30, s4, $0xb8;
	[tilespmem:$0xB900] =	vst v63  }
0x43d: {  	s29 =	sld [smem:$0x7DB]  }
0x43e: {  	[tilespmem:s12], [sflag:$0x2] =	stream.indirect.gather [hbm4b:s2+s4], $0x20, s31, s4, $0xb8;
	[tilespmem:$0xB900] =	vst v63  }
0x43f: {  	s30 =	sld [smem:$0x7DC]  }
0x440: {  	[tilespmem:s10], [sflag:$0x2] =	stream.indirect.gather [hbm4b:s2+s4], $0x20, s29, s4, $0xb8;
	[tilespmem:$0xB900] =	vst v63  }
0x441: {  	s31 =	sld [smem:$0x7DD]  }
0x442: {  	[tilespmem:s9], [sflag:$0x2] =	stream.indirect.gather [hbm4b:s2+s4], $0x20, s30, s4, $0xb8;
	[tilespmem:$0xB900] =	vst v63  }
0x443: {  	_ = 	snop  }
0x444: {  	[tilespmem:s8], [sflag:$0x2] =	stream.indirect.gather [hbm4b:s2+s4], $0x20, s31, s4, $0xb8;
	[tilespmem:$0xB900] =	vst v63  }
0x445: {  	_ =	swait.ge [sflag:s11], $0x1000  }
0x446: {  	[sflag:s11] =	ssyncset.done $0x0  }
0x447: {  	s29 =	rddreg [dreg:$0x8];
	[sflag:s11] =	ssyncadd.s32 $0xFFFFF000  }
0x448: {  	[hbm4b:s29+s5] =	stream.strided.scatter [tilespmem:s13], [sflag:$0x4], $0x1000, s6, s5, $0x38;
	[tilespmem:$0xB900] =	vst v63  }
0x449: {  	_ =	swait.ge [sflag:s11], $0x1000  }
0x44a: {  	[sflag:s11] =	ssyncset.done $0x0  }
0x44b: {  	s30 =	rddreg [dreg:$0x9];
	[sflag:s11] =	ssyncadd.s32 $0xFFFFF000  }
0x44c: {  	[hbm4b:s30+s5] =	stream.strided.scatter [tilespmem:s12], [sflag:$0x4], $0x1000, s6, s5, $0x38;
	[tilespmem:$0xB900] =	vst v63  }
0x44d: {  	_ =	swait.ge [sflag:s11], $0x1000  }
0x44e: {  	[sflag:s11] =	ssyncset.done $0x0  }
0x44f: {  	s31 =	rddreg [dreg:$0xa];
	[sflag:s11] =	ssyncadd.s32 $0xFFFFF000  }
0x450: {  	[hbm4b:s31+s5] =	stream.strided.scatter [tilespmem:s10], [sflag:$0x4], $0x1000, s6, s5, $0x38;
	[tilespmem:$0xB900] =	vst v63  }
0x451: {  	_ =	swait.ge [sflag:s11], $0x1000  }
0x452: {  	[sflag:s11] =	ssyncset.done $0x0  }
0x453: {  	s1 =	rddreg [dreg:$0xb];
	[sflag:s11] =	ssyncadd.s32 $0xFFFFF000  }
0x454: {  	[hbm4b:s1+s5] =	stream.strided.scatter [tilespmem:s9], [sflag:$0x4], $0x1000, s6, s5, $0x38;
	[tilespmem:$0xB900] =	vst v63  }
0x455: {  	_ =	swait.ge [sflag:s11], $0x1000  }
0x456: {  	[sflag:s11] =	ssyncset.done $0x0  }
0x457: {  	s29 =	rddreg [dreg:$0xc];
	[sflag:s11] =	ssyncadd.s32 $0xFFFFF000  }
0x458: {  	[hbm4b:s29+s5] =	stream.strided.scatter [tilespmem:s8], [sflag:$0x4], $0x1000, s6, s5, $0x38;
	[tilespmem:$0xB900] =	vst v63  }
0x459: {  	_ =	swait.ge [sflag:s7], $0x1000  }
0x45a: {  	[sflag:s7] =	ssyncset.done $0x0  }
0x45b: {  	[sflag:s7] =	ssyncadd.s32 $0xFFFFF000  }
0x45c: {  	_ =	swait.ge [sflag:s7], $0x1000  }
0x45d: {  	[sflag:s7] =	ssyncset.done $0x0  }
0x45e: {  	[sflag:s7] =	ssyncadd.s32 $0xFFFFF000  }
0x45f: {  	_ =	swait.ge [sflag:s7], $0x1000  }
0x460: {  	[sflag:s7] =	ssyncset.done $0x0  }
0x461: {  	[sflag:s7] =	ssyncadd.s32 $0xFFFFF000  }
0x462: {  	_ =	swait.ge [sflag:s7], $0x1000  }
0x463: {  	[sflag:s7] =	ssyncset.done $0x0  }
0x464: {  	[sflag:s7] =	ssyncadd.s32 $0xFFFFF000  }
0x465: {  	_ =	swait.ge [sflag:s7], $0x1000  }
0x466: {  	s30 =	sld [smem:$0x7DE]  }
0x467: {  	[sflag:s7] =	ssyncset.done $0x0  }
0x468: {  	s31 =	sld [smem:$0x7DF];
	[sflag:s7] =	ssyncadd.s32 $0xFFFFF000  }
0x469: {  	[tilespmem:s19], [sflag:$0x1] =	stream.indirect.gather [hbm4b:s2+s4], $0x20, s30, s4, $0xb8;
	[tilespmem:$0xB900] =	vst v63  }
0x46a: {  	s29 =	sld [smem:$0x7E0]  }
0x46b: {  	[tilespmem:s18], [sflag:$0x1] =	stream.indirect.gather [hbm4b:s2+s4], $0x20, s31, s4, $0xb8;
	[tilespmem:$0xB900] =	vst v63  }
0x46c: {  	s30 =	sld [smem:$0x7E1]  }
0x46d: {  	[tilespmem:s16], [sflag:$0x1] =	stream.indirect.gather [hbm4b:s2+s4], $0x20, s29, s4, $0xb8;
	[tilespmem:$0xB900] =	vst v63  }
0x46e: {  	s31 =	sld [smem:$0x7E2]  }
0x46f: {  	[tilespmem:s15], [sflag:$0x1] =	stream.indirect.gather [hbm4b:s2+s4], $0x20, s30, s4, $0xb8;
	[tilespmem:$0xB900] =	vst v63  }
0x470: {  	_ = 	snop  }
0x471: {  	[tilespmem:s14], [sflag:$0x1] =	stream.indirect.gather [hbm4b:s2+s4], $0x20, s31, s4, $0xb8;
	[tilespmem:$0xB900] =	vst v63  }
0x472: {  	_ =	swait.ge [sflag:s17], $0x1000  }
0x473: {  	[sflag:s17] =	ssyncset.done $0x0  }
0x474: {  	s29 =	rddreg [dreg:$0xd];
	[sflag:s17] =	ssyncadd.s32 $0xFFFFF000  }
0x475: {  	[hbm4b:s29+s5] =	stream.strided.scatter [tilespmem:s19], [sflag:$0x3], $0x1000, s6, s5, $0x38;
	[tilespmem:$0xB900] =	vst v63  }
0x476: {  	_ =	swait.ge [sflag:s17], $0x1000  }
0x477: {  	[sflag:s17] =	ssyncset.done $0x0  }
0x478: {  	s30 =	rddreg [dreg:$0xe];
	[sflag:s17] =	ssyncadd.s32 $0xFFFFF000  }
0x479: {  	[hbm4b:s30+s5] =	stream.strided.scatter [tilespmem:s18], [sflag:$0x3], $0x1000, s6, s5, $0x38;
	[tilespmem:$0xB900] =	vst v63  }
0x47a: {  	_ =	swait.ge [sflag:s17], $0x1000  }
0x47b: {  	[sflag:s17] =	ssyncset.done $0x0  }
0x47c: {  	s31 =	rddreg [dreg:$0xf];
	[sflag:s17] =	ssyncadd.s32 $0xFFFFF000  }
0x47d: {  	[hbm4b:s31+s5] =	stream.strided.scatter [tilespmem:s16], [sflag:$0x3], $0x1000, s6, s5, $0x38;
	[tilespmem:$0xB900] =	vst v63  }
0x47e: {  	_ =	swait.ge [sflag:s17], $0x1000  }
0x47f: {  	[sflag:s17] =	ssyncset.done $0x0  }
0x480: {  	s1 =	rddreg [dreg:$0x10];
	[sflag:s17] =	ssyncadd.s32 $0xFFFFF000  }
0x481: {  	[hbm4b:s1+s5] =	stream.strided.scatter [tilespmem:s15], [sflag:$0x3], $0x1000, s6, s5, $0x38;
	[tilespmem:$0xB900] =	vst v63  }
0x482: {  	_ =	swait.ge [sflag:s17], $0x1000  }
0x483: {  	[sflag:s17] =	ssyncset.done $0x0  }
0x484: {  	s29 =	rddreg [dreg:$0x11];
	[sflag:s17] =	ssyncadd.s32 $0xFFFFF000  }
0x485: {  	[hbm4b:s29+s5] =	stream.strided.scatter [tilespmem:s14], [sflag:$0x3], $0x1000, s6, s5, $0x38;
	[tilespmem:$0xB900] =	vst v63  }
0x486: {  	_ =	swait.ge [sflag:s3], $0x1000  }
0x487: {  	[sflag:s3] =	ssyncset.done $0x0  }
0x488: {  	[sflag:s3] =	ssyncadd.s32 $0xFFFFF000  }
0x489: {  	_ =	swait.ge [sflag:s3], $0x1000  }
0x48a: {  	[sflag:s3] =	ssyncset.done $0x0  }
0x48b: {  	[sflag:s3] =	ssyncadd.s32 $0xFFFFF000  }
0x48c: {  	_ =	swait.ge [sflag:s3], $0x1000  }
0x48d: {  	[sflag:s3] =	ssyncset.done $0x0  }
0x48e: {  	[sflag:s3] =	ssyncadd.s32 $0xFFFFF000  }
0x48f: {  	_ =	swait.ge [sflag:s3], $0x1000  }
0x490: {  	[sflag:s3] =	ssyncset.done $0x0  }
0x491: {  	[sflag:s3] =	ssyncadd.s32 $0xFFFFF000  }
0x492: {  	_ =	swait.ge [sflag:s3], $0x1000  }
0x493: {  	s30 =	sld [smem:$0x7E3]  }
0x494: {  	[sflag:s3] =	ssyncset.done $0x0  }
0x495: {  	s31 =	sld [smem:$0x7E4];
	[sflag:s3] =	ssyncadd.s32 $0xFFFFF000  }
0x496: {  	[tilespmem:s13], [sflag:$0x2] =	stream.indirect.gather [hbm4b:s2+s4], $0x20, s30, s4, $0xb8;
	[tilespmem:$0xB900] =	vst v63  }
0x497: {  	s29 =	sld [smem:$0x7E5]  }
0x498: {  	[tilespmem:s12], [sflag:$0x2] =	stream.indirect.gather [hbm4b:s2+s4], $0x20, s31, s4, $0xb8;
	[tilespmem:$0xB900] =	vst v63  }
0x499: {  	s30 =	sld [smem:$0x7E6]  }
0x49a: {  	[tilespmem:s10], [sflag:$0x2] =	stream.indirect.gather [hbm4b:s2+s4], $0x20, s29, s4, $0xb8;
	[tilespmem:$0xB900] =	vst v63  }
0x49b: {  	s31 =	sld [smem:$0x7E7]  }
0x49c: {  	[tilespmem:s9], [sflag:$0x2] =	stream.indirect.gather [hbm4b:s2+s4], $0x20, s30, s4, $0xb8;
	[tilespmem:$0xB900] =	vst v63  }
0x49d: {  	_ = 	snop  }
0x49e: {  	[tilespmem:s8], [sflag:$0x2] =	stream.indirect.gather [hbm4b:s2+s4], $0x20, s31, s4, $0xb8;
	[tilespmem:$0xB900] =	vst v63  }
0x49f: {  	_ =	swait.ge [sflag:s11], $0x1000  }
0x4a0: {  	[sflag:s11] =	ssyncset.done $0x0  }
0x4a1: {  	s29 =	rddreg [dreg:$0x12];
	[sflag:s11] =	ssyncadd.s32 $0xFFFFF000  }
0x4a2: {  	[hbm4b:s29+s5] =	stream.strided.scatter [tilespmem:s13], [sflag:$0x4], $0x1000, s6, s5, $0x38;
	[tilespmem:$0xB900] =	vst v63  }
0x4a3: {  	_ =	swait.ge [sflag:s11], $0x1000  }
0x4a4: {  	[sflag:s11] =	ssyncset.done $0x0  }
0x4a5: {  	s30 =	rddreg [dreg:$0x13];
	[sflag:s11] =	ssyncadd.s32 $0xFFFFF000  }
0x4a6: {  	[hbm4b:s30+s5] =	stream.strided.scatter [tilespmem:s12], [sflag:$0x4], $0x1000, s6, s5, $0x38;
	[tilespmem:$0xB900] =	vst v63  }
0x4a7: {  	_ =	swait.ge [sflag:s11], $0x1000  }
0x4a8: {  	[sflag:s11] =	ssyncset.done $0x0  }
0x4a9: {  	s31 =	rddreg [dreg:$0x14];
	[sflag:s11] =	ssyncadd.s32 $0xFFFFF000  }
0x4aa: {  	[hbm4b:s31+s5] =	stream.strided.scatter [tilespmem:s10], [sflag:$0x4], $0x1000, s6, s5, $0x38;
	[tilespmem:$0xB900] =	vst v63  }
0x4ab: {  	_ =	swait.ge [sflag:s11], $0x1000  }
0x4ac: {  	[sflag:s11] =	ssyncset.done $0x0  }
0x4ad: {  	s1 =	rddreg [dreg:$0x15];
	[sflag:s11] =	ssyncadd.s32 $0xFFFFF000  }
0x4ae: {  	[hbm4b:s1+s5] =	stream.strided.scatter [tilespmem:s9], [sflag:$0x4], $0x1000, s6, s5, $0x38;
	[tilespmem:$0xB900] =	vst v63  }
0x4af: {  	_ =	swait.ge [sflag:s11], $0x1000  }
0x4b0: {  	[sflag:s11] =	ssyncset.done $0x0  }
0x4b1: {  	s29 =	rddreg [dreg:$0x16];
	[sflag:s11] =	ssyncadd.s32 $0xFFFFF000  }
0x4b2: {  	[hbm4b:s29+s5] =	stream.strided.scatter [tilespmem:s8], [sflag:$0x4], $0x1000, s6, s5, $0x38;
	[tilespmem:$0xB900] =	vst v63  }
0x4b3: {  	_ =	swait.ge [sflag:s7], $0x1000  }
0x4b4: {  	[sflag:s7] =	ssyncset.done $0x0  }
0x4b5: {  	[sflag:s7] =	ssyncadd.s32 $0xFFFFF000  }
0x4b6: {  	_ =	swait.ge [sflag:s7], $0x1000  }
0x4b7: {  	[sflag:s7] =	ssyncset.done $0x0  }
0x4b8: {  	[sflag:s7] =	ssyncadd.s32 $0xFFFFF000  }
0x4b9: {  	_ =	swait.ge [sflag:s7], $0x1000  }
0x4ba: {  	[sflag:s7] =	ssyncset.done $0x0  }
0x4bb: {  	[sflag:s7] =	ssyncadd.s32 $0xFFFFF000  }
0x4bc: {  	_ =	swait.ge [sflag:s7], $0x1000  }
0x4bd: {  	[sflag:s7] =	ssyncset.done $0x0  }
0x4be: {  	[sflag:s7] =	ssyncadd.s32 $0xFFFFF000  }
0x4bf: {  	_ =	swait.ge [sflag:s7], $0x1000  }
0x4c0: {  	s30 =	sld [smem:$0x7E8]  }
0x4c1: {  	[sflag:s7] =	ssyncset.done $0x0  }
0x4c2: {  	s31 =	sld [smem:$0x7E9];
	[sflag:s7] =	ssyncadd.s32 $0xFFFFF000  }
0x4c3: {  	[tilespmem:s19], [sflag:$0x1] =	stream.indirect.gather [hbm4b:s2+s4], $0x20, s30, s4, $0xb8;
	[tilespmem:$0xB900] =	vst v63  }
0x4c4: {  	s29 =	sld [smem:$0x7EA]  }
0x4c5: {  	[tilespmem:s18], [sflag:$0x1] =	stream.indirect.gather [hbm4b:s2+s4], $0x20, s31, s4, $0xb8;
	[tilespmem:$0xB900] =	vst v63  }
0x4c6: {  	s30 =	sld [smem:$0x7EB]  }
0x4c7: {  	[tilespmem:s16], [sflag:$0x1] =	stream.indirect.gather [hbm4b:s2+s4], $0x20, s29, s4, $0xb8;
	[tilespmem:$0xB900] =	vst v63  }
0x4c8: {  	s31 =	sld [smem:$0x7EC]  }
0x4c9: {  	[tilespmem:s15], [sflag:$0x1] =	stream.indirect.gather [hbm4b:s2+s4], $0x20, s30, s4, $0xb8;
	[tilespmem:$0xB900] =	vst v63  }
0x4ca: {  	_ = 	snop  }
0x4cb: {  	[tilespmem:s14], [sflag:$0x1] =	stream.indirect.gather [hbm4b:s2+s4], $0x20, s31, s4, $0xb8;
	[tilespmem:$0xB900] =	vst v63  }
0x4cc: {  	_ =	swait.ge [sflag:s17], $0x1000  }
0x4cd: {  	[sflag:s17] =	ssyncset.done $0x0  }
0x4ce: {  	s1 =	rddreg [dreg:$0x17];
	[sflag:s17] =	ssyncadd.s32 $0xFFFFF000  }
0x4cf: {  	[hbm4b:s1+s5] =	stream.strided.scatter [tilespmem:s19], [sflag:$0x3], $0x1000, s6, s5, $0x38;
	[tilespmem:$0xB900] =	vst v63  }
0x4d0: {  	_ =	swait.ge [sflag:s17], $0x1000  }
0x4d1: {  	[sflag:s17] =	ssyncset.done $0x0  }
0x4d2: {  	s29 =	rddreg [dreg:$0x18];
	[sflag:s17] =	ssyncadd.s32 $0xFFFFF000  }
0x4d3: {  	[hbm4b:s29+s5] =	stream.strided.scatter [tilespmem:s18], [sflag:$0x3], $0x1000, s6, s5, $0x38;
	[tilespmem:$0xB900] =	vst v63  }
0x4d4: {  	_ =	swait.ge [sflag:s17], $0x1000  }
0x4d5: {  	[sflag:s17] =	ssyncset.done $0x0  }
0x4d6: {  	s30 =	rddreg [dreg:$0x19];
	[sflag:s17] =	ssyncadd.s32 $0xFFFFF000  }
0x4d7: {  	[hbm4b:s30+s5] =	stream.strided.scatter [tilespmem:s16], [sflag:$0x3], $0x1000, s6, s5, $0x38;
	[tilespmem:$0xB900] =	vst v63  }
0x4d8: {  	_ =	swait.ge [sflag:s17], $0x1000  }
0x4d9: {  	[sflag:s17] =	ssyncset.done $0x0  }
0x4da: {  	s31 =	rddreg [dreg:$0x1a];
	[sflag:s17] =	ssyncadd.s32 $0xFFFFF000  }
0x4db: {  	[hbm4b:s31+s5] =	stream.strided.scatter [tilespmem:s15], [sflag:$0x3], $0x1000, s6, s5, $0x38;
	[tilespmem:$0xB900] =	vst v63  }
0x4dc: {  	_ =	swait.ge [sflag:s17], $0x1000  }
0x4dd: {  	[sflag:s17] =	ssyncset.done $0x0  }
0x4de: {  	s1 =	rddreg [dreg:$0x1b];
	[sflag:s17] =	ssyncadd.s32 $0xFFFFF000  }
0x4df: {  	[hbm4b:s1+s5] =	stream.strided.scatter [tilespmem:s14], [sflag:$0x3], $0x1000, s6, s5, $0x38;
	[tilespmem:$0xB900] =	vst v63  }
0x4e0: {  	_ =	swait.ge [sflag:s3], $0x1000  }
0x4e1: {  	[sflag:s3] =	ssyncset.done $0x0  }
0x4e2: {  	[sflag:s3] =	ssyncadd.s32 $0xFFFFF000  }
0x4e3: {  	_ =	swait.ge [sflag:s3], $0x1000  }
0x4e4: {  	[sflag:s3] =	ssyncset.done $0x0  }
0x4e5: {  	[sflag:s3] =	ssyncadd.s32 $0xFFFFF000  }
0x4e6: {  	_ =	swait.ge [sflag:s3], $0x1000  }
0x4e7: {  	[sflag:s3] =	ssyncset.done $0x0  }
0x4e8: {  	[sflag:s3] =	ssyncadd.s32 $0xFFFFF000  }
0x4e9: {  	_ =	swait.ge [sflag:s3], $0x1000  }
0x4ea: {  	[sflag:s3] =	ssyncset.done $0x0  }
0x4eb: {  	[sflag:s3] =	ssyncadd.s32 $0xFFFFF000  }
0x4ec: {  	_ =	swait.ge [sflag:s3], $0x1000  }
0x4ed: {  	s29 =	sld [smem:$0x7ED]  }
0x4ee: {  	[sflag:s3] =	ssyncset.done $0x0  }
0x4ef: {  	s30 =	sld [smem:$0x7EE];
	[sflag:s3] =	ssyncadd.s32 $0xFFFFF000  }
0x4f0: {  	[tilespmem:s13], [sflag:$0x2] =	stream.indirect.gather [hbm4b:s2+s4], $0x20, s29, s4, $0xb8;
	[tilespmem:$0xB900] =	vst v63  }
0x4f1: {  	s31 =	sld [smem:$0x7EF]  }
0x4f2: {  	[tilespmem:s12], [sflag:$0x2] =	stream.indirect.gather [hbm4b:s2+s4], $0x20, s30, s4, $0xb8;
	[tilespmem:$0xB900] =	vst v63  }
0x4f3: {  	s29 =	sld [smem:$0x7F0]  }
0x4f4: {  	[tilespmem:s10], [sflag:$0x2] =	stream.indirect.gather [hbm4b:s2+s4], $0x20, s31, s4, $0xb8;
	[tilespmem:$0xB900] =	vst v63  }
0x4f5: {  	s30 =	sld [smem:$0x7F1]  }
0x4f6: {  	[tilespmem:s9], [sflag:$0x2] =	stream.indirect.gather [hbm4b:s2+s4], $0x20, s29, s4, $0xb8;
	[tilespmem:$0xB900] =	vst v63  }
0x4f7: {  	_ = 	snop  }
0x4f8: {  	[tilespmem:s8], [sflag:$0x2] =	stream.indirect.gather [hbm4b:s2+s4], $0x20, s30, s4, $0xb8;
	[tilespmem:$0xB900] =	vst v63  }
0x4f9: {  	_ =	swait.ge [sflag:s11], $0x1000  }
0x4fa: {  	[sflag:s11] =	ssyncset.done $0x0  }
0x4fb: {  	s31 =	rddreg [dreg:$0x1c];
	[sflag:s11] =	ssyncadd.s32 $0xFFFFF000  }
0x4fc: {  	[hbm4b:s31+s5] =	stream.strided.scatter [tilespmem:s13], [sflag:$0x4], $0x1000, s6, s5, $0x38;
	[tilespmem:$0xB900] =	vst v63  }
0x4fd: {  	_ =	swait.ge [sflag:s11], $0x1000  }
0x4fe: {  	[sflag:s11] =	ssyncset.done $0x0  }
0x4ff: {  	s1 =	rddreg [dreg:$0x1d];
	[sflag:s11] =	ssyncadd.s32 $0xFFFFF000  }
0x500: {  	[hbm4b:s1+s5] =	stream.strided.scatter [tilespmem:s12], [sflag:$0x4], $0x1000, s6, s5, $0x38;
	[tilespmem:$0xB900] =	vst v63  }
0x501: {  	_ =	swait.ge [sflag:s11], $0x1000  }
0x502: {  	[sflag:s11] =	ssyncset.done $0x0  }
0x503: {  	s29 =	rddreg [dreg:$0x1e];
	[sflag:s11] =	ssyncadd.s32 $0xFFFFF000  }
0x504: {  	[hbm4b:s29+s5] =	stream.strided.scatter [tilespmem:s10], [sflag:$0x4], $0x1000, s6, s5, $0x38;
	[tilespmem:$0xB900] =	vst v63  }
0x505: {  	_ =	swait.ge [sflag:s11], $0x1000  }
0x506: {  	[sflag:s11] =	ssyncset.done $0x0  }
0x507: {  	s30 =	rddreg [dreg:$0x1f];
	[sflag:s11] =	ssyncadd.s32 $0xFFFFF000  }
0x508: {  	[hbm4b:s30+s5] =	stream.strided.scatter [tilespmem:s9], [sflag:$0x4], $0x1000, s6, s5, $0x38;
	[tilespmem:$0xB900] =	vst v63  }
0x509: {  	_ =	swait.ge [sflag:s11], $0x1000  }
0x50a: {  	s31 =	sld [smem:$0x7C1]  }
0x50b: {  	[sflag:s11] =	ssyncset.done $0x0  }
0x50c: {  	[sflag:s11] =	ssyncadd.s32 $0xFFFFF000  }
0x50d: {  	[hbm4b:s31+s5] =	stream.strided.scatter [tilespmem:s8], [sflag:$0x4], $0x1000, s6, s5, $0x38;
	[tilespmem:$0xB900] =	vst v63  }
0x50e: {  	_ =	swait.ge [sflag:s7], $0x1000  }
0x50f: {  	[sflag:s7] =	ssyncset.done $0x0  }
0x510: {  	[sflag:s7] =	ssyncadd.s32 $0xFFFFF000  }
0x511: {  	_ =	swait.ge [sflag:s7], $0x1000  }
0x512: {  	[sflag:s7] =	ssyncset.done $0x0  }
0x513: {  	[sflag:s7] =	ssyncadd.s32 $0xFFFFF000  }
0x514: {  	_ =	swait.ge [sflag:s7], $0x1000  }
0x515: {  	[sflag:s7] =	ssyncset.done $0x0  }
0x516: {  	[sflag:s7] =	ssyncadd.s32 $0xFFFFF000  }
0x517: {  	_ =	swait.ge [sflag:s7], $0x1000  }
0x518: {  	[sflag:s7] =	ssyncset.done $0x0  }
0x519: {  	[sflag:s7] =	ssyncadd.s32 $0xFFFFF000  }
0x51a: {  	_ =	swait.ge [sflag:s7], $0x1000  }
0x51b: {  	s1 =	sld [smem:$0x7F2]  }
0x51c: {  	[sflag:s7] =	ssyncset.done $0x0  }
0x51d: {  	s29 =	sld [smem:$0x7F3];
	[sflag:s7] =	ssyncadd.s32 $0xFFFFF000  }
0x51e: {  	[tilespmem:s19], [sflag:$0x1] =	stream.indirect.gather [hbm4b:s2+s4], $0x20, s1, s4, $0xb8;
	[tilespmem:$0xB900] =	vst v63  }
0x51f: {  	_ = 	snop  }
0x520: {  	[tilespmem:s18], [sflag:$0x1] =	stream.indirect.gather [hbm4b:s2+s4], $0x20, s29, s4, $0xb8;
	[tilespmem:$0xB900] =	vst v63  }
0x521: {  	s30 =	sld [smem:$0x7F4]  }
0x522: {  	[tilespmem:s16], [sflag:$0x1] =	stream.indirect.gather [hbm4b:s2+s4], $0x20, s28, s4, $0xb8;
	[tilespmem:$0xB900] =	vst v63  }
0x523: {  	s31 =	sld [smem:$0x7F5]  }
0x524: {  	[tilespmem:s15], [sflag:$0x1] =	stream.indirect.gather [hbm4b:s2+s4], $0x20, s30, s4, $0xb8;
	[tilespmem:$0xB900] =	vst v63  }
0x525: {  	_ = 	snop  }
0x526: {  	[tilespmem:s14], [sflag:$0x1] =	stream.indirect.gather [hbm4b:s2+s4], $0x20, s31, s4, $0xb8;
	[tilespmem:$0xB900] =	vst v63  }
0x527: {  	_ =	swait.ge [sflag:s17], $0x1000  }
0x528: {  	s1 =	sld [smem:$0x7C2]  }
0x529: {  	[sflag:s17] =	ssyncset.done $0x0  }
0x52a: {  	[sflag:s17] =	ssyncadd.s32 $0xFFFFF000  }
0x52b: {  	[hbm4b:s1+s5] =	stream.strided.scatter [tilespmem:s19], [sflag:$0x3], $0x1000, s6, s5, $0x38;
	[tilespmem:$0xB900] =	vst v63  }
0x52c: {  	_ =	swait.ge [sflag:s17], $0x1000  }
0x52d: {  	s28 =	sld [smem:$0x7C3]  }
0x52e: {  	[sflag:s17] =	ssyncset.done $0x0  }
0x52f: {  	[sflag:s17] =	ssyncadd.s32 $0xFFFFF000  }
0x530: {  	[hbm4b:s28+s5] =	stream.strided.scatter [tilespmem:s18], [sflag:$0x3], $0x1000, s6, s5, $0x38;
	[tilespmem:$0xB900] =	vst v63  }
0x531: {  	_ =	swait.ge [sflag:s17], $0x1000  }
0x532: {  	s29 =	sld [smem:$0x7C4]  }
0x533: {  	[sflag:s17] =	ssyncset.done $0x0  }
0x534: {  	[sflag:s17] =	ssyncadd.s32 $0xFFFFF000  }
0x535: {  	[hbm4b:s29+s5] =	stream.strided.scatter [tilespmem:s16], [sflag:$0x3], $0x1000, s6, s5, $0x38;
	[tilespmem:$0xB900] =	vst v63  }
0x536: {  	_ =	swait.ge [sflag:s17], $0x1000  }
0x537: {  	s30 =	sld [smem:$0x7C5]  }
0x538: {  	[sflag:s17] =	ssyncset.done $0x0  }
0x539: {  	[sflag:s17] =	ssyncadd.s32 $0xFFFFF000  }
0x53a: {  	[hbm4b:s30+s5] =	stream.strided.scatter [tilespmem:s15], [sflag:$0x3], $0x1000, s6, s5, $0x38;
	[tilespmem:$0xB900] =	vst v63  }
0x53b: {  	_ =	swait.ge [sflag:s17], $0x1000  }
0x53c: {  	s31 =	sld [smem:$0x7C6]  }
0x53d: {  	[sflag:s17] =	ssyncset.done $0x0  }
0x53e: {  	[sflag:s17] =	ssyncadd.s32 $0xFFFFF000  }
0x53f: {  	[hbm4b:s31+s5] =	stream.strided.scatter [tilespmem:s14], [sflag:$0x3], $0x1000, s6, s5, $0x38;
	[tilespmem:$0xB900] =	vst v63  }
0x540: {  	_ =	swait.ge [sflag:s3], $0x1000  }
0x541: {  	[sflag:s3] =	ssyncset.done $0x0  }
0x542: {  	[sflag:s3] =	ssyncadd.s32 $0xFFFFF000  }
0x543: {  	_ =	swait.ge [sflag:s3], $0x1000  }
0x544: {  	[sflag:s3] =	ssyncset.done $0x0  }
0x545: {  	[sflag:s3] =	ssyncadd.s32 $0xFFFFF000  }
0x546: {  	_ =	swait.ge [sflag:s3], $0x1000  }
0x547: {  	[sflag:s3] =	ssyncset.done $0x0  }
0x548: {  	[sflag:s3] =	ssyncadd.s32 $0xFFFFF000  }
0x549: {  	_ =	swait.ge [sflag:s3], $0x1000  }
0x54a: {  	[sflag:s3] =	ssyncset.done $0x0  }
0x54b: {  	[sflag:s3] =	ssyncadd.s32 $0xFFFFF000  }
0x54c: {  	_ =	swait.ge [sflag:s3], $0x1000  }
0x54d: {  	s1 =	sld [smem:$0x7F6]  }
0x54e: {  	[sflag:s3] =	ssyncset.done $0x0  }
0x54f: {  	s28 =	sld [smem:$0x7F7];
	[sflag:s3] =	ssyncadd.s32 $0xFFFFF000  }
0x550: {  	[tilespmem:s13], [sflag:$0x2] =	stream.indirect.gather [hbm4b:s2+s4], $0x20, s1, s4, $0xb8;
	[tilespmem:$0xB900] =	vst v63  }
0x551: {  	s29 =	sld [smem:$0x7F8]  }
0x552: {  	[tilespmem:s12], [sflag:$0x2] =	stream.indirect.gather [hbm4b:s2+s4], $0x20, s28, s4, $0xb8;
	[tilespmem:$0xB900] =	vst v63  }
0x553: {  	s30 =	sld [smem:$0x7F9]  }
0x554: {  	[tilespmem:s10], [sflag:$0x2] =	stream.indirect.gather [hbm4b:s2+s4], $0x20, s29, s4, $0xb8;
	[tilespmem:$0xB900] =	vst v63  }
0x555: {  	s31 =	sld [smem:$0x7FA]  }
0x556: {  	[tilespmem:s9], [sflag:$0x2] =	stream.indirect.gather [hbm4b:s2+s4], $0x20, s30, s4, $0xb8;
	[tilespmem:$0xB900] =	vst v63  }
0x557: {  	_ = 	snop  }
0x558: {  	[tilespmem:s8], [sflag:$0x2] =	stream.indirect.gather [hbm4b:s2+s4], $0x20, s31, s4, $0xb8;
	[tilespmem:$0xB900] =	vst v63  }
0x559: {  	_ =	swait.ge [sflag:s11], $0x1000  }
0x55a: {  	s1 =	sld [smem:$0x7C7]  }
0x55b: {  	[sflag:s11] =	ssyncset.done $0x0  }
0x55c: {  	[sflag:s11] =	ssyncadd.s32 $0xFFFFF000  }
0x55d: {  	[hbm4b:s1+s5] =	stream.strided.scatter [tilespmem:s13], [sflag:$0x4], $0x1000, s6, s5, $0x38;
	[tilespmem:$0xB900] =	vst v63  }
0x55e: {  	_ =	swait.ge [sflag:s11], $0x1000  }
0x55f: {  	s28 =	sld [smem:$0x7C8]  }
0x560: {  	[sflag:s11] =	ssyncset.done $0x0  }
0x561: {  	[sflag:s11] =	ssyncadd.s32 $0xFFFFF000  }
0x562: {  	[hbm4b:s28+s5] =	stream.strided.scatter [tilespmem:s12], [sflag:$0x4], $0x1000, s6, s5, $0x38;
	[tilespmem:$0xB900] =	vst v63  }
0x563: {  	_ =	swait.ge [sflag:s11], $0x1000  }
0x564: {  	s29 =	sld [smem:$0x7C9]  }
0x565: {  	[sflag:s11] =	ssyncset.done $0x0  }
0x566: {  	[sflag:s11] =	ssyncadd.s32 $0xFFFFF000  }
0x567: {  	[hbm4b:s29+s5] =	stream.strided.scatter [tilespmem:s10], [sflag:$0x4], $0x1000, s6, s5, $0x38;
	[tilespmem:$0xB900] =	vst v63  }
0x568: {  	_ =	swait.ge [sflag:s11], $0x1000  }
0x569: {  	s30 =	sld [smem:$0x7CA]  }
0x56a: {  	[sflag:s11] =	ssyncset.done $0x0  }
0x56b: {  	[sflag:s11] =	ssyncadd.s32 $0xFFFFF000  }
0x56c: {  	[hbm4b:s30+s5] =	stream.strided.scatter [tilespmem:s9], [sflag:$0x4], $0x1000, s6, s5, $0x38;
	[tilespmem:$0xB900] =	vst v63  }
0x56d: {  	_ =	swait.ge [sflag:s11], $0x1000  }
0x56e: {  	s31 =	sld [smem:$0x7CB]  }
0x56f: {  	[sflag:s11] =	ssyncset.done $0x0  }
0x570: {  	[sflag:s11] =	ssyncadd.s32 $0xFFFFF000  }
0x571: {  	[hbm4b:s31+s5] =	stream.strided.scatter [tilespmem:s8], [sflag:$0x4], $0x1000, s6, s5, $0x38;
	[tilespmem:$0xB900] =	vst v63  }
0x572: {  	_ =	swait.ge [sflag:s7], $0x1000  }
0x573: {  	[sflag:s7] =	ssyncset.done $0x0  }
0x574: {  	[sflag:s7] =	ssyncadd.s32 $0xFFFFF000  }
0x575: {  	_ =	swait.ge [sflag:s7], $0x1000  }
0x576: {  	[sflag:s7] =	ssyncset.done $0x0  }
0x577: {  	[sflag:s7] =	ssyncadd.s32 $0xFFFFF000  }
0x578: {  	_ =	swait.ge [sflag:s7], $0x1000  }
0x579: {  	[sflag:s7] =	ssyncset.done $0x0  }
0x57a: {  	[sflag:s7] =	ssyncadd.s32 $0xFFFFF000  }
0x57b: {  	_ =	swait.ge [sflag:s7], $0x1000  }
0x57c: {  	[sflag:s7] =	ssyncset.done $0x0  }
0x57d: {  	[sflag:s7] =	ssyncadd.s32 $0xFFFFF000  }
0x57e: {  	_ =	swait.ge [sflag:s7], $0x1000  }
0x57f: {  	s1 =	sld [smem:$0x7FB]  }
0x580: {  	[sflag:s7] =	ssyncset.done $0x0  }
0x581: {  	s28 =	sld [smem:$0x7FC];
	[sflag:s7] =	ssyncadd.s32 $0xFFFFF000  }
0x582: {  	[tilespmem:s19], [sflag:$0x1] =	stream.indirect.gather [hbm4b:s2+s4], $0x20, s1, s4, $0xb8;
	[tilespmem:$0xB900] =	vst v63  }
0x583: {  	s29 =	sld [smem:$0x7FD]  }
0x584: {  	[tilespmem:s18], [sflag:$0x1] =	stream.indirect.gather [hbm4b:s2+s4], $0x20, s28, s4, $0xb8;
	[tilespmem:$0xB900] =	vst v63  }
0x585: {  	_ = 	snop  }
0x586: {  	[tilespmem:s16], [sflag:$0x1] =	stream.indirect.gather [hbm4b:s2+s4], $0x20, s29, s4, $0xb8;
	[tilespmem:$0xB900] =	vst v63  }
0x587: {  	_ = 	snop  }
0x588: {  	[tilespmem:s15], [sflag:$0x1] =	stream.indirect.gather [hbm4b:s2+s4], $0x20, s26, s4, $0xb8;
	[tilespmem:$0xB900] =	vst v63  }
0x589: {  	_ = 	snop  }
0x58a: {  	[tilespmem:s14], [sflag:$0x1] =	stream.indirect.gather [hbm4b:s2+s4], $0x20, s25, s4, $0xb8;
	[tilespmem:$0xB900] =	vst v63  }
0x58b: {  	_ =	swait.ge [sflag:s17], $0x1000  }
0x58c: {  	s30 =	sld [smem:$0x7CC]  }
0x58d: {  	[sflag:s17] =	ssyncset.done $0x0  }
0x58e: {  	[sflag:s17] =	ssyncadd.s32 $0xFFFFF000  }
0x58f: {  	[hbm4b:s30+s5] =	stream.strided.scatter [tilespmem:s19], [sflag:$0x3], $0x1000, s6, s5, $0x38;
	[tilespmem:$0xB900] =	vst v63  }
0x590: {  	_ =	swait.ge [sflag:s17], $0x1000  }
0x591: {  	s31 =	sld [smem:$0x7CD]  }
0x592: {  	[sflag:s17] =	ssyncset.done $0x0  }
0x593: {  	[sflag:s17] =	ssyncadd.s32 $0xFFFFF000  }
0x594: {  	[hbm4b:s31+s5] =	stream.strided.scatter [tilespmem:s18], [sflag:$0x3], $0x1000, s6, s5, $0x38;
	[tilespmem:$0xB900] =	vst v63  }
0x595: {  	_ =	swait.ge [sflag:s17], $0x1000  }
0x596: {  	s1 =	sld [smem:$0x7CE]  }
0x597: {  	[sflag:s17] =	ssyncset.done $0x0  }
0x598: {  	[sflag:s17] =	ssyncadd.s32 $0xFFFFF000  }
0x599: {  	[hbm4b:s1+s5] =	stream.strided.scatter [tilespmem:s16], [sflag:$0x3], $0x1000, s6, s5, $0x38;
	[tilespmem:$0xB900] =	vst v63  }
0x59a: {  	_ =	swait.ge [sflag:s17], $0x1000  }
0x59b: {  	s18 =	sld [smem:$0x7CF]  }
0x59c: {  	[sflag:s17] =	ssyncset.done $0x0  }
0x59d: {  	[sflag:s17] =	ssyncadd.s32 $0xFFFFF000  }
0x59e: {  	[hbm4b:s18+s5] =	stream.strided.scatter [tilespmem:s15], [sflag:$0x3], $0x1000, s6, s5, $0x38;
	[tilespmem:$0xB900] =	vst v63  }
0x59f: {  	_ =	swait.ge [sflag:s17], $0x1000  }
0x5a0: {  	s19 =	sld [smem:$0x7D0]  }
0x5a1: {  	[sflag:s17] =	ssyncset.done $0x0  }
0x5a2: {  	[sflag:s17] =	ssyncadd.s32 $0xFFFFF000  }
0x5a3: {  	[hbm4b:s19+s5] =	stream.strided.scatter [tilespmem:s14], [sflag:$0x3], $0x1000, s6, s5, $0x38;
	[tilespmem:$0xB900] =	vst v63  }
0x5a4: {  	_ =	swait.ge [sflag:s3], $0x1000  }
0x5a5: {  	[sflag:s3] =	ssyncset.done $0x0  }
0x5a6: {  	[sflag:s3] =	ssyncadd.s32 $0xFFFFF000  }
0x5a7: {  	_ =	swait.ge [sflag:s3], $0x1000  }
0x5a8: {  	[sflag:s3] =	ssyncset.done $0x0  }
0x5a9: {  	[sflag:s3] =	ssyncadd.s32 $0xFFFFF000  }
0x5aa: {  	_ =	swait.ge [sflag:s3], $0x1000  }
0x5ab: {  	[sflag:s3] =	ssyncset.done $0x0  }
0x5ac: {  	[sflag:s3] =	ssyncadd.s32 $0xFFFFF000  }
0x5ad: {  	_ =	swait.ge [sflag:s3], $0x1000  }
0x5ae: {  	[sflag:s3] =	ssyncset.done $0x0  }
0x5af: {  	[sflag:s3] =	ssyncadd.s32 $0xFFFFF000  }
0x5b0: {  	_ =	swait.ge [sflag:s3], $0x1000  }
0x5b1: {  	[sflag:s3] =	ssyncset.done $0x0  }
0x5b2: {  	[sflag:s3] =	ssyncadd.s32 $0xFFFFF000  }
0x5b3: {  	[tilespmem:s13], [sflag:$0x2] =	stream.indirect.gather [hbm4b:s2+s4], $0x20, s21, s4, $0xb8;
	[tilespmem:$0xB900] =	vst v63  }
0x5b4: {  	_ = 	snop  }
0x5b5: {  	[tilespmem:s12], [sflag:$0x2] =	stream.indirect.gather [hbm4b:s2+s4], $0x20, s22, s4, $0xb8;
	[tilespmem:$0xB900] =	vst v63  }
0x5b6: {  	_ = 	snop  }
0x5b7: {  	[tilespmem:s10], [sflag:$0x2] =	stream.indirect.gather [hbm4b:s2+s4], $0x20, s23, s4, $0xb8;
	[tilespmem:$0xB900] =	vst v63  }
0x5b8: {  	_ = 	snop  }
0x5b9: {  	[tilespmem:s9], [sflag:$0x2] =	stream.indirect.gather [hbm4b:s2+s4], $0x20, s24, s4, $0xb8;
	[tilespmem:$0xB900] =	vst v63  }
0x5ba: {  	s25 =	simm.s32 $0x1880  }
0x5bb: {  	[tilespmem:s8], [sflag:$0x2] =	stream.indirect.gather [hbm4b:s2+s4], $0x20, s25, s4, $0xb8;
	[tilespmem:$0xB900] =	vst v63  }
0x5bc: {  	_ =	swait.ge [sflag:s11], $0x1000  }
0x5bd: {  	s26 =	sld [smem:$0x7D1]  }
0x5be: {  	[sflag:s11] =	ssyncset.done $0x0  }
0x5bf: {  	[sflag:s11] =	ssyncadd.s32 $0xFFFFF000  }
0x5c0: {  	[hbm4b:s26+s5] =	stream.strided.scatter [tilespmem:s13], [sflag:$0x4], $0x1000, s6, s5, $0x38;
	[tilespmem:$0xB900] =	vst v63  }
0x5c1: {  	_ =	swait.ge [sflag:s11], $0x1000  }
0x5c2: {  	s28 =	sld [smem:$0x7D2]  }
0x5c3: {  	[sflag:s11] =	ssyncset.done $0x0  }
0x5c4: {  	[sflag:s11] =	ssyncadd.s32 $0xFFFFF000  }
0x5c5: {  	[hbm4b:s28+s5] =	stream.strided.scatter [tilespmem:s12], [sflag:$0x4], $0x1000, s6, s5, $0x38;
	[tilespmem:$0xB900] =	vst v63  }
0x5c6: {  	_ =	swait.ge [sflag:s11], $0x1000  }
0x5c7: {  	s29 =	sld [smem:$0x7D3]  }
0x5c8: {  	[sflag:s11] =	ssyncset.done $0x0  }
0x5c9: {  	[sflag:s11] =	ssyncadd.s32 $0xFFFFF000  }
0x5ca: {  	[hbm4b:s29+s5] =	stream.strided.scatter [tilespmem:s10], [sflag:$0x4], $0x1000, s6, s5, $0x38;
	[tilespmem:$0xB900] =	vst v63  }
0x5cb: {  	_ =	swait.ge [sflag:s11], $0x1000  }
0x5cc: {  	s30 =	sld [smem:$0x7D4]  }
0x5cd: {  	[sflag:s11] =	ssyncset.done $0x0  }
0x5ce: {  	[sflag:s11] =	ssyncadd.s32 $0xFFFFF000  }
0x5cf: {  	[hbm4b:s30+s5] =	stream.strided.scatter [tilespmem:s9], [sflag:$0x4], $0x1000, s6, s5, $0x38;
	[tilespmem:$0xB900] =	vst v63  }
0x5d0: {  	_ =	swait.ge [sflag:s11], $0x1000  }
0x5d1: {  	s31 =	sld [smem:$0x7D5]  }
0x5d2: {  	[sflag:s11] =	ssyncset.done $0x0  }
0x5d3: {  	[sflag:s11] =	ssyncadd.s32 $0xFFFFF000  }
0x5d4: {  	[hbm4b:s31+s5] =	stream.strided.scatter [tilespmem:s8], [sflag:$0x4], $0x1000, s6, s5, $0x38;
	[tilespmem:$0xB900] =	vst v63  }
0x5d5: {  	_ =	swait.ge [sflag:s7], $0x1000  }
0x5d6: {  	[sflag:s7] =	ssyncset.done $0x0  }
0x5d7: {  	[sflag:s7] =	ssyncadd.s32 $0xFFFFF000  }
0x5d8: {  	_ =	swait.ge [sflag:s7], $0x1000  }
0x5d9: {  	[sflag:s7] =	ssyncset.done $0x0  }
0x5da: {  	[sflag:s7] =	ssyncadd.s32 $0xFFFFF000  }
0x5db: {  	_ =	swait.ge [sflag:s7], $0x1000  }
0x5dc: {  	[sflag:s7] =	ssyncset.done $0x0  }
0x5dd: {  	[sflag:s7] =	ssyncadd.s32 $0xFFFFF000  }
0x5de: {  	_ =	swait.ge [sflag:s7], $0x1000  }
0x5df: {  	[sflag:s7] =	ssyncset.done $0x0  }
0x5e0: {  	[sflag:s7] =	ssyncadd.s32 $0xFFFFF000  }
0x5e1: {  	_ =	swait.ge [sflag:s7], $0x1000  }
0x5e2: {  	[sflag:s7] =	ssyncset.done $0x0  }
0x5e3: {  	[sflag:s7] =	ssyncadd.s32 $0xFFFFF000  }
0x5e4: {  	_ =	swait.ge [sflag:s3], $0x1000  }
0x5e5: {  	[sflag:s3] =	ssyncset.done $0x0  }
0x5e6: {  	[sflag:s3] =	ssyncadd.s32 $0xFFFFF000  }
0x5e7: {  	_ =	swait.ge [sflag:s3], $0x1000  }
0x5e8: {  	[sflag:s3] =	ssyncset.done $0x0  }
0x5e9: {  	[sflag:s3] =	ssyncadd.s32 $0xFFFFF000  }
0x5ea: {  	_ =	swait.ge [sflag:s3], $0x1000  }
0x5eb: {  	[sflag:s3] =	ssyncset.done $0x0  }
0x5ec: {  	[sflag:s3] =	ssyncadd.s32 $0xFFFFF000  }
0x5ed: {  	_ =	swait.ge [sflag:s3], $0x1000  }
0x5ee: {  	[sflag:s3] =	ssyncset.done $0x0  }
0x5ef: {  	[sflag:s3] =	ssyncadd.s32 $0xFFFFF000  }
0x5f0: {  	_ =	swait.ge [sflag:s3], $0x1000  }
0x5f1: {  	[sflag:s3] =	ssyncset.done $0x0  }
0x5f2: {  	[sflag:s3] =	ssyncadd.s32 $0xFFFFF000  }
0x5f3: {  	_ =	sfence.sel $0x180000  }
0x5f4: {  	[bflag:$0x0] =	sbarrier.arrive $0xFFFF  }
0x5f5: {  	_ =	strace $0x90000047  }
0x5f6: {  	[bflag:$0x2] =	sbarrier.arrive $0xFFFF  }
0x5f7: {  	p0 =	sne.s32 s20, $0x0;
	s0 =	rddreg [dreg:$0x2]  }
0x5f8: {  	s0 =	sadd.s32 @!p0 $0x100000, s0  }
0x5f9: {  	[sflag:s0] =	ssyncadd.tile.s32 @!p0 $0x1;
	_ =	shalt  }
.LBB2_1:
.Ltmp3:
0x5fa: {  	(pc) =	sbr.rel .LBB2_6-.Ltmp3, $3  }
0x5fb: {  	_ =	sdelay $0x1  }
0x5fc: {  	s25 =	simm.s32 $0x1600;
	s26 =	simm.s32 $0x1580;
	s24 =	simm.s32 $0x1800  }
0x5fd: {  	s23 =	simm.s32 $0x1780;
	s22 =	simm.s32 $0x1700;
	s21 =	simm.s32 $0x1680  }
.LBB2_3:
.Ltmp4:
0x5fe: {  	(pc) =	sbr.rel .LBB2_6-.Ltmp4, $4  }
0x5ff: {  	_ = 	snop  }
0x600: {  	s25 =	simm.s32 $0x1600  }
0x601: {  	s26 =	simm.s32 $0x1580;
	s24 =	simm.s32 $0x1800;
	s23 =	simm.s32 $0x1780  }
0x602: {  	s22 =	simm.s32 $0x1700;
	s21 =	simm.s32 $0x1680;
	s20 =	stileid.u32  }
.Lfunc_end2:
_tile_overlayer_lowered:
.L_overlay_start_2:
0x603: {  	(tag) =	ssettag $0x2  }
0x604: {  	s0 =	rddreg [dreg:$0x0];
	s2 =	stileid.u32  }
0x605: {  	s1 =	rddreg [dreg:$0x1];
	p0 =	sne.s32 s2, $0x0  }
0x606: {  	s3 =	rddreg [dreg:$0x2];
	[bflag:$0x3] =	sbarrier.arrive $0xFFFF;
	s2 =	simm.s32 @!p0 $0x1C05  }
0x607: {  	[timem:s3], [sflag:s2] =	dma.local @!p0 [hbm:s0], s1  }
0x608: {  	s0 =	simm.s32 @!p0 $0x5  }
0x609: {  	_ =	swait.ge @!p0 [sflag:s0], s1  }
0x60a: {  	s1 =	ssub.s32 @!p0 $0x0, s1;
	[sflag:s0] =	ssyncset.done @!p0 $0x0  }
0x60b: {  	[sflag:s0] =	ssyncadd.s32 @!p0 s1  }
0x60c: {  	[bflag:$0x3] =	sbarrier.arrive $0xFFFF  }
0x60d: {  	_ =	shalt  }

</sc_bundles>
